<compile_context>
chip_gen: v7x
topology: tpu7x:2x2x1
jax: 0.10.2.dev20260603
libtpu: 0.0.44.dev20260713+nightly
codegen_flags: <defaults>
</compile_context>

<pallas_src>
import functools

import jax
import jax.numpy as jnp
import numpy as np
from jax import lax
from jax.experimental import pallas as pl
from jax.experimental.pallas import tpu as pltpu
from jax.experimental.pallas import tpu_sc as plsc

N = 10000
E = 320000
D = 128
DE = 16
H = 128
L = 3
G = 128

NC = 2
NS = 16
NW = NC * NS
EPW = E // NW
K = 40
NB = EPW // K
RPT = N // NS

def _sc_edge_body(h_hbm, ea_hbm, src_hbm, dst_hbm, out_hbm,
                  src0, src1, dst0, dst1, rows0, rows1, ea0, ea1, acc_sh,
                  sg0, sg1, se0, se1, sx0, sx1, sy0, sy1, ss0, ss1):
    cid = lax.axis_index("c")
    sid = lax.axis_index("s")
    wid = cid * NS + sid
    src_v = (src0, src1)
    dst_v = (dst0, dst1)
    rows_v = (rows0, rows1)
    ea_v = (ea0, ea1)
    sem_g = (sg0, sg1)
    sem_e = (se0, se1)
    sem_x = (sx0, sx1)
    sem_y = (sy0, sy1)
    sem_s = (ss0, ss1)

    zeros16 = jnp.zeros((16,), jnp.float32)

    def _zero_row(i, _):
        for j in range(8):
            rows0[i, pl.ds(j * 16, 16)] = zeros16
        return 0

    lax.fori_loop(0, K, _zero_row, 0)
    for r in range(RPT // K):
        pltpu.sync_copy(rows0, acc_sh.at[pl.ds(sid * RPT + r * K, K)])
    pltpu.sync_copy(rows0.at[pl.ds(0, RPT % K)],
                    acc_sh.at[pl.ds(sid * RPT + (RPT // K) * K, RPT % K)])
    plsc.subcore_barrier()

    def issue_gather(s):
        pltpu.async_copy(h_hbm.at[src_v[s]], rows_v[s], sem_g[s])

    def wait_gather(s):
        pltpu.make_async_copy(h_hbm.at[src_v[s]], rows_v[s], sem_g[s]).wait()

    def issue_ea(b, s):
        pltpu.async_copy(ea_hbm.at[wid, b], ea_v[s], sem_e[s])

    def wait_ea(b, s):
        pltpu.make_async_copy(ea_hbm.at[wid, b], ea_v[s], sem_e[s]).wait()

    def issue_src(b, s):
        pltpu.async_copy(src_hbm.at[wid, b], src_v[s], sem_x[s])

    def wait_src(b, s):
        pltpu.make_async_copy(src_hbm.at[wid, b], src_v[s], sem_x[s]).wait()

    def issue_dst(b, s):
        pltpu.async_copy(dst_hbm.at[wid, b], dst_v[s], sem_y[s])

    def wait_dst(b, s):
        pltpu.make_async_copy(dst_hbm.at[wid, b], dst_v[s], sem_y[s]).wait()

    def issue_scatter(s):
        pltpu.async_copy(rows_v[s], acc_sh.at[dst_v[s]], sem_s[s], add=True)

    def wait_scatter(s):
        pltpu.make_async_copy(rows_v[s], acc_sh.at[dst_v[s]],
                              sem_s[s]).wait()

    pltpu.sync_copy(src_hbm.at[wid, 0], src_v[0])
    issue_gather(0)
    issue_ea(0, 0)
    issue_dst(0, 0)
    issue_src(1, 1)

    def _macro(m, _):
        for s in (0, 1):
            b = 2 * m + s
            q = 1 - s
            wait_gather(s)
            wait_ea(b, s)

            @pl.when(b + 2 < NB)
            def _():
                issue_src(b + 2, s)

            @pl.when(b > 0)
            def _():
                wait_scatter(q)

            @pl.when(b + 1 < NB)
            def _():
                wait_src(b + 1, q)
                issue_gather(q)
                issue_ea(b + 1, q)
                issue_dst(b + 1, q)

            def _row(i, _):
                for j in range(8):
                    sl = pl.ds(j * 16, 16)
                    rows_v[s][i, sl] = jnp.maximum(
                        rows_v[s][i, sl] + ea_v[s][i, sl], 0.0)
                return 0

            lax.fori_loop(0, K, _row, 0)

            wait_dst(b, s)
            issue_scatter(s)
        return 0

    lax.fori_loop(0, NB // 2, _macro, 0)
    wait_scatter(1)
    plsc.subcore_barrier()
    pltpu.sync_copy(acc_sh.at[pl.ds(sid * RPT, RPT)], out_hbm.at[wid])


@functools.cache
def _sc_edge_kernel():
    return pl.kernel(
        _sc_edge_body,
        out_type=jax.ShapeDtypeStruct((NW, RPT, D), jnp.float32),
        mesh=plsc.VectorSubcoreMesh(core_axis_name="c", subcore_axis_name="s",
                                    num_cores=NC, num_subcores=NS),
        scratch_types=(
            [pltpu.VMEM((K,), jnp.int32)] * 4
            + [pltpu.VMEM((K, D), jnp.float32)] * 4
            + [pltpu.VMEM_SHARED((N, D), jnp.float32)]
            + [pltpu.SemaphoreType.DMA] * 10
        ),
    )


EB = 4000


def _ea_body(ea_ref, w_ref, b_ref, out_ref):
    out_ref[...] = (
        jnp.dot(ea_ref[...], w_ref[...], preferred_element_type=jnp.float32)
        + b_ref[...]
    )


def _ea_call(edge_attr, w, b):
    return pl.pallas_call(
        _ea_body,
        grid=(E // EB,),
        in_specs=[
            pl.BlockSpec((EB, DE), lambda i: (i, 0)),
            pl.BlockSpec((DE, D), lambda i: (0, 0)),
            pl.BlockSpec((1, D), lambda i: (0, 0)),
        ],
        out_specs=pl.BlockSpec((EB, D), lambda i: (i, 0)),
        out_shape=jax.ShapeDtypeStruct((E, D), jnp.float32),
    )(edge_attr, w, b)


NBK = 1000


def _mlp_body(h_ref, a0_ref, a1_ref, b_ref, w1_ref, b1_ref, w2_ref, b2_ref,
              hout_ref, pool_ref):
    pid = pl.program_id(0)
    z = h_ref[...] + a0_ref[...] + a1_ref[...]
    z = jnp.dot(z, w1_ref[...], preferred_element_type=jnp.float32) + b1_ref[...]
    z = jnp.maximum(z, 0.0)
    z = jnp.dot(z, w2_ref[...], preferred_element_type=jnp.float32) + b2_ref[...]
    h2 = jnp.maximum(z, 0.0)
    hout_ref[...] = h2
    seg = b_ref[0]
    oh_t = (lax.broadcasted_iota(jnp.int32, (G, NBK), 0) == seg).astype(jnp.float32)
    contrib = jnp.dot(oh_t, h2, preferred_element_type=jnp.float32)

    @pl.when(pid == 0)
    def _init():
        pool_ref[...] = jnp.zeros_like(pool_ref)

    pool_ref[...] += contrib


def _mlp_call(h, a0, a1, batch3, w1, b1, w2, b2):
    return pl.pallas_call(
        _mlp_body,
        grid=(N // NBK,),
        in_specs=[
            pl.BlockSpec((NBK, D), lambda i: (i, 0)),
            pl.BlockSpec((NBK, D), lambda i: (i, 0)),
            pl.BlockSpec((NBK, D), lambda i: (i, 0)),
            pl.BlockSpec((1, 1, NBK), lambda i: (i, 0, 0)),
            pl.BlockSpec((D, H), lambda i: (0, 0)),
            pl.BlockSpec((1, H), lambda i: (0, 0)),
            pl.BlockSpec((H, H), lambda i: (0, 0)),
            pl.BlockSpec((1, H), lambda i: (0, 0)),
        ],
        out_specs=[
            pl.BlockSpec((NBK, H), lambda i: (i, 0)),
            pl.BlockSpec((G, H), lambda i: (0, 0)),
        ],
        out_shape=[
            jax.ShapeDtypeStruct((N, H), jnp.float32),
            jax.ShapeDtypeStruct((G, H), jnp.float32),
        ],
    )(h, a0, a1, batch3, w1, b1, w2, b2)


def _head_body(p0_ref, p1_ref, p2_ref, w1_ref, b1_ref, w2_ref, b2_ref, out_ref):
    w1 = w1_ref[...]
    t = (
        jnp.dot(p0_ref[...], w1[0:H, :], preferred_element_type=jnp.float32)
        + jnp.dot(p1_ref[...], w1[H:2 * H, :], preferred_element_type=jnp.float32)
        + jnp.dot(p2_ref[...], w1[2 * H:3 * H, :], preferred_element_type=jnp.float32)
        + b1_ref[...]
    )
    t = jnp.maximum(t, 0.0)
    out_ref[...] = (
        jnp.dot(t, w2_ref[...], preferred_element_type=jnp.float32) + b2_ref[...]
    )


def _head_call(p0, p1, p2, w1, b1, w2, b2):
    return pl.pallas_call(
        _head_body,
        out_shape=jax.ShapeDtypeStruct((G, 1), jnp.float32),
    )(p0, p1, p2, w1, b1, w2, b2)


def kernel(x, edge_index, edge_attr, batch, W1s, b1s, gammas, betas, bn_mean,
           bn_var, W2s, b2s, Wes, bes, lin1_W, lin1_b, lin2_W, lin2_b):
    src3 = edge_index[0].reshape(NW, NB, K)
    dst3 = edge_index[1].reshape(NW, NB, K)
    batch3 = batch.reshape(N // NBK, 1, NBK)

    scale = gammas / jnp.sqrt(bn_var + 1e-5)
    w1e = W1s * scale[:, None, :]
    b1e = (b1s - bn_mean) * scale + betas

    h = x
    pools = []
    for l in range(L):
        ea = _ea_call(edge_attr, Wes[l], bes[l].reshape(1, D))
        parts = _sc_edge_kernel()(h, ea.reshape(NW, NB, K, D), src3,
                                  dst3).reshape(NC, N, D)
        h, pool = _mlp_call(h, parts[0], parts[1], batch3,
                            w1e[l], b1e[l].reshape(1, H),
                            W2s[l], b2s[l].reshape(1, H))
        pools.append(pool)

    return _head_call(pools[0], pools[1], pools[2],
                      lin1_W, lin1_b.reshape(1, H * L),
                      lin2_W, lin2_b.reshape(1, 1))

# --- scband reference (transcript-rebuilt; emitter-appended) ---
"""Pipeline reference for scband-ginenet-2783138808354 (READ-ONLY COPY).

The authoritative reference and input builder live on the scoring server;
editing this copy changes nothing except your own understanding.
"""

import jax, jax.numpy as jnp
import numpy as np

N = 10000
E = 320000
D = 128
DE = 16
H = 128
L = 3
G = 128

def setup_inputs(seed: int = 0) -> dict:
    key = jax.random.key(seed)
    ks = jax.random.split(key, 16)
    s = 0.05
    inp = {}
    inp['x'] = jax.random.normal(ks[0], (N, D), jnp.float32)
    inp['edge_index'] = jax.random.randint(ks[1], (2, E), 0, N, jnp.int32)
    inp['edge_attr'] = jax.random.normal(ks[2], (E, DE), jnp.float32)
    inp['batch'] = jnp.sort(jax.random.randint(ks[3], (N,), 0, G, jnp.int32))
    inp['W1s'] = jax.random.normal(ks[4], (L, D, H), jnp.float32) * s
    inp['b1s'] = jnp.zeros((L, H), jnp.float32)
    inp['gammas'] = jnp.ones((L, H), jnp.float32)
    inp['betas'] = jnp.zeros((L, H), jnp.float32)
    inp['bn_mean'] = jnp.zeros((L, H), jnp.float32)
    inp['bn_var'] = jnp.ones((L, H), jnp.float32)
    inp['W2s'] = jax.random.normal(ks[5], (L, H, H), jnp.float32) * s
    inp['b2s'] = jnp.zeros((L, H), jnp.float32)
    inp['Wes'] = jax.random.normal(ks[6], (L, DE, D), jnp.float32) * s
    inp['bes'] = jnp.zeros((L, D), jnp.float32)
    inp['lin1_W'] = jax.random.normal(ks[7], (H * L, H * L), jnp.float32) * s
    inp['lin1_b'] = jnp.zeros((H * L,), jnp.float32)
    inp['lin2_W'] = jax.random.normal(ks[8], (H * L, 1), jnp.float32) * s
    inp['lin2_b'] = jnp.zeros((1,), jnp.float32)
    return inp

def reference(x, edge_index, edge_attr, batch, W1s, b1s, gammas, betas, bn_mean, bn_var, W2s, b2s, Wes, bes, lin1_W, lin1_b, lin2_W, lin2_b):
    # GINENet forward, eval mode (dropout off, BatchNorm uses running stats)
    src = edge_index[0]
    dst = edge_index[1]
    h = x
    outs = []
    for l in range(L):
        # GINEConv message: relu(x_j + Linear(edge_attr)) aggregated by sum at dst
        m = jax.nn.relu(h[src] + edge_attr @ Wes[l] + bes[l])
        agg = jax.ops.segment_sum(m, dst, num_segments=N)
        z = h + agg  # (1 + eps) * x + aggr, eps = 0 (default, not trained)
        # nn: Linear -> BatchNorm1d (eval) -> ReLU -> Linear
        z = z @ W1s[l] + b1s[l]
        z = (z - bn_mean[l]) / jnp.sqrt(bn_var[l] + 1e-5) * gammas[l] + betas[l]
        z = jax.nn.relu(z)
        z = z @ W2s[l] + b2s[l]
        h = jax.nn.relu(z)
        outs.append(jax.ops.segment_sum(h, batch, num_segments=G))  # global_add_pool
    hcat = jnp.concatenate(outs, axis=1)
    hcat = jax.nn.relu(hcat @ lin1_W + lin1_b)
    # dropout skipped (eval)
    return hcat @ lin2_W + lin2_b

if __name__ == "__main__":
    import jax
    _d = setup_inputs()
    print(jax.jit(kernel)(*tuple(_d.values())))

</pallas_src>

<mosaic_0001>
#map = affine_map<(d0, d1) -> (0, 0)>
#map1 = affine_map<(d0, d1) -> (0, 0, 0, 0)>
#map2 = affine_map<(d0, d1) -> (0, 0, 0)>
module attributes {stable_mosaic.version = 14 : i64} {
  func.func @_sc_edge_body(%arg0: i32, %arg1: i32, %arg2: memref<10000x128xf32, #tpu.memory_space<hbm>>, %arg3: memref<32x250x40x128xf32, #tpu.memory_space<hbm>>, %arg4: memref<32x250x40xi32, #tpu.memory_space<hbm>>, %arg5: memref<32x250x40xi32, #tpu.memory_space<hbm>>, %arg6: memref<32x625x128xf32, #tpu.memory_space<hbm>>, %arg7: memref<40xi32, #tpu.memory_space<vmem>>, %arg8: memref<40xi32, #tpu.memory_space<vmem>>, %arg9: memref<40xi32, #tpu.memory_space<vmem>>, %arg10: memref<40xi32, #tpu.memory_space<vmem>>, %arg11: memref<40x128xf32, #tpu.memory_space<vmem>>, %arg12: memref<40x128xf32, #tpu.memory_space<vmem>>, %arg13: memref<40x128xf32, #tpu.memory_space<vmem>>, %arg14: memref<40x128xf32, #tpu.memory_space<vmem>>, %arg15: memref<10000x128xf32, #tpu.memory_space<vmem_shared>>, %arg16: memref<!tpu.dma_semaphore, #tpu.memory_space<semaphore_mem>>, %arg17: memref<!tpu.dma_semaphore, #tpu.memory_space<semaphore_mem>>, %arg18: memref<!tpu.dma_semaphore, #tpu.memory_space<semaphore_mem>>, %arg19: memref<!tpu.dma_semaphore, #tpu.memory_space<semaphore_mem>>, %arg20: memref<!tpu.dma_semaphore, #tpu.memory_space<semaphore_mem>>, %arg21: memref<!tpu.dma_semaphore, #tpu.memory_space<semaphore_mem>>, %arg22: memref<!tpu.dma_semaphore, #tpu.memory_space<semaphore_mem>>, %arg23: memref<!tpu.dma_semaphore, #tpu.memory_space<semaphore_mem>>, %arg24: memref<!tpu.dma_semaphore, #tpu.memory_space<semaphore_mem>>, %arg25: memref<!tpu.dma_semaphore, #tpu.memory_space<semaphore_mem>>) attributes {dimension_semantics = [#tpu.dimension_semantics<core_parallel>, #tpu.dimension_semantics<subcore_parallel>], iteration_bounds = array<i64: 2, 16>, scalar_prefetch = 0 : i64, scratch_operands = 19 : i64, tpu.core_type = #tpu.core_type<sc_vector_subcore>, window_params = [{transform_indices = #map}, {transform_indices = #map1}, {transform_indices = #map2}, {transform_indices = #map2}, {transform_indices = #map2}]} {
    %mul3A = arith.constant 16 : i32
    %mul3A_0 = arith.muli %arg0, %mul3A : i32
    %add3A = arith.addi %mul3A_0, %arg1 : i32
    %broadcast_in_dim3A = arith.constant 0.000000e+00 : f32
    %broadcast_in_dim3A_1 = vector.broadcast %broadcast_in_dim3A : f32 to vector<16xf32>
    %scan3A = arith.constant 0 : i32
    %scan3A_2 = arith.constant 0 : i32
    %scan3A_3 = arith.constant 40 : i32
    %scan3A_4 = arith.addi %scan3A_2, %scan3A_3 : i32
    %scan3A_5 = arith.constant 1 : i32
    %scan3A_6 = scf.for %scan3A_109 = %scan3A_2 to %scan3A_4 step %scan3A_5 iter_args(%scan3A_110 = %scan3A) -> (i32)  : i32 {
      %swap3A = arith.index_cast %scan3A_109 : i32 to index
      %swap3A_111 = arith.constant 0 : index
      %swap3A_112 = tpu.vector_load %arg11[%swap3A, %swap3A_111] {strides = array<i32>} : memref<40x128xf32, #tpu.memory_space<vmem>>, vector<1x16xf32>,
      %swap3A_113 = vector.shape_cast %swap3A_112 : vector<1x16xf32> to vector<16xf32>
      %swap3A_114 = vector.shape_cast %broadcast_in_dim3A_1 : vector<16xf32> to vector<1x16xf32>
      tpu.vector_store %arg11[%swap3A, %swap3A_111], %swap3A_114 {strides = array<i32>} : memref<40x128xf32, #tpu.memory_space<vmem>>, vector<1x16xf32>,
      %swap3A_115 = arith.index_cast %scan3A_109 : i32 to index
      %swap3A_116 = arith.constant 16 : index
      %swap3A_117 = tpu.vector_load %arg11[%swap3A_115, %swap3A_116] {strides = array<i32>} : memref<40x128xf32, #tpu.memory_space<vmem>>, vector<1x16xf32>,
      %swap3A_118 = vector.shape_cast %swap3A_117 : vector<1x16xf32> to vector<16xf32>
      %swap3A_119 = vector.shape_cast %broadcast_in_dim3A_1 : vector<16xf32> to vector<1x16xf32>
      tpu.vector_store %arg11[%swap3A_115, %swap3A_116], %swap3A_119 {strides = array<i32>} : memref<40x128xf32, #tpu.memory_space<vmem>>, vector<1x16xf32>,
      %swap3A_120 = arith.index_cast %scan3A_109 : i32 to index
      %swap3A_121 = arith.constant 32 : index
      %swap3A_122 = tpu.vector_load %arg11[%swap3A_120, %swap3A_121] {strides = array<i32>} : memref<40x128xf32, #tpu.memory_space<vmem>>, vector<1x16xf32>,
      %swap3A_123 = vector.shape_cast %swap3A_122 : vector<1x16xf32> to vector<16xf32>
      %swap3A_124 = vector.shape_cast %broadcast_in_dim3A_1 : vector<16xf32> to vector<1x16xf32>
      tpu.vector_store %arg11[%swap3A_120, %swap3A_121], %swap3A_124 {strides = array<i32>} : memref<40x128xf32, #tpu.memory_space<vmem>>, vector<1x16xf32>,
      %swap3A_125 = arith.index_cast %scan3A_109 : i32 to index
      %swap3A_126 = arith.constant 48 : index
      %swap3A_127 = tpu.vector_load %arg11[%swap3A_125, %swap3A_126] {strides = array<i32>} : memref<40x128xf32, #tpu.memory_space<vmem>>, vector<1x16xf32>,
      %swap3A_128 = vector.shape_cast %swap3A_127 : vector<1x16xf32> to vector<16xf32>
      %swap3A_129 = vector.shape_cast %broadcast_in_dim3A_1 : vector<16xf32> to vector<1x16xf32>
      tpu.vector_store %arg11[%swap3A_125, %swap3A_126], %swap3A_129 {strides = array<i32>} : memref<40x128xf32, #tpu.memory_space<vmem>>, vector<1x16xf32>,
      %swap3A_130 = arith.index_cast %scan3A_109 : i32 to index
      %swap3A_131 = arith.constant 64 : index
      %swap3A_132 = tpu.vector_load %arg11[%swap3A_130, %swap3A_131] {strides = array<i32>} : memref<40x128xf32, #tpu.memory_space<vmem>>, vector<1x16xf32>,
      %swap3A_133 = vector.shape_cast %swap3A_132 : vector<1x16xf32> to vector<16xf32>
      %swap3A_134 = vector.shape_cast %broadcast_in_dim3A_1 : vector<16xf32> to vector<1x16xf32>
      tpu.vector_store %arg11[%swap3A_130, %swap3A_131], %swap3A_134 {strides = array<i32>} : memref<40x128xf32, #tpu.memory_space<vmem>>, vector<1x16xf32>,
      %swap3A_135 = arith.index_cast %scan3A_109 : i32 to index
      %swap3A_136 = arith.constant 80 : index
      %swap3A_137 = tpu.vector_load %arg11[%swap3A_135, %swap3A_136] {strides = array<i32>} : memref<40x128xf32, #tpu.memory_space<vmem>>, vector<1x16xf32>,
      %swap3A_138 = vector.shape_cast %swap3A_137 : vector<1x16xf32> to vector<16xf32>
      %swap3A_139 = vector.shape_cast %broadcast_in_dim3A_1 : vector<16xf32> to vector<1x16xf32>
      tpu.vector_store %arg11[%swap3A_135, %swap3A_136], %swap3A_139 {strides = array<i32>} : memref<40x128xf32, #tpu.memory_space<vmem>>, vector<1x16xf32>,
      %swap3A_140 = arith.index_cast %scan3A_109 : i32 to index
      %swap3A_141 = arith.constant 96 : index
      %swap3A_142 = tpu.vector_load %arg11[%swap3A_140, %swap3A_141] {strides = array<i32>} : memref<40x128xf32, #tpu.memory_space<vmem>>, vector<1x16xf32>,
      %swap3A_143 = vector.shape_cast %swap3A_142 : vector<1x16xf32> to vector<16xf32>
      %swap3A_144 = vector.shape_cast %broadcast_in_dim3A_1 : vector<16xf32> to vector<1x16xf32>
      tpu.vector_store %arg11[%swap3A_140, %swap3A_141], %swap3A_144 {strides = array<i32>} : memref<40x128xf32, #tpu.memory_space<vmem>>, vector<1x16xf32>,
      %swap3A_145 = arith.index_cast %scan3A_109 : i32 to index
      %swap3A_146 = arith.constant 112 : index
      %swap3A_147 = tpu.vector_load %arg11[%swap3A_145, %swap3A_146] {strides = array<i32>} : memref<40x128xf32, #tpu.memory_space<vmem>>, vector<1x16xf32>,
      %swap3A_148 = vector.shape_cast %swap3A_147 : vector<1x16xf32> to vector<16xf32>
      %swap3A_149 = vector.shape_cast %broadcast_in_dim3A_1 : vector<16xf32> to vector<1x16xf32>
      tpu.vector_store %arg11[%swap3A_145, %swap3A_146], %swap3A_149 {strides = array<i32>} : memref<40x128xf32, #tpu.memory_space<vmem>>, vector<1x16xf32>,
      %scan3A_150 = arith.constant 0 : i32
      scf.yield %scan3A_150 : i32
    }
    %scan3A_7 = arith.constant 40 : i32
    %mul3A_8 = arith.constant 625 : i32
    %mul3A_9 = arith.muli %arg1, %mul3A_8 : i32
    %add3A_10 = arith.constant 0 : i32
    %add3A_11 = arith.addi %mul3A_9, %add3A_10 : i32
    "tpu.region"() ({
      %run_scoped3A_109 = tpu.sem_alloc : memref<!tpu.dma_semaphore, #tpu.memory_space<semaphore_mem>>
      %dma_start3A_110 = arith.constant 0 : i32
      %dma_start3A_111 = tpu.memref_slice %arg15[%add3A_11, %dma_start3A_110] : memref<10000x128xf32, #tpu.memory_space<vmem_shared>> -> memref<40x128xf32, #tpu.memory_space<vmem_shared>>
      %dma_start3A_112 = arith.constant 0 : i32
      %dma_start3A_113 = tpu.memref_slice %arg15[%add3A_11, %dma_start3A_112] : memref<10000x128xf32, #tpu.memory_space<vmem_shared>> -> memref<40x128xf32, #tpu.memory_space<vmem_shared>>
      tpu.enqueue_dma source(%arg11 : memref<40x128xf32, #tpu.memory_space<vmem>>) target(%dma_start3A_113 : memref<40x128xf32, #tpu.memory_space<vmem_shared>>) target_semaphore(%run_scoped3A_109 : memref<!tpu.dma_semaphore, #tpu.memory_space<semaphore_mem>>)
      %dma_wait3A_114 = arith.constant 0 : i32
      %dma_wait3A_115 = tpu.memref_slice %arg15[%add3A_11, %dma_wait3A_114] : memref<10000x128xf32, #tpu.memory_space<vmem_shared>> -> memref<40x128xf32, #tpu.memory_space<vmem_shared>>
      %dma_wait3A_116 = arith.constant 0 : i32
      %dma_wait3A_117 = tpu.memref_slice %arg15[%add3A_11, %dma_wait3A_116] : memref<10000x128xf32, #tpu.memory_space<vmem_shared>> -> memref<40x128xf32, #tpu.memory_space<vmem_shared>>
      tpu.wait_dma2 semaphore(%run_scoped3A_109 : memref<!tpu.dma_semaphore, #tpu.memory_space<semaphore_mem>>) src(%arg11 : memref<40x128xf32, #tpu.memory_space<vmem>>) dst(%dma_wait3A_117 : memref<40x128xf32, #tpu.memory_space<vmem_shared>>)
      tpu.yield
    }) : () -> ()
    %mul3A_12 = arith.constant 625 : i32
    %mul3A_13 = arith.muli %arg1, %mul3A_12 : i32
    %add3A_14 = arith.constant 40 : i32
    %add3A_15 = arith.addi %mul3A_13, %add3A_14 : i32
    "tpu.region"() ({
      %run_scoped3A_109 = tpu.sem_alloc : memref<!tpu.dma_semaphore, #tpu.memory_space<semaphore_mem>>
      %dma_start3A_110 = arith.constant 0 : i32
      %dma_start3A_111 = tpu.memref_slice %arg15[%add3A_15, %dma_start3A_110] : memref<10000x128xf32, #tpu.memory_space<vmem_shared>> -> memref<40x128xf32, #tpu.memory_space<vmem_shared>>
      %dma_start3A_112 = arith.constant 0 : i32
      %dma_start3A_113 = tpu.memref_slice %arg15[%add3A_15, %dma_start3A_112] : memref<10000x128xf32, #tpu.memory_space<vmem_shared>> -> memref<40x128xf32, #tpu.memory_space<vmem_shared>>
      tpu.enqueue_dma source(%arg11 : memref<40x128xf32, #tpu.memory_space<vmem>>) target(%dma_start3A_113 : memref<40x128xf32, #tpu.memory_space<vmem_shared>>) target_semaphore(%run_scoped3A_109 : memref<!tpu.dma_semaphore, #tpu.memory_space<semaphore_mem>>)
      %dma_wait3A_114 = arith.constant 0 : i32
      %dma_wait3A_115 = tpu.memref_slice %arg15[%add3A_15, %dma_wait3A_114] : memref<10000x128xf32, #tpu.memory_space<vmem_shared>> -> memref<40x128xf32, #tpu.memory_space<vmem_shared>>
      %dma_wait3A_116 = arith.constant 0 : i32
      %dma_wait3A_117 = tpu.memref_slice %arg15[%add3A_15, %dma_wait3A_116] : memref<10000x128xf32, #tpu.memory_space<vmem_shared>> -> memref<40x128xf32, #tpu.memory_space<vmem_shared>>
      tpu.wait_dma2 semaphore(%run_scoped3A_109 : memref<!tpu.dma_semaphore, #tpu.memory_space<semaphore_mem>>) src(%arg11 : memref<40x128xf32, #tpu.memory_space<vmem>>) dst(%dma_wait3A_117 : memref<40x128xf32, #tpu.memory_space<vmem_shared>>)
      tpu.yield
    }) : () -> ()
    %mul3A_16 = arith.constant 625 : i32
    %mul3A_17 = arith.muli %arg1, %mul3A_16 : i32
    %add3A_18 = arith.constant 80 : i32
    %add3A_19 = arith.addi %mul3A_17, %add3A_18 : i32
    "tpu.region"() ({
      %run_scoped3A_109 = tpu.sem_alloc : memref<!tpu.dma_semaphore, #tpu.memory_space<semaphore_mem>>
      %dma_start3A_110 = arith.constant 0 : i32
      %dma_start3A_111 = tpu.memref_slice %arg15[%add3A_19, %dma_start3A_110] : memref<10000x128xf32, #tpu.memory_space<vmem_shared>> -> memref<40x128xf32, #tpu.memory_space<vmem_shared>>
      %dma_start3A_112 = arith.constant 0 : i32
      %dma_start3A_113 = tpu.memref_slice %arg15[%add3A_19, %dma_start3A_112] : memref<10000x128xf32, #tpu.memory_space<vmem_shared>> -> memref<40x128xf32, #tpu.memory_space<vmem_shared>>
      tpu.enqueue_dma source(%arg11 : memref<40x128xf32, #tpu.memory_space<vmem>>) target(%dma_start3A_113 : memref<40x128xf32, #tpu.memory_space<vmem_shared>>) target_semaphore(%run_scoped3A_109 : memref<!tpu.dma_semaphore, #tpu.memory_space<semaphore_mem>>)
      %dma_wait3A_114 = arith.constant 0 : i32
      %dma_wait3A_115 = tpu.memref_slice %arg15[%add3A_19, %dma_wait3A_114] : memref<10000x128xf32, #tpu.memory_space<vmem_shared>> -> memref<40x128xf32, #tpu.memory_space<vmem_shared>>
      %dma_wait3A_116 = arith.constant 0 : i32
      %dma_wait3A_117 = tpu.memref_slice %arg15[%add3A_19, %dma_wait3A_116] : memref<10000x128xf32, #tpu.memory_space<vmem_shared>> -> memref<40x128xf32, #tpu.memory_space<vmem_shared>>
      tpu.wait_dma2 semaphore(%run_scoped3A_109 : memref<!tpu.dma_semaphore, #tpu.memory_space<semaphore_mem>>) src(%arg11 : memref<40x128xf32, #tpu.memory_space<vmem>>) dst(%dma_wait3A_117 : memref<40x128xf32, #tpu.memory_space<vmem_shared>>)
      tpu.yield
    }) : () -> ()
    %mul3A_20 = arith.constant 625 : i32
    %mul3A_21 = arith.muli %arg1, %mul3A_20 : i32
    %add3A_22 = arith.constant 120 : i32
    %add3A_23 = arith.addi %mul3A_21, %add3A_22 : i32
    "tpu.region"() ({
      %run_scoped3A_109 = tpu.sem_alloc : memref<!tpu.dma_semaphore, #tpu.memory_space<semaphore_mem>>
      %dma_start3A_110 = arith.constant 0 : i32
      %dma_start3A_111 = tpu.memref_slice %arg15[%add3A_23, %dma_start3A_110] : memref<10000x128xf32, #tpu.memory_space<vmem_shared>> -> memref<40x128xf32, #tpu.memory_space<vmem_shared>>
      %dma_start3A_112 = arith.constant 0 : i32
      %dma_start3A_113 = tpu.memref_slice %arg15[%add3A_23, %dma_start3A_112] : memref<10000x128xf32, #tpu.memory_space<vmem_shared>> -> memref<40x128xf32, #tpu.memory_space<vmem_shared>>
      tpu.enqueue_dma source(%arg11 : memref<40x128xf32, #tpu.memory_space<vmem>>) target(%dma_start3A_113 : memref<40x128xf32, #tpu.memory_space<vmem_shared>>) target_semaphore(%run_scoped3A_109 : memref<!tpu.dma_semaphore, #tpu.memory_space<semaphore_mem>>)
      %dma_wait3A_114 = arith.constant 0 : i32
      %dma_wait3A_115 = tpu.memref_slice %arg15[%add3A_23, %dma_wait3A_114] : memref<10000x128xf32, #tpu.memory_space<vmem_shared>> -> memref<40x128xf32, #tpu.memory_space<vmem_shared>>
      %dma_wait3A_116 = arith.constant 0 : i32
      %dma_wait3A_117 = tpu.memref_slice %arg15[%add3A_23, %dma_wait3A_116] : memref<10000x128xf32, #tpu.memory_space<vmem_shared>> -> memref<40x128xf32, #tpu.memory_space<vmem_shared>>
      tpu.wait_dma2 semaphore(%run_scoped3A_109 : memref<!tpu.dma_semaphore, #tpu.memory_space<semaphore_mem>>) src(%arg11 : memref<40x128xf32, #tpu.memory_space<vmem>>) dst(%dma_wait3A_117 : memref<40x128xf32, #tpu.memory_space<vmem_shared>>)
      tpu.yield
    }) : () -> ()
    %mul3A_24 = arith.constant 625 : i32
    %mul3A_25 = arith.muli %arg1, %mul3A_24 : i32
    %add3A_26 = arith.constant 160 : i32
    %add3A_27 = arith.addi %mul3A_25, %add3A_26 : i32
    "tpu.region"() ({
      %run_scoped3A_109 = tpu.sem_alloc : memref<!tpu.dma_semaphore, #tpu.memory_space<semaphore_mem>>
      %dma_start3A_110 = arith.constant 0 : i32
      %dma_start3A_111 = tpu.memref_slice %arg15[%add3A_27, %dma_start3A_110] : memref<10000x128xf32, #tpu.memory_space<vmem_shared>> -> memref<40x128xf32, #tpu.memory_space<vmem_shared>>
      %dma_start3A_112 = arith.constant 0 : i32
      %dma_start3A_113 = tpu.memref_slice %arg15[%add3A_27, %dma_start3A_112] : memref<10000x128xf32, #tpu.memory_space<vmem_shared>> -> memref<40x128xf32, #tpu.memory_space<vmem_shared>>
      tpu.enqueue_dma source(%arg11 : memref<40x128xf32, #tpu.memory_space<vmem>>) target(%dma_start3A_113 : memref<40x128xf32, #tpu.memory_space<vmem_shared>>) target_semaphore(%run_scoped3A_109 : memref<!tpu.dma_semaphore, #tpu.memory_space<semaphore_mem>>)
      %dma_wait3A_114 = arith.constant 0 : i32
      %dma_wait3A_115 = tpu.memref_slice %arg15[%add3A_27, %dma_wait3A_114] : memref<10000x128xf32, #tpu.memory_space<vmem_shared>> -> memref<40x128xf32, #tpu.memory_space<vmem_shared>>
      %dma_wait3A_116 = arith.constant 0 : i32
      %dma_wait3A_117 = tpu.memref_slice %arg15[%add3A_27, %dma_wait3A_116] : memref<10000x128xf32, #tpu.memory_space<vmem_shared>> -> memref<40x128xf32, #tpu.memory_space<vmem_shared>>
      tpu.wait_dma2 semaphore(%run_scoped3A_109 : memref<!tpu.dma_semaphore, #tpu.memory_space<semaphore_mem>>) src(%arg11 : memref<40x128xf32, #tpu.memory_space<vmem>>) dst(%dma_wait3A_117 : memref<40x128xf32, #tpu.memory_space<vmem_shared>>)
      tpu.yield
    }) : () -> ()
    %mul3A_28 = arith.constant 625 : i32
    %mul3A_29 = arith.muli %arg1, %mul3A_28 : i32
    %add3A_30 = arith.constant 200 : i32
    %add3A_31 = arith.addi %mul3A_29, %add3A_30 : i32
    "tpu.region"() ({
      %run_scoped3A_109 = tpu.sem_alloc : memref<!tpu.dma_semaphore, #tpu.memory_space<semaphore_mem>>
      %dma_start3A_110 = arith.constant 0 : i32
      %dma_start3A_111 = tpu.memref_slice %arg15[%add3A_31, %dma_start3A_110] : memref<10000x128xf32, #tpu.memory_space<vmem_shared>> -> memref<40x128xf32, #tpu.memory_space<vmem_shared>>
      %dma_start3A_112 = arith.constant 0 : i32
      %dma_start3A_113 = tpu.memref_slice %arg15[%add3A_31, %dma_start3A_112] : memref<10000x128xf32, #tpu.memory_space<vmem_shared>> -> memref<40x128xf32, #tpu.memory_space<vmem_shared>>
      tpu.enqueue_dma source(%arg11 : memref<40x128xf32, #tpu.memory_space<vmem>>) target(%dma_start3A_113 : memref<40x128xf32, #tpu.memory_space<vmem_shared>>) target_semaphore(%run_scoped3A_109 : memref<!tpu.dma_semaphore, #tpu.memory_space<semaphore_mem>>)
      %dma_wait3A_114 = arith.constant 0 : i32
      %dma_wait3A_115 = tpu.memref_slice %arg15[%add3A_31, %dma_wait3A_114] : memref<10000x128xf32, #tpu.memory_space<vmem_shared>> -> memref<40x128xf32, #tpu.memory_space<vmem_shared>>
      %dma_wait3A_116 = arith.constant 0 : i32
      %dma_wait3A_117 = tpu.memref_slice %arg15[%add3A_31, %dma_wait3A_116] : memref<10000x128xf32, #tpu.memory_space<vmem_shared>> -> memref<40x128xf32, #tpu.memory_space<vmem_shared>>
      tpu.wait_dma2 semaphore(%run_scoped3A_109 : memref<!tpu.dma_semaphore, #tpu.memory_space<semaphore_mem>>) src(%arg11 : memref<40x128xf32, #tpu.memory_space<vmem>>) dst(%dma_wait3A_117 : memref<40x128xf32, #tpu.memory_space<vmem_shared>>)
      tpu.yield
    }) : () -> ()
    %mul3A_32 = arith.constant 625 : i32
    %mul3A_33 = arith.muli %arg1, %mul3A_32 : i32
    %add3A_34 = arith.constant 240 : i32
    %add3A_35 = arith.addi %mul3A_33, %add3A_34 : i32
    "tpu.region"() ({
      %run_scoped3A_109 = tpu.sem_alloc : memref<!tpu.dma_semaphore, #tpu.memory_space<semaphore_mem>>
      %dma_start3A_110 = arith.constant 0 : i32
      %dma_start3A_111 = tpu.memref_slice %arg15[%add3A_35, %dma_start3A_110] : memref<10000x128xf32, #tpu.memory_space<vmem_shared>> -> memref<40x128xf32, #tpu.memory_space<vmem_shared>>
      %dma_start3A_112 = arith.constant 0 : i32
      %dma_start3A_113 = tpu.memref_slice %arg15[%add3A_35, %dma_start3A_112] : memref<10000x128xf32, #tpu.memory_space<vmem_shared>> -> memref<40x128xf32, #tpu.memory_space<vmem_shared>>
      tpu.enqueue_dma source(%arg11 : memref<40x128xf32, #tpu.memory_space<vmem>>) target(%dma_start3A_113 : memref<40x128xf32, #tpu.memory_space<vmem_shared>>) target_semaphore(%run_scoped3A_109 : memref<!tpu.dma_semaphore, #tpu.memory_space<semaphore_mem>>)
      %dma_wait3A_114 = arith.constant 0 : i32
      %dma_wait3A_115 = tpu.memref_slice %arg15[%add3A_35, %dma_wait3A_114] : memref<10000x128xf32, #tpu.memory_space<vmem_shared>> -> memref<40x128xf32, #tpu.memory_space<vmem_shared>>
      %dma_wait3A_116 = arith.constant 0 : i32
      %dma_wait3A_117 = tpu.memref_slice %arg15[%add3A_35, %dma_wait3A_116] : memref<10000x128xf32, #tpu.memory_space<vmem_shared>> -> memref<40x128xf32, #tpu.memory_space<vmem_shared>>
      tpu.wait_dma2 semaphore(%run_scoped3A_109 : memref<!tpu.dma_semaphore, #tpu.memory_space<semaphore_mem>>) src(%arg11 : memref<40x128xf32, #tpu.memory_space<vmem>>) dst(%dma_wait3A_117 : memref<40x128xf32, #tpu.memory_space<vmem_shared>>)
      tpu.yield
    }) : () -> ()
    %mul3A_36 = arith.constant 625 : i32
    %mul3A_37 = arith.muli %arg1, %mul3A_36 : i32
    %add3A_38 = arith.constant 280 : i32
    %add3A_39 = arith.addi %mul3A_37, %add3A_38 : i32
    "tpu.region"() ({
      %run_scoped3A_109 = tpu.sem_alloc : memref<!tpu.dma_semaphore, #tpu.memory_space<semaphore_mem>>
      %dma_start3A_110 = arith.constant 0 : i32
      %dma_start3A_111 = tpu.memref_slice %arg15[%add3A_39, %dma_start3A_110] : memref<10000x128xf32, #tpu.memory_space<vmem_shared>> -> memref<40x128xf32, #tpu.memory_space<vmem_shared>>
      %dma_start3A_112 = arith.constant 0 : i32
      %dma_start3A_113 = tpu.memref_slice %arg15[%add3A_39, %dma_start3A_112] : memref<10000x128xf32, #tpu.memory_space<vmem_shared>> -> memref<40x128xf32, #tpu.memory_space<vmem_shared>>
      tpu.enqueue_dma source(%arg11 : memref<40x128xf32, #tpu.memory_space<vmem>>) target(%dma_start3A_113 : memref<40x128xf32, #tpu.memory_space<vmem_shared>>) target_semaphore(%run_scoped3A_109 : memref<!tpu.dma_semaphore, #tpu.memory_space<semaphore_mem>>)
      %dma_wait3A_114 = arith.constant 0 : i32
      %dma_wait3A_115 = tpu.memref_slice %arg15[%add3A_39, %dma_wait3A_114] : memref<10000x128xf32, #tpu.memory_space<vmem_shared>> -> memref<40x128xf32, #tpu.memory_space<vmem_shared>>
      %dma_wait3A_116 = arith.constant 0 : i32
      %dma_wait3A_117 = tpu.memref_slice %arg15[%add3A_39, %dma_wait3A_116] : memref<10000x128xf32, #tpu.memory_space<vmem_shared>> -> memref<40x128xf32, #tpu.memory_space<vmem_shared>>
      tpu.wait_dma2 semaphore(%run_scoped3A_109 : memref<!tpu.dma_semaphore, #tpu.memory_space<semaphore_mem>>) src(%arg11 : memref<40x128xf32, #tpu.memory_space<vmem>>) dst(%dma_wait3A_117 : memref<40x128xf32, #tpu.memory_space<vmem_shared>>)
      tpu.yield
    }) : () -> ()
    %mul3A_40 = arith.constant 625 : i32
    %mul3A_41 = arith.muli %arg1, %mul3A_40 : i32
    %add3A_42 = arith.constant 320 : i32
    %add3A_43 = arith.addi %mul3A_41, %add3A_42 : i32
    "tpu.region"() ({
      %run_scoped3A_109 = tpu.sem_alloc : memref<!tpu.dma_semaphore, #tpu.memory_space<semaphore_mem>>
      %dma_start3A_110 = arith.constant 0 : i32
      %dma_start3A_111 = tpu.memref_slice %arg15[%add3A_43, %dma_start3A_110] : memref<10000x128xf32, #tpu.memory_space<vmem_shared>> -> memref<40x128xf32, #tpu.memory_space<vmem_shared>>
      %dma_start3A_112 = arith.constant 0 : i32
      %dma_start3A_113 = tpu.memref_slice %arg15[%add3A_43, %dma_start3A_112] : memref<10000x128xf32, #tpu.memory_space<vmem_shared>> -> memref<40x128xf32, #tpu.memory_space<vmem_shared>>
      tpu.enqueue_dma source(%arg11 : memref<40x128xf32, #tpu.memory_space<vmem>>) target(%dma_start3A_113 : memref<40x128xf32, #tpu.memory_space<vmem_shared>>) target_semaphore(%run_scoped3A_109 : memref<!tpu.dma_semaphore, #tpu.memory_space<semaphore_mem>>)
      %dma_wait3A_114 = arith.constant 0 : i32
      %dma_wait3A_115 = tpu.memref_slice %arg15[%add3A_43, %dma_wait3A_114] : memref<10000x128xf32, #tpu.memory_space<vmem_shared>> -> memref<40x128xf32, #tpu.memory_space<vmem_shared>>
      %dma_wait3A_116 = arith.constant 0 : i32
      %dma_wait3A_117 = tpu.memref_slice %arg15[%add3A_43, %dma_wait3A_116] : memref<10000x128xf32, #tpu.memory_space<vmem_shared>> -> memref<40x128xf32, #tpu.memory_space<vmem_shared>>
      tpu.wait_dma2 semaphore(%run_scoped3A_109 : memref<!tpu.dma_semaphore, #tpu.memory_space<semaphore_mem>>) src(%arg11 : memref<40x128xf32, #tpu.memory_space<vmem>>) dst(%dma_wait3A_117 : memref<40x128xf32, #tpu.memory_space<vmem_shared>>)
      tpu.yield
    }) : () -> ()
    %mul3A_44 = arith.constant 625 : i32
    %mul3A_45 = arith.muli %arg1, %mul3A_44 : i32
    %add3A_46 = arith.constant 360 : i32
    %add3A_47 = arith.addi %mul3A_45, %add3A_46 : i32
    "tpu.region"() ({
      %run_scoped3A_109 = tpu.sem_alloc : memref<!tpu.dma_semaphore, #tpu.memory_space<semaphore_mem>>
      %dma_start3A_110 = arith.constant 0 : i32
      %dma_start3A_111 = tpu.memref_slice %arg15[%add3A_47, %dma_start3A_110] : memref<10000x128xf32, #tpu.memory_space<vmem_shared>> -> memref<40x128xf32, #tpu.memory_space<vmem_shared>>
      %dma_start3A_112 = arith.constant 0 : i32
      %dma_start3A_113 = tpu.memref_slice %arg15[%add3A_47, %dma_start3A_112] : memref<10000x128xf32, #tpu.memory_space<vmem_shared>> -> memref<40x128xf32, #tpu.memory_space<vmem_shared>>
      tpu.enqueue_dma source(%arg11 : memref<40x128xf32, #tpu.memory_space<vmem>>) target(%dma_start3A_113 : memref<40x128xf32, #tpu.memory_space<vmem_shared>>) target_semaphore(%run_scoped3A_109 : memref<!tpu.dma_semaphore, #tpu.memory_space<semaphore_mem>>)
      %dma_wait3A_114 = arith.constant 0 : i32
      %dma_wait3A_115 = tpu.memref_slice %arg15[%add3A_47, %dma_wait3A_114] : memref<10000x128xf32, #tpu.memory_space<vmem_shared>> -> memref<40x128xf32, #tpu.memory_space<vmem_shared>>
      %dma_wait3A_116 = arith.constant 0 : i32
      %dma_wait3A_117 = tpu.memref_slice %arg15[%add3A_47, %dma_wait3A_116] : memref<10000x128xf32, #tpu.memory_space<vmem_shared>> -> memref<40x128xf32, #tpu.memory_space<vmem_shared>>
      tpu.wait_dma2 semaphore(%run_scoped3A_109 : memref<!tpu.dma_semaphore, #tpu.memory_space<semaphore_mem>>) src(%arg11 : memref<40x128xf32, #tpu.memory_space<vmem>>) dst(%dma_wait3A_117 : memref<40x128xf32, #tpu.memory_space<vmem_shared>>)
      tpu.yield
    }) : () -> ()
    %mul3A_48 = arith.constant 625 : i32
    %mul3A_49 = arith.muli %arg1, %mul3A_48 : i32
    %add3A_50 = arith.constant 400 : i32
    %add3A_51 = arith.addi %mul3A_49, %add3A_50 : i32
    "tpu.region"() ({
      %run_scoped3A_109 = tpu.sem_alloc : memref<!tpu.dma_semaphore, #tpu.memory_space<semaphore_mem>>
      %dma_start3A_110 = arith.constant 0 : i32
      %dma_start3A_111 = tpu.memref_slice %arg15[%add3A_51, %dma_start3A_110] : memref<10000x128xf32, #tpu.memory_space<vmem_shared>> -> memref<40x128xf32, #tpu.memory_space<vmem_shared>>
      %dma_start3A_112 = arith.constant 0 : i32
      %dma_start3A_113 = tpu.memref_slice %arg15[%add3A_51, %dma_start3A_112] : memref<10000x128xf32, #tpu.memory_space<vmem_shared>> -> memref<40x128xf32, #tpu.memory_space<vmem_shared>>
      tpu.enqueue_dma source(%arg11 : memref<40x128xf32, #tpu.memory_space<vmem>>) target(%dma_start3A_113 : memref<40x128xf32, #tpu.memory_space<vmem_shared>>) target_semaphore(%run_scoped3A_109 : memref<!tpu.dma_semaphore, #tpu.memory_space<semaphore_mem>>)
      %dma_wait3A_114 = arith.constant 0 : i32
      %dma_wait3A_115 = tpu.memref_slice %arg15[%add3A_51, %dma_wait3A_114] : memref<10000x128xf32, #tpu.memory_space<vmem_shared>> -> memref<40x128xf32, #tpu.memory_space<vmem_shared>>
      %dma_wait3A_116 = arith.constant 0 : i32
      %dma_wait3A_117 = tpu.memref_slice %arg15[%add3A_51, %dma_wait3A_116] : memref<10000x128xf32, #tpu.memory_space<vmem_shared>> -> memref<40x128xf32, #tpu.memory_space<vmem_shared>>
      tpu.wait_dma2 semaphore(%run_scoped3A_109 : memref<!tpu.dma_semaphore, #tpu.memory_space<semaphore_mem>>) src(%arg11 : memref<40x128xf32, #tpu.memory_space<vmem>>) dst(%dma_wait3A_117 : memref<40x128xf32, #tpu.memory_space<vmem_shared>>)
      tpu.yield
    }) : () -> ()
    %mul3A_52 = arith.constant 625 : i32
    %mul3A_53 = arith.muli %arg1, %mul3A_52 : i32
    %add3A_54 = arith.constant 440 : i32
    %add3A_55 = arith.addi %mul3A_53, %add3A_54 : i32
    "tpu.region"() ({
      %run_scoped3A_109 = tpu.sem_alloc : memref<!tpu.dma_semaphore, #tpu.memory_space<semaphore_mem>>
      %dma_start3A_110 = arith.constant 0 : i32
      %dma_start3A_111 = tpu.memref_slice %arg15[%add3A_55, %dma_start3A_110] : memref<10000x128xf32, #tpu.memory_space<vmem_shared>> -> memref<40x128xf32, #tpu.memory_space<vmem_shared>>
      %dma_start3A_112 = arith.constant 0 : i32
      %dma_start3A_113 = tpu.memref_slice %arg15[%add3A_55, %dma_start3A_112] : memref<10000x128xf32, #tpu.memory_space<vmem_shared>> -> memref<40x128xf32, #tpu.memory_space<vmem_shared>>
      tpu.enqueue_dma source(%arg11 : memref<40x128xf32, #tpu.memory_space<vmem>>) target(%dma_start3A_113 : memref<40x128xf32, #tpu.memory_space<vmem_shared>>) target_semaphore(%run_scoped3A_109 : memref<!tpu.dma_semaphore, #tpu.memory_space<semaphore_mem>>)
      %dma_wait3A_114 = arith.constant 0 : i32
      %dma_wait3A_115 = tpu.memref_slice %arg15[%add3A_55, %dma_wait3A_114] : memref<10000x128xf32, #tpu.memory_space<vmem_shared>> -> memref<40x128xf32, #tpu.memory_space<vmem_shared>>
      %dma_wait3A_116 = arith.constant 0 : i32
      %dma_wait3A_117 = tpu.memref_slice %arg15[%add3A_55, %dma_wait3A_116] : memref<10000x128xf32, #tpu.memory_space<vmem_shared>> -> memref<40x128xf32, #tpu.memory_space<vmem_shared>>
      tpu.wait_dma2 semaphore(%run_scoped3A_109 : memref<!tpu.dma_semaphore, #tpu.memory_space<semaphore_mem>>) src(%arg11 : memref<40x128xf32, #tpu.memory_space<vmem>>) dst(%dma_wait3A_117 : memref<40x128xf32, #tpu.memory_space<vmem_shared>>)
      tpu.yield
    }) : () -> ()
    %mul3A_56 = arith.constant 625 : i32
    %mul3A_57 = arith.muli %arg1, %mul3A_56 : i32
    %add3A_58 = arith.constant 480 : i32
    %add3A_59 = arith.addi %mul3A_57, %add3A_58 : i32
    "tpu.region"() ({
      %run_scoped3A_109 = tpu.sem_alloc : memref<!tpu.dma_semaphore, #tpu.memory_space<semaphore_mem>>
      %dma_start3A_110 = arith.constant 0 : i32
      %dma_start3A_111 = tpu.memref_slice %arg15[%add3A_59, %dma_start3A_110] : memref<10000x128xf32, #tpu.memory_space<vmem_shared>> -> memref<40x128xf32, #tpu.memory_space<vmem_shared>>
      %dma_start3A_112 = arith.constant 0 : i32
      %dma_start3A_113 = tpu.memref_slice %arg15[%add3A_59, %dma_start3A_112] : memref<10000x128xf32, #tpu.memory_space<vmem_shared>> -> memref<40x128xf32, #tpu.memory_space<vmem_shared>>
      tpu.enqueue_dma source(%arg11 : memref<40x128xf32, #tpu.memory_space<vmem>>) target(%dma_start3A_113 : memref<40x128xf32, #tpu.memory_space<vmem_shared>>) target_semaphore(%run_scoped3A_109 : memref<!tpu.dma_semaphore, #tpu.memory_space<semaphore_mem>>)
      %dma_wait3A_114 = arith.constant 0 : i32
      %dma_wait3A_115 = tpu.memref_slice %arg15[%add3A_59, %dma_wait3A_114] : memref<10000x128xf32, #tpu.memory_space<vmem_shared>> -> memref<40x128xf32, #tpu.memory_space<vmem_shared>>
      %dma_wait3A_116 = arith.constant 0 : i32
      %dma_wait3A_117 = tpu.memref_slice %arg15[%add3A_59, %dma_wait3A_116] : memref<10000x128xf32, #tpu.memory_space<vmem_shared>> -> memref<40x128xf32, #tpu.memory_space<vmem_shared>>
      tpu.wait_dma2 semaphore(%run_scoped3A_109 : memref<!tpu.dma_semaphore, #tpu.memory_space<semaphore_mem>>) src(%arg11 : memref<40x128xf32, #tpu.memory_space<vmem>>) dst(%dma_wait3A_117 : memref<40x128xf32, #tpu.memory_space<vmem_shared>>)
      tpu.yield
    }) : () -> ()
    %mul3A_60 = arith.constant 625 : i32
    %mul3A_61 = arith.muli %arg1, %mul3A_60 : i32
    %add3A_62 = arith.constant 520 : i32
    %add3A_63 = arith.addi %mul3A_61, %add3A_62 : i32
    "tpu.region"() ({
      %run_scoped3A_109 = tpu.sem_alloc : memref<!tpu.dma_semaphore, #tpu.memory_space<semaphore_mem>>
      %dma_start3A_110 = arith.constant 0 : i32
      %dma_start3A_111 = tpu.memref_slice %arg15[%add3A_63, %dma_start3A_110] : memref<10000x128xf32, #tpu.memory_space<vmem_shared>> -> memref<40x128xf32, #tpu.memory_space<vmem_shared>>
      %dma_start3A_112 = arith.constant 0 : i32
      %dma_start3A_113 = tpu.memref_slice %arg15[%add3A_63, %dma_start3A_112] : memref<10000x128xf32, #tpu.memory_space<vmem_shared>> -> memref<40x128xf32, #tpu.memory_space<vmem_shared>>
      tpu.enqueue_dma source(%arg11 : memref<40x128xf32, #tpu.memory_space<vmem>>) target(%dma_start3A_113 : memref<40x128xf32, #tpu.memory_space<vmem_shared>>) target_semaphore(%run_scoped3A_109 : memref<!tpu.dma_semaphore, #tpu.memory_space<semaphore_mem>>)
      %dma_wait3A_114 = arith.constant 0 : i32
      %dma_wait3A_115 = tpu.memref_slice %arg15[%add3A_63, %dma_wait3A_114] : memref<10000x128xf32, #tpu.memory_space<vmem_shared>> -> memref<40x128xf32, #tpu.memory_space<vmem_shared>>
      %dma_wait3A_116 = arith.constant 0 : i32
      %dma_wait3A_117 = tpu.memref_slice %arg15[%add3A_63, %dma_wait3A_116] : memref<10000x128xf32, #tpu.memory_space<vmem_shared>> -> memref<40x128xf32, #tpu.memory_space<vmem_shared>>
      tpu.wait_dma2 semaphore(%run_scoped3A_109 : memref<!tpu.dma_semaphore, #tpu.memory_space<semaphore_mem>>) src(%arg11 : memref<40x128xf32, #tpu.memory_space<vmem>>) dst(%dma_wait3A_117 : memref<40x128xf32, #tpu.memory_space<vmem_shared>>)
      tpu.yield
    }) : () -> ()
    %mul3A_64 = arith.constant 625 : i32
    %mul3A_65 = arith.muli %arg1, %mul3A_64 : i32
    %add3A_66 = arith.constant 560 : i32
    %add3A_67 = arith.addi %mul3A_65, %add3A_66 : i32
    "tpu.region"() ({
      %run_scoped3A_109 = tpu.sem_alloc : memref<!tpu.dma_semaphore, #tpu.memory_space<semaphore_mem>>
      %dma_start3A_110 = arith.constant 0 : i32
      %dma_start3A_111 = tpu.memref_slice %arg15[%add3A_67, %dma_start3A_110] : memref<10000x128xf32, #tpu.memory_space<vmem_shared>> -> memref<40x128xf32, #tpu.memory_space<vmem_shared>>
      %dma_start3A_112 = arith.constant 0 : i32
      %dma_start3A_113 = tpu.memref_slice %arg15[%add3A_67, %dma_start3A_112] : memref<10000x128xf32, #tpu.memory_space<vmem_shared>> -> memref<40x128xf32, #tpu.memory_space<vmem_shared>>
      tpu.enqueue_dma source(%arg11 : memref<40x128xf32, #tpu.memory_space<vmem>>) target(%dma_start3A_113 : memref<40x128xf32, #tpu.memory_space<vmem_shared>>) target_semaphore(%run_scoped3A_109 : memref<!tpu.dma_semaphore, #tpu.memory_space<semaphore_mem>>)
      %dma_wait3A_114 = arith.constant 0 : i32
      %dma_wait3A_115 = tpu.memref_slice %arg15[%add3A_67, %dma_wait3A_114] : memref<10000x128xf32, #tpu.memory_space<vmem_shared>> -> memref<40x128xf32, #tpu.memory_space<vmem_shared>>
      %dma_wait3A_116 = arith.constant 0 : i32
      %dma_wait3A_117 = tpu.memref_slice %arg15[%add3A_67, %dma_wait3A_116] : memref<10000x128xf32, #tpu.memory_space<vmem_shared>> -> memref<40x128xf32, #tpu.memory_space<vmem_shared>>
      tpu.wait_dma2 semaphore(%run_scoped3A_109 : memref<!tpu.dma_semaphore, #tpu.memory_space<semaphore_mem>>) src(%arg11 : memref<40x128xf32, #tpu.memory_space<vmem>>) dst(%dma_wait3A_117 : memref<40x128xf32, #tpu.memory_space<vmem_shared>>)
      tpu.yield
    }) : () -> ()
    %mul3A_68 = arith.constant 625 : i32
    %mul3A_69 = arith.muli %arg1, %mul3A_68 : i32
    %add3A_70 = arith.constant 600 : i32
    %add3A_71 = arith.addi %mul3A_69, %add3A_70 : i32
    "tpu.region"() ({
      %run_scoped3A_109 = tpu.sem_alloc : memref<!tpu.dma_semaphore, #tpu.memory_space<semaphore_mem>>
      %dma_start3A_110 = arith.constant 0 : i32
      %dma_start3A_111 = arith.constant 0 : i32
      %dma_start3A_112 = tpu.memref_slice %arg11[%dma_start3A_110, %dma_start3A_111] : memref<40x128xf32, #tpu.memory_space<vmem>> -> memref<25x128xf32, #tpu.memory_space<vmem>>
      %dma_start3A_113 = arith.constant 0 : i32
      %dma_start3A_114 = tpu.memref_slice %arg15[%add3A_71, %dma_start3A_113] : memref<10000x128xf32, #tpu.memory_space<vmem_shared>> -> memref<25x128xf32, #tpu.memory_space<vmem_shared>>
      %dma_start3A_115 = arith.constant 0 : i32
      %dma_start3A_116 = tpu.memref_slice %arg15[%add3A_71, %dma_start3A_115] : memref<10000x128xf32, #tpu.memory_space<vmem_shared>> -> memref<25x128xf32, #tpu.memory_space<vmem_shared>>
      %dma_start3A_117 = arith.constant 0 : i32
      %dma_start3A_118 = arith.constant 0 : i32
      %dma_start3A_119 = tpu.memref_slice %arg11[%dma_start3A_117, %dma_start3A_118] : memref<40x128xf32, #tpu.memory_space<vmem>> -> memref<25x128xf32, #tpu.memory_space<vmem>>
      tpu.enqueue_dma source(%dma_start3A_119 : memref<25x128xf32, #tpu.memory_space<vmem>>) target(%dma_start3A_116 : memref<25x128xf32, #tpu.memory_space<vmem_shared>>) target_semaphore(%run_scoped3A_109 : memref<!tpu.dma_semaphore, #tpu.memory_space<semaphore_mem>>)
      %dma_wait3A_120 = arith.constant 0 : i32
      %dma_wait3A_121 = arith.constant 0 : i32
      %dma_wait3A_122 = tpu.memref_slice %arg11[%dma_wait3A_120, %dma_wait3A_121] : memref<40x128xf32, #tpu.memory_space<vmem>> -> memref<25x128xf32, #tpu.memory_space<vmem>>
      %dma_wait3A_123 = arith.constant 0 : i32
      %dma_wait3A_124 = tpu.memref_slice %arg15[%add3A_71, %dma_wait3A_123] : memref<10000x128xf32, #tpu.memory_space<vmem_shared>> -> memref<25x128xf32, #tpu.memory_space<vmem_shared>>
      %dma_wait3A_125 = arith.constant 0 : i32
      %dma_wait3A_126 = tpu.memref_slice %arg15[%add3A_71, %dma_wait3A_125] : memref<10000x128xf32, #tpu.memory_space<vmem_shared>> -> memref<25x128xf32, #tpu.memory_space<vmem_shared>>
      %dma_wait3A_127 = arith.constant 0 : i32
      %dma_wait3A_128 = arith.constant 0 : i32
      %dma_wait3A_129 = tpu.memref_slice %arg11[%dma_wait3A_127, %dma_wait3A_128] : memref<40x128xf32, #tpu.memory_space<vmem>> -> memref<25x128xf32, #tpu.memory_space<vmem>>
      tpu.wait_dma2 semaphore(%run_scoped3A_109 : memref<!tpu.dma_semaphore, #tpu.memory_space<semaphore_mem>>) src(%dma_wait3A_129 : memref<25x128xf32, #tpu.memory_space<vmem>>) dst(%dma_wait3A_126 : memref<25x128xf32, #tpu.memory_space<vmem_shared>>)
      tpu.yield
    }) : () -> ()
    %barrier3A = arith.constant 0 : index
    tpu.barrier barrier_id(%barrier3A)
    %run_scoped3A = arith.constant 0 : i32
    "tpu.region"() ({
      %run_scoped3A_109 = tpu.sem_alloc : memref<!tpu.dma_semaphore, #tpu.memory_space<semaphore_mem>>
      %dma_start3A_110 = arith.constant 0 : i32
      %dma_start3A_111 = tpu.memref_slice %arg4[%add3A, %run_scoped3A, %dma_start3A_110] : memref<32x250x40xi32, #tpu.memory_space<hbm>> -> memref<1x1x40xi32, #tpu.memory_space<hbm>>
      %dma_start3A_112 = tpu.memref_squeeze %dma_start3A_111 : memref<1x1x40xi32, #tpu.memory_space<hbm>> -> memref<40xi32, #tpu.memory_space<hbm>>
      %dma_start3A_113 = arith.constant 0 : i32
      %dma_start3A_114 = tpu.memref_slice %arg4[%add3A, %run_scoped3A, %dma_start3A_113] : memref<32x250x40xi32, #tpu.memory_space<hbm>> -> memref<1x1x40xi32, #tpu.memory_space<hbm>>
      %dma_start3A_115 = tpu.memref_squeeze %dma_start3A_114 : memref<1x1x40xi32, #tpu.memory_space<hbm>> -> memref<40xi32, #tpu.memory_space<hbm>>
      tpu.enqueue_dma source(%dma_start3A_115 : memref<40xi32, #tpu.memory_space<hbm>>) target(%arg7 : memref<40xi32, #tpu.memory_space<vmem>>) target_semaphore(%run_scoped3A_109 : memref<!tpu.dma_semaphore, #tpu.memory_space<semaphore_mem>>)
      %dma_wait3A_116 = arith.constant 0 : i32
      %dma_wait3A_117 = tpu.memref_slice %arg4[%add3A, %run_scoped3A, %dma_wait3A_116] : memref<32x250x40xi32, #tpu.memory_space<hbm>> -> memref<1x1x40xi32, #tpu.memory_space<hbm>>
      %dma_wait3A_118 = tpu.memref_squeeze %dma_wait3A_117 : memref<1x1x40xi32, #tpu.memory_space<hbm>> -> memref<40xi32, #tpu.memory_space<hbm>>
      %dma_wait3A_119 = arith.constant 0 : i32
      %dma_wait3A_120 = tpu.memref_slice %arg4[%add3A, %run_scoped3A, %dma_wait3A_119] : memref<32x250x40xi32, #tpu.memory_space<hbm>> -> memref<1x1x40xi32, #tpu.memory_space<hbm>>
      %dma_wait3A_121 = tpu.memref_squeeze %dma_wait3A_120 : memref<1x1x40xi32, #tpu.memory_space<hbm>> -> memref<40xi32, #tpu.memory_space<hbm>>
      tpu.wait_dma2 semaphore(%run_scoped3A_109 : memref<!tpu.dma_semaphore, #tpu.memory_space<semaphore_mem>>) src(%dma_wait3A_121 : memref<40xi32, #tpu.memory_space<hbm>>) dst(%arg7 : memref<40xi32, #tpu.memory_space<vmem>>)
      tpu.yield
    }) : () -> ()
    %dma_start3A = arith.constant 0 : i32
    %dma_start3A_72 = arith.constant 0 : i32
    %dma_start3A_73 = tpu.memref_slice %arg2[%dma_start3A, %dma_start3A_72] : memref<10000x128xf32, #tpu.memory_space<hbm>> -> memref<10000x128xf32, #tpu.memory_space<hbm>>
    tpu.enqueue_indirect_dma source(%dma_start3A_73 : memref<10000x128xf32, #tpu.memory_space<hbm>>) target(%arg11 : memref<40x128xf32, #tpu.memory_space<vmem>>) offsets(%arg7 : memref<40xi32, #tpu.memory_space<vmem>>) semaphore(%arg16 : memref<!tpu.dma_semaphore, #tpu.memory_space<semaphore_mem>>)
    %dma_start3A_74 = arith.constant 0 : i32
    %dma_start3A_75 = arith.constant 0 : i32
    %dma_start3A_76 = arith.constant 0 : i32
    %dma_start3A_77 = tpu.memref_slice %arg3[%add3A, %dma_start3A_74, %dma_start3A_75, %dma_start3A_76] : memref<32x250x40x128xf32, #tpu.memory_space<hbm>> -> memref<1x1x40x128xf32, #tpu.memory_space<hbm>>
    %dma_start3A_78 = tpu.memref_squeeze %dma_start3A_77 : memref<1x1x40x128xf32, #tpu.memory_space<hbm>> -> memref<40x128xf32, #tpu.memory_space<hbm>>
    %dma_start3A_79 = arith.constant 0 : i32
    %dma_start3A_80 = arith.constant 0 : i32
    %dma_start3A_81 = tpu.memref_slice %arg3[%add3A, %dma_start3A_74, %dma_start3A_79, %dma_start3A_80] : memref<32x250x40x128xf32, #tpu.memory_space<hbm>> -> memref<1x1x40x128xf32, #tpu.memory_space<hbm>>
    %dma_start3A_82 = tpu.memref_squeeze %dma_start3A_81 : memref<1x1x40x128xf32, #tpu.memory_space<hbm>> -> memref<40x128xf32, #tpu.memory_space<hbm>>
    tpu.enqueue_dma source(%dma_start3A_82 : memref<40x128xf32, #tpu.memory_space<hbm>>) target(%arg13 : memref<40x128xf32, #tpu.memory_space<vmem>>) target_semaphore(%arg18 : memref<!tpu.dma_semaphore, #tpu.memory_space<semaphore_mem>>)
    %dma_start3A_83 = arith.constant 0 : i32
    %dma_start3A_84 = arith.constant 0 : i32
    %dma_start3A_85 = tpu.memref_slice %arg5[%add3A, %dma_start3A_83, %dma_start3A_84] : memref<32x250x40xi32, #tpu.memory_space<hbm>> -> memref<1x1x40xi32, #tpu.memory_space<hbm>>
    %dma_start3A_86 = tpu.memref_squeeze %dma_start3A_85 : memref<1x1x40xi32, #tpu.memory_space<hbm>> -> memref<40xi32, #tpu.memory_space<hbm>>
    %dma_start3A_87 = arith.constant 0 : i32
    %dma_start3A_88 = tpu.memref_slice %arg5[%add3A, %dma_start3A_83, %dma_start3A_87] : memref<32x250x40xi32, #tpu.memory_space<hbm>> -> memref<1x1x40xi32, #tpu.memory_space<hbm>>
    %dma_start3A_89 = tpu.memref_squeeze %dma_start3A_88 : memref<1x1x40xi32, #tpu.memory_space<hbm>> -> memref<40xi32, #tpu.memory_space<hbm>>
    tpu.enqueue_dma source(%dma_start3A_89 : memref<40xi32, #tpu.memory_space<hbm>>) target(%arg9 : memref<40xi32, #tpu.memory_space<vmem>>) target_semaphore(%arg22 : memref<!tpu.dma_semaphore, #tpu.memory_space<semaphore_mem>>)
    %dma_start3A_90 = arith.constant 1 : i32
    %dma_start3A_91 = arith.constant 0 : i32
    %dma_start3A_92 = tpu.memref_slice %arg4[%add3A, %dma_start3A_90, %dma_start3A_91] : memref<32x250x40xi32, #tpu.memory_space<hbm>> -> memref<1x1x40xi32, #tpu.memory_space<hbm>>
    %dma_start3A_93 = tpu.memref_squeeze %dma_start3A_92 : memref<1x1x40xi32, #tpu.memory_space<hbm>> -> memref<40xi32, #tpu.memory_space<hbm>>
    %dma_start3A_94 = arith.constant 0 : i32
    %dma_start3A_95 = tpu.memref_slice %arg4[%add3A, %dma_start3A_90, %dma_start3A_94] : memref<32x250x40xi32, #tpu.memory_space<hbm>> -> memref<1x1x40xi32, #tpu.memory_space<hbm>>
    %dma_start3A_96 = tpu.memref_squeeze %dma_start3A_95 : memref<1x1x40xi32, #tpu.memory_space<hbm>> -> memref<40xi32, #tpu.memory_space<hbm>>
    tpu.enqueue_dma source(%dma_start3A_96 : memref<40xi32, #tpu.memory_space<hbm>>) target(%arg8 : memref<40xi32, #tpu.memory_space<vmem>>) target_semaphore(%arg21 : memref<!tpu.dma_semaphore, #tpu.memory_space<semaphore_mem>>)
    %scan3A_97 = arith.constant 0 : i32
    %scan3A_98 = arith.constant 0 : i32
    %scan3A_99 = arith.constant 125 : i32
    %scan3A_100 = arith.addi %scan3A_98, %scan3A_99 : i32
    %scan3A_101 = arith.constant 1 : i32
    %scan3A_102 = scf.for %scan3A_109 = %scan3A_98 to %scan3A_100 step %scan3A_101 iter_args(%scan3A_110 = %scan3A_97) -> (i32)  : i32 {
      %mul3A_111 = arith.constant 2 : i32
      %mul3A_112 = arith.muli %mul3A_111, %scan3A_109 : i32
      %add3A_113 = arith.constant 0 : i32
      %add3A_114 = arith.addi %mul3A_112, %add3A_113 : i32
      %dma_wait3A_115 = arith.constant 0 : i32
      %dma_wait3A_116 = arith.constant 0 : i32
      %dma_wait3A_117 = tpu.memref_slice %arg2[%dma_wait3A_115, %dma_wait3A_116] : memref<10000x128xf32, #tpu.memory_space<hbm>> -> memref<10000x128xf32, #tpu.memory_space<hbm>>
      tpu.wait_indirect_dma semaphore(%arg16 : memref<!tpu.dma_semaphore, #tpu.memory_space<semaphore_mem>>) src(%dma_wait3A_117 : memref<10000x128xf32, #tpu.memory_space<hbm>>) dst(%arg11 : memref<40x128xf32, #tpu.memory_space<vmem>>)
      %dma_wait3A_118 = arith.constant 0 : i32
      %dma_wait3A_119 = arith.constant 0 : i32
      %dma_wait3A_120 = tpu.memref_slice %arg3[%add3A, %add3A_114, %dma_wait3A_118, %dma_wait3A_119] : memref<32x250x40x128xf32, #tpu.memory_space<hbm>> -> memref<1x1x40x128xf32, #tpu.memory_space<hbm>>
      %dma_wait3A_121 = tpu.memref_squeeze %dma_wait3A_120 : memref<1x1x40x128xf32, #tpu.memory_space<hbm>> -> memref<40x128xf32, #tpu.memory_space<hbm>>
      %dma_wait3A_122 = arith.constant 0 : i32
      %dma_wait3A_123 = arith.constant 0 : i32
      %dma_wait3A_124 = tpu.memref_slice %arg3[%add3A, %add3A_114, %dma_wait3A_122, %dma_wait3A_123] : memref<32x250x40x128xf32, #tpu.memory_space<hbm>> -> memref<1x1x40x128xf32, #tpu.memory_space<hbm>>
      %dma_wait3A_125 = tpu.memref_squeeze %dma_wait3A_124 : memref<1x1x40x128xf32, #tpu.memory_space<hbm>> -> memref<40x128xf32, #tpu.memory_space<hbm>>
      tpu.wait_dma2 semaphore(%arg18 : memref<!tpu.dma_semaphore, #tpu.memory_space<semaphore_mem>>) src(%dma_wait3A_125 : memref<40x128xf32, #tpu.memory_space<hbm>>) dst(%arg13 : memref<40x128xf32, #tpu.memory_space<vmem>>)
      %add3A_126 = arith.constant 2 : i32
      %add3A_127 = arith.addi %add3A_114, %add3A_126 : i32
      %lt3A = arith.constant 250 : i32
      %lt3A_128 = arith.cmpi slt, %add3A_127, %lt3A : i32
      %convert_element_type3A = arith.extui %lt3A_128 : i1 to i32
      %cond3A = arith.constant 0 : i32
      %cond3A_129 = arith.cmpi ne, %convert_element_type3A, %cond3A : i32
      scf.if %cond3A_129 {
        %add3A_208 = arith.constant 2 : i32
        %add3A_209 = arith.addi %add3A_114, %add3A_208 : i32
        %dma_start3A_210 = arith.constant 0 : i32
        %dma_start3A_211 = tpu.memref_slice %arg4[%add3A, %add3A_209, %dma_start3A_210] : memref<32x250x40xi32, #tpu.memory_space<hbm>> -> memref<1x1x40xi32, #tpu.memory_space<hbm>>
        %dma_start3A_212 = tpu.memref_squeeze %dma_start3A_211 : memref<1x1x40xi32, #tpu.memory_space<hbm>> -> memref<40xi32, #tpu.memory_space<hbm>>
        %dma_start3A_213 = arith.constant 0 : i32
        %dma_start3A_214 = tpu.memref_slice %arg4[%add3A, %add3A_209, %dma_start3A_213] : memref<32x250x40xi32, #tpu.memory_space<hbm>> -> memref<1x1x40xi32, #tpu.memory_space<hbm>>
        %dma_start3A_215 = tpu.memref_squeeze %dma_start3A_214 : memref<1x1x40xi32, #tpu.memory_space<hbm>> -> memref<40xi32, #tpu.memory_space<hbm>>
        tpu.enqueue_dma source(%dma_start3A_215 : memref<40xi32, #tpu.memory_space<hbm>>) target(%arg7 : memref<40xi32, #tpu.memory_space<vmem>>) target_semaphore(%arg20 : memref<!tpu.dma_semaphore, #tpu.memory_space<semaphore_mem>>)
      } else {
      }
      %gt3A = arith.constant 0 : i32
      %gt3A_130 = arith.cmpi sgt, %add3A_114, %gt3A : i32
      %convert_element_type3A_131 = arith.extui %gt3A_130 : i1 to i32
      %cond3A_132 = arith.constant 0 : i32
      %cond3A_133 = arith.cmpi ne, %convert_element_type3A_131, %cond3A_132 : i32
      scf.if %cond3A_133 {
        %dma_wait3A_208 = arith.constant 0 : i32
        %dma_wait3A_209 = arith.constant 0 : i32
        %dma_wait3A_210 = tpu.memref_slice %arg15[%dma_wait3A_208, %dma_wait3A_209] : memref<10000x128xf32, #tpu.memory_space<vmem_shared>> -> memref<10000x128xf32, #tpu.memory_space<vmem_shared>>
        tpu.wait_indirect_dma semaphore(%arg25 : memref<!tpu.dma_semaphore, #tpu.memory_space<semaphore_mem>>) src(%arg12 : memref<40x128xf32, #tpu.memory_space<vmem>>) dst(%dma_wait3A_210 : memref<10000x128xf32, #tpu.memory_space<vmem_shared>>)
      } else {
      }
      %add3A_134 = arith.constant 1 : i32
      %add3A_135 = arith.addi %add3A_114, %add3A_134 : i32
      %lt3A_136 = arith.constant 250 : i32
      %lt3A_137 = arith.cmpi slt, %add3A_135, %lt3A_136 : i32
      %convert_element_type3A_138 = arith.extui %lt3A_137 : i1 to i32
      %cond3A_139 = arith.constant 0 : i32
      %cond3A_140 = arith.cmpi ne, %convert_element_type3A_138, %cond3A_139 : i32
      scf.if %cond3A_140 {
        %add3A_208 = arith.constant 1 : i32
        %add3A_209 = arith.addi %add3A_114, %add3A_208 : i32
        %dma_wait3A_210 = arith.constant 0 : i32
        %dma_wait3A_211 = tpu.memref_slice %arg4[%add3A, %add3A_209, %dma_wait3A_210] : memref<32x250x40xi32, #tpu.memory_space<hbm>> -> memref<1x1x40xi32, #tpu.memory_space<hbm>>
        %dma_wait3A_212 = tpu.memref_squeeze %dma_wait3A_211 : memref<1x1x40xi32, #tpu.memory_space<hbm>> -> memref<40xi32, #tpu.memory_space<hbm>>
        %dma_wait3A_213 = arith.constant 0 : i32
        %dma_wait3A_214 = tpu.memref_slice %arg4[%add3A, %add3A_209, %dma_wait3A_213] : memref<32x250x40xi32, #tpu.memory_space<hbm>> -> memref<1x1x40xi32, #tpu.memory_space<hbm>>
        %dma_wait3A_215 = tpu.memref_squeeze %dma_wait3A_214 : memref<1x1x40xi32, #tpu.memory_space<hbm>> -> memref<40xi32, #tpu.memory_space<hbm>>
        tpu.wait_dma2 semaphore(%arg21 : memref<!tpu.dma_semaphore, #tpu.memory_space<semaphore_mem>>) src(%dma_wait3A_215 : memref<40xi32, #tpu.memory_space<hbm>>) dst(%arg8 : memref<40xi32, #tpu.memory_space<vmem>>)
        %dma_start3A_216 = arith.constant 0 : i32
        %dma_start3A_217 = arith.constant 0 : i32
        %dma_start3A_218 = tpu.memref_slice %arg2[%dma_start3A_216, %dma_start3A_217] : memref<10000x128xf32, #tpu.memory_space<hbm>> -> memref<10000x128xf32, #tpu.memory_space<hbm>>
        tpu.enqueue_indirect_dma source(%dma_start3A_218 : memref<10000x128xf32, #tpu.memory_space<hbm>>) target(%arg12 : memref<40x128xf32, #tpu.memory_space<vmem>>) offsets(%arg8 : memref<40xi32, #tpu.memory_space<vmem>>) semaphore(%arg17 : memref<!tpu.dma_semaphore, #tpu.memory_space<semaphore_mem>>)
        %add3A_219 = arith.constant 1 : i32
        %add3A_220 = arith.addi %add3A_114, %add3A_219 : i32
        %dma_start3A_221 = arith.constant 0 : i32
        %dma_start3A_222 = arith.constant 0 : i32
        %dma_start3A_223 = tpu.memref_slice %arg3[%add3A, %add3A_220, %dma_start3A_221, %dma_start3A_222] : memref<32x250x40x128xf32, #tpu.memory_space<hbm>> -> memref<1x1x40x128xf32, #tpu.memory_space<hbm>>
        %dma_start3A_224 = tpu.memref_squeeze %dma_start3A_223 : memref<1x1x40x128xf32, #tpu.memory_space<hbm>> -> memref<40x128xf32, #tpu.memory_space<hbm>>
        %dma_start3A_225 = arith.constant 0 : i32
        %dma_start3A_226 = arith.constant 0 : i32
        %dma_start3A_227 = tpu.memref_slice %arg3[%add3A, %add3A_220, %dma_start3A_225, %dma_start3A_226] : memref<32x250x40x128xf32, #tpu.memory_space<hbm>> -> memref<1x1x40x128xf32, #tpu.memory_space<hbm>>
        %dma_start3A_228 = tpu.memref_squeeze %dma_start3A_227 : memref<1x1x40x128xf32, #tpu.memory_space<hbm>> -> memref<40x128xf32, #tpu.memory_space<hbm>>
        tpu.enqueue_dma source(%dma_start3A_228 : memref<40x128xf32, #tpu.memory_space<hbm>>) target(%arg14 : memref<40x128xf32, #tpu.memory_space<vmem>>) target_semaphore(%arg19 : memref<!tpu.dma_semaphore, #tpu.memory_space<semaphore_mem>>)
        %add3A_229 = arith.constant 1 : i32
        %add3A_230 = arith.addi %add3A_114, %add3A_229 : i32
        %dma_start3A_231 = arith.constant 0 : i32
        %dma_start3A_232 = tpu.memref_slice %arg5[%add3A, %add3A_230, %dma_start3A_231] : memref<32x250x40xi32, #tpu.memory_space<hbm>> -> memref<1x1x40xi32, #tpu.memory_space<hbm>>
        %dma_start3A_233 = tpu.memref_squeeze %dma_start3A_232 : memref<1x1x40xi32, #tpu.memory_space<hbm>> -> memref<40xi32, #tpu.memory_space<hbm>>
        %dma_start3A_234 = arith.constant 0 : i32
        %dma_start3A_235 = tpu.memref_slice %arg5[%add3A, %add3A_230, %dma_start3A_234] : memref<32x250x40xi32, #tpu.memory_space<hbm>> -> memref<1x1x40xi32, #tpu.memory_space<hbm>>
        %dma_start3A_236 = tpu.memref_squeeze %dma_start3A_235 : memref<1x1x40xi32, #tpu.memory_space<hbm>> -> memref<40xi32, #tpu.memory_space<hbm>>
        tpu.enqueue_dma source(%dma_start3A_236 : memref<40xi32, #tpu.memory_space<hbm>>) target(%arg10 : memref<40xi32, #tpu.memory_space<vmem>>) target_semaphore(%arg23 : memref<!tpu.dma_semaphore, #tpu.memory_space<semaphore_mem>>)
      } else {
      }
      %scan3A_141 = arith.constant 0 : i32
      %scan3A_142 = arith.constant 0 : i32
      %scan3A_143 = arith.constant 40 : i32
      %scan3A_144 = arith.addi %scan3A_142, %scan3A_143 : i32
      %scan3A_145 = arith.constant 1 : i32
      %scan3A_146 = scf.for %scan3A_208 = %scan3A_142 to %scan3A_144 step %scan3A_145 iter_args(%scan3A_209 = %scan3A_141) -> (i32)  : i32 {
        %get3A = arith.index_cast %scan3A_208 : i32 to index
        %get3A_210 = arith.constant 0 : index
        %get3A_211 = tpu.vector_load %arg11[%get3A, %get3A_210] {strides = array<i32>} : memref<40x128xf32, #tpu.memory_space<vmem>>, vector<1x16xf32>,
        %get3A_212 = vector.shape_cast %get3A_211 : vector<1x16xf32> to vector<16xf32>
        %get3A_213 = arith.index_cast %scan3A_208 : i32 to index
        %get3A_214 = arith.constant 0 : index
        %get3A_215 = tpu.vector_load %arg13[%get3A_213, %get3A_214] {strides = array<i32>} : memref<40x128xf32, #tpu.memory_space<vmem>>, vector<1x16xf32>,
        %get3A_216 = vector.shape_cast %get3A_215 : vector<1x16xf32> to vector<16xf32>
        %add3A_217 = arith.addf %get3A_212, %get3A_216 : vector<16xf32>
        %max3A = arith.constant 0.000000e+00 : f32
        %max3A_218 = vector.broadcast %max3A : f32 to vector<16xf32>
        %max3A_219 = arith.maximumf %add3A_217, %max3A_218 : vector<16xf32>
        %swap3A = arith.index_cast %scan3A_208 : i32 to index
        %swap3A_220 = arith.constant 0 : index
        %swap3A_221 = tpu.vector_load %arg11[%swap3A, %swap3A_220] {strides = array<i32>} : memref<40x128xf32, #tpu.memory_space<vmem>>, vector<1x16xf32>,
        %swap3A_222 = vector.shape_cast %swap3A_221 : vector<1x16xf32> to vector<16xf32>
        %swap3A_223 = vector.shape_cast %max3A_219 : vector<16xf32> to vector<1x16xf32>
        tpu.vector_store %arg11[%swap3A, %swap3A_220], %swap3A_223 {strides = array<i32>} : memref<40x128xf32, #tpu.memory_space<vmem>>, vector<1x16xf32>,
        %get3A_224 = arith.index_cast %scan3A_208 : i32 to index
        %get3A_225 = arith.constant 16 : index
        %get3A_226 = tpu.vector_load %arg11[%get3A_224, %get3A_225] {strides = array<i32>} : memref<40x128xf32, #tpu.memory_space<vmem>>, vector<1x16xf32>,
        %get3A_227 = vector.shape_cast %get3A_226 : vector<1x16xf32> to vector<16xf32>
        %get3A_228 = arith.index_cast %scan3A_208 : i32 to index
        %get3A_229 = arith.constant 16 : index
        %get3A_230 = tpu.vector_load %arg13[%get3A_228, %get3A_229] {strides = array<i32>} : memref<40x128xf32, #tpu.memory_space<vmem>>, vector<1x16xf32>,
        %get3A_231 = vector.shape_cast %get3A_230 : vector<1x16xf32> to vector<16xf32>
        %add3A_232 = arith.addf %get3A_227, %get3A_231 : vector<16xf32>
        %max3A_233 = arith.constant 0.000000e+00 : f32
        %max3A_234 = vector.broadcast %max3A_233 : f32 to vector<16xf32>
        %max3A_235 = arith.maximumf %add3A_232, %max3A_234 : vector<16xf32>
        %swap3A_236 = arith.index_cast %scan3A_208 : i32 to index
        %swap3A_237 = arith.constant 16 : index
        %swap3A_238 = tpu.vector_load %arg11[%swap3A_236, %swap3A_237] {strides = array<i32>} : memref<40x128xf32, #tpu.memory_space<vmem>>, vector<1x16xf32>,
        %swap3A_239 = vector.shape_cast %swap3A_238 : vector<1x16xf32> to vector<16xf32>
        %swap3A_240 = vector.shape_cast %max3A_235 : vector<16xf32> to vector<1x16xf32>
        tpu.vector_store %arg11[%swap3A_236, %swap3A_237], %swap3A_240 {strides = array<i32>} : memref<40x128xf32, #tpu.memory_space<vmem>>, vector<1x16xf32>,
        %get3A_241 = arith.index_cast %scan3A_208 : i32 to index
        %get3A_242 = arith.constant 32 : index
        %get3A_243 = tpu.vector_load %arg11[%get3A_241, %get3A_242] {strides = array<i32>} : memref<40x128xf32, #tpu.memory_space<vmem>>, vector<1x16xf32>,
        %get3A_244 = vector.shape_cast %get3A_243 : vector<1x16xf32> to vector<16xf32>
        %get3A_245 = arith.index_cast %scan3A_208 : i32 to index
        %get3A_246 = arith.constant 32 : index
        %get3A_247 = tpu.vector_load %arg13[%get3A_245, %get3A_246] {strides = array<i32>} : memref<40x128xf32, #tpu.memory_space<vmem>>, vector<1x16xf32>,
        %get3A_248 = vector.shape_cast %get3A_247 : vector<1x16xf32> to vector<16xf32>
        %add3A_249 = arith.addf %get3A_244, %get3A_248 : vector<16xf32>
        %max3A_250 = arith.constant 0.000000e+00 : f32
        %max3A_251 = vector.broadcast %max3A_250 : f32 to vector<16xf32>
        %max3A_252 = arith.maximumf %add3A_249, %max3A_251 : vector<16xf32>
        %swap3A_253 = arith.index_cast %scan3A_208 : i32 to index
        %swap3A_254 = arith.constant 32 : index
        %swap3A_255 = tpu.vector_load %arg11[%swap3A_253, %swap3A_254] {strides = array<i32>} : memref<40x128xf32, #tpu.memory_space<vmem>>, vector<1x16xf32>,
        %swap3A_256 = vector.shape_cast %swap3A_255 : vector<1x16xf32> to vector<16xf32>
        %swap3A_257 = vector.shape_cast %max3A_252 : vector<16xf32> to vector<1x16xf32>
        tpu.vector_store %arg11[%swap3A_253, %swap3A_254], %swap3A_257 {strides = array<i32>} : memref<40x128xf32, #tpu.memory_space<vmem>>, vector<1x16xf32>,
        %get3A_258 = arith.index_cast %scan3A_208 : i32 to index
        %get3A_259 = arith.constant 48 : index
        %get3A_260 = tpu.vector_load %arg11[%get3A_258, %get3A_259] {strides = array<i32>} : memref<40x128xf32, #tpu.memory_space<vmem>>, vector<1x16xf32>,
        %get3A_261 = vector.shape_cast %get3A_260 : vector<1x16xf32> to vector<16xf32>
        %get3A_262 = arith.index_cast %scan3A_208 : i32 to index
        %get3A_263 = arith.constant 48 : index
        %get3A_264 = tpu.vector_load %arg13[%get3A_262, %get3A_263] {strides = array<i32>} : memref<40x128xf32, #tpu.memory_space<vmem>>, vector<1x16xf32>,
        %get3A_265 = vector.shape_cast %get3A_264 : vector<1x16xf32> to vector<16xf32>
        %add3A_266 = arith.addf %get3A_261, %get3A_265 : vector<16xf32>
        %max3A_267 = arith.constant 0.000000e+00 : f32
        %max3A_268 = vector.broadcast %max3A_267 : f32 to vector<16xf32>
        %max3A_269 = arith.maximumf %add3A_266, %max3A_268 : vector<16xf32>
        %swap3A_270 = arith.index_cast %scan3A_208 : i32 to index
        %swap3A_271 = arith.constant 48 : index
        %swap3A_272 = tpu.vector_load %arg11[%swap3A_270, %swap3A_271] {strides = array<i32>} : memref<40x128xf32, #tpu.memory_space<vmem>>, vector<1x16xf32>,
        %swap3A_273 = vector.shape_cast %swap3A_272 : vector<1x16xf32> to vector<16xf32>
        %swap3A_274 = vector.shape_cast %max3A_269 : vector<16xf32> to vector<1x16xf32>
        tpu.vector_store %arg11[%swap3A_270, %swap3A_271], %swap3A_274 {strides = array<i32>} : memref<40x128xf32, #tpu.memory_space<vmem>>, vector<1x16xf32>,
        %get3A_275 = arith.index_cast %scan3A_208 : i32 to index
        %get3A_276 = arith.constant 64 : index
        %get3A_277 = tpu.vector_load %arg11[%get3A_275, %get3A_276] {strides = array<i32>} : memref<40x128xf32, #tpu.memory_space<vmem>>, vector<1x16xf32>,
        %get3A_278 = vector.shape_cast %get3A_277 : vector<1x16xf32> to vector<16xf32>
        %get3A_279 = arith.index_cast %scan3A_208 : i32 to index
        %get3A_280 = arith.constant 64 : index
        %get3A_281 = tpu.vector_load %arg13[%get3A_279, %get3A_280] {strides = array<i32>} : memref<40x128xf32, #tpu.memory_space<vmem>>, vector<1x16xf32>,
        %get3A_282 = vector.shape_cast %get3A_281 : vector<1x16xf32> to vector<16xf32>
        %add3A_283 = arith.addf %get3A_278, %get3A_282 : vector<16xf32>
        %max3A_284 = arith.constant 0.000000e+00 : f32
        %max3A_285 = vector.broadcast %max3A_284 : f32 to vector<16xf32>
        %max3A_286 = arith.maximumf %add3A_283, %max3A_285 : vector<16xf32>
        %swap3A_287 = arith.index_cast %scan3A_208 : i32 to index
        %swap3A_288 = arith.constant 64 : index
        %swap3A_289 = tpu.vector_load %arg11[%swap3A_287, %swap3A_288] {strides = array<i32>} : memref<40x128xf32, #tpu.memory_space<vmem>>, vector<1x16xf32>,
        %swap3A_290 = vector.shape_cast %swap3A_289 : vector<1x16xf32> to vector<16xf32>
        %swap3A_291 = vector.shape_cast %max3A_286 : vector<16xf32> to vector<1x16xf32>
        tpu.vector_store %arg11[%swap3A_287, %swap3A_288], %swap3A_291 {strides = array<i32>} : memref<40x128xf32, #tpu.memory_space<vmem>>, vector<1x16xf32>,
        %get3A_292 = arith.index_cast %scan3A_208 : i32 to index
        %get3A_293 = arith.constant 80 : index
        %get3A_294 = tpu.vector_load %arg11[%get3A_292, %get3A_293] {strides = array<i32>} : memref<40x128xf32, #tpu.memory_space<vmem>>, vector<1x16xf32>,
        %get3A_295 = vector.shape_cast %get3A_294 : vector<1x16xf32> to vector<16xf32>
        %get3A_296 = arith.index_cast %scan3A_208 : i32 to index
        %get3A_297 = arith.constant 80 : index
        %get3A_298 = tpu.vector_load %arg13[%get3A_296, %get3A_297] {strides = array<i32>} : memref<40x128xf32, #tpu.memory_space<vmem>>, vector<1x16xf32>,
        %get3A_299 = vector.shape_cast %get3A_298 : vector<1x16xf32> to vector<16xf32>
        %add3A_300 = arith.addf %get3A_295, %get3A_299 : vector<16xf32>
        %max3A_301 = arith.constant 0.000000e+00 : f32
        %max3A_302 = vector.broadcast %max3A_301 : f32 to vector<16xf32>
        %max3A_303 = arith.maximumf %add3A_300, %max3A_302 : vector<16xf32>
        %swap3A_304 = arith.index_cast %scan3A_208 : i32 to index
        %swap3A_305 = arith.constant 80 : index
        %swap3A_306 = tpu.vector_load %arg11[%swap3A_304, %swap3A_305] {strides = array<i32>} : memref<40x128xf32, #tpu.memory_space<vmem>>, vector<1x16xf32>,
        %swap3A_307 = vector.shape_cast %swap3A_306 : vector<1x16xf32> to vector<16xf32>
        %swap3A_308 = vector.shape_cast %max3A_303 : vector<16xf32> to vector<1x16xf32>
        tpu.vector_store %arg11[%swap3A_304, %swap3A_305], %swap3A_308 {strides = array<i32>} : memref<40x128xf32, #tpu.memory_space<vmem>>, vector<1x16xf32>,
        %get3A_309 = arith.index_cast %scan3A_208 : i32 to index
        %get3A_310 = arith.constant 96 : index
        %get3A_311 = tpu.vector_load %arg11[%get3A_309, %get3A_310] {strides = array<i32>} : memref<40x128xf32, #tpu.memory_space<vmem>>, vector<1x16xf32>,
        %get3A_312 = vector.shape_cast %get3A_311 : vector<1x16xf32> to vector<16xf32>
        %get3A_313 = arith.index_cast %scan3A_208 : i32 to index
        %get3A_314 = arith.constant 96 : index
        %get3A_315 = tpu.vector_load %arg13[%get3A_313, %get3A_314] {strides = array<i32>} : memref<40x128xf32, #tpu.memory_space<vmem>>, vector<1x16xf32>,
        %get3A_316 = vector.shape_cast %get3A_315 : vector<1x16xf32> to vector<16xf32>
        %add3A_317 = arith.addf %get3A_312, %get3A_316 : vector<16xf32>
        %max3A_318 = arith.constant 0.000000e+00 : f32
        %max3A_319 = vector.broadcast %max3A_318 : f32 to vector<16xf32>
        %max3A_320 = arith.maximumf %add3A_317, %max3A_319 : vector<16xf32>
        %swap3A_321 = arith.index_cast %scan3A_208 : i32 to index
        %swap3A_322 = arith.constant 96 : index
        %swap3A_323 = tpu.vector_load %arg11[%swap3A_321, %swap3A_322] {strides = array<i32>} : memref<40x128xf32, #tpu.memory_space<vmem>>, vector<1x16xf32>,
        %swap3A_324 = vector.shape_cast %swap3A_323 : vector<1x16xf32> to vector<16xf32>
        %swap3A_325 = vector.shape_cast %max3A_320 : vector<16xf32> to vector<1x16xf32>
        tpu.vector_store %arg11[%swap3A_321, %swap3A_322], %swap3A_325 {strides = array<i32>} : memref<40x128xf32, #tpu.memory_space<vmem>>, vector<1x16xf32>,
        %get3A_326 = arith.index_cast %scan3A_208 : i32 to index
        %get3A_327 = arith.constant 112 : index
        %get3A_328 = tpu.vector_load %arg11[%get3A_326, %get3A_327] {strides = array<i32>} : memref<40x128xf32, #tpu.memory_space<vmem>>, vector<1x16xf32>,
        %get3A_329 = vector.shape_cast %get3A_328 : vector<1x16xf32> to vector<16xf32>
        %get3A_330 = arith.index_cast %scan3A_208 : i32 to index
        %get3A_331 = arith.constant 112 : index
        %get3A_332 = tpu.vector_load %arg13[%get3A_330, %get3A_331] {strides = array<i32>} : memref<40x128xf32, #tpu.memory_space<vmem>>, vector<1x16xf32>,
        %get3A_333 = vector.shape_cast %get3A_332 : vector<1x16xf32> to vector<16xf32>
        %add3A_334 = arith.addf %get3A_329, %get3A_333 : vector<16xf32>
        %max3A_335 = arith.constant 0.000000e+00 : f32
        %max3A_336 = vector.broadcast %max3A_335 : f32 to vector<16xf32>
        %max3A_337 = arith.maximumf %add3A_334, %max3A_336 : vector<16xf32>
        %swap3A_338 = arith.index_cast %scan3A_208 : i32 to index
        %swap3A_339 = arith.constant 112 : index
        %swap3A_340 = tpu.vector_load %arg11[%swap3A_338, %swap3A_339] {strides = array<i32>} : memref<40x128xf32, #tpu.memory_space<vmem>>, vector<1x16xf32>,
        %swap3A_341 = vector.shape_cast %swap3A_340 : vector<1x16xf32> to vector<16xf32>
        %swap3A_342 = vector.shape_cast %max3A_337 : vector<16xf32> to vector<1x16xf32>
        tpu.vector_store %arg11[%swap3A_338, %swap3A_339], %swap3A_342 {strides = array<i32>} : memref<40x128xf32, #tpu.memory_space<vmem>>, vector<1x16xf32>,
        %scan3A_343 = arith.constant 0 : i32
        scf.yield %scan3A_343 : i32
      }
      %scan3A_147 = arith.constant 40 : i32
      %dma_wait3A_148 = arith.constant 0 : i32
      %dma_wait3A_149 = tpu.memref_slice %arg5[%add3A, %add3A_114, %dma_wait3A_148] : memref<32x250x40xi32, #tpu.memory_space<hbm>> -> memref<1x1x40xi32, #tpu.memory_space<hbm>>
      %dma_wait3A_150 = tpu.memref_squeeze %dma_wait3A_149 : memref<1x1x40xi32, #tpu.memory_space<hbm>> -> memref<40xi32, #tpu.memory_space<hbm>>
      %dma_wait3A_151 = arith.constant 0 : i32
      %dma_wait3A_152 = tpu.memref_slice %arg5[%add3A, %add3A_114, %dma_wait3A_151] : memref<32x250x40xi32, #tpu.memory_space<hbm>> -> memref<1x1x40xi32, #tpu.memory_space<hbm>>
      %dma_wait3A_153 = tpu.memref_squeeze %dma_wait3A_152 : memref<1x1x40xi32, #tpu.memory_space<hbm>> -> memref<40xi32, #tpu.memory_space<hbm>>
      tpu.wait_dma2 semaphore(%arg22 : memref<!tpu.dma_semaphore, #tpu.memory_space<semaphore_mem>>) src(%dma_wait3A_153 : memref<40xi32, #tpu.memory_space<hbm>>) dst(%arg9 : memref<40xi32, #tpu.memory_space<vmem>>)
      %dma_start3A_154 = arith.constant 0 : i32
      %dma_start3A_155 = arith.constant 0 : i32
      %dma_start3A_156 = tpu.memref_slice %arg15[%dma_start3A_154, %dma_start3A_155] : memref<10000x128xf32, #tpu.memory_space<vmem_shared>> -> memref<10000x128xf32, #tpu.memory_space<vmem_shared>>
      tpu.enqueue_indirect_dma source(%arg11 : memref<40x128xf32, #tpu.memory_space<vmem>>) target(%dma_start3A_156 : memref<10000x128xf32, #tpu.memory_space<vmem_shared>>) offsets(%arg9 : memref<40xi32, #tpu.memory_space<vmem>>) semaphore(%arg24 : memref<!tpu.dma_semaphore, #tpu.memory_space<semaphore_mem>>) {add = true}
      %mul3A_157 = arith.constant 2 : i32
      %mul3A_158 = arith.muli %mul3A_157, %scan3A_109 : i32
      %add3A_159 = arith.constant 1 : i32
      %add3A_160 = arith.addi %mul3A_158, %add3A_159 : i32
      %dma_wait3A_161 = arith.constant 0 : i32
      %dma_wait3A_162 = arith.constant 0 : i32
      %dma_wait3A_163 = tpu.memref_slice %arg2[%dma_wait3A_161, %dma_wait3A_162] : memref<10000x128xf32, #tpu.memory_space<hbm>> -> memref<10000x128xf32, #tpu.memory_space<hbm>>
      tpu.wait_indirect_dma semaphore(%arg17 : memref<!tpu.dma_semaphore, #tpu.memory_space<semaphore_mem>>) src(%dma_wait3A_163 : memref<10000x128xf32, #tpu.memory_space<hbm>>) dst(%arg12 : memref<40x128xf32, #tpu.memory_space<vmem>>)
      %dma_wait3A_164 = arith.constant 0 : i32
      %dma_wait3A_165 = arith.constant 0 : i32
      %dma_wait3A_166 = tpu.memref_slice %arg3[%add3A, %add3A_160, %dma_wait3A_164, %dma_wait3A_165] : memref<32x250x40x128xf32, #tpu.memory_space<hbm>> -> memref<1x1x40x128xf32, #tpu.memory_space<hbm>>
      %dma_wait3A_167 = tpu.memref_squeeze %dma_wait3A_166 : memref<1x1x40x128xf32, #tpu.memory_space<hbm>> -> memref<40x128xf32, #tpu.memory_space<hbm>>
      %dma_wait3A_168 = arith.constant 0 : i32
      %dma_wait3A_169 = arith.constant 0 : i32
      %dma_wait3A_170 = tpu.memref_slice %arg3[%add3A, %add3A_160, %dma_wait3A_168, %dma_wait3A_169] : memref<32x250x40x128xf32, #tpu.memory_space<hbm>> -> memref<1x1x40x128xf32, #tpu.memory_space<hbm>>
      %dma_wait3A_171 = tpu.memref_squeeze %dma_wait3A_170 : memref<1x1x40x128xf32, #tpu.memory_space<hbm>> -> memref<40x128xf32, #tpu.memory_space<hbm>>
      tpu.wait_dma2 semaphore(%arg19 : memref<!tpu.dma_semaphore, #tpu.memory_space<semaphore_mem>>) src(%dma_wait3A_171 : memref<40x128xf32, #tpu.memory_space<hbm>>) dst(%arg14 : memref<40x128xf32, #tpu.memory_space<vmem>>)
      %add3A_172 = arith.constant 2 : i32
      %add3A_173 = arith.addi %add3A_160, %add3A_172 : i32
      %lt3A_174 = arith.constant 250 : i32
      %lt3A_175 = arith.cmpi slt, %add3A_173, %lt3A_174 : i32
      %convert_element_type3A_176 = arith.extui %lt3A_175 : i1 to i32
      %cond3A_177 = arith.constant 0 : i32
      %cond3A_178 = arith.cmpi ne, %convert_element_type3A_176, %cond3A_177 : i32
      scf.if %cond3A_178 {
        %add3A_208 = arith.constant 2 : i32
        %add3A_209 = arith.addi %add3A_160, %add3A_208 : i32
        %dma_start3A_210 = arith.constant 0 : i32
        %dma_start3A_211 = tpu.memref_slice %arg4[%add3A, %add3A_209, %dma_start3A_210] : memref<32x250x40xi32, #tpu.memory_space<hbm>> -> memref<1x1x40xi32, #tpu.memory_space<hbm>>
        %dma_start3A_212 = tpu.memref_squeeze %dma_start3A_211 : memref<1x1x40xi32, #tpu.memory_space<hbm>> -> memref<40xi32, #tpu.memory_space<hbm>>
        %dma_start3A_213 = arith.constant 0 : i32
        %dma_start3A_214 = tpu.memref_slice %arg4[%add3A, %add3A_209, %dma_start3A_213] : memref<32x250x40xi32, #tpu.memory_space<hbm>> -> memref<1x1x40xi32, #tpu.memory_space<hbm>>
        %dma_start3A_215 = tpu.memref_squeeze %dma_start3A_214 : memref<1x1x40xi32, #tpu.memory_space<hbm>> -> memref<40xi32, #tpu.memory_space<hbm>>
        tpu.enqueue_dma source(%dma_start3A_215 : memref<40xi32, #tpu.memory_space<hbm>>) target(%arg8 : memref<40xi32, #tpu.memory_space<vmem>>) target_semaphore(%arg21 : memref<!tpu.dma_semaphore, #tpu.memory_space<semaphore_mem>>)
      } else {
      }
      %gt3A_179 = arith.constant 0 : i32
      %gt3A_180 = arith.cmpi sgt, %add3A_160, %gt3A_179 : i32
      %convert_element_type3A_181 = arith.extui %gt3A_180 : i1 to i32
      %cond3A_182 = arith.constant 0 : i32
      %cond3A_183 = arith.cmpi ne, %convert_element_type3A_181, %cond3A_182 : i32
      scf.if %cond3A_183 {
        %dma_wait3A_208 = arith.constant 0 : i32
        %dma_wait3A_209 = arith.constant 0 : i32
        %dma_wait3A_210 = tpu.memref_slice %arg15[%dma_wait3A_208, %dma_wait3A_209] : memref<10000x128xf32, #tpu.memory_space<vmem_shared>> -> memref<10000x128xf32, #tpu.memory_space<vmem_shared>>
        tpu.wait_indirect_dma semaphore(%arg24 : memref<!tpu.dma_semaphore, #tpu.memory_space<semaphore_mem>>) src(%arg11 : memref<40x128xf32, #tpu.memory_space<vmem>>) dst(%dma_wait3A_210 : memref<10000x128xf32, #tpu.memory_space<vmem_shared>>)
      } else {
      }
      %add3A_184 = arith.constant 1 : i32
      %add3A_185 = arith.addi %add3A_160, %add3A_184 : i32
      %lt3A_186 = arith.constant 250 : i32
      %lt3A_187 = arith.cmpi slt, %add3A_185, %lt3A_186 : i32
      %convert_element_type3A_188 = arith.extui %lt3A_187 : i1 to i32
      %cond3A_189 = arith.constant 0 : i32
      %cond3A_190 = arith.cmpi ne, %convert_element_type3A_188, %cond3A_189 : i32
      scf.if %cond3A_190 {
        %add3A_208 = arith.constant 1 : i32
        %add3A_209 = arith.addi %add3A_160, %add3A_208 : i32
        %dma_wait3A_210 = arith.constant 0 : i32
        %dma_wait3A_211 = tpu.memref_slice %arg4[%add3A, %add3A_209, %dma_wait3A_210] : memref<32x250x40xi32, #tpu.memory_space<hbm>> -> memref<1x1x40xi32, #tpu.memory_space<hbm>>
        %dma_wait3A_212 = tpu.memref_squeeze %dma_wait3A_211 : memref<1x1x40xi32, #tpu.memory_space<hbm>> -> memref<40xi32, #tpu.memory_space<hbm>>
        %dma_wait3A_213 = arith.constant 0 : i32
        %dma_wait3A_214 = tpu.memref_slice %arg4[%add3A, %add3A_209, %dma_wait3A_213] : memref<32x250x40xi32, #tpu.memory_space<hbm>> -> memref<1x1x40xi32, #tpu.memory_space<hbm>>
        %dma_wait3A_215 = tpu.memref_squeeze %dma_wait3A_214 : memref<1x1x40xi32, #tpu.memory_space<hbm>> -> memref<40xi32, #tpu.memory_space<hbm>>
        tpu.wait_dma2 semaphore(%arg20 : memref<!tpu.dma_semaphore, #tpu.memory_space<semaphore_mem>>) src(%dma_wait3A_215 : memref<40xi32, #tpu.memory_space<hbm>>) dst(%arg7 : memref<40xi32, #tpu.memory_space<vmem>>)
        %dma_start3A_216 = arith.constant 0 : i32
        %dma_start3A_217 = arith.constant 0 : i32
        %dma_start3A_218 = tpu.memref_slice %arg2[%dma_start3A_216, %dma_start3A_217] : memref<10000x128xf32, #tpu.memory_space<hbm>> -> memref<10000x128xf32, #tpu.memory_space<hbm>>
        tpu.enqueue_indirect_dma source(%dma_start3A_218 : memref<10000x128xf32, #tpu.memory_space<hbm>>) target(%arg11 : memref<40x128xf32, #tpu.memory_space<vmem>>) offsets(%arg7 : memref<40xi32, #tpu.memory_space<vmem>>) semaphore(%arg16 : memref<!tpu.dma_semaphore, #tpu.memory_space<semaphore_mem>>)
        %add3A_219 = arith.constant 1 : i32
        %add3A_220 = arith.addi %add3A_160, %add3A_219 : i32
        %dma_start3A_221 = arith.constant 0 : i32
        %dma_start3A_222 = arith.constant 0 : i32
        %dma_start3A_223 = tpu.memref_slice %arg3[%add3A, %add3A_220, %dma_start3A_221, %dma_start3A_222] : memref<32x250x40x128xf32, #tpu.memory_space<hbm>> -> memref<1x1x40x128xf32, #tpu.memory_space<hbm>>
        %dma_start3A_224 = tpu.memref_squeeze %dma_start3A_223 : memref<1x1x40x128xf32, #tpu.memory_space<hbm>> -> memref<40x128xf32, #tpu.memory_space<hbm>>
        %dma_start3A_225 = arith.constant 0 : i32
        %dma_start3A_226 = arith.constant 0 : i32
        %dma_start3A_227 = tpu.memref_slice %arg3[%add3A, %add3A_220, %dma_start3A_225, %dma_start3A_226] : memref<32x250x40x128xf32, #tpu.memory_space<hbm>> -> memref<1x1x40x128xf32, #tpu.memory_space<hbm>>
        %dma_start3A_228 = tpu.memref_squeeze %dma_start3A_227 : memref<1x1x40x128xf32, #tpu.memory_space<hbm>> -> memref<40x128xf32, #tpu.memory_space<hbm>>
        tpu.enqueue_dma source(%dma_start3A_228 : memref<40x128xf32, #tpu.memory_space<hbm>>) target(%arg13 : memref<40x128xf32, #tpu.memory_space<vmem>>) target_semaphore(%arg18 : memref<!tpu.dma_semaphore, #tpu.memory_space<semaphore_mem>>)
        %add3A_229 = arith.constant 1 : i32
        %add3A_230 = arith.addi %add3A_160, %add3A_229 : i32
        %dma_start3A_231 = arith.constant 0 : i32
        %dma_start3A_232 = tpu.memref_slice %arg5[%add3A, %add3A_230, %dma_start3A_231] : memref<32x250x40xi32, #tpu.memory_space<hbm>> -> memref<1x1x40xi32, #tpu.memory_space<hbm>>
        %dma_start3A_233 = tpu.memref_squeeze %dma_start3A_232 : memref<1x1x40xi32, #tpu.memory_space<hbm>> -> memref<40xi32, #tpu.memory_space<hbm>>
        %dma_start3A_234 = arith.constant 0 : i32
        %dma_start3A_235 = tpu.memref_slice %arg5[%add3A, %add3A_230, %dma_start3A_234] : memref<32x250x40xi32, #tpu.memory_space<hbm>> -> memref<1x1x40xi32, #tpu.memory_space<hbm>>
        %dma_start3A_236 = tpu.memref_squeeze %dma_start3A_235 : memref<1x1x40xi32, #tpu.memory_space<hbm>> -> memref<40xi32, #tpu.memory_space<hbm>>
        tpu.enqueue_dma source(%dma_start3A_236 : memref<40xi32, #tpu.memory_space<hbm>>) target(%arg9 : memref<40xi32, #tpu.memory_space<vmem>>) target_semaphore(%arg22 : memref<!tpu.dma_semaphore, #tpu.memory_space<semaphore_mem>>)
      } else {
      }
      %scan3A_191 = arith.constant 0 : i32
      %scan3A_192 = arith.constant 0 : i32
      %scan3A_193 = arith.constant 40 : i32
      %scan3A_194 = arith.addi %scan3A_192, %scan3A_193 : i32
      %scan3A_195 = arith.constant 1 : i32
      %scan3A_196 = scf.for %scan3A_208 = %scan3A_192 to %scan3A_194 step %scan3A_195 iter_args(%scan3A_209 = %scan3A_191) -> (i32)  : i32 {
        %get3A = arith.index_cast %scan3A_208 : i32 to index
        %get3A_210 = arith.constant 0 : index
        %get3A_211 = tpu.vector_load %arg12[%get3A, %get3A_210] {strides = array<i32>} : memref<40x128xf32, #tpu.memory_space<vmem>>, vector<1x16xf32>,
        %get3A_212 = vector.shape_cast %get3A_211 : vector<1x16xf32> to vector<16xf32>
        %get3A_213 = arith.index_cast %scan3A_208 : i32 to index
        %get3A_214 = arith.constant 0 : index
        %get3A_215 = tpu.vector_load %arg14[%get3A_213, %get3A_214] {strides = array<i32>} : memref<40x128xf32, #tpu.memory_space<vmem>>, vector<1x16xf32>,
        %get3A_216 = vector.shape_cast %get3A_215 : vector<1x16xf32> to vector<16xf32>
        %add3A_217 = arith.addf %get3A_212, %get3A_216 : vector<16xf32>
        %max3A = arith.constant 0.000000e+00 : f32
        %max3A_218 = vector.broadcast %max3A : f32 to vector<16xf32>
        %max3A_219 = arith.maximumf %add3A_217, %max3A_218 : vector<16xf32>
        %swap3A = arith.index_cast %scan3A_208 : i32 to index
        %swap3A_220 = arith.constant 0 : index
        %swap3A_221 = tpu.vector_load %arg12[%swap3A, %swap3A_220] {strides = array<i32>} : memref<40x128xf32, #tpu.memory_space<vmem>>, vector<1x16xf32>,
        %swap3A_222 = vector.shape_cast %swap3A_221 : vector<1x16xf32> to vector<16xf32>
        %swap3A_223 = vector.shape_cast %max3A_219 : vector<16xf32> to vector<1x16xf32>
        tpu.vector_store %arg12[%swap3A, %swap3A_220], %swap3A_223 {strides = array<i32>} : memref<40x128xf32, #tpu.memory_space<vmem>>, vector<1x16xf32>,
        %get3A_224 = arith.index_cast %scan3A_208 : i32 to index
        %get3A_225 = arith.constant 16 : index
        %get3A_226 = tpu.vector_load %arg12[%get3A_224, %get3A_225] {strides = array<i32>} : memref<40x128xf32, #tpu.memory_space<vmem>>, vector<1x16xf32>,
        %get3A_227 = vector.shape_cast %get3A_226 : vector<1x16xf32> to vector<16xf32>
        %get3A_228 = arith.index_cast %scan3A_208 : i32 to index
        %get3A_229 = arith.constant 16 : index
        %get3A_230 = tpu.vector_load %arg14[%get3A_228, %get3A_229] {strides = array<i32>} : memref<40x128xf32, #tpu.memory_space<vmem>>, vector<1x16xf32>,
        %get3A_231 = vector.shape_cast %get3A_230 : vector<1x16xf32> to vector<16xf32>
        %add3A_232 = arith.addf %get3A_227, %get3A_231 : vector<16xf32>
        %max3A_233 = arith.constant 0.000000e+00 : f32
        %max3A_234 = vector.broadcast %max3A_233 : f32 to vector<16xf32>
        %max3A_235 = arith.maximumf %add3A_232, %max3A_234 : vector<16xf32>
        %swap3A_236 = arith.index_cast %scan3A_208 : i32 to index
        %swap3A_237 = arith.constant 16 : index
        %swap3A_238 = tpu.vector_load %arg12[%swap3A_236, %swap3A_237] {strides = array<i32>} : memref<40x128xf32, #tpu.memory_space<vmem>>, vector<1x16xf32>,
        %swap3A_239 = vector.shape_cast %swap3A_238 : vector<1x16xf32> to vector<16xf32>
        %swap3A_240 = vector.shape_cast %max3A_235 : vector<16xf32> to vector<1x16xf32>
        tpu.vector_store %arg12[%swap3A_236, %swap3A_237], %swap3A_240 {strides = array<i32>} : memref<40x128xf32, #tpu.memory_space<vmem>>, vector<1x16xf32>,
        %get3A_241 = arith.index_cast %scan3A_208 : i32 to index
        %get3A_242 = arith.constant 32 : index
        %get3A_243 = tpu.vector_load %arg12[%get3A_241, %get3A_242] {strides = array<i32>} : memref<40x128xf32, #tpu.memory_space<vmem>>, vector<1x16xf32>,
        %get3A_244 = vector.shape_cast %get3A_243 : vector<1x16xf32> to vector<16xf32>
        %get3A_245 = arith.index_cast %scan3A_208 : i32 to index
        %get3A_246 = arith.constant 32 : index
        %get3A_247 = tpu.vector_load %arg14[%get3A_245, %get3A_246] {strides = array<i32>} : memref<40x128xf32, #tpu.memory_space<vmem>>, vector<1x16xf32>,
        %get3A_248 = vector.shape_cast %get3A_247 : vector<1x16xf32> to vector<16xf32>
        %add3A_249 = arith.addf %get3A_244, %get3A_248 : vector<16xf32>
        %max3A_250 = arith.constant 0.000000e+00 : f32
        %max3A_251 = vector.broadcast %max3A_250 : f32 to vector<16xf32>
        %max3A_252 = arith.maximumf %add3A_249, %max3A_251 : vector<16xf32>
        %swap3A_253 = arith.index_cast %scan3A_208 : i32 to index
        %swap3A_254 = arith.constant 32 : index
        %swap3A_255 = tpu.vector_load %arg12[%swap3A_253, %swap3A_254] {strides = array<i32>} : memref<40x128xf32, #tpu.memory_space<vmem>>, vector<1x16xf32>,
        %swap3A_256 = vector.shape_cast %swap3A_255 : vector<1x16xf32> to vector<16xf32>
        %swap3A_257 = vector.shape_cast %max3A_252 : vector<16xf32> to vector<1x16xf32>
        tpu.vector_store %arg12[%swap3A_253, %swap3A_254], %swap3A_257 {strides = array<i32>} : memref<40x128xf32, #tpu.memory_space<vmem>>, vector<1x16xf32>,
        %get3A_258 = arith.index_cast %scan3A_208 : i32 to index
        %get3A_259 = arith.constant 48 : index
        %get3A_260 = tpu.vector_load %arg12[%get3A_258, %get3A_259] {strides = array<i32>} : memref<40x128xf32, #tpu.memory_space<vmem>>, vector<1x16xf32>,
        %get3A_261 = vector.shape_cast %get3A_260 : vector<1x16xf32> to vector<16xf32>
        %get3A_262 = arith.index_cast %scan3A_208 : i32 to index
        %get3A_263 = arith.constant 48 : index
        %get3A_264 = tpu.vector_load %arg14[%get3A_262, %get3A_263] {strides = array<i32>} : memref<40x128xf32, #tpu.memory_space<vmem>>, vector<1x16xf32>,
        %get3A_265 = vector.shape_cast %get3A_264 : vector<1x16xf32> to vector<16xf32>
        %add3A_266 = arith.addf %get3A_261, %get3A_265 : vector<16xf32>
        %max3A_267 = arith.constant 0.000000e+00 : f32
        %max3A_268 = vector.broadcast %max3A_267 : f32 to vector<16xf32>
        %max3A_269 = arith.maximumf %add3A_266, %max3A_268 : vector<16xf32>
        %swap3A_270 = arith.index_cast %scan3A_208 : i32 to index
        %swap3A_271 = arith.constant 48 : index
        %swap3A_272 = tpu.vector_load %arg12[%swap3A_270, %swap3A_271] {strides = array<i32>} : memref<40x128xf32, #tpu.memory_space<vmem>>, vector<1x16xf32>,
        %swap3A_273 = vector.shape_cast %swap3A_272 : vector<1x16xf32> to vector<16xf32>
        %swap3A_274 = vector.shape_cast %max3A_269 : vector<16xf32> to vector<1x16xf32>
        tpu.vector_store %arg12[%swap3A_270, %swap3A_271], %swap3A_274 {strides = array<i32>} : memref<40x128xf32, #tpu.memory_space<vmem>>, vector<1x16xf32>,
        %get3A_275 = arith.index_cast %scan3A_208 : i32 to index
        %get3A_276 = arith.constant 64 : index
        %get3A_277 = tpu.vector_load %arg12[%get3A_275, %get3A_276] {strides = array<i32>} : memref<40x128xf32, #tpu.memory_space<vmem>>, vector<1x16xf32>,
        %get3A_278 = vector.shape_cast %get3A_277 : vector<1x16xf32> to vector<16xf32>
        %get3A_279 = arith.index_cast %scan3A_208 : i32 to index
        %get3A_280 = arith.constant 64 : index
        %get3A_281 = tpu.vector_load %arg14[%get3A_279, %get3A_280] {strides = array<i32>} : memref<40x128xf32, #tpu.memory_space<vmem>>, vector<1x16xf32>,
        %get3A_282 = vector.shape_cast %get3A_281 : vector<1x16xf32> to vector<16xf32>
        %add3A_283 = arith.addf %get3A_278, %get3A_282 : vector<16xf32>
        %max3A_284 = arith.constant 0.000000e+00 : f32
        %max3A_285 = vector.broadcast %max3A_284 : f32 to vector<16xf32>
        %max3A_286 = arith.maximumf %add3A_283, %max3A_285 : vector<16xf32>
        %swap3A_287 = arith.index_cast %scan3A_208 : i32 to index
        %swap3A_288 = arith.constant 64 : index
        %swap3A_289 = tpu.vector_load %arg12[%swap3A_287, %swap3A_288] {strides = array<i32>} : memref<40x128xf32, #tpu.memory_space<vmem>>, vector<1x16xf32>,
        %swap3A_290 = vector.shape_cast %swap3A_289 : vector<1x16xf32> to vector<16xf32>
        %swap3A_291 = vector.shape_cast %max3A_286 : vector<16xf32> to vector<1x16xf32>
        tpu.vector_store %arg12[%swap3A_287, %swap3A_288], %swap3A_291 {strides = array<i32>} : memref<40x128xf32, #tpu.memory_space<vmem>>, vector<1x16xf32>,
        %get3A_292 = arith.index_cast %scan3A_208 : i32 to index
        %get3A_293 = arith.constant 80 : index
        %get3A_294 = tpu.vector_load %arg12[%get3A_292, %get3A_293] {strides = array<i32>} : memref<40x128xf32, #tpu.memory_space<vmem>>, vector<1x16xf32>,
        %get3A_295 = vector.shape_cast %get3A_294 : vector<1x16xf32> to vector<16xf32>
        %get3A_296 = arith.index_cast %scan3A_208 : i32 to index
        %get3A_297 = arith.constant 80 : index
        %get3A_298 = tpu.vector_load %arg14[%get3A_296, %get3A_297] {strides = array<i32>} : memref<40x128xf32, #tpu.memory_space<vmem>>, vector<1x16xf32>,
        %get3A_299 = vector.shape_cast %get3A_298 : vector<1x16xf32> to vector<16xf32>
        %add3A_300 = arith.addf %get3A_295, %get3A_299 : vector<16xf32>
        %max3A_301 = arith.constant 0.000000e+00 : f32
        %max3A_302 = vector.broadcast %max3A_301 : f32 to vector<16xf32>
        %max3A_303 = arith.maximumf %add3A_300, %max3A_302 : vector<16xf32>
        %swap3A_304 = arith.index_cast %scan3A_208 : i32 to index
        %swap3A_305 = arith.constant 80 : index
        %swap3A_306 = tpu.vector_load %arg12[%swap3A_304, %swap3A_305] {strides = array<i32>} : memref<40x128xf32, #tpu.memory_space<vmem>>, vector<1x16xf32>,
        %swap3A_307 = vector.shape_cast %swap3A_306 : vector<1x16xf32> to vector<16xf32>
        %swap3A_308 = vector.shape_cast %max3A_303 : vector<16xf32> to vector<1x16xf32>
        tpu.vector_store %arg12[%swap3A_304, %swap3A_305], %swap3A_308 {strides = array<i32>} : memref<40x128xf32, #tpu.memory_space<vmem>>, vector<1x16xf32>,
        %get3A_309 = arith.index_cast %scan3A_208 : i32 to index
        %get3A_310 = arith.constant 96 : index
        %get3A_311 = tpu.vector_load %arg12[%get3A_309, %get3A_310] {strides = array<i32>} : memref<40x128xf32, #tpu.memory_space<vmem>>, vector<1x16xf32>,
        %get3A_312 = vector.shape_cast %get3A_311 : vector<1x16xf32> to vector<16xf32>
        %get3A_313 = arith.index_cast %scan3A_208 : i32 to index
        %get3A_314 = arith.constant 96 : index
        %get3A_315 = tpu.vector_load %arg14[%get3A_313, %get3A_314] {strides = array<i32>} : memref<40x128xf32, #tpu.memory_space<vmem>>, vector<1x16xf32>,
        %get3A_316 = vector.shape_cast %get3A_315 : vector<1x16xf32> to vector<16xf32>
        %add3A_317 = arith.addf %get3A_312, %get3A_316 : vector<16xf32>
        %max3A_318 = arith.constant 0.000000e+00 : f32
        %max3A_319 = vector.broadcast %max3A_318 : f32 to vector<16xf32>
        %max3A_320 = arith.maximumf %add3A_317, %max3A_319 : vector<16xf32>
        %swap3A_321 = arith.index_cast %scan3A_208 : i32 to index
        %swap3A_322 = arith.constant 96 : index
        %swap3A_323 = tpu.vector_load %arg12[%swap3A_321, %swap3A_322] {strides = array<i32>} : memref<40x128xf32, #tpu.memory_space<vmem>>, vector<1x16xf32>,
        %swap3A_324 = vector.shape_cast %swap3A_323 : vector<1x16xf32> to vector<16xf32>
        %swap3A_325 = vector.shape_cast %max3A_320 : vector<16xf32> to vector<1x16xf32>
        tpu.vector_store %arg12[%swap3A_321, %swap3A_322], %swap3A_325 {strides = array<i32>} : memref<40x128xf32, #tpu.memory_space<vmem>>, vector<1x16xf32>,
        %get3A_326 = arith.index_cast %scan3A_208 : i32 to index
        %get3A_327 = arith.constant 112 : index
        %get3A_328 = tpu.vector_load %arg12[%get3A_326, %get3A_327] {strides = array<i32>} : memref<40x128xf32, #tpu.memory_space<vmem>>, vector<1x16xf32>,
        %get3A_329 = vector.shape_cast %get3A_328 : vector<1x16xf32> to vector<16xf32>
        %get3A_330 = arith.index_cast %scan3A_208 : i32 to index
        %get3A_331 = arith.constant 112 : index
        %get3A_332 = tpu.vector_load %arg14[%get3A_330, %get3A_331] {strides = array<i32>} : memref<40x128xf32, #tpu.memory_space<vmem>>, vector<1x16xf32>,
        %get3A_333 = vector.shape_cast %get3A_332 : vector<1x16xf32> to vector<16xf32>
        %add3A_334 = arith.addf %get3A_329, %get3A_333 : vector<16xf32>
        %max3A_335 = arith.constant 0.000000e+00 : f32
        %max3A_336 = vector.broadcast %max3A_335 : f32 to vector<16xf32>
        %max3A_337 = arith.maximumf %add3A_334, %max3A_336 : vector<16xf32>
        %swap3A_338 = arith.index_cast %scan3A_208 : i32 to index
        %swap3A_339 = arith.constant 112 : index
        %swap3A_340 = tpu.vector_load %arg12[%swap3A_338, %swap3A_339] {strides = array<i32>} : memref<40x128xf32, #tpu.memory_space<vmem>>, vector<1x16xf32>,
        %swap3A_341 = vector.shape_cast %swap3A_340 : vector<1x16xf32> to vector<16xf32>
        %swap3A_342 = vector.shape_cast %max3A_337 : vector<16xf32> to vector<1x16xf32>
        tpu.vector_store %arg12[%swap3A_338, %swap3A_339], %swap3A_342 {strides = array<i32>} : memref<40x128xf32, #tpu.memory_space<vmem>>, vector<1x16xf32>,
        %scan3A_343 = arith.constant 0 : i32
        scf.yield %scan3A_343 : i32
      }
      %scan3A_197 = arith.constant 40 : i32
      %dma_wait3A_198 = arith.constant 0 : i32
      %dma_wait3A_199 = tpu.memref_slice %arg5[%add3A, %add3A_160, %dma_wait3A_198] : memref<32x250x40xi32, #tpu.memory_space<hbm>> -> memref<1x1x40xi32, #tpu.memory_space<hbm>>
      %dma_wait3A_200 = tpu.memref_squeeze %dma_wait3A_199 : memref<1x1x40xi32, #tpu.memory_space<hbm>> -> memref<40xi32, #tpu.memory_space<hbm>>
      %dma_wait3A_201 = arith.constant 0 : i32
      %dma_wait3A_202 = tpu.memref_slice %arg5[%add3A, %add3A_160, %dma_wait3A_201] : memref<32x250x40xi32, #tpu.memory_space<hbm>> -> memref<1x1x40xi32, #tpu.memory_space<hbm>>
      %dma_wait3A_203 = tpu.memref_squeeze %dma_wait3A_202 : memref<1x1x40xi32, #tpu.memory_space<hbm>> -> memref<40xi32, #tpu.memory_space<hbm>>
      tpu.wait_dma2 semaphore(%arg23 : memref<!tpu.dma_semaphore, #tpu.memory_space<semaphore_mem>>) src(%dma_wait3A_203 : memref<40xi32, #tpu.memory_space<hbm>>) dst(%arg10 : memref<40xi32, #tpu.memory_space<vmem>>)
      %dma_start3A_204 = arith.constant 0 : i32
      %dma_start3A_205 = arith.constant 0 : i32
      %dma_start3A_206 = tpu.memref_slice %arg15[%dma_start3A_204, %dma_start3A_205] : memref<10000x128xf32, #tpu.memory_space<vmem_shared>> -> memref<10000x128xf32, #tpu.memory_space<vmem_shared>>
      tpu.enqueue_indirect_dma source(%arg12 : memref<40x128xf32, #tpu.memory_space<vmem>>) target(%dma_start3A_206 : memref<10000x128xf32, #tpu.memory_space<vmem_shared>>) offsets(%arg10 : memref<40xi32, #tpu.memory_space<vmem>>) semaphore(%arg25 : memref<!tpu.dma_semaphore, #tpu.memory_space<semaphore_mem>>) {add = true}
      %scan3A_207 = arith.constant 0 : i32
      scf.yield %scan3A_207 : i32
    }
    %scan3A_103 = arith.constant 125 : i32
    %dma_wait3A = arith.constant 0 : i32
    %dma_wait3A_104 = arith.constant 0 : i32
    %dma_wait3A_105 = tpu.memref_slice %arg15[%dma_wait3A, %dma_wait3A_104] : memref<10000x128xf32, #tpu.memory_space<vmem_shared>> -> memref<10000x128xf32, #tpu.memory_space<vmem_shared>>
    tpu.wait_indirect_dma semaphore(%arg25 : memref<!tpu.dma_semaphore, #tpu.memory_space<semaphore_mem>>) src(%arg12 : memref<40x128xf32, #tpu.memory_space<vmem>>) dst(%dma_wait3A_105 : memref<10000x128xf32, #tpu.memory_space<vmem_shared>>)
    %barrier3A_106 = arith.constant 0 : index
    tpu.barrier barrier_id(%barrier3A_106)
    %mul3A_107 = arith.constant 625 : i32
    %mul3A_108 = arith.muli %arg1, %mul3A_107 : i32
    "tpu.region"() ({
      %run_scoped3A_109 = tpu.sem_alloc : memref<!tpu.dma_semaphore, #tpu.memory_space<semaphore_mem>>
      %dma_start3A_110 = arith.constant 0 : i32
      %dma_start3A_111 = arith.constant 0 : i32
      %dma_start3A_112 = tpu.memref_slice %arg6[%add3A, %dma_start3A_110, %dma_start3A_111] : memref<32x625x128xf32, #tpu.memory_space<hbm>> -> memref<1x625x128xf32, #tpu.memory_space<hbm>>
      %dma_start3A_113 = tpu.memref_squeeze %dma_start3A_112 : memref<1x625x128xf32, #tpu.memory_space<hbm>> -> memref<625x128xf32, #tpu.memory_space<hbm>>
      %dma_start3A_114 = arith.constant 0 : i32
      %dma_start3A_115 = tpu.memref_slice %arg15[%mul3A_108, %dma_start3A_114] : memref<10000x128xf32, #tpu.memory_space<vmem_shared>> -> memref<625x128xf32, #tpu.memory_space<vmem_shared>>
      tpu.enqueue_dma source(%dma_start3A_115 : memref<625x128xf32, #tpu.memory_space<vmem_shared>>) target(%dma_start3A_113 : memref<625x128xf32, #tpu.memory_space<hbm>>) target_semaphore(%run_scoped3A_109 : memref<!tpu.dma_semaphore, #tpu.memory_space<semaphore_mem>>)
      %dma_wait3A_116 = arith.constant 0 : i32
      %dma_wait3A_117 = arith.constant 0 : i32
      %dma_wait3A_118 = tpu.memref_slice %arg6[%add3A, %dma_wait3A_116, %dma_wait3A_117] : memref<32x625x128xf32, #tpu.memory_space<hbm>> -> memref<1x625x128xf32, #tpu.memory_space<hbm>>
      %dma_wait3A_119 = tpu.memref_squeeze %dma_wait3A_118 : memref<1x625x128xf32, #tpu.memory_space<hbm>> -> memref<625x128xf32, #tpu.memory_space<hbm>>
      %dma_wait3A_120 = arith.constant 0 : i32
      %dma_wait3A_121 = tpu.memref_slice %arg15[%mul3A_108, %dma_wait3A_120] : memref<10000x128xf32, #tpu.memory_space<vmem_shared>> -> memref<625x128xf32, #tpu.memory_space<vmem_shared>>
      tpu.wait_dma2 semaphore(%run_scoped3A_109 : memref<!tpu.dma_semaphore, #tpu.memory_space<semaphore_mem>>) src(%dma_wait3A_121 : memref<625x128xf32, #tpu.memory_space<vmem_shared>>) dst(%dma_wait3A_119 : memref<625x128xf32, #tpu.memory_space<hbm>>)
      tpu.yield
    }) : () -> ()
    return
  }
}

#map = affine_map<(d0, d1) -> (0, 0)>
#map1 = affine_map<(d0, d1) -> (0, 0, 0, 0)>
#map2 = affine_map<(d0, d1) -> (0, 0, 0)>
module attributes {stable_mosaic.version = 14 : i64} {
  func.func @_sc_edge_body(%arg0: i32, %arg1: i32, %arg2: memref<10000x128xf32, #tpu.memory_space<hbm>>, %arg3: memref<32x250x40x128xf32, #tpu.memory_space<hbm>>, %arg4: memref<32x250x40xi32, #tpu.memory_space<hbm>>, %arg5: memref<32x250x40xi32, #tpu.memory_space<hbm>>, %arg6: memref<32x625x128xf32, #tpu.memory_space<hbm>>, %arg7: memref<40xi32, #tpu.memory_space<vmem>>, %arg8: memref<40xi32, #tpu.memory_space<vmem>>, %arg9: memref<40xi32, #tpu.memory_space<vmem>>, %arg10: memref<40xi32, #tpu.memory_space<vmem>>, %arg11: memref<40x128xf32, #tpu.memory_space<vmem>>, %arg12: memref<40x128xf32, #tpu.memory_space<vmem>>, %arg13: memref<40x128xf32, #tpu.memory_space<vmem>>, %arg14: memref<40x128xf32, #tpu.memory_space<vmem>>, %arg15: memref<10000x128xf32, #tpu.memory_space<vmem_shared>>, %arg16: memref<!tpu.dma_semaphore, #tpu.memory_space<semaphore_mem>>, %arg17: memref<!tpu.dma_semaphore, #tpu.memory_space<semaphore_mem>>, %arg18: memref<!tpu.dma_semaphore, #tpu.memory_space<semaphore_mem>>, %arg19: memref<!tpu.dma_semaphore, #tpu.memory_space<semaphore_mem>>, %arg20: memref<!tpu.dma_semaphore, #tpu.memory_space<semaphore_mem>>, %arg21: memref<!tpu.dma_semaphore, #tpu.memory_space<semaphore_mem>>, %arg22: memref<!tpu.dma_semaphore, #tpu.memory_space<semaphore_mem>>, %arg23: memref<!tpu.dma_semaphore, #tpu.memory_space<semaphore_mem>>, %arg24: memref<!tpu.dma_semaphore, #tpu.memory_space<semaphore_mem>>, %arg25: memref<!tpu.dma_semaphore, #tpu.memory_space<semaphore_mem>>) attributes {dimension_semantics = [#tpu.dimension_semantics<core_parallel>, #tpu.dimension_semantics<subcore_parallel>], iteration_bounds = array<i64: 2, 16>, scalar_prefetch = 0 : i64, scratch_operands = 19 : i64, tpu.core_type = #tpu.core_type<sc_vector_subcore>, window_params = [{transform_indices = #map}, {transform_indices = #map1}, {transform_indices = #map2}, {transform_indices = #map2}, {transform_indices = #map2}]} {
    %mul3A = arith.constant 16 : i32
    %mul3A_0 = arith.muli %arg0, %mul3A : i32
    %add3A = arith.addi %mul3A_0, %arg1 : i32
    %broadcast_in_dim3A = arith.constant 0.000000e+00 : f32
    %broadcast_in_dim3A_1 = vector.broadcast %broadcast_in_dim3A : f32 to vector<16xf32>
    %scan3A = arith.constant 0 : i32
    %scan3A_2 = arith.constant 0 : i32
    %scan3A_3 = arith.constant 40 : i32
    %scan3A_4 = arith.addi %scan3A_2, %scan3A_3 : i32
    %scan3A_5 = arith.constant 1 : i32
    %scan3A_6 = scf.for %scan3A_109 = %scan3A_2 to %scan3A_4 step %scan3A_5 iter_args(%scan3A_110 = %scan3A) -> (i32)  : i32 {
      %swap3A = arith.index_cast %scan3A_109 : i32 to index
      %swap3A_111 = arith.constant 0 : index
      %swap3A_112 = tpu.vector_load %arg11[%swap3A, %swap3A_111] {strides = array<i32>} : memref<40x128xf32, #tpu.memory_space<vmem>>, vector<1x16xf32>,
      %swap3A_113 = vector.shape_cast %swap3A_112 : vector<1x16xf32> to vector<16xf32>
      %swap3A_114 = vector.shape_cast %broadcast_in_dim3A_1 : vector<16xf32> to vector<1x16xf32>
      tpu.vector_store %arg11[%swap3A, %swap3A_111], %swap3A_114 {strides = array<i32>} : memref<40x128xf32, #tpu.memory_space<vmem>>, vector<1x16xf32>,
      %swap3A_115 = arith.index_cast %scan3A_109 : i32 to index
      %swap3A_116 = arith.constant 16 : index
      %swap3A_117 = tpu.vector_load %arg11[%swap3A_115, %swap3A_116] {strides = array<i32>} : memref<40x128xf32, #tpu.memory_space<vmem>>, vector<1x16xf32>,
      %swap3A_118 = vector.shape_cast %swap3A_117 : vector<1x16xf32> to vector<16xf32>
      %swap3A_119 = vector.shape_cast %broadcast_in_dim3A_1 : vector<16xf32> to vector<1x16xf32>
      tpu.vector_store %arg11[%swap3A_115, %swap3A_116], %swap3A_119 {strides = array<i32>} : memref<40x128xf32, #tpu.memory_space<vmem>>, vector<1x16xf32>,
      %swap3A_120 = arith.index_cast %scan3A_109 : i32 to index
      %swap3A_121 = arith.constant 32 : index
      %swap3A_122 = tpu.vector_load %arg11[%swap3A_120, %swap3A_121] {strides = array<i32>} : memref<40x128xf32, #tpu.memory_space<vmem>>, vector<1x16xf32>,
      %swap3A_123 = vector.shape_cast %swap3A_122 : vector<1x16xf32> to vector<16xf32>
      %swap3A_124 = vector.shape_cast %broadcast_in_dim3A_1 : vector<16xf32> to vector<1x16xf32>
      tpu.vector_store %arg11[%swap3A_120, %swap3A_121], %swap3A_124 {strides = array<i32>} : memref<40x128xf32, #tpu.memory_space<vmem>>, vector<1x16xf32>,
      %swap3A_125 = arith.index_cast %scan3A_109 : i32 to index
      %swap3A_126 = arith.constant 48 : index
      %swap3A_127 = tpu.vector_load %arg11[%swap3A_125, %swap3A_126] {strides = array<i32>} : memref<40x128xf32, #tpu.memory_space<vmem>>, vector<1x16xf32>,
      %swap3A_128 = vector.shape_cast %swap3A_127 : vector<1x16xf32> to vector<16xf32>
      %swap3A_129 = vector.shape_cast %broadcast_in_dim3A_1 : vector<16xf32> to vector<1x16xf32>
      tpu.vector_store %arg11[%swap3A_125, %swap3A_126], %swap3A_129 {strides = array<i32>} : memref<40x128xf32, #tpu.memory_space<vmem>>, vector<1x16xf32>,
      %swap3A_130 = arith.index_cast %scan3A_109 : i32 to index
      %swap3A_131 = arith.constant 64 : index
      %swap3A_132 = tpu.vector_load %arg11[%swap3A_130, %swap3A_131] {strides = array<i32>} : memref<40x128xf32, #tpu.memory_space<vmem>>, vector<1x16xf32>,
      %swap3A_133 = vector.shape_cast %swap3A_132 : vector<1x16xf32> to vector<16xf32>
      %swap3A_134 = vector.shape_cast %broadcast_in_dim3A_1 : vector<16xf32> to vector<1x16xf32>
      tpu.vector_store %arg11[%swap3A_130, %swap3A_131], %swap3A_134 {strides = array<i32>} : memref<40x128xf32, #tpu.memory_space<vmem>>, vector<1x16xf32>,
      %swap3A_135 = arith.index_cast %scan3A_109 : i32 to index
      %swap3A_136 = arith.constant 80 : index
      %swap3A_137 = tpu.vector_load %arg11[%swap3A_135, %swap3A_136] {strides = array<i32>} : memref<40x128xf32, #tpu.memory_space<vmem>>, vector<1x16xf32>,
      %swap3A_138 = vector.shape_cast %swap3A_137 : vector<1x16xf32> to vector<16xf32>
      %swap3A_139 = vector.shape_cast %broadcast_in_dim3A_1 : vector<16xf32> to vector<1x16xf32>
      tpu.vector_store %arg11[%swap3A_135, %swap3A_136], %swap3A_139 {strides = array<i32>} : memref<40x128xf32, #tpu.memory_space<vmem>>, vector<1x16xf32>,
      %swap3A_140 = arith.index_cast %scan3A_109 : i32 to index
      %swap3A_141 = arith.constant 96 : index
      %swap3A_142 = tpu.vector_load %arg11[%swap3A_140, %swap3A_141] {strides = array<i32>} : memref<40x128xf32, #tpu.memory_space<vmem>>, vector<1x16xf32>,
      %swap3A_143 = vector.shape_cast %swap3A_142 : vector<1x16xf32> to vector<16xf32>
      %swap3A_144 = vector.shape_cast %broadcast_in_dim3A_1 : vector<16xf32> to vector<1x16xf32>
      tpu.vector_store %arg11[%swap3A_140, %swap3A_141], %swap3A_144 {strides = array<i32>} : memref<40x128xf32, #tpu.memory_space<vmem>>, vector<1x16xf32>,
      %swap3A_145 = arith.index_cast %scan3A_109 : i32 to index
      %swap3A_146 = arith.constant 112 : index
      %swap3A_147 = tpu.vector_load %arg11[%swap3A_145, %swap3A_146] {strides = array<i32>} : memref<40x128xf32, #tpu.memory_space<vmem>>, vector<1x16xf32>,
      %swap3A_148 = vector.shape_cast %swap3A_147 : vector<1x16xf32> to vector<16xf32>
      %swap3A_149 = vector.shape_cast %broadcast_in_dim3A_1 : vector<16xf32> to vector<1x16xf32>
      tpu.vector_store %arg11[%swap3A_145, %swap3A_146], %swap3A_149 {strides = array<i32>} : memref<40x128xf32, #tpu.memory_space<vmem>>, vector<1x16xf32>,
      %scan3A_150 = arith.constant 0 : i32
      scf.yield %scan3A_150 : i32
    }
    %scan3A_7 = arith.constant 40 : i32
    %mul3A_8 = arith.constant 625 : i32
    %mul3A_9 = arith.muli %arg1, %mul3A_8 : i32
    %add3A_10 = arith.constant 0 : i32
    %add3A_11 = arith.addi %mul3A_9, %add3A_10 : i32
    "tpu.region"() ({
      %run_scoped3A_109 = tpu.sem_alloc : memref<!tpu.dma_semaphore, #tpu.memory_space<semaphore_mem>>
      %dma_start3A_110 = arith.constant 0 : i32
      %dma_start3A_111 = tpu.memref_slice %arg15[%add3A_11, %dma_start3A_110] : memref<10000x128xf32, #tpu.memory_space<vmem_shared>> -> memref<40x128xf32, #tpu.memory_space<vmem_shared>>
      %dma_start3A_112 = arith.constant 0 : i32
      %dma_start3A_113 = tpu.memref_slice %arg15[%add3A_11, %dma_start3A_112] : memref<10000x128xf32, #tpu.memory_space<vmem_shared>> -> memref<40x128xf32, #tpu.memory_space<vmem_shared>>
      tpu.enqueue_dma source(%arg11 : memref<40x128xf32, #tpu.memory_space<vmem>>) target(%dma_start3A_113 : memref<40x128xf32, #tpu.memory_space<vmem_shared>>) target_semaphore(%run_scoped3A_109 : memref<!tpu.dma_semaphore, #tpu.memory_space<semaphore_mem>>)
      %dma_wait3A_114 = arith.constant 0 : i32
      %dma_wait3A_115 = tpu.memref_slice %arg15[%add3A_11, %dma_wait3A_114] : memref<10000x128xf32, #tpu.memory_space<vmem_shared>> -> memref<40x128xf32, #tpu.memory_space<vmem_shared>>
      %dma_wait3A_116 = arith.constant 0 : i32
      %dma_wait3A_117 = tpu.memref_slice %arg15[%add3A_11, %dma_wait3A_116] : memref<10000x128xf32, #tpu.memory_space<vmem_shared>> -> memref<40x128xf32, #tpu.memory_space<vmem_shared>>
      tpu.wait_dma2 semaphore(%run_scoped3A_109 : memref<!tpu.dma_semaphore, #tpu.memory_space<semaphore_mem>>) src(%arg11 : memref<40x128xf32, #tpu.memory_space<vmem>>) dst(%dma_wait3A_117 : memref<40x128xf32, #tpu.memory_space<vmem_shared>>)
      tpu.yield
    }) : () -> ()
    %mul3A_12 = arith.constant 625 : i32
    %mul3A_13 = arith.muli %arg1, %mul3A_12 : i32
    %add3A_14 = arith.constant 40 : i32
    %add3A_15 = arith.addi %mul3A_13, %add3A_14 : i32
    "tpu.region"() ({
      %run_scoped3A_109 = tpu.sem_alloc : memref<!tpu.dma_semaphore, #tpu.memory_space<semaphore_mem>>
      %dma_start3A_110 = arith.constant 0 : i32
      %dma_start3A_111 = tpu.memref_slice %arg15[%add3A_15, %dma_start3A_110] : memref<10000x128xf32, #tpu.memory_space<vmem_shared>> -> memref<40x128xf32, #tpu.memory_space<vmem_shared>>
      %dma_start3A_112 = arith.constant 0 : i32
      %dma_start3A_113 = tpu.memref_slice %arg15[%add3A_15, %dma_start3A_112] : memref<10000x128xf32, #tpu.memory_space<vmem_shared>> -> memref<40x128xf32, #tpu.memory_space<vmem_shared>>
      tpu.enqueue_dma source(%arg11 : memref<40x128xf32, #tpu.memory_space<vmem>>) target(%dma_start3A_113 : memref<40x128xf32, #tpu.memory_space<vmem_shared>>) target_semaphore(%run_scoped3A_109 : memref<!tpu.dma_semaphore, #tpu.memory_space<semaphore_mem>>)
      %dma_wait3A_114 = arith.constant 0 : i32
      %dma_wait3A_115 = tpu.memref_slice %arg15[%add3A_15, %dma_wait3A_114] : memref<10000x128xf32, #tpu.memory_space<vmem_shared>> -> memref<40x128xf32, #tpu.memory_space<vmem_shared>>
      %dma_wait3A_116 = arith.constant 0 : i32
      %dma_wait3A_117 = tpu.memref_slice %arg15[%add3A_15, %dma_wait3A_116] : memref<10000x128xf32, #tpu.memory_space<vmem_shared>> -> memref<40x128xf32, #tpu.memory_space<vmem_shared>>
      tpu.wait_dma2 semaphore(%run_scoped3A_109 : memref<!tpu.dma_semaphore, #tpu.memory_space<semaphore_mem>>) src(%arg11 : memref<40x128xf32, #tpu.memory_space<vmem>>) dst(%dma_wait3A_117 : memref<40x128xf32, #tpu.memory_space<vmem_shared>>)
      tpu.yield
    }) : () -> ()
    %mul3A_16 = arith.constant 625 : i32
    %mul3A_17 = arith.muli %arg1, %mul3A_16 : i32
    %add3A_18 = arith.constant 80 : i32
    %add3A_19 = arith.addi %mul3A_17, %add3A_18 : i32
    "tpu.region"() ({
      %run_scoped3A_109 = tpu.sem_alloc : memref<!tpu.dma_semaphore, #tpu.memory_space<semaphore_mem>>
      %dma_start3A_110 = arith.constant 0 : i32
      %dma_start3A_111 = tpu.memref_slice %arg15[%add3A_19, %dma_start3A_110] : memref<10000x128xf32, #tpu.memory_space<vmem_shared>> -> memref<40x128xf32, #tpu.memory_space<vmem_shared>>
      %dma_start3A_112 = arith.constant 0 : i32
      %dma_start3A_113 = tpu.memref_slice %arg15[%add3A_19, %dma_start3A_112] : memref<10000x128xf32, #tpu.memory_space<vmem_shared>> -> memref<40x128xf32, #tpu.memory_space<vmem_shared>>
      tpu.enqueue_dma source(%arg11 : memref<40x128xf32, #tpu.memory_space<vmem>>) target(%dma_start3A_113 : memref<40x128xf32, #tpu.memory_space<vmem_shared>>) target_semaphore(%run_scoped3A_109 : memref<!tpu.dma_semaphore, #tpu.memory_space<semaphore_mem>>)
      %dma_wait3A_114 = arith.constant 0 : i32
      %dma_wait3A_115 = tpu.memref_slice %arg15[%add3A_19, %dma_wait3A_114] : memref<10000x128xf32, #tpu.memory_space<vmem_shared>> -> memref<40x128xf32, #tpu.memory_space<vmem_shared>>
      %dma_wait3A_116 = arith.constant 0 : i32
      %dma_wait3A_117 = tpu.memref_slice %arg15[%add3A_19, %dma_wait3A_116] : memref<10000x128xf32, #tpu.memory_space<vmem_shared>> -> memref<40x128xf32, #tpu.memory_space<vmem_shared>>
      tpu.wait_dma2 semaphore(%run_scoped3A_109 : memref<!tpu.dma_semaphore, #tpu.memory_space<semaphore_mem>>) src(%arg11 : memref<40x128xf32, #tpu.memory_space<vmem>>) dst(%dma_wait3A_117 : memref<40x128xf32, #tpu.memory_space<vmem_shared>>)
      tpu.yield
    }) : () -> ()
    %mul3A_20 = arith.constant 625 : i32
    %mul3A_21 = arith.muli %arg1, %mul3A_20 : i32
    %add3A_22 = arith.constant 120 : i32
    %add3A_23 = arith.addi %mul3A_21, %add3A_22 : i32
    "tpu.region"() ({
      %run_scoped3A_109 = tpu.sem_alloc : memref<!tpu.dma_semaphore, #tpu.memory_space<semaphore_mem>>
      %dma_start3A_110 = arith.constant 0 : i32
      %dma_start3A_111 = tpu.memref_slice %arg15[%add3A_23, %dma_start3A_110] : memref<10000x128xf32, #tpu.memory_space<vmem_shared>> -> memref<40x128xf32, #tpu.memory_space<vmem_shared>>
      %dma_start3A_112 = arith.constant 0 : i32
      %dma_start3A_113 = tpu.memref_slice %arg15[%add3A_23, %dma_start3A_112] : memref<10000x128xf32, #tpu.memory_space<vmem_shared>> -> memref<40x128xf32, #tpu.memory_space<vmem_shared>>
      tpu.enqueue_dma source(%arg11 : memref<40x128xf32, #tpu.memory_space<vmem>>) target(%dma_start3A_113 : memref<40x128xf32, #tpu.memory_space<vmem_shared>>) target_semaphore(%run_scoped3A_109 : memref<!tpu.dma_semaphore, #tpu.memory_space<semaphore_mem>>)
      %dma_wait3A_114 = arith.constant 0 : i32
      %dma_wait3A_115 = tpu.memref_slice %arg15[%add3A_23, %dma_wait3A_114] : memref<10000x128xf32, #tpu.memory_space<vmem_shared>> -> memref<40x128xf32, #tpu.memory_space<vmem_shared>>
      %dma_wait3A_116 = arith.constant 0 : i32
      %dma_wait3A_117 = tpu.memref_slice %arg15[%add3A_23, %dma_wait3A_116] : memref<10000x128xf32, #tpu.memory_space<vmem_shared>> -> memref<40x128xf32, #tpu.memory_space<vmem_shared>>
      tpu.wait_dma2 semaphore(%run_scoped3A_109 : memref<!tpu.dma_semaphore, #tpu.memory_space<semaphore_mem>>) src(%arg11 : memref<40x128xf32, #tpu.memory_space<vmem>>) dst(%dma_wait3A_117 : memref<40x128xf32, #tpu.memory_space<vmem_shared>>)
      tpu.yield
    }) : () -> ()
    %mul3A_24 = arith.constant 625 : i32
    %mul3A_25 = arith.muli %arg1, %mul3A_24 : i32
    %add3A_26 = arith.constant 160 : i32
    %add3A_27 = arith.addi %mul3A_25, %add3A_26 : i32
    "tpu.region"() ({
      %run_scoped3A_109 = tpu.sem_alloc : memref<!tpu.dma_semaphore, #tpu.memory_space<semaphore_mem>>
      %dma_start3A_110 = arith.constant 0 : i32
      %dma_start3A_111 = tpu.memref_slice %arg15[%add3A_27, %dma_start3A_110] : memref<10000x128xf32, #tpu.memory_space<vmem_shared>> -> memref<40x128xf32, #tpu.memory_space<vmem_shared>>
      %dma_start3A_112 = arith.constant 0 : i32
      %dma_start3A_113 = tpu.memref_slice %arg15[%add3A_27, %dma_start3A_112] : memref<10000x128xf32, #tpu.memory_space<vmem_shared>> -> memref<40x128xf32, #tpu.memory_space<vmem_shared>>
      tpu.enqueue_dma source(%arg11 : memref<40x128xf32, #tpu.memory_space<vmem>>) target(%dma_start3A_113 : memref<40x128xf32, #tpu.memory_space<vmem_shared>>) target_semaphore(%run_scoped3A_109 : memref<!tpu.dma_semaphore, #tpu.memory_space<semaphore_mem>>)
      %dma_wait3A_114 = arith.constant 0 : i32
      %dma_wait3A_115 = tpu.memref_slice %arg15[%add3A_27, %dma_wait3A_114] : memref<10000x128xf32, #tpu.memory_space<vmem_shared>> -> memref<40x128xf32, #tpu.memory_space<vmem_shared>>
      %dma_wait3A_116 = arith.constant 0 : i32
      %dma_wait3A_117 = tpu.memref_slice %arg15[%add3A_27, %dma_wait3A_116] : memref<10000x128xf32, #tpu.memory_space<vmem_shared>> -> memref<40x128xf32, #tpu.memory_space<vmem_shared>>
      tpu.wait_dma2 semaphore(%run_scoped3A_109 : memref<!tpu.dma_semaphore, #tpu.memory_space<semaphore_mem>>) src(%arg11 : memref<40x128xf32, #tpu.memory_space<vmem>>) dst(%dma_wait3A_117 : memref<40x128xf32, #tpu.memory_space<vmem_shared>>)
      tpu.yield
    }) : () -> ()
    %mul3A_28 = arith.constant 625 : i32
    %mul3A_29 = arith.muli %arg1, %mul3A_28 : i32
    %add3A_30 = arith.constant 200 : i32
    %add3A_31 = arith.addi %mul3A_29, %add3A_30 : i32
    "tpu.region"() ({
      %run_scoped3A_109 = tpu.sem_alloc : memref<!tpu.dma_semaphore, #tpu.memory_space<semaphore_mem>>
      %dma_start3A_110 = arith.constant 0 : i32
      %dma_start3A_111 = tpu.memref_slice %arg15[%add3A_31, %dma_start3A_110] : memref<10000x128xf32, #tpu.memory_space<vmem_shared>> -> memref<40x128xf32, #tpu.memory_space<vmem_shared>>
      %dma_start3A_112 = arith.constant 0 : i32
      %dma_start3A_113 = tpu.memref_slice %arg15[%add3A_31, %dma_start3A_112] : memref<10000x128xf32, #tpu.memory_space<vmem_shared>> -> memref<40x128xf32, #tpu.memory_space<vmem_shared>>
      tpu.enqueue_dma source(%arg11 : memref<40x128xf32, #tpu.memory_space<vmem>>) target(%dma_start3A_113 : memref<40x128xf32, #tpu.memory_space<vmem_shared>>) target_semaphore(%run_scoped3A_109 : memref<!tpu.dma_semaphore, #tpu.memory_space<semaphore_mem>>)
      %dma_wait3A_114 = arith.constant 0 : i32
      %dma_wait3A_115 = tpu.memref_slice %arg15[%add3A_31, %dma_wait3A_114] : memref<10000x128xf32, #tpu.memory_space<vmem_shared>> -> memref<40x128xf32, #tpu.memory_space<vmem_shared>>
      %dma_wait3A_116 = arith.constant 0 : i32
      %dma_wait3A_117 = tpu.memref_slice %arg15[%add3A_31, %dma_wait3A_116] : memref<10000x128xf32, #tpu.memory_space<vmem_shared>> -> memref<40x128xf32, #tpu.memory_space<vmem_shared>>
      tpu.wait_dma2 semaphore(%run_scoped3A_109 : memref<!tpu.dma_semaphore, #tpu.memory_space<semaphore_mem>>) src(%arg11 : memref<40x128xf32, #tpu.memory_space<vmem>>) dst(%dma_wait3A_117 : memref<40x128xf32, #tpu.memory_space<vmem_shared>>)
      tpu.yield
    }) : () -> ()
    %mul3A_32 = arith.constant 625 : i32
    %mul3A_33 = arith.muli %arg1, %mul3A_32 : i32
    %add3A_34 = arith.constant 240 : i32
    %add3A_35 = arith.addi %mul3A_33, %add3A_34 : i32
    "tpu.region"() ({
      %run_scoped3A_109 = tpu.sem_alloc : memref<!tpu.dma_semaphore, #tpu.memory_space<semaphore_mem>>
      %dma_start3A_110 = arith.constant 0 : i32
      %dma_start3A_111 = tpu.memref_slice %arg15[%add3A_35, %dma_start3A_110] : memref<10000x128xf32, #tpu.memory_space<vmem_shared>> -> memref<40x128xf32, #tpu.memory_space<vmem_shared>>
      %dma_start3A_112 = arith.constant 0 : i32
      %dma_start3A_113 = tpu.memref_slice %arg15[%add3A_35, %dma_start3A_112] : memref<10000x128xf32, #tpu.memory_space<vmem_shared>> -> memref<40x128xf32, #tpu.memory_space<vmem_shared>>
      tpu.enqueue_dma source(%arg11 : memref<40x128xf32, #tpu.memory_space<vmem>>) target(%dma_start3A_113 : memref<40x128xf32, #tpu.memory_space<vmem_shared>>) target_semaphore(%run_scoped3A_109 : memref<!tpu.dma_semaphore, #tpu.memory_space<semaphore_mem>>)
      %dma_wait3A_114 = arith.constant 0 : i32
      %dma_wait3A_115 = tpu.memref_slice %arg15[%add3A_35, %dma_wait3A_114] : memref<10000x128xf32, #tpu.memory_space<vmem_shared>> -> memref<40x128xf32, #tpu.memory_space<vmem_shared>>
      %dma_wait3A_116 = arith.constant 0 : i32
      %dma_wait3A_117 = tpu.memref_slice %arg15[%add3A_35, %dma_wait3A_116] : memref<10000x128xf32, #tpu.memory_space<vmem_shared>> -> memref<40x128xf32, #tpu.memory_space<vmem_shared>>
      tpu.wait_dma2 semaphore(%run_scoped3A_109 : memref<!tpu.dma_semaphore, #tpu.memory_space<semaphore_mem>>) src(%arg11 : memref<40x128xf32, #tpu.memory_space<vmem>>) dst(%dma_wait3A_117 : memref<40x128xf32, #tpu.memory_space<vmem_shared>>)
      tpu.yield
    }) : () -> ()
    %mul3A_36 = arith.constant 625 : i32
    %mul3A_37 = arith.muli %arg1, %mul3A_36 : i32
    %add3A_38 = arith.constant 280 : i32
    %add3A_39 = arith.addi %mul3A_37, %add3A_38 : i32
    "tpu.region"() ({
      %run_scoped3A_109 = tpu.sem_alloc : memref<!tpu.dma_semaphore, #tpu.memory_space<semaphore_mem>>
      %dma_start3A_110 = arith.constant 0 : i32
      %dma_start3A_111 = tpu.memref_slice %arg15[%add3A_39, %dma_start3A_110] : memref<10000x128xf32, #tpu.memory_space<vmem_shared>> -> memref<40x128xf32, #tpu.memory_space<vmem_shared>>
      %dma_start3A_112 = arith.constant 0 : i32
      %dma_start3A_113 = tpu.memref_slice %arg15[%add3A_39, %dma_start3A_112] : memref<10000x128xf32, #tpu.memory_space<vmem_shared>> -> memref<40x128xf32, #tpu.memory_space<vmem_shared>>
      tpu.enqueue_dma source(%arg11 : memref<40x128xf32, #tpu.memory_space<vmem>>) target(%dma_start3A_113 : memref<40x128xf32, #tpu.memory_space<vmem_shared>>) target_semaphore(%run_scoped3A_109 : memref<!tpu.dma_semaphore, #tpu.memory_space<semaphore_mem>>)
      %dma_wait3A_114 = arith.constant 0 : i32
      %dma_wait3A_115 = tpu.memref_slice %arg15[%add3A_39, %dma_wait3A_114] : memref<10000x128xf32, #tpu.memory_space<vmem_shared>> -> memref<40x128xf32, #tpu.memory_space<vmem_shared>>
      %dma_wait3A_116 = arith.constant 0 : i32
      %dma_wait3A_117 = tpu.memref_slice %arg15[%add3A_39, %dma_wait3A_116] : memref<10000x128xf32, #tpu.memory_space<vmem_shared>> -> memref<40x128xf32, #tpu.memory_space<vmem_shared>>
      tpu.wait_dma2 semaphore(%run_scoped3A_109 : memref<!tpu.dma_semaphore, #tpu.memory_space<semaphore_mem>>) src(%arg11 : memref<40x128xf32, #tpu.memory_space<vmem>>) dst(%dma_wait3A_117 : memref<40x128xf32, #tpu.memory_space<vmem_shared>>)
      tpu.yield
    }) : () -> ()
    %mul3A_40 = arith.constant 625 : i32
    %mul3A_41 = arith.muli %arg1, %mul3A_40 : i32
    %add3A_42 = arith.constant 320 : i32
    %add3A_43 = arith.addi %mul3A_41, %add3A_42 : i32
    "tpu.region"() ({
      %run_scoped3A_109 = tpu.sem_alloc : memref<!tpu.dma_semaphore, #tpu.memory_space<semaphore_mem>>
      %dma_start3A_110 = arith.constant 0 : i32
      %dma_start3A_111 = tpu.memref_slice %arg15[%add3A_43, %dma_start3A_110] : memref<10000x128xf32, #tpu.memory_space<vmem_shared>> -> memref<40x128xf32, #tpu.memory_space<vmem_shared>>
      %dma_start3A_112 = arith.constant 0 : i32
      %dma_start3A_113 = tpu.memref_slice %arg15[%add3A_43, %dma_start3A_112] : memref<10000x128xf32, #tpu.memory_space<vmem_shared>> -> memref<40x128xf32, #tpu.memory_space<vmem_shared>>
      tpu.enqueue_dma source(%arg11 : memref<40x128xf32, #tpu.memory_space<vmem>>) target(%dma_start3A_113 : memref<40x128xf32, #tpu.memory_space<vmem_shared>>) target_semaphore(%run_scoped3A_109 : memref<!tpu.dma_semaphore, #tpu.memory_space<semaphore_mem>>)
      %dma_wait3A_114 = arith.constant 0 : i32
      %dma_wait3A_115 = tpu.memref_slice %arg15[%add3A_43, %dma_wait3A_114] : memref<10000x128xf32, #tpu.memory_space<vmem_shared>> -> memref<40x128xf32, #tpu.memory_space<vmem_shared>>
      %dma_wait3A_116 = arith.constant 0 : i32
      %dma_wait3A_117 = tpu.memref_slice %arg15[%add3A_43, %dma_wait3A_116] : memref<10000x128xf32, #tpu.memory_space<vmem_shared>> -> memref<40x128xf32, #tpu.memory_space<vmem_shared>>
      tpu.wait_dma2 semaphore(%run_scoped3A_109 : memref<!tpu.dma_semaphore, #tpu.memory_space<semaphore_mem>>) src(%arg11 : memref<40x128xf32, #tpu.memory_space<vmem>>) dst(%dma_wait3A_117 : memref<40x128xf32, #tpu.memory_space<vmem_shared>>)
      tpu.yield
    }) : () -> ()
    %mul3A_44 = arith.constant 625 : i32
    %mul3A_45 = arith.muli %arg1, %mul3A_44 : i32
    %add3A_46 = arith.constant 360 : i32
    %add3A_47 = arith.addi %mul3A_45, %add3A_46 : i32
    "tpu.region"() ({
      %run_scoped3A_109 = tpu.sem_alloc : memref<!tpu.dma_semaphore, #tpu.memory_space<semaphore_mem>>
      %dma_start3A_110 = arith.constant 0 : i32
      %dma_start3A_111 = tpu.memref_slice %arg15[%add3A_47, %dma_start3A_110] : memref<10000x128xf32, #tpu.memory_space<vmem_shared>> -> memref<40x128xf32, #tpu.memory_space<vmem_shared>>
      %dma_start3A_112 = arith.constant 0 : i32
      %dma_start3A_113 = tpu.memref_slice %arg15[%add3A_47, %dma_start3A_112] : memref<10000x128xf32, #tpu.memory_space<vmem_shared>> -> memref<40x128xf32, #tpu.memory_space<vmem_shared>>
      tpu.enqueue_dma source(%arg11 : memref<40x128xf32, #tpu.memory_space<vmem>>) target(%dma_start3A_113 : memref<40x128xf32, #tpu.memory_space<vmem_shared>>) target_semaphore(%run_scoped3A_109 : memref<!tpu.dma_semaphore, #tpu.memory_space<semaphore_mem>>)
      %dma_wait3A_114 = arith.constant 0 : i32
      %dma_wait3A_115 = tpu.memref_slice %arg15[%add3A_47, %dma_wait3A_114] : memref<10000x128xf32, #tpu.memory_space<vmem_shared>> -> memref<40x128xf32, #tpu.memory_space<vmem_shared>>
      %dma_wait3A_116 = arith.constant 0 : i32
      %dma_wait3A_117 = tpu.memref_slice %arg15[%add3A_47, %dma_wait3A_116] : memref<10000x128xf32, #tpu.memory_space<vmem_shared>> -> memref<40x128xf32, #tpu.memory_space<vmem_shared>>
      tpu.wait_dma2 semaphore(%run_scoped3A_109 : memref<!tpu.dma_semaphore, #tpu.memory_space<semaphore_mem>>) src(%arg11 : memref<40x128xf32, #tpu.memory_space<vmem>>) dst(%dma_wait3A_117 : memref<40x128xf32, #tpu.memory_space<vmem_shared>>)
      tpu.yield
    }) : () -> ()
    %mul3A_48 = arith.constant 625 : i32
    %mul3A_49 = arith.muli %arg1, %mul3A_48 : i32
    %add3A_50 = arith.constant 400 : i32
    %add3A_51 = arith.addi %mul3A_49, %add3A_50 : i32
    "tpu.region"() ({
      %run_scoped3A_109 = tpu.sem_alloc : memref<!tpu.dma_semaphore, #tpu.memory_space<semaphore_mem>>
      %dma_start3A_110 = arith.constant 0 : i32
      %dma_start3A_111 = tpu.memref_slice %arg15[%add3A_51, %dma_start3A_110] : memref<10000x128xf32, #tpu.memory_space<vmem_shared>> -> memref<40x128xf32, #tpu.memory_space<vmem_shared>>
      %dma_start3A_112 = arith.constant 0 : i32
      %dma_start3A_113 = tpu.memref_slice %arg15[%add3A_51, %dma_start3A_112] : memref<10000x128xf32, #tpu.memory_space<vmem_shared>> -> memref<40x128xf32, #tpu.memory_space<vmem_shared>>
      tpu.enqueue_dma source(%arg11 : memref<40x128xf32, #tpu.memory_space<vmem>>) target(%dma_start3A_113 : memref<40x128xf32, #tpu.memory_space<vmem_shared>>) target_semaphore(%run_scoped3A_109 : memref<!tpu.dma_semaphore, #tpu.memory_space<semaphore_mem>>)
      %dma_wait3A_114 = arith.constant 0 : i32
      %dma_wait3A_115 = tpu.memref_slice %arg15[%add3A_51, %dma_wait3A_114] : memref<10000x128xf32, #tpu.memory_space<vmem_shared>> -> memref<40x128xf32, #tpu.memory_space<vmem_shared>>
      %dma_wait3A_116 = arith.constant 0 : i32
      %dma_wait3A_117 = tpu.memref_slice %arg15[%add3A_51, %dma_wait3A_116] : memref<10000x128xf32, #tpu.memory_space<vmem_shared>> -> memref<40x128xf32, #tpu.memory_space<vmem_shared>>
      tpu.wait_dma2 semaphore(%run_scoped3A_109 : memref<!tpu.dma_semaphore, #tpu.memory_space<semaphore_mem>>) src(%arg11 : memref<40x128xf32, #tpu.memory_space<vmem>>) dst(%dma_wait3A_117 : memref<40x128xf32, #tpu.memory_space<vmem_shared>>)
      tpu.yield
    }) : () -> ()
    %mul3A_52 = arith.constant 625 : i32
    %mul3A_53 = arith.muli %arg1, %mul3A_52 : i32
    %add3A_54 = arith.constant 440 : i32
    %add3A_55 = arith.addi %mul3A_53, %add3A_54 : i32
    "tpu.region"() ({
      %run_scoped3A_109 = tpu.sem_alloc : memref<!tpu.dma_semaphore, #tpu.memory_space<semaphore_mem>>
      %dma_start3A_110 = arith.constant 0 : i32
      %dma_start3A_111 = tpu.memref_slice %arg15[%add3A_55, %dma_start3A_110] : memref<10000x128xf32, #tpu.memory_space<vmem_shared>> -> memref<40x128xf32, #tpu.memory_space<vmem_shared>>
      %dma_start3A_112 = arith.constant 0 : i32
      %dma_start3A_113 = tpu.memref_slice %arg15[%add3A_55, %dma_start3A_112] : memref<10000x128xf32, #tpu.memory_space<vmem_shared>> -> memref<40x128xf32, #tpu.memory_space<vmem_shared>>
      tpu.enqueue_dma source(%arg11 : memref<40x128xf32, #tpu.memory_space<vmem>>) target(%dma_start3A_113 : memref<40x128xf32, #tpu.memory_space<vmem_shared>>) target_semaphore(%run_scoped3A_109 : memref<!tpu.dma_semaphore, #tpu.memory_space<semaphore_mem>>)
      %dma_wait3A_114 = arith.constant 0 : i32
      %dma_wait3A_115 = tpu.memref_slice %arg15[%add3A_55, %dma_wait3A_114] : memref<10000x128xf32, #tpu.memory_space<vmem_shared>> -> memref<40x128xf32, #tpu.memory_space<vmem_shared>>
      %dma_wait3A_116 = arith.constant 0 : i32
      %dma_wait3A_117 = tpu.memref_slice %arg15[%add3A_55, %dma_wait3A_116] : memref<10000x128xf32, #tpu.memory_space<vmem_shared>> -> memref<40x128xf32, #tpu.memory_space<vmem_shared>>
      tpu.wait_dma2 semaphore(%run_scoped3A_109 : memref<!tpu.dma_semaphore, #tpu.memory_space<semaphore_mem>>) src(%arg11 : memref<40x128xf32, #tpu.memory_space<vmem>>) dst(%dma_wait3A_117 : memref<40x128xf32, #tpu.memory_space<vmem_shared>>)
      tpu.yield
    }) : () -> ()
    %mul3A_56 = arith.constant 625 : i32
    %mul3A_57 = arith.muli %arg1, %mul3A_56 : i32
    %add3A_58 = arith.constant 480 : i32
    %add3A_59 = arith.addi %mul3A_57, %add3A_58 : i32
    "tpu.region"() ({
      %run_scoped3A_109 = tpu.sem_alloc : memref<!tpu.dma_semaphore, #tpu.memory_space<semaphore_mem>>
      %dma_start3A_110 = arith.constant 0 : i32
      %dma_start3A_111 = tpu.memref_slice %arg15[%add3A_59, %dma_start3A_110] : memref<10000x128xf32, #tpu.memory_space<vmem_shared>> -> memref<40x128xf32, #tpu.memory_space<vmem_shared>>
      %dma_start3A_112 = arith.constant 0 : i32
      %dma_start3A_113 = tpu.memref_slice %arg15[%add3A_59, %dma_start3A_112] : memref<10000x128xf32, #tpu.memory_space<vmem_shared>> -> memref<40x128xf32, #tpu.memory_space<vmem_shared>>
      tpu.enqueue_dma source(%arg11 : memref<40x128xf32, #tpu.memory_space<vmem>>) target(%dma_start3A_113 : memref<40x128xf32, #tpu.memory_space<vmem_shared>>) target_semaphore(%run_scoped3A_109 : memref<!tpu.dma_semaphore, #tpu.memory_space<semaphore_mem>>)
      %dma_wait3A_114 = arith.constant 0 : i32
      %dma_wait3A_115 = tpu.memref_slice %arg15[%add3A_59, %dma_wait3A_114] : memref<10000x128xf32, #tpu.memory_space<vmem_shared>> -> memref<40x128xf32, #tpu.memory_space<vmem_shared>>
      %dma_wait3A_116 = arith.constant 0 : i32
      %dma_wait3A_117 = tpu.memref_slice %arg15[%add3A_59, %dma_wait3A_116] : memref<10000x128xf32, #tpu.memory_space<vmem_shared>> -> memref<40x128xf32, #tpu.memory_space<vmem_shared>>
      tpu.wait_dma2 semaphore(%run_scoped3A_109 : memref<!tpu.dma_semaphore, #tpu.memory_space<semaphore_mem>>) src(%arg11 : memref<40x128xf32, #tpu.memory_space<vmem>>) dst(%dma_wait3A_117 : memref<40x128xf32, #tpu.memory_space<vmem_shared>>)
      tpu.yield
    }) : () -> ()
    %mul3A_60 = arith.constant 625 : i32
    %mul3A_61 = arith.muli %arg1, %mul3A_60 : i32
    %add3A_62 = arith.constant 520 : i32
    %add3A_63 = arith.addi %mul3A_61, %add3A_62 : i32
    "tpu.region"() ({
      %run_scoped3A_109 = tpu.sem_alloc : memref<!tpu.dma_semaphore, #tpu.memory_space<semaphore_mem>>
      %dma_start3A_110 = arith.constant 0 : i32
      %dma_start3A_111 = tpu.memref_slice %arg15[%add3A_63, %dma_start3A_110] : memref<10000x128xf32, #tpu.memory_space<vmem_shared>> -> memref<40x128xf32, #tpu.memory_space<vmem_shared>>
      %dma_start3A_112 = arith.constant 0 : i32
      %dma_start3A_113 = tpu.memref_slice %arg15[%add3A_63, %dma_start3A_112] : memref<10000x128xf32, #tpu.memory_space<vmem_shared>> -> memref<40x128xf32, #tpu.memory_space<vmem_shared>>
      tpu.enqueue_dma source(%arg11 : memref<40x128xf32, #tpu.memory_space<vmem>>) target(%dma_start3A_113 : memref<40x128xf32, #tpu.memory_space<vmem_shared>>) target_semaphore(%run_scoped3A_109 : memref<!tpu.dma_semaphore, #tpu.memory_space<semaphore_mem>>)
      %dma_wait3A_114 = arith.constant 0 : i32
      %dma_wait3A_115 = tpu.memref_slice %arg15[%add3A_63, %dma_wait3A_114] : memref<10000x128xf32, #tpu.memory_space<vmem_shared>> -> memref<40x128xf32, #tpu.memory_space<vmem_shared>>
      %dma_wait3A_116 = arith.constant 0 : i32
      %dma_wait3A_117 = tpu.memref_slice %arg15[%add3A_63, %dma_wait3A_116] : memref<10000x128xf32, #tpu.memory_space<vmem_shared>> -> memref<40x128xf32, #tpu.memory_space<vmem_shared>>
      tpu.wait_dma2 semaphore(%run_scoped3A_109 : memref<!tpu.dma_semaphore, #tpu.memory_space<semaphore_mem>>) src(%arg11 : memref<40x128xf32, #tpu.memory_space<vmem>>) dst(%dma_wait3A_117 : memref<40x128xf32, #tpu.memory_space<vmem_shared>>)
      tpu.yield
    }) : () -> ()
    %mul3A_64 = arith.constant 625 : i32
    %mul3A_65 = arith.muli %arg1, %mul3A_64 : i32
    %add3A_66 = arith.constant 560 : i32
    %add3A_67 = arith.addi %mul3A_65, %add3A_66 : i32
    "tpu.region"() ({
      %run_scoped3A_109 = tpu.sem_alloc : memref<!tpu.dma_semaphore, #tpu.memory_space<semaphore_mem>>
      %dma_start3A_110 = arith.constant 0 : i32
      %dma_start3A_111 = tpu.memref_slice %arg15[%add3A_67, %dma_start3A_110] : memref<10000x128xf32, #tpu.memory_space<vmem_shared>> -> memref<40x128xf32, #tpu.memory_space<vmem_shared>>
      %dma_start3A_112 = arith.constant 0 : i32
      %dma_start3A_113 = tpu.memref_slice %arg15[%add3A_67, %dma_start3A_112] : memref<10000x128xf32, #tpu.memory_space<vmem_shared>> -> memref<40x128xf32, #tpu.memory_space<vmem_shared>>
      tpu.enqueue_dma source(%arg11 : memref<40x128xf32, #tpu.memory_space<vmem>>) target(%dma_start3A_113 : memref<40x128xf32, #tpu.memory_space<vmem_shared>>) target_semaphore(%run_scoped3A_109 : memref<!tpu.dma_semaphore, #tpu.memory_space<semaphore_mem>>)
      %dma_wait3A_114 = arith.constant 0 : i32
      %dma_wait3A_115 = tpu.memref_slice %arg15[%add3A_67, %dma_wait3A_114] : memref<10000x128xf32, #tpu.memory_space<vmem_shared>> -> memref<40x128xf32, #tpu.memory_space<vmem_shared>>
      %dma_wait3A_116 = arith.constant 0 : i32
      %dma_wait3A_117 = tpu.memref_slice %arg15[%add3A_67, %dma_wait3A_116] : memref<10000x128xf32, #tpu.memory_space<vmem_shared>> -> memref<40x128xf32, #tpu.memory_space<vmem_shared>>
      tpu.wait_dma2 semaphore(%run_scoped3A_109 : memref<!tpu.dma_semaphore, #tpu.memory_space<semaphore_mem>>) src(%arg11 : memref<40x128xf32, #tpu.memory_space<vmem>>) dst(%dma_wait3A_117 : memref<40x128xf32, #tpu.memory_space<vmem_shared>>)
      tpu.yield
    }) : () -> ()
    %mul3A_68 = arith.constant 625 : i32
    %mul3A_69 = arith.muli %arg1, %mul3A_68 : i32
    %add3A_70 = arith.constant 600 : i32
    %add3A_71 = arith.addi %mul3A_69, %add3A_70 : i32
    "tpu.region"() ({
      %run_scoped3A_109 = tpu.sem_alloc : memref<!tpu.dma_semaphore, #tpu.memory_space<semaphore_mem>>
      %dma_start3A_110 = arith.constant 0 : i32
      %dma_start3A_111 = arith.constant 0 : i32
      %dma_start3A_112 = tpu.memref_slice %arg11[%dma_start3A_110, %dma_start3A_111] : memref<40x128xf32, #tpu.memory_space<vmem>> -> memref<25x128xf32, #tpu.memory_space<vmem>>
      %dma_start3A_113 = arith.constant 0 : i32
      %dma_start3A_114 = tpu.memref_slice %arg15[%add3A_71, %dma_start3A_113] : memref<10000x128xf32, #tpu.memory_space<vmem_shared>> -> memref<25x128xf32, #tpu.memory_space<vmem_shared>>
      %dma_start3A_115 = arith.constant 0 : i32
      %dma_start3A_116 = tpu.memref_slice %arg15[%add3A_71, %dma_start3A_115] : memref<10000x128xf32, #tpu.memory_space<vmem_shared>> -> memref<25x128xf32, #tpu.memory_space<vmem_shared>>
      %dma_start3A_117 = arith.constant 0 : i32
      %dma_start3A_118 = arith.constant 0 : i32
      %dma_start3A_119 = tpu.memref_slice %arg11[%dma_start3A_117, %dma_start3A_118] : memref<40x128xf32, #tpu.memory_space<vmem>> -> memref<25x128xf32, #tpu.memory_space<vmem>>
      tpu.enqueue_dma source(%dma_start3A_119 : memref<25x128xf32, #tpu.memory_space<vmem>>) target(%dma_start3A_116 : memref<25x128xf32, #tpu.memory_space<vmem_shared>>) target_semaphore(%run_scoped3A_109 : memref<!tpu.dma_semaphore, #tpu.memory_space<semaphore_mem>>)
      %dma_wait3A_120 = arith.constant 0 : i32
      %dma_wait3A_121 = arith.constant 0 : i32
      %dma_wait3A_122 = tpu.memref_slice %arg11[%dma_wait3A_120, %dma_wait3A_121] : memref<40x128xf32, #tpu.memory_space<vmem>> -> memref<25x128xf32, #tpu.memory_space<vmem>>
      %dma_wait3A_123 = arith.constant 0 : i32
      %dma_wait3A_124 = tpu.memref_slice %arg15[%add3A_71, %dma_wait3A_123] : memref<10000x128xf32, #tpu.memory_space<vmem_shared>> -> memref<25x128xf32, #tpu.memory_space<vmem_shared>>
      %dma_wait3A_125 = arith.constant 0 : i32
      %dma_wait3A_126 = tpu.memref_slice %arg15[%add3A_71, %dma_wait3A_125] : memref<10000x128xf32, #tpu.memory_space<vmem_shared>> -> memref<25x128xf32, #tpu.memory_space<vmem_shared>>
      %dma_wait3A_127 = arith.constant 0 : i32
      %dma_wait3A_128 = arith.constant 0 : i32
      %dma_wait3A_129 = tpu.memref_slice %arg11[%dma_wait3A_127, %dma_wait3A_128] : memref<40x128xf32, #tpu.memory_space<vmem>> -> memref<25x128xf32, #tpu.memory_space<vmem>>
      tpu.wait_dma2 semaphore(%run_scoped3A_109 : memref<!tpu.dma_semaphore, #tpu.memory_space<semaphore_mem>>) src(%dma_wait3A_129 : memref<25x128xf32, #tpu.memory_space<vmem>>) dst(%dma_wait3A_126 : memref<25x128xf32, #tpu.memory_space<vmem_shared>>)
      tpu.yield
    }) : () -> ()
    %barrier3A = arith.constant 0 : index
    tpu.barrier barrier_id(%barrier3A)
    %run_scoped3A = arith.constant 0 : i32
    "tpu.region"() ({
      %run_scoped3A_109 = tpu.sem_alloc : memref<!tpu.dma_semaphore, #tpu.memory_space<semaphore_mem>>
      %dma_start3A_110 = arith.constant 0 : i32
      %dma_start3A_111 = tpu.memref_slice %arg4[%add3A, %run_scoped3A, %dma_start3A_110] : memref<32x250x40xi32, #tpu.memory_space<hbm>> -> memref<1x1x40xi32, #tpu.memory_space<hbm>>
      %dma_start3A_112 = tpu.memref_squeeze %dma_start3A_111 : memref<1x1x40xi32, #tpu.memory_space<hbm>> -> memref<40xi32, #tpu.memory_space<hbm>>
      %dma_start3A_113 = arith.constant 0 : i32
      %dma_start3A_114 = tpu.memref_slice %arg4[%add3A, %run_scoped3A, %dma_start3A_113] : memref<32x250x40xi32, #tpu.memory_space<hbm>> -> memref<1x1x40xi32, #tpu.memory_space<hbm>>
      %dma_start3A_115 = tpu.memref_squeeze %dma_start3A_114 : memref<1x1x40xi32, #tpu.memory_space<hbm>> -> memref<40xi32, #tpu.memory_space<hbm>>
      tpu.enqueue_dma source(%dma_start3A_115 : memref<40xi32, #tpu.memory_space<hbm>>) target(%arg7 : memref<40xi32, #tpu.memory_space<vmem>>) target_semaphore(%run_scoped3A_109 : memref<!tpu.dma_semaphore, #tpu.memory_space<semaphore_mem>>)
      %dma_wait3A_116 = arith.constant 0 : i32
      %dma_wait3A_117 = tpu.memref_slice %arg4[%add3A, %run_scoped3A, %dma_wait3A_116] : memref<32x250x40xi32, #tpu.memory_space<hbm>> -> memref<1x1x40xi32, #tpu.memory_space<hbm>>
      %dma_wait3A_118 = tpu.memref_squeeze %dma_wait3A_117 : memref<1x1x40xi32, #tpu.memory_space<hbm>> -> memref<40xi32, #tpu.memory_space<hbm>>
      %dma_wait3A_119 = arith.constant 0 : i32
      %dma_wait3A_120 = tpu.memref_slice %arg4[%add3A, %run_scoped3A, %dma_wait3A_119] : memref<32x250x40xi32, #tpu.memory_space<hbm>> -> memref<1x1x40xi32, #tpu.memory_space<hbm>>
      %dma_wait3A_121 = tpu.memref_squeeze %dma_wait3A_120 : memref<1x1x40xi32, #tpu.memory_space<hbm>> -> memref<40xi32, #tpu.memory_space<hbm>>
      tpu.wait_dma2 semaphore(%run_scoped3A_109 : memref<!tpu.dma_semaphore, #tpu.memory_space<semaphore_mem>>) src(%dma_wait3A_121 : memref<40xi32, #tpu.memory_space<hbm>>) dst(%arg7 : memref<40xi32, #tpu.memory_space<vmem>>)
      tpu.yield
    }) : () -> ()
    %dma_start3A = arith.constant 0 : i32
    %dma_start3A_72 = arith.constant 0 : i32
    %dma_start3A_73 = tpu.memref_slice %arg2[%dma_start3A, %dma_start3A_72] : memref<10000x128xf32, #tpu.memory_space<hbm>> -> memref<10000x128xf32, #tpu.memory_space<hbm>>
    tpu.enqueue_indirect_dma source(%dma_start3A_73 : memref<10000x128xf32, #tpu.memory_space<hbm>>) target(%arg11 : memref<40x128xf32, #tpu.memory_space<vmem>>) offsets(%arg7 : memref<40xi32, #tpu.memory_space<vmem>>) semaphore(%arg16 : memref<!tpu.dma_semaphore, #tpu.memory_space<semaphore_mem>>)
    %dma_start3A_74 = arith.constant 0 : i32
    %dma_start3A_75 = arith.constant 0 : i32
    %dma_start3A_76 = arith.constant 0 : i32
    %dma_start3A_77 = tpu.memref_slice %arg3[%add3A, %dma_start3A_74, %dma_start3A_75, %dma_start3A_76] : memref<32x250x40x128xf32, #tpu.memory_space<hbm>> -> memref<1x1x40x128xf32, #tpu.memory_space<hbm>>
    %dma_start3A_78 = tpu.memref_squeeze %dma_start3A_77 : memref<1x1x40x128xf32, #tpu.memory_space<hbm>> -> memref<40x128xf32, #tpu.memory_space<hbm>>
    %dma_start3A_79 = arith.constant 0 : i32
    %dma_start3A_80 = arith.constant 0 : i32
    %dma_start3A_81 = tpu.memref_slice %arg3[%add3A, %dma_start3A_74, %dma_start3A_79, %dma_start3A_80] : memref<32x250x40x128xf32, #tpu.memory_space<hbm>> -> memref<1x1x40x128xf32, #tpu.memory_space<hbm>>
    %dma_start3A_82 = tpu.memref_squeeze %dma_start3A_81 : memref<1x1x40x128xf32, #tpu.memory_space<hbm>> -> memref<40x128xf32, #tpu.memory_space<hbm>>
    tpu.enqueue_dma source(%dma_start3A_82 : memref<40x128xf32, #tpu.memory_space<hbm>>) target(%arg13 : memref<40x128xf32, #tpu.memory_space<vmem>>) target_semaphore(%arg18 : memref<!tpu.dma_semaphore, #tpu.memory_space<semaphore_mem>>)
    %dma_start3A_83 = arith.constant 0 : i32
    %dma_start3A_84 = arith.constant 0 : i32
    %dma_start3A_85 = tpu.memref_slice %arg5[%add3A, %dma_start3A_83, %dma_start3A_84] : memref<32x250x40xi32, #tpu.memory_space<hbm>> -> memref<1x1x40xi32, #tpu.memory_space<hbm>>
    %dma_start3A_86 = tpu.memref_squeeze %dma_start3A_85 : memref<1x1x40xi32, #tpu.memory_space<hbm>> -> memref<40xi32, #tpu.memory_space<hbm>>
    %dma_start3A_87 = arith.constant 0 : i32
    %dma_start3A_88 = tpu.memref_slice %arg5[%add3A, %dma_start3A_83, %dma_start3A_87] : memref<32x250x40xi32, #tpu.memory_space<hbm>> -> memref<1x1x40xi32, #tpu.memory_space<hbm>>
    %dma_start3A_89 = tpu.memref_squeeze %dma_start3A_88 : memref<1x1x40xi32, #tpu.memory_space<hbm>> -> memref<40xi32, #tpu.memory_space<hbm>>
    tpu.enqueue_dma source(%dma_start3A_89 : memref<40xi32, #tpu.memory_space<hbm>>) target(%arg9 : memref<40xi32, #tpu.memory_space<vmem>>) target_semaphore(%arg22 : memref<!tpu.dma_semaphore, #tpu.memory_space<semaphore_mem>>)
    %dma_start3A_90 = arith.constant 1 : i32
    %dma_start3A_91 = arith.constant 0 : i32
    %dma_start3A_92 = tpu.memref_slice %arg4[%add3A, %dma_start3A_90, %dma_start3A_91] : memref<32x250x40xi32, #tpu.memory_space<hbm>> -> memref<1x1x40xi32, #tpu.memory_space<hbm>>
    %dma_start3A_93 = tpu.memref_squeeze %dma_start3A_92 : memref<1x1x40xi32, #tpu.memory_space<hbm>> -> memref<40xi32, #tpu.memory_space<hbm>>
    %dma_start3A_94 = arith.constant 0 : i32
    %dma_start3A_95 = tpu.memref_slice %arg4[%add3A, %dma_start3A_90, %dma_start3A_94] : memref<32x250x40xi32, #tpu.memory_space<hbm>> -> memref<1x1x40xi32, #tpu.memory_space<hbm>>
    %dma_start3A_96 = tpu.memref_squeeze %dma_start3A_95 : memref<1x1x40xi32, #tpu.memory_space<hbm>> -> memref<40xi32, #tpu.memory_space<hbm>>
    tpu.enqueue_dma source(%dma_start3A_96 : memref<40xi32, #tpu.memory_space<hbm>>) target(%arg8 : memref<40xi32, #tpu.memory_space<vmem>>) target_semaphore(%arg21 : memref<!tpu.dma_semaphore, #tpu.memory_space<semaphore_mem>>)
    %scan3A_97 = arith.constant 0 : i32
    %scan3A_98 = arith.constant 0 : i32
    %scan3A_99 = arith.constant 125 : i32
    %scan3A_100 = arith.addi %scan3A_98, %scan3A_99 : i32
    %scan3A_101 = arith.constant 1 : i32
    %scan3A_102 = scf.for %scan3A_109 = %scan3A_98 to %scan3A_100 step %scan3A_101 iter_args(%scan3A_110 = %scan3A_97) -> (i32)  : i32 {
      %mul3A_111 = arith.constant 2 : i32
      %mul3A_112 = arith.muli %mul3A_111, %scan3A_109 : i32
      %add3A_113 = arith.constant 0 : i32
      %add3A_114 = arith.addi %mul3A_112, %add3A_113 : i32
      %dma_wait3A_115 = arith.constant 0 : i32
      %dma_wait3A_116 = arith.constant 0 : i32
      %dma_wait3A_117 = tpu.memref_slice %arg2[%dma_wait3A_115, %dma_wait3A_116] : memref<10000x128xf32, #tpu.memory_space<hbm>> -> memref<10000x128xf32, #tpu.memory_space<hbm>>
      tpu.wait_indirect_dma semaphore(%arg16 : memref<!tpu.dma_semaphore, #tpu.memory_space<semaphore_mem>>) src(%dma_wait3A_117 : memref<10000x128xf32, #tpu.memory_space<hbm>>) dst(%arg11 : memref<40x128xf32, #tpu.memory_space<vmem>>)
      %dma_wait3A_118 = arith.constant 0 : i32
      %dma_wait3A_119 = arith.constant 0 : i32
      %dma_wait3A_120 = tpu.memref_slice %arg3[%add3A, %add3A_114, %dma_wait3A_118, %dma_wait3A_119] : memref<32x250x40x128xf32, #tpu.memory_space<hbm>> -> memref<1x1x40x128xf32, #tpu.memory_space<hbm>>
      %dma_wait3A_121 = tpu.memref_squeeze %dma_wait3A_120 : memref<1x1x40x128xf32, #tpu.memory_space<hbm>> -> memref<40x128xf32, #tpu.memory_space<hbm>>
      %dma_wait3A_122 = arith.constant 0 : i32
      %dma_wait3A_123 = arith.constant 0 : i32
      %dma_wait3A_124 = tpu.memref_slice %arg3[%add3A, %add3A_114, %dma_wait3A_122, %dma_wait3A_123] : memref<32x250x40x128xf32, #tpu.memory_space<hbm>> -> memref<1x1x40x128xf32, #tpu.memory_space<hbm>>
      %dma_wait3A_125 = tpu.memref_squeeze %dma_wait3A_124 : memref<1x1x40x128xf32, #tpu.memory_space<hbm>> -> memref<40x128xf32, #tpu.memory_space<hbm>>
      tpu.wait_dma2 semaphore(%arg18 : memref<!tpu.dma_semaphore, #tpu.memory_space<semaphore_mem>>) src(%dma_wait3A_125 : memref<40x128xf32, #tpu.memory_space<hbm>>) dst(%arg13 : memref<40x128xf32, #tpu.memory_space<vmem>>)
      %add3A_126 = arith.constant 2 : i32
      %add3A_127 = arith.addi %add3A_114, %add3A_126 : i32
      %lt3A = arith.constant 250 : i32
      %lt3A_128 = arith.cmpi slt, %add3A_127, %lt3A : i32
      %convert_element_type3A = arith.extui %lt3A_128 : i1 to i32
      %cond3A = arith.constant 0 : i32
      %cond3A_129 = arith.cmpi ne, %convert_element_type3A, %cond3A : i32
      scf.if %cond3A_129 {
        %add3A_208 = arith.constant 2 : i32
        %add3A_209 = arith.addi %add3A_114, %add3A_208 : i32
        %dma_start3A_210 = arith.constant 0 : i32
        %dma_start3A_211 = tpu.memref_slice %arg4[%add3A, %add3A_209, %dma_start3A_210] : memref<32x250x40xi32, #tpu.memory_space<hbm>> -> memref<1x1x40xi32, #tpu.memory_space<hbm>>
        %dma_start3A_212 = tpu.memref_squeeze %dma_start3A_211 : memref<1x1x40xi32, #tpu.memory_space<hbm>> -> memref<40xi32, #tpu.memory_space<hbm>>
        %dma_start3A_213 = arith.constant 0 : i32
        %dma_start3A_214 = tpu.memref_slice %arg4[%add3A, %add3A_209, %dma_start3A_213] : memref<32x250x40xi32, #tpu.memory_space<hbm>> -> memref<1x1x40xi32, #tpu.memory_space<hbm>>
        %dma_start3A_215 = tpu.memref_squeeze %dma_start3A_214 : memref<1x1x40xi32, #tpu.memory_space<hbm>> -> memref<40xi32, #tpu.memory_space<hbm>>
        tpu.enqueue_dma source(%dma_start3A_215 : memref<40xi32, #tpu.memory_space<hbm>>) target(%arg7 : memref<40xi32, #tpu.memory_space<vmem>>) target_semaphore(%arg20 : memref<!tpu.dma_semaphore, #tpu.memory_space<semaphore_mem>>)
      } else {
      }
      %gt3A = arith.constant 0 : i32
      %gt3A_130 = arith.cmpi sgt, %add3A_114, %gt3A : i32
      %convert_element_type3A_131 = arith.extui %gt3A_130 : i1 to i32
      %cond3A_132 = arith.constant 0 : i32
      %cond3A_133 = arith.cmpi ne, %convert_element_type3A_131, %cond3A_132 : i32
      scf.if %cond3A_133 {
        %dma_wait3A_208 = arith.constant 0 : i32
        %dma_wait3A_209 = arith.constant 0 : i32
        %dma_wait3A_210 = tpu.memref_slice %arg15[%dma_wait3A_208, %dma_wait3A_209] : memref<10000x128xf32, #tpu.memory_space<vmem_shared>> -> memref<10000x128xf32, #tpu.memory_space<vmem_shared>>
        tpu.wait_indirect_dma semaphore(%arg25 : memref<!tpu.dma_semaphore, #tpu.memory_space<semaphore_mem>>) src(%arg12 : memref<40x128xf32, #tpu.memory_space<vmem>>) dst(%dma_wait3A_210 : memref<10000x128xf32, #tpu.memory_space<vmem_shared>>)
      } else {
      }
      %add3A_134 = arith.constant 1 : i32
      %add3A_135 = arith.addi %add3A_114, %add3A_134 : i32
      %lt3A_136 = arith.constant 250 : i32
      %lt3A_137 = arith.cmpi slt, %add3A_135, %lt3A_136 : i32
      %convert_element_type3A_138 = arith.extui %lt3A_137 : i1 to i32
      %cond3A_139 = arith.constant 0 : i32
      %cond3A_140 = arith.cmpi ne, %convert_element_type3A_138, %cond3A_139 : i32
      scf.if %cond3A_140 {
        %add3A_208 = arith.constant 1 : i32
        %add3A_209 = arith.addi %add3A_114, %add3A_208 : i32
        %dma_wait3A_210 = arith.constant 0 : i32
        %dma_wait3A_211 = tpu.memref_slice %arg4[%add3A, %add3A_209, %dma_wait3A_210] : memref<32x250x40xi32, #tpu.memory_space<hbm>> -> memref<1x1x40xi32, #tpu.memory_space<hbm>>
        %dma_wait3A_212 = tpu.memref_squeeze %dma_wait3A_211 : memref<1x1x40xi32, #tpu.memory_space<hbm>> -> memref<40xi32, #tpu.memory_space<hbm>>
        %dma_wait3A_213 = arith.constant 0 : i32
        %dma_wait3A_214 = tpu.memref_slice %arg4[%add3A, %add3A_209, %dma_wait3A_213] : memref<32x250x40xi32, #tpu.memory_space<hbm>> -> memref<1x1x40xi32, #tpu.memory_space<hbm>>
        %dma_wait3A_215 = tpu.memref_squeeze %dma_wait3A_214 : memref<1x1x40xi32, #tpu.memory_space<hbm>> -> memref<40xi32, #tpu.memory_space<hbm>>
        tpu.wait_dma2 semaphore(%arg21 : memref<!tpu.dma_semaphore, #tpu.memory_space<semaphore_mem>>) src(%dma_wait3A_215 : memref<40xi32, #tpu.memory_space<hbm>>) dst(%arg8 : memref<40xi32, #tpu.memory_space<vmem>>)
        %dma_start3A_216 = arith.constant 0 : i32
        %dma_start3A_217 = arith.constant 0 : i32
        %dma_start3A_218 = tpu.memref_slice %arg2[%dma_start3A_216, %dma_start3A_217] : memref<10000x128xf32, #tpu.memory_space<hbm>> -> memref<10000x128xf32, #tpu.memory_space<hbm>>
        tpu.enqueue_indirect_dma source(%dma_start3A_218 : memref<10000x128xf32, #tpu.memory_space<hbm>>) target(%arg12 : memref<40x128xf32, #tpu.memory_space<vmem>>) offsets(%arg8 : memref<40xi32, #tpu.memory_space<vmem>>) semaphore(%arg17 : memref<!tpu.dma_semaphore, #tpu.memory_space<semaphore_mem>>)
        %add3A_219 = arith.constant 1 : i32
        %add3A_220 = arith.addi %add3A_114, %add3A_219 : i32
        %dma_start3A_221 = arith.constant 0 : i32
        %dma_start3A_222 = arith.constant 0 : i32
        %dma_start3A_223 = tpu.memref_slice %arg3[%add3A, %add3A_220, %dma_start3A_221, %dma_start3A_222] : memref<32x250x40x128xf32, #tpu.memory_space<hbm>> -> memref<1x1x40x128xf32, #tpu.memory_space<hbm>>
        %dma_start3A_224 = tpu.memref_squeeze %dma_start3A_223 : memref<1x1x40x128xf32, #tpu.memory_space<hbm>> -> memref<40x128xf32, #tpu.memory_space<hbm>>
        %dma_start3A_225 = arith.constant 0 : i32
        %dma_start3A_226 = arith.constant 0 : i32
        %dma_start3A_227 = tpu.memref_slice %arg3[%add3A, %add3A_220, %dma_start3A_225, %dma_start3A_226] : memref<32x250x40x128xf32, #tpu.memory_space<hbm>> -> memref<1x1x40x128xf32, #tpu.memory_space<hbm>>
        %dma_start3A_228 = tpu.memref_squeeze %dma_start3A_227 : memref<1x1x40x128xf32, #tpu.memory_space<hbm>> -> memref<40x128xf32, #tpu.memory_space<hbm>>
        tpu.enqueue_dma source(%dma_start3A_228 : memref<40x128xf32, #tpu.memory_space<hbm>>) target(%arg14 : memref<40x128xf32, #tpu.memory_space<vmem>>) target_semaphore(%arg19 : memref<!tpu.dma_semaphore, #tpu.memory_space<semaphore_mem>>)
        %add3A_229 = arith.constant 1 : i32
        %add3A_230 = arith.addi %add3A_114, %add3A_229 : i32
        %dma_start3A_231 = arith.constant 0 : i32
        %dma_start3A_232 = tpu.memref_slice %arg5[%add3A, %add3A_230, %dma_start3A_231] : memref<32x250x40xi32, #tpu.memory_space<hbm>> -> memref<1x1x40xi32, #tpu.memory_space<hbm>>
        %dma_start3A_233 = tpu.memref_squeeze %dma_start3A_232 : memref<1x1x40xi32, #tpu.memory_space<hbm>> -> memref<40xi32, #tpu.memory_space<hbm>>
        %dma_start3A_234 = arith.constant 0 : i32
        %dma_start3A_235 = tpu.memref_slice %arg5[%add3A, %add3A_230, %dma_start3A_234] : memref<32x250x40xi32, #tpu.memory_space<hbm>> -> memref<1x1x40xi32, #tpu.memory_space<hbm>>
        %dma_start3A_236 = tpu.memref_squeeze %dma_start3A_235 : memref<1x1x40xi32, #tpu.memory_space<hbm>> -> memref<40xi32, #tpu.memory_space<hbm>>
        tpu.enqueue_dma source(%dma_start3A_236 : memref<40xi32, #tpu.memory_space<hbm>>) target(%arg10 : memref<40xi32, #tpu.memory_space<vmem>>) target_semaphore(%arg23 : memref<!tpu.dma_semaphore, #tpu.memory_space<semaphore_mem>>)
      } else {
      }
      %scan3A_141 = arith.constant 0 : i32
      %scan3A_142 = arith.constant 0 : i32
      %scan3A_143 = arith.constant 40 : i32
      %scan3A_144 = arith.addi %scan3A_142, %scan3A_143 : i32
      %scan3A_145 = arith.constant 1 : i32
      %scan3A_146 = scf.for %scan3A_208 = %scan3A_142 to %scan3A_144 step %scan3A_145 iter_args(%scan3A_209 = %scan3A_141) -> (i32)  : i32 {
        %get3A = arith.index_cast %scan3A_208 : i32 to index
        %get3A_210 = arith.constant 0 : index
        %get3A_211 = tpu.vector_load %arg11[%get3A, %get3A_210] {strides = array<i32>} : memref<40x128xf32, #tpu.memory_space<vmem>>, vector<1x16xf32>,
        %get3A_212 = vector.shape_cast %get3A_211 : vector<1x16xf32> to vector<16xf32>
        %get3A_213 = arith.index_cast %scan3A_208 : i32 to index
        %get3A_214 = arith.constant 0 : index
        %get3A_215 = tpu.vector_load %arg13[%get3A_213, %get3A_214] {strides = array<i32>} : memref<40x128xf32, #tpu.memory_space<vmem>>, vector<1x16xf32>,
        %get3A_216 = vector.shape_cast %get3A_215 : vector<1x16xf32> to vector<16xf32>
        %add3A_217 = arith.addf %get3A_212, %get3A_216 : vector<16xf32>
        %max3A = arith.constant 0.000000e+00 : f32
        %max3A_218 = vector.broadcast %max3A : f32 to vector<16xf32>
        %max3A_219 = arith.maximumf %add3A_217, %max3A_218 : vector<16xf32>
        %swap3A = arith.index_cast %scan3A_208 : i32 to index
        %swap3A_220 = arith.constant 0 : index
        %swap3A_221 = tpu.vector_load %arg11[%swap3A, %swap3A_220] {strides = array<i32>} : memref<40x128xf32, #tpu.memory_space<vmem>>, vector<1x16xf32>,
        %swap3A_222 = vector.shape_cast %swap3A_221 : vector<1x16xf32> to vector<16xf32>
        %swap3A_223 = vector.shape_cast %max3A_219 : vector<16xf32> to vector<1x16xf32>
        tpu.vector_store %arg11[%swap3A, %swap3A_220], %swap3A_223 {strides = array<i32>} : memref<40x128xf32, #tpu.memory_space<vmem>>, vector<1x16xf32>,
        %get3A_224 = arith.index_cast %scan3A_208 : i32 to index
        %get3A_225 = arith.constant 16 : index
        %get3A_226 = tpu.vector_load %arg11[%get3A_224, %get3A_225] {strides = array<i32>} : memref<40x128xf32, #tpu.memory_space<vmem>>, vector<1x16xf32>,
        %get3A_227 = vector.shape_cast %get3A_226 : vector<1x16xf32> to vector<16xf32>
        %get3A_228 = arith.index_cast %scan3A_208 : i32 to index
        %get3A_229 = arith.constant 16 : index
        %get3A_230 = tpu.vector_load %arg13[%get3A_228, %get3A_229] {strides = array<i32>} : memref<40x128xf32, #tpu.memory_space<vmem>>, vector<1x16xf32>,
        %get3A_231 = vector.shape_cast %get3A_230 : vector<1x16xf32> to vector<16xf32>
        %add3A_232 = arith.addf %get3A_227, %get3A_231 : vector<16xf32>
        %max3A_233 = arith.constant 0.000000e+00 : f32
        %max3A_234 = vector.broadcast %max3A_233 : f32 to vector<16xf32>
        %max3A_235 = arith.maximumf %add3A_232, %max3A_234 : vector<16xf32>
        %swap3A_236 = arith.index_cast %scan3A_208 : i32 to index
        %swap3A_237 = arith.constant 16 : index
        %swap3A_238 = tpu.vector_load %arg11[%swap3A_236, %swap3A_237] {strides = array<i32>} : memref<40x128xf32, #tpu.memory_space<vmem>>, vector<1x16xf32>,
        %swap3A_239 = vector.shape_cast %swap3A_238 : vector<1x16xf32> to vector<16xf32>
        %swap3A_240 = vector.shape_cast %max3A_235 : vector<16xf32> to vector<1x16xf32>
        tpu.vector_store %arg11[%swap3A_236, %swap3A_237], %swap3A_240 {strides = array<i32>} : memref<40x128xf32, #tpu.memory_space<vmem>>, vector<1x16xf32>,
        %get3A_241 = arith.index_cast %scan3A_208 : i32 to index
        %get3A_242 = arith.constant 32 : index
        %get3A_243 = tpu.vector_load %arg11[%get3A_241, %get3A_242] {strides = array<i32>} : memref<40x128xf32, #tpu.memory_space<vmem>>, vector<1x16xf32>,
        %get3A_244 = vector.shape_cast %get3A_243 : vector<1x16xf32> to vector<16xf32>
        %get3A_245 = arith.index_cast %scan3A_208 : i32 to index
        %get3A_246 = arith.constant 32 : index
        %get3A_247 = tpu.vector_load %arg13[%get3A_245, %get3A_246] {strides = array<i32>} : memref<40x128xf32, #tpu.memory_space<vmem>>, vector<1x16xf32>,
        %get3A_248 = vector.shape_cast %get3A_247 : vector<1x16xf32> to vector<16xf32>
        %add3A_249 = arith.addf %get3A_244, %get3A_248 : vector<16xf32>
        %max3A_250 = arith.constant 0.000000e+00 : f32
        %max3A_251 = vector.broadcast %max3A_250 : f32 to vector<16xf32>
        %max3A_252 = arith.maximumf %add3A_249, %max3A_251 : vector<16xf32>
        %swap3A_253 = arith.index_cast %scan3A_208 : i32 to index
        %swap3A_254 = arith.constant 32 : index
        %swap3A_255 = tpu.vector_load %arg11[%swap3A_253, %swap3A_254] {strides = array<i32>} : memref<40x128xf32, #tpu.memory_space<vmem>>, vector<1x16xf32>,
        %swap3A_256 = vector.shape_cast %swap3A_255 : vector<1x16xf32> to vector<16xf32>
        %swap3A_257 = vector.shape_cast %max3A_252 : vector<16xf32> to vector<1x16xf32>
        tpu.vector_store %arg11[%swap3A_253, %swap3A_254], %swap3A_257 {strides = array<i32>} : memref<40x128xf32, #tpu.memory_space<vmem>>, vector<1x16xf32>,
        %get3A_258 = arith.index_cast %scan3A_208 : i32 to index
        %get3A_259 = arith.constant 48 : index
        %get3A_260 = tpu.vector_load %arg11[%get3A_258, %get3A_259] {strides = array<i32>} : memref<40x128xf32, #tpu.memory_space<vmem>>, vector<1x16xf32>,
        %get3A_261 = vector.shape_cast %get3A_260 : vector<1x16xf32> to vector<16xf32>
        %get3A_262 = arith.index_cast %scan3A_208 : i32 to index
        %get3A_263 = arith.constant 48 : index
        %get3A_264 = tpu.vector_load %arg13[%get3A_262, %get3A_263] {strides = array<i32>} : memref<40x128xf32, #tpu.memory_space<vmem>>, vector<1x16xf32>,
        %get3A_265 = vector.shape_cast %get3A_264 : vector<1x16xf32> to vector<16xf32>
        %add3A_266 = arith.addf %get3A_261, %get3A_265 : vector<16xf32>
        %max3A_267 = arith.constant 0.000000e+00 : f32
        %max3A_268 = vector.broadcast %max3A_267 : f32 to vector<16xf32>
        %max3A_269 = arith.maximumf %add3A_266, %max3A_268 : vector<16xf32>
        %swap3A_270 = arith.index_cast %scan3A_208 : i32 to index
        %swap3A_271 = arith.constant 48 : index
        %swap3A_272 = tpu.vector_load %arg11[%swap3A_270, %swap3A_271] {strides = array<i32>} : memref<40x128xf32, #tpu.memory_space<vmem>>, vector<1x16xf32>,
        %swap3A_273 = vector.shape_cast %swap3A_272 : vector<1x16xf32> to vector<16xf32>
        %swap3A_274 = vector.shape_cast %max3A_269 : vector<16xf32> to vector<1x16xf32>
        tpu.vector_store %arg11[%swap3A_270, %swap3A_271], %swap3A_274 {strides = array<i32>} : memref<40x128xf32, #tpu.memory_space<vmem>>, vector<1x16xf32>,
        %get3A_275 = arith.index_cast %scan3A_208 : i32 to index
        %get3A_276 = arith.constant 64 : index
        %get3A_277 = tpu.vector_load %arg11[%get3A_275, %get3A_276] {strides = array<i32>} : memref<40x128xf32, #tpu.memory_space<vmem>>, vector<1x16xf32>,
        %get3A_278 = vector.shape_cast %get3A_277 : vector<1x16xf32> to vector<16xf32>
        %get3A_279 = arith.index_cast %scan3A_208 : i32 to index
        %get3A_280 = arith.constant 64 : index
        %get3A_281 = tpu.vector_load %arg13[%get3A_279, %get3A_280] {strides = array<i32>} : memref<40x128xf32, #tpu.memory_space<vmem>>, vector<1x16xf32>,
        %get3A_282 = vector.shape_cast %get3A_281 : vector<1x16xf32> to vector<16xf32>
        %add3A_283 = arith.addf %get3A_278, %get3A_282 : vector<16xf32>
        %max3A_284 = arith.constant 0.000000e+00 : f32
        %max3A_285 = vector.broadcast %max3A_284 : f32 to vector<16xf32>
        %max3A_286 = arith.maximumf %add3A_283, %max3A_285 : vector<16xf32>
        %swap3A_287 = arith.index_cast %scan3A_208 : i32 to index
        %swap3A_288 = arith.constant 64 : index
        %swap3A_289 = tpu.vector_load %arg11[%swap3A_287, %swap3A_288] {strides = array<i32>} : memref<40x128xf32, #tpu.memory_space<vmem>>, vector<1x16xf32>,
        %swap3A_290 = vector.shape_cast %swap3A_289 : vector<1x16xf32> to vector<16xf32>
        %swap3A_291 = vector.shape_cast %max3A_286 : vector<16xf32> to vector<1x16xf32>
        tpu.vector_store %arg11[%swap3A_287, %swap3A_288], %swap3A_291 {strides = array<i32>} : memref<40x128xf32, #tpu.memory_space<vmem>>, vector<1x16xf32>,
        %get3A_292 = arith.index_cast %scan3A_208 : i32 to index
        %get3A_293 = arith.constant 80 : index
        %get3A_294 = tpu.vector_load %arg11[%get3A_292, %get3A_293] {strides = array<i32>} : memref<40x128xf32, #tpu.memory_space<vmem>>, vector<1x16xf32>,
        %get3A_295 = vector.shape_cast %get3A_294 : vector<1x16xf32> to vector<16xf32>
        %get3A_296 = arith.index_cast %scan3A_208 : i32 to index
        %get3A_297 = arith.constant 80 : index
        %get3A_298 = tpu.vector_load %arg13[%get3A_296, %get3A_297] {strides = array<i32>} : memref<40x128xf32, #tpu.memory_space<vmem>>, vector<1x16xf32>,
        %get3A_299 = vector.shape_cast %get3A_298 : vector<1x16xf32> to vector<16xf32>
        %add3A_300 = arith.addf %get3A_295, %get3A_299 : vector<16xf32>
        %max3A_301 = arith.constant 0.000000e+00 : f32
        %max3A_302 = vector.broadcast %max3A_301 : f32 to vector<16xf32>
        %max3A_303 = arith.maximumf %add3A_300, %max3A_302 : vector<16xf32>
        %swap3A_304 = arith.index_cast %scan3A_208 : i32 to index
        %swap3A_305 = arith.constant 80 : index
        %swap3A_306 = tpu.vector_load %arg11[%swap3A_304, %swap3A_305] {strides = array<i32>} : memref<40x128xf32, #tpu.memory_space<vmem>>, vector<1x16xf32>,
        %swap3A_307 = vector.shape_cast %swap3A_306 : vector<1x16xf32> to vector<16xf32>
        %swap3A_308 = vector.shape_cast %max3A_303 : vector<16xf32> to vector<1x16xf32>
        tpu.vector_store %arg11[%swap3A_304, %swap3A_305], %swap3A_308 {strides = array<i32>} : memref<40x128xf32, #tpu.memory_space<vmem>>, vector<1x16xf32>,
        %get3A_309 = arith.index_cast %scan3A_208 : i32 to index
        %get3A_310 = arith.constant 96 : index
        %get3A_311 = tpu.vector_load %arg11[%get3A_309, %get3A_310] {strides = array<i32>} : memref<40x128xf32, #tpu.memory_space<vmem>>, vector<1x16xf32>,
        %get3A_312 = vector.shape_cast %get3A_311 : vector<1x16xf32> to vector<16xf32>
        %get3A_313 = arith.index_cast %scan3A_208 : i32 to index
        %get3A_314 = arith.constant 96 : index
        %get3A_315 = tpu.vector_load %arg13[%get3A_313, %get3A_314] {strides = array<i32>} : memref<40x128xf32, #tpu.memory_space<vmem>>, vector<1x16xf32>,
        %get3A_316 = vector.shape_cast %get3A_315 : vector<1x16xf32> to vector<16xf32>
        %add3A_317 = arith.addf %get3A_312, %get3A_316 : vector<16xf32>
        %max3A_318 = arith.constant 0.000000e+00 : f32
        %max3A_319 = vector.broadcast %max3A_318 : f32 to vector<16xf32>
        %max3A_320 = arith.maximumf %add3A_317, %max3A_319 : vector<16xf32>
        %swap3A_321 = arith.index_cast %scan3A_208 : i32 to index
        %swap3A_322 = arith.constant 96 : index
        %swap3A_323 = tpu.vector_load %arg11[%swap3A_321, %swap3A_322] {strides = array<i32>} : memref<40x128xf32, #tpu.memory_space<vmem>>, vector<1x16xf32>,
        %swap3A_324 = vector.shape_cast %swap3A_323 : vector<1x16xf32> to vector<16xf32>
        %swap3A_325 = vector.shape_cast %max3A_320 : vector<16xf32> to vector<1x16xf32>
        tpu.vector_store %arg11[%swap3A_321, %swap3A_322], %swap3A_325 {strides = array<i32>} : memref<40x128xf32, #tpu.memory_space<vmem>>, vector<1x16xf32>,
        %get3A_326 = arith.index_cast %scan3A_208 : i32 to index
        %get3A_327 = arith.constant 112 : index
        %get3A_328 = tpu.vector_load %arg11[%get3A_326, %get3A_327] {strides = array<i32>} : memref<40x128xf32, #tpu.memory_space<vmem>>, vector<1x16xf32>,
        %get3A_329 = vector.shape_cast %get3A_328 : vector<1x16xf32> to vector<16xf32>
        %get3A_330 = arith.index_cast %scan3A_208 : i32 to index
        %get3A_331 = arith.constant 112 : index
        %get3A_332 = tpu.vector_load %arg13[%get3A_330, %get3A_331] {strides = array<i32>} : memref<40x128xf32, #tpu.memory_space<vmem>>, vector<1x16xf32>,
        %get3A_333 = vector.shape_cast %get3A_332 : vector<1x16xf32> to vector<16xf32>
        %add3A_334 = arith.addf %get3A_329, %get3A_333 : vector<16xf32>
        %max3A_335 = arith.constant 0.000000e+00 : f32
        %max3A_336 = vector.broadcast %max3A_335 : f32 to vector<16xf32>
        %max3A_337 = arith.maximumf %add3A_334, %max3A_336 : vector<16xf32>
        %swap3A_338 = arith.index_cast %scan3A_208 : i32 to index
        %swap3A_339 = arith.constant 112 : index
        %swap3A_340 = tpu.vector_load %arg11[%swap3A_338, %swap3A_339] {strides = array<i32>} : memref<40x128xf32, #tpu.memory_space<vmem>>, vector<1x16xf32>,
        %swap3A_341 = vector.shape_cast %swap3A_340 : vector<1x16xf32> to vector<16xf32>
        %swap3A_342 = vector.shape_cast %max3A_337 : vector<16xf32> to vector<1x16xf32>
        tpu.vector_store %arg11[%swap3A_338, %swap3A_339], %swap3A_342 {strides = array<i32>} : memref<40x128xf32, #tpu.memory_space<vmem>>, vector<1x16xf32>,
        %scan3A_343 = arith.constant 0 : i32
        scf.yield %scan3A_343 : i32
      }
      %scan3A_147 = arith.constant 40 : i32
      %dma_wait3A_148 = arith.constant 0 : i32
      %dma_wait3A_149 = tpu.memref_slice %arg5[%add3A, %add3A_114, %dma_wait3A_148] : memref<32x250x40xi32, #tpu.memory_space<hbm>> -> memref<1x1x40xi32, #tpu.memory_space<hbm>>
      %dma_wait3A_150 = tpu.memref_squeeze %dma_wait3A_149 : memref<1x1x40xi32, #tpu.memory_space<hbm>> -> memref<40xi32, #tpu.memory_space<hbm>>
      %dma_wait3A_151 = arith.constant 0 : i32
      %dma_wait3A_152 = tpu.memref_slice %arg5[%add3A, %add3A_114, %dma_wait3A_151] : memref<32x250x40xi32, #tpu.memory_space<hbm>> -> memref<1x1x40xi32, #tpu.memory_space<hbm>>
      %dma_wait3A_153 = tpu.memref_squeeze %dma_wait3A_152 : memref<1x1x40xi32, #tpu.memory_space<hbm>> -> memref<40xi32, #tpu.memory_space<hbm>>
      tpu.wait_dma2 semaphore(%arg22 : memref<!tpu.dma_semaphore, #tpu.memory_space<semaphore_mem>>) src(%dma_wait3A_153 : memref<40xi32, #tpu.memory_space<hbm>>) dst(%arg9 : memref<40xi32, #tpu.memory_space<vmem>>)
      %dma_start3A_154 = arith.constant 0 : i32
      %dma_start3A_155 = arith.constant 0 : i32
      %dma_start3A_156 = tpu.memref_slice %arg15[%dma_start3A_154, %dma_start3A_155] : memref<10000x128xf32, #tpu.memory_space<vmem_shared>> -> memref<10000x128xf32, #tpu.memory_space<vmem_shared>>
      tpu.enqueue_indirect_dma source(%arg11 : memref<40x128xf32, #tpu.memory_space<vmem>>) target(%dma_start3A_156 : memref<10000x128xf32, #tpu.memory_space<vmem_shared>>) offsets(%arg9 : memref<40xi32, #tpu.memory_space<vmem>>) semaphore(%arg24 : memref<!tpu.dma_semaphore, #tpu.memory_space<semaphore_mem>>) {add = true}
      %mul3A_157 = arith.constant 2 : i32
      %mul3A_158 = arith.muli %mul3A_157, %scan3A_109 : i32
      %add3A_159 = arith.constant 1 : i32
      %add3A_160 = arith.addi %mul3A_158, %add3A_159 : i32
      %dma_wait3A_161 = arith.constant 0 : i32
      %dma_wait3A_162 = arith.constant 0 : i32
      %dma_wait3A_163 = tpu.memref_slice %arg2[%dma_wait3A_161, %dma_wait3A_162] : memref<10000x128xf32, #tpu.memory_space<hbm>> -> memref<10000x128xf32, #tpu.memory_space<hbm>>
      tpu.wait_indirect_dma semaphore(%arg17 : memref<!tpu.dma_semaphore, #tpu.memory_space<semaphore_mem>>) src(%dma_wait3A_163 : memref<10000x128xf32, #tpu.memory_space<hbm>>) dst(%arg12 : memref<40x128xf32, #tpu.memory_space<vmem>>)
      %dma_wait3A_164 = arith.constant 0 : i32
      %dma_wait3A_165 = arith.constant 0 : i32
      %dma_wait3A_166 = tpu.memref_slice %arg3[%add3A, %add3A_160, %dma_wait3A_164, %dma_wait3A_165] : memref<32x250x40x128xf32, #tpu.memory_space<hbm>> -> memref<1x1x40x128xf32, #tpu.memory_space<hbm>>
      %dma_wait3A_167 = tpu.memref_squeeze %dma_wait3A_166 : memref<1x1x40x128xf32, #tpu.memory_space<hbm>> -> memref<40x128xf32, #tpu.memory_space<hbm>>
      %dma_wait3A_168 = arith.constant 0 : i32
      %dma_wait3A_169 = arith.constant 0 : i32
      %dma_wait3A_170 = tpu.memref_slice %arg3[%add3A, %add3A_160, %dma_wait3A_168, %dma_wait3A_169] : memref<32x250x40x128xf32, #tpu.memory_space<hbm>> -> memref<1x1x40x128xf32, #tpu.memory_space<hbm>>
      %dma_wait3A_171 = tpu.memref_squeeze %dma_wait3A_170 : memref<1x1x40x128xf32, #tpu.memory_space<hbm>> -> memref<40x128xf32, #tpu.memory_space<hbm>>
      tpu.wait_dma2 semaphore(%arg19 : memref<!tpu.dma_semaphore, #tpu.memory_space<semaphore_mem>>) src(%dma_wait3A_171 : memref<40x128xf32, #tpu.memory_space<hbm>>) dst(%arg14 : memref<40x128xf32, #tpu.memory_space<vmem>>)
      %add3A_172 = arith.constant 2 : i32
      %add3A_173 = arith.addi %add3A_160, %add3A_172 : i32
      %lt3A_174 = arith.constant 250 : i32
      %lt3A_175 = arith.cmpi slt, %add3A_173, %lt3A_174 : i32
      %convert_element_type3A_176 = arith.extui %lt3A_175 : i1 to i32
      %cond3A_177 = arith.constant 0 : i32
      %cond3A_178 = arith.cmpi ne, %convert_element_type3A_176, %cond3A_177 : i32
      scf.if %cond3A_178 {
        %add3A_208 = arith.constant 2 : i32
        %add3A_209 = arith.addi %add3A_160, %add3A_208 : i32
        %dma_start3A_210 = arith.constant 0 : i32
        %dma_start3A_211 = tpu.memref_slice %arg4[%add3A, %add3A_209, %dma_start3A_210] : memref<32x250x40xi32, #tpu.memory_space<hbm>> -> memref<1x1x40xi32, #tpu.memory_space<hbm>>
        %dma_start3A_212 = tpu.memref_squeeze %dma_start3A_211 : memref<1x1x40xi32, #tpu.memory_space<hbm>> -> memref<40xi32, #tpu.memory_space<hbm>>
        %dma_start3A_213 = arith.constant 0 : i32
        %dma_start3A_214 = tpu.memref_slice %arg4[%add3A, %add3A_209, %dma_start3A_213] : memref<32x250x40xi32, #tpu.memory_space<hbm>> -> memref<1x1x40xi32, #tpu.memory_space<hbm>>
        %dma_start3A_215 = tpu.memref_squeeze %dma_start3A_214 : memref<1x1x40xi32, #tpu.memory_space<hbm>> -> memref<40xi32, #tpu.memory_space<hbm>>
        tpu.enqueue_dma source(%dma_start3A_215 : memref<40xi32, #tpu.memory_space<hbm>>) target(%arg8 : memref<40xi32, #tpu.memory_space<vmem>>) target_semaphore(%arg21 : memref<!tpu.dma_semaphore, #tpu.memory_space<semaphore_mem>>)
      } else {
      }
      %gt3A_179 = arith.constant 0 : i32
      %gt3A_180 = arith.cmpi sgt, %add3A_160, %gt3A_179 : i32
      %convert_element_type3A_181 = arith.extui %gt3A_180 : i1 to i32
      %cond3A_182 = arith.constant 0 : i32
      %cond3A_183 = arith.cmpi ne, %convert_element_type3A_181, %cond3A_182 : i32
      scf.if %cond3A_183 {
        %dma_wait3A_208 = arith.constant 0 : i32
        %dma_wait3A_209 = arith.constant 0 : i32
        %dma_wait3A_210 = tpu.memref_slice %arg15[%dma_wait3A_208, %dma_wait3A_209] : memref<10000x128xf32, #tpu.memory_space<vmem_shared>> -> memref<10000x128xf32, #tpu.memory_space<vmem_shared>>
        tpu.wait_indirect_dma semaphore(%arg24 : memref<!tpu.dma_semaphore, #tpu.memory_space<semaphore_mem>>) src(%arg11 : memref<40x128xf32, #tpu.memory_space<vmem>>) dst(%dma_wait3A_210 : memref<10000x128xf32, #tpu.memory_space<vmem_shared>>)
      } else {
      }
      %add3A_184 = arith.constant 1 : i32
      %add3A_185 = arith.addi %add3A_160, %add3A_184 : i32
      %lt3A_186 = arith.constant 250 : i32
      %lt3A_187 = arith.cmpi slt, %add3A_185, %lt3A_186 : i32
      %convert_element_type3A_188 = arith.extui %lt3A_187 : i1 to i32
      %cond3A_189 = arith.constant 0 : i32
      %cond3A_190 = arith.cmpi ne, %convert_element_type3A_188, %cond3A_189 : i32
      scf.if %cond3A_190 {
        %add3A_208 = arith.constant 1 : i32
        %add3A_209 = arith.addi %add3A_160, %add3A_208 : i32
        %dma_wait3A_210 = arith.constant 0 : i32
        %dma_wait3A_211 = tpu.memref_slice %arg4[%add3A, %add3A_209, %dma_wait3A_210] : memref<32x250x40xi32, #tpu.memory_space<hbm>> -> memref<1x1x40xi32, #tpu.memory_space<hbm>>
        %dma_wait3A_212 = tpu.memref_squeeze %dma_wait3A_211 : memref<1x1x40xi32, #tpu.memory_space<hbm>> -> memref<40xi32, #tpu.memory_space<hbm>>
        %dma_wait3A_213 = arith.constant 0 : i32
        %dma_wait3A_214 = tpu.memref_slice %arg4[%add3A, %add3A_209, %dma_wait3A_213] : memref<32x250x40xi32, #tpu.memory_space<hbm>> -> memref<1x1x40xi32, #tpu.memory_space<hbm>>
        %dma_wait3A_215 = tpu.memref_squeeze %dma_wait3A_214 : memref<1x1x40xi32, #tpu.memory_space<hbm>> -> memref<40xi32, #tpu.memory_space<hbm>>
        tpu.wait_dma2 semaphore(%arg20 : memref<!tpu.dma_semaphore, #tpu.memory_space<semaphore_mem>>) src(%dma_wait3A_215 : memref<40xi32, #tpu.memory_space<hbm>>) dst(%arg7 : memref<40xi32, #tpu.memory_space<vmem>>)
        %dma_start3A_216 = arith.constant 0 : i32
        %dma_start3A_217 = arith.constant 0 : i32
        %dma_start3A_218 = tpu.memref_slice %arg2[%dma_start3A_216, %dma_start3A_217] : memref<10000x128xf32, #tpu.memory_space<hbm>> -> memref<10000x128xf32, #tpu.memory_space<hbm>>
        tpu.enqueue_indirect_dma source(%dma_start3A_218 : memref<10000x128xf32, #tpu.memory_space<hbm>>) target(%arg11 : memref<40x128xf32, #tpu.memory_space<vmem>>) offsets(%arg7 : memref<40xi32, #tpu.memory_space<vmem>>) semaphore(%arg16 : memref<!tpu.dma_semaphore, #tpu.memory_space<semaphore_mem>>)
        %add3A_219 = arith.constant 1 : i32
        %add3A_220 = arith.addi %add3A_160, %add3A_219 : i32
        %dma_start3A_221 = arith.constant 0 : i32
        %dma_start3A_222 = arith.constant 0 : i32
        %dma_start3A_223 = tpu.memref_slice %arg3[%add3A, %add3A_220, %dma_start3A_221, %dma_start3A_222] : memref<32x250x40x128xf32, #tpu.memory_space<hbm>> -> memref<1x1x40x128xf32, #tpu.memory_space<hbm>>
        %dma_start3A_224 = tpu.memref_squeeze %dma_start3A_223 : memref<1x1x40x128xf32, #tpu.memory_space<hbm>> -> memref<40x128xf32, #tpu.memory_space<hbm>>
        %dma_start3A_225 = arith.constant 0 : i32
        %dma_start3A_226 = arith.constant 0 : i32
        %dma_start3A_227 = tpu.memref_slice %arg3[%add3A, %add3A_220, %dma_start3A_225, %dma_start3A_226] : memref<32x250x40x128xf32, #tpu.memory_space<hbm>> -> memref<1x1x40x128xf32, #tpu.memory_space<hbm>>
        %dma_start3A_228 = tpu.memref_squeeze %dma_start3A_227 : memref<1x1x40x128xf32, #tpu.memory_space<hbm>> -> memref<40x128xf32, #tpu.memory_space<hbm>>
        tpu.enqueue_dma source(%dma_start3A_228 : memref<40x128xf32, #tpu.memory_space<hbm>>) target(%arg13 : memref<40x128xf32, #tpu.memory_space<vmem>>) target_semaphore(%arg18 : memref<!tpu.dma_semaphore, #tpu.memory_space<semaphore_mem>>)
        %add3A_229 = arith.constant 1 : i32
        %add3A_230 = arith.addi %add3A_160, %add3A_229 : i32
        %dma_start3A_231 = arith.constant 0 : i32
        %dma_start3A_232 = tpu.memref_slice %arg5[%add3A, %add3A_230, %dma_start3A_231] : memref<32x250x40xi32, #tpu.memory_space<hbm>> -> memref<1x1x40xi32, #tpu.memory_space<hbm>>
        %dma_start3A_233 = tpu.memref_squeeze %dma_start3A_232 : memref<1x1x40xi32, #tpu.memory_space<hbm>> -> memref<40xi32, #tpu.memory_space<hbm>>
        %dma_start3A_234 = arith.constant 0 : i32
        %dma_start3A_235 = tpu.memref_slice %arg5[%add3A, %add3A_230, %dma_start3A_234] : memref<32x250x40xi32, #tpu.memory_space<hbm>> -> memref<1x1x40xi32, #tpu.memory_space<hbm>>
        %dma_start3A_236 = tpu.memref_squeeze %dma_start3A_235 : memref<1x1x40xi32, #tpu.memory_space<hbm>> -> memref<40xi32, #tpu.memory_space<hbm>>
        tpu.enqueue_dma source(%dma_start3A_236 : memref<40xi32, #tpu.memory_space<hbm>>) target(%arg9 : memref<40xi32, #tpu.memory_space<vmem>>) target_semaphore(%arg22 : memref<!tpu.dma_semaphore, #tpu.memory_space<semaphore_mem>>)
      } else {
      }
      %scan3A_191 = arith.constant 0 : i32
      %scan3A_192 = arith.constant 0 : i32
      %scan3A_193 = arith.constant 40 : i32
      %scan3A_194 = arith.addi %scan3A_192, %scan3A_193 : i32
      %scan3A_195 = arith.constant 1 : i32
      %scan3A_196 = scf.for %scan3A_208 = %scan3A_192 to %scan3A_194 step %scan3A_195 iter_args(%scan3A_209 = %scan3A_191) -> (i32)  : i32 {
        %get3A = arith.index_cast %scan3A_208 : i32 to index
        %get3A_210 = arith.constant 0 : index
        %get3A_211 = tpu.vector_load %arg12[%get3A, %get3A_210] {strides = array<i32>} : memref<40x128xf32, #tpu.memory_space<vmem>>, vector<1x16xf32>,
        %get3A_212 = vector.shape_cast %get3A_211 : vector<1x16xf32> to vector<16xf32>
        %get3A_213 = arith.index_cast %scan3A_208 : i32 to index
        %get3A_214 = arith.constant 0 : index
        %get3A_215 = tpu.vector_load %arg14[%get3A_213, %get3A_214] {strides = array<i32>} : memref<40x128xf32, #tpu.memory_space<vmem>>, vector<1x16xf32>,
        %get3A_216 = vector.shape_cast %get3A_215 : vector<1x16xf32> to vector<16xf32>
        %add3A_217 = arith.addf %get3A_212, %get3A_216 : vector<16xf32>
        %max3A = arith.constant 0.000000e+00 : f32
        %max3A_218 = vector.broadcast %max3A : f32 to vector<16xf32>
        %max3A_219 = arith.maximumf %add3A_217, %max3A_218 : vector<16xf32>
        %swap3A = arith.index_cast %scan3A_208 : i32 to index
        %swap3A_220 = arith.constant 0 : index
        %swap3A_221 = tpu.vector_load %arg12[%swap3A, %swap3A_220] {strides = array<i32>} : memref<40x128xf32, #tpu.memory_space<vmem>>, vector<1x16xf32>,
        %swap3A_222 = vector.shape_cast %swap3A_221 : vector<1x16xf32> to vector<16xf32>
        %swap3A_223 = vector.shape_cast %max3A_219 : vector<16xf32> to vector<1x16xf32>
        tpu.vector_store %arg12[%swap3A, %swap3A_220], %swap3A_223 {strides = array<i32>} : memref<40x128xf32, #tpu.memory_space<vmem>>, vector<1x16xf32>,
        %get3A_224 = arith.index_cast %scan3A_208 : i32 to index
        %get3A_225 = arith.constant 16 : index
        %get3A_226 = tpu.vector_load %arg12[%get3A_224, %get3A_225] {strides = array<i32>} : memref<40x128xf32, #tpu.memory_space<vmem>>, vector<1x16xf32>,
        %get3A_227 = vector.shape_cast %get3A_226 : vector<1x16xf32> to vector<16xf32>
        %get3A_228 = arith.index_cast %scan3A_208 : i32 to index
        %get3A_229 = arith.constant 16 : index
        %get3A_230 = tpu.vector_load %arg14[%get3A_228, %get3A_229] {strides = array<i32>} : memref<40x128xf32, #tpu.memory_space<vmem>>, vector<1x16xf32>,
        %get3A_231 = vector.shape_cast %get3A_230 : vector<1x16xf32> to vector<16xf32>
        %add3A_232 = arith.addf %get3A_227, %get3A_231 : vector<16xf32>
        %max3A_233 = arith.constant 0.000000e+00 : f32
        %max3A_234 = vector.broadcast %max3A_233 : f32 to vector<16xf32>
        %max3A_235 = arith.maximumf %add3A_232, %max3A_234 : vector<16xf32>
        %swap3A_236 = arith.index_cast %scan3A_208 : i32 to index
        %swap3A_237 = arith.constant 16 : index
        %swap3A_238 = tpu.vector_load %arg12[%swap3A_236, %swap3A_237] {strides = array<i32>} : memref<40x128xf32, #tpu.memory_space<vmem>>, vector<1x16xf32>,
        %swap3A_239 = vector.shape_cast %swap3A_238 : vector<1x16xf32> to vector<16xf32>
        %swap3A_240 = vector.shape_cast %max3A_235 : vector<16xf32> to vector<1x16xf32>
        tpu.vector_store %arg12[%swap3A_236, %swap3A_237], %swap3A_240 {strides = array<i32>} : memref<40x128xf32, #tpu.memory_space<vmem>>, vector<1x16xf32>,
        %get3A_241 = arith.index_cast %scan3A_208 : i32 to index
        %get3A_242 = arith.constant 32 : index
        %get3A_243 = tpu.vector_load %arg12[%get3A_241, %get3A_242] {strides = array<i32>} : memref<40x128xf32, #tpu.memory_space<vmem>>, vector<1x16xf32>,
        %get3A_244 = vector.shape_cast %get3A_243 : vector<1x16xf32> to vector<16xf32>
        %get3A_245 = arith.index_cast %scan3A_208 : i32 to index
        %get3A_246 = arith.constant 32 : index
        %get3A_247 = tpu.vector_load %arg14[%get3A_245, %get3A_246] {strides = array<i32>} : memref<40x128xf32, #tpu.memory_space<vmem>>, vector<1x16xf32>,
        %get3A_248 = vector.shape_cast %get3A_247 : vector<1x16xf32> to vector<16xf32>
        %add3A_249 = arith.addf %get3A_244, %get3A_248 : vector<16xf32>
        %max3A_250 = arith.constant 0.000000e+00 : f32
        %max3A_251 = vector.broadcast %max3A_250 : f32 to vector<16xf32>
        %max3A_252 = arith.maximumf %add3A_249, %max3A_251 : vector<16xf32>
        %swap3A_253 = arith.index_cast %scan3A_208 : i32 to index
        %swap3A_254 = arith.constant 32 : index
        %swap3A_255 = tpu.vector_load %arg12[%swap3A_253, %swap3A_254] {strides = array<i32>} : memref<40x128xf32, #tpu.memory_space<vmem>>, vector<1x16xf32>,
        %swap3A_256 = vector.shape_cast %swap3A_255 : vector<1x16xf32> to vector<16xf32>
        %swap3A_257 = vector.shape_cast %max3A_252 : vector<16xf32> to vector<1x16xf32>
        tpu.vector_store %arg12[%swap3A_253, %swap3A_254], %swap3A_257 {strides = array<i32>} : memref<40x128xf32, #tpu.memory_space<vmem>>, vector<1x16xf32>,
        %get3A_258 = arith.index_cast %scan3A_208 : i32 to index
        %get3A_259 = arith.constant 48 : index
        %get3A_260 = tpu.vector_load %arg12[%get3A_258, %get3A_259] {strides = array<i32>} : memref<40x128xf32, #tpu.memory_space<vmem>>, vector<1x16xf32>,
        %get3A_261 = vector.shape_cast %get3A_260 : vector<1x16xf32> to vector<16xf32>
        %get3A_262 = arith.index_cast %scan3A_208 : i32 to index
        %get3A_263 = arith.constant 48 : index
        %get3A_264 = tpu.vector_load %arg14[%get3A_262, %get3A_263] {strides = array<i32>} : memref<40x128xf32, #tpu.memory_space<vmem>>, vector<1x16xf32>,
        %get3A_265 = vector.shape_cast %get3A_264 : vector<1x16xf32> to vector<16xf32>
        %add3A_266 = arith.addf %get3A_261, %get3A_265 : vector<16xf32>
        %max3A_267 = arith.constant 0.000000e+00 : f32
        %max3A_268 = vector.broadcast %max3A_267 : f32 to vector<16xf32>
        %max3A_269 = arith.maximumf %add3A_266, %max3A_268 : vector<16xf32>
        %swap3A_270 = arith.index_cast %scan3A_208 : i32 to index
        %swap3A_271 = arith.constant 48 : index
        %swap3A_272 = tpu.vector_load %arg12[%swap3A_270, %swap3A_271] {strides = array<i32>} : memref<40x128xf32, #tpu.memory_space<vmem>>, vector<1x16xf32>,
        %swap3A_273 = vector.shape_cast %swap3A_272 : vector<1x16xf32> to vector<16xf32>
        %swap3A_274 = vector.shape_cast %max3A_269 : vector<16xf32> to vector<1x16xf32>
        tpu.vector_store %arg12[%swap3A_270, %swap3A_271], %swap3A_274 {strides = array<i32>} : memref<40x128xf32, #tpu.memory_space<vmem>>, vector<1x16xf32>,
        %get3A_275 = arith.index_cast %scan3A_208 : i32 to index
        %get3A_276 = arith.constant 64 : index
        %get3A_277 = tpu.vector_load %arg12[%get3A_275, %get3A_276] {strides = array<i32>} : memref<40x128xf32, #tpu.memory_space<vmem>>, vector<1x16xf32>,
        %get3A_278 = vector.shape_cast %get3A_277 : vector<1x16xf32> to vector<16xf32>
        %get3A_279 = arith.index_cast %scan3A_208 : i32 to index
        %get3A_280 = arith.constant 64 : index
        %get3A_281 = tpu.vector_load %arg14[%get3A_279, %get3A_280] {strides = array<i32>} : memref<40x128xf32, #tpu.memory_space<vmem>>, vector<1x16xf32>,
        %get3A_282 = vector.shape_cast %get3A_281 : vector<1x16xf32> to vector<16xf32>
        %add3A_283 = arith.addf %get3A_278, %get3A_282 : vector<16xf32>
        %max3A_284 = arith.constant 0.000000e+00 : f32
        %max3A_285 = vector.broadcast %max3A_284 : f32 to vector<16xf32>
        %max3A_286 = arith.maximumf %add3A_283, %max3A_285 : vector<16xf32>
        %swap3A_287 = arith.index_cast %scan3A_208 : i32 to index
        %swap3A_288 = arith.constant 64 : index
        %swap3A_289 = tpu.vector_load %arg12[%swap3A_287, %swap3A_288] {strides = array<i32>} : memref<40x128xf32, #tpu.memory_space<vmem>>, vector<1x16xf32>,
        %swap3A_290 = vector.shape_cast %swap3A_289 : vector<1x16xf32> to vector<16xf32>
        %swap3A_291 = vector.shape_cast %max3A_286 : vector<16xf32> to vector<1x16xf32>
        tpu.vector_store %arg12[%swap3A_287, %swap3A_288], %swap3A_291 {strides = array<i32>} : memref<40x128xf32, #tpu.memory_space<vmem>>, vector<1x16xf32>,
        %get3A_292 = arith.index_cast %scan3A_208 : i32 to index
        %get3A_293 = arith.constant 80 : index
        %get3A_294 = tpu.vector_load %arg12[%get3A_292, %get3A_293] {strides = array<i32>} : memref<40x128xf32, #tpu.memory_space<vmem>>, vector<1x16xf32>,
        %get3A_295 = vector.shape_cast %get3A_294 : vector<1x16xf32> to vector<16xf32>
        %get3A_296 = arith.index_cast %scan3A_208 : i32 to index
        %get3A_297 = arith.constant 80 : index
        %get3A_298 = tpu.vector_load %arg14[%get3A_296, %get3A_297] {strides = array<i32>} : memref<40x128xf32, #tpu.memory_space<vmem>>, vector<1x16xf32>,
        %get3A_299 = vector.shape_cast %get3A_298 : vector<1x16xf32> to vector<16xf32>
        %add3A_300 = arith.addf %get3A_295, %get3A_299 : vector<16xf32>
        %max3A_301 = arith.constant 0.000000e+00 : f32
        %max3A_302 = vector.broadcast %max3A_301 : f32 to vector<16xf32>
        %max3A_303 = arith.maximumf %add3A_300, %max3A_302 : vector<16xf32>
        %swap3A_304 = arith.index_cast %scan3A_208 : i32 to index
        %swap3A_305 = arith.constant 80 : index
        %swap3A_306 = tpu.vector_load %arg12[%swap3A_304, %swap3A_305] {strides = array<i32>} : memref<40x128xf32, #tpu.memory_space<vmem>>, vector<1x16xf32>,
        %swap3A_307 = vector.shape_cast %swap3A_306 : vector<1x16xf32> to vector<16xf32>
        %swap3A_308 = vector.shape_cast %max3A_303 : vector<16xf32> to vector<1x16xf32>
        tpu.vector_store %arg12[%swap3A_304, %swap3A_305], %swap3A_308 {strides = array<i32>} : memref<40x128xf32, #tpu.memory_space<vmem>>, vector<1x16xf32>,
        %get3A_309 = arith.index_cast %scan3A_208 : i32 to index
        %get3A_310 = arith.constant 96 : index
        %get3A_311 = tpu.vector_load %arg12[%get3A_309, %get3A_310] {strides = array<i32>} : memref<40x128xf32, #tpu.memory_space<vmem>>, vector<1x16xf32>,
        %get3A_312 = vector.shape_cast %get3A_311 : vector<1x16xf32> to vector<16xf32>
        %get3A_313 = arith.index_cast %scan3A_208 : i32 to index
        %get3A_314 = arith.constant 96 : index
        %get3A_315 = tpu.vector_load %arg14[%get3A_313, %get3A_314] {strides = array<i32>} : memref<40x128xf32, #tpu.memory_space<vmem>>, vector<1x16xf32>,
        %get3A_316 = vector.shape_cast %get3A_315 : vector<1x16xf32> to vector<16xf32>
        %add3A_317 = arith.addf %get3A_312, %get3A_316 : vector<16xf32>
        %max3A_318 = arith.constant 0.000000e+00 : f32
        %max3A_319 = vector.broadcast %max3A_318 : f32 to vector<16xf32>
        %max3A_320 = arith.maximumf %add3A_317, %max3A_319 : vector<16xf32>
        %swap3A_321 = arith.index_cast %scan3A_208 : i32 to index
        %swap3A_322 = arith.constant 96 : index
        %swap3A_323 = tpu.vector_load %arg12[%swap3A_321, %swap3A_322] {strides = array<i32>} : memref<40x128xf32, #tpu.memory_space<vmem>>, vector<1x16xf32>,
        %swap3A_324 = vector.shape_cast %swap3A_323 : vector<1x16xf32> to vector<16xf32>
        %swap3A_325 = vector.shape_cast %max3A_320 : vector<16xf32> to vector<1x16xf32>
        tpu.vector_store %arg12[%swap3A_321, %swap3A_322], %swap3A_325 {strides = array<i32>} : memref<40x128xf32, #tpu.memory_space<vmem>>, vector<1x16xf32>,
        %get3A_326 = arith.index_cast %scan3A_208 : i32 to index
        %get3A_327 = arith.constant 112 : index
        %get3A_328 = tpu.vector_load %arg12[%get3A_326, %get3A_327] {strides = array<i32>} : memref<40x128xf32, #tpu.memory_space<vmem>>, vector<1x16xf32>,
        %get3A_329 = vector.shape_cast %get3A_328 : vector<1x16xf32> to vector<16xf32>
        %get3A_330 = arith.index_cast %scan3A_208 : i32 to index
        %get3A_331 = arith.constant 112 : index
        %get3A_332 = tpu.vector_load %arg14[%get3A_330, %get3A_331] {strides = array<i32>} : memref<40x128xf32, #tpu.memory_space<vmem>>, vector<1x16xf32>,
        %get3A_333 = vector.shape_cast %get3A_332 : vector<1x16xf32> to vector<16xf32>
        %add3A_334 = arith.addf %get3A_329, %get3A_333 : vector<16xf32>
        %max3A_335 = arith.constant 0.000000e+00 : f32
        %max3A_336 = vector.broadcast %max3A_335 : f32 to vector<16xf32>
        %max3A_337 = arith.maximumf %add3A_334, %max3A_336 : vector<16xf32>
        %swap3A_338 = arith.index_cast %scan3A_208 : i32 to index
        %swap3A_339 = arith.constant 112 : index
        %swap3A_340 = tpu.vector_load %arg12[%swap3A_338, %swap3A_339] {strides = array<i32>} : memref<40x128xf32, #tpu.memory_space<vmem>>, vector<1x16xf32>,
        %swap3A_341 = vector.shape_cast %swap3A_340 : vector<1x16xf32> to vector<16xf32>
        %swap3A_342 = vector.shape_cast %max3A_337 : vector<16xf32> to vector<1x16xf32>
        tpu.vector_store %arg12[%swap3A_338, %swap3A_339], %swap3A_342 {strides = array<i32>} : memref<40x128xf32, #tpu.memory_space<vmem>>, vector<1x16xf32>,
        %scan3A_343 = arith.constant 0 : i32
        scf.yield %scan3A_343 : i32
      }
      %scan3A_197 = arith.constant 40 : i32
      %dma_wait3A_198 = arith.constant 0 : i32
      %dma_wait3A_199 = tpu.memref_slice %arg5[%add3A, %add3A_160, %dma_wait3A_198] : memref<32x250x40xi32, #tpu.memory_space<hbm>> -> memref<1x1x40xi32, #tpu.memory_space<hbm>>
      %dma_wait3A_200 = tpu.memref_squeeze %dma_wait3A_199 : memref<1x1x40xi32, #tpu.memory_space<hbm>> -> memref<40xi32, #tpu.memory_space<hbm>>
      %dma_wait3A_201 = arith.constant 0 : i32
      %dma_wait3A_202 = tpu.memref_slice %arg5[%add3A, %add3A_160, %dma_wait3A_201] : memref<32x250x40xi32, #tpu.memory_space<hbm>> -> memref<1x1x40xi32, #tpu.memory_space<hbm>>
      %dma_wait3A_203 = tpu.memref_squeeze %dma_wait3A_202 : memref<1x1x40xi32, #tpu.memory_space<hbm>> -> memref<40xi32, #tpu.memory_space<hbm>>
      tpu.wait_dma2 semaphore(%arg23 : memref<!tpu.dma_semaphore, #tpu.memory_space<semaphore_mem>>) src(%dma_wait3A_203 : memref<40xi32, #tpu.memory_space<hbm>>) dst(%arg10 : memref<40xi32, #tpu.memory_space<vmem>>)
      %dma_start3A_204 = arith.constant 0 : i32
      %dma_start3A_205 = arith.constant 0 : i32
      %dma_start3A_206 = tpu.memref_slice %arg15[%dma_start3A_204, %dma_start3A_205] : memref<10000x128xf32, #tpu.memory_space<vmem_shared>> -> memref<10000x128xf32, #tpu.memory_space<vmem_shared>>
      tpu.enqueue_indirect_dma source(%arg12 : memref<40x128xf32, #tpu.memory_space<vmem>>) target(%dma_start3A_206 : memref<10000x128xf32, #tpu.memory_space<vmem_shared>>) offsets(%arg10 : memref<40xi32, #tpu.memory_space<vmem>>) semaphore(%arg25 : memref<!tpu.dma_semaphore, #tpu.memory_space<semaphore_mem>>) {add = true}
      %scan3A_207 = arith.constant 0 : i32
      scf.yield %scan3A_207 : i32
    }
    %scan3A_103 = arith.constant 125 : i32
    %dma_wait3A = arith.constant 0 : i32
    %dma_wait3A_104 = arith.constant 0 : i32
    %dma_wait3A_105 = tpu.memref_slice %arg15[%dma_wait3A, %dma_wait3A_104] : memref<10000x128xf32, #tpu.memory_space<vmem_shared>> -> memref<10000x128xf32, #tpu.memory_space<vmem_shared>>
    tpu.wait_indirect_dma semaphore(%arg25 : memref<!tpu.dma_semaphore, #tpu.memory_space<semaphore_mem>>) src(%arg12 : memref<40x128xf32, #tpu.memory_space<vmem>>) dst(%dma_wait3A_105 : memref<10000x128xf32, #tpu.memory_space<vmem_shared>>)
    %barrier3A_106 = arith.constant 0 : index
    tpu.barrier barrier_id(%barrier3A_106)
    %mul3A_107 = arith.constant 625 : i32
    %mul3A_108 = arith.muli %arg1, %mul3A_107 : i32
    "tpu.region"() ({
      %run_scoped3A_109 = tpu.sem_alloc : memref<!tpu.dma_semaphore, #tpu.memory_space<semaphore_mem>>
      %dma_start3A_110 = arith.constant 0 : i32
      %dma_start3A_111 = arith.constant 0 : i32
      %dma_start3A_112 = tpu.memref_slice %arg6[%add3A, %dma_start3A_110, %dma_start3A_111] : memref<32x625x128xf32, #tpu.memory_space<hbm>> -> memref<1x625x128xf32, #tpu.memory_space<hbm>>
      %dma_start3A_113 = tpu.memref_squeeze %dma_start3A_112 : memref<1x625x128xf32, #tpu.memory_space<hbm>> -> memref<625x128xf32, #tpu.memory_space<hbm>>
      %dma_start3A_114 = arith.constant 0 : i32
      %dma_start3A_115 = tpu.memref_slice %arg15[%mul3A_108, %dma_start3A_114] : memref<10000x128xf32, #tpu.memory_space<vmem_shared>> -> memref<625x128xf32, #tpu.memory_space<vmem_shared>>
      tpu.enqueue_dma source(%dma_start3A_115 : memref<625x128xf32, #tpu.memory_space<vmem_shared>>) target(%dma_start3A_113 : memref<625x128xf32, #tpu.memory_space<hbm>>) target_semaphore(%run_scoped3A_109 : memref<!tpu.dma_semaphore, #tpu.memory_space<semaphore_mem>>)
      %dma_wait3A_116 = arith.constant 0 : i32
      %dma_wait3A_117 = arith.constant 0 : i32
      %dma_wait3A_118 = tpu.memref_slice %arg6[%add3A, %dma_wait3A_116, %dma_wait3A_117] : memref<32x625x128xf32, #tpu.memory_space<hbm>> -> memref<1x625x128xf32, #tpu.memory_space<hbm>>
      %dma_wait3A_119 = tpu.memref_squeeze %dma_wait3A_118 : memref<1x625x128xf32, #tpu.memory_space<hbm>> -> memref<625x128xf32, #tpu.memory_space<hbm>>
      %dma_wait3A_120 = arith.constant 0 : i32
      %dma_wait3A_121 = tpu.memref_slice %arg15[%mul3A_108, %dma_wait3A_120] : memref<10000x128xf32, #tpu.memory_space<vmem_shared>> -> memref<625x128xf32, #tpu.memory_space<vmem_shared>>
      tpu.wait_dma2 semaphore(%run_scoped3A_109 : memref<!tpu.dma_semaphore, #tpu.memory_space<semaphore_mem>>) src(%dma_wait3A_121 : memref<625x128xf32, #tpu.memory_space<vmem_shared>>) dst(%dma_wait3A_119 : memref<625x128xf32, #tpu.memory_space<hbm>>)
      tpu.yield
    }) : () -> ()
    return
  }
}

#map = affine_map<(d0, d1) -> (0, 0)>
#map1 = affine_map<(d0, d1) -> (0, 0, 0, 0)>
#map2 = affine_map<(d0, d1) -> (0, 0, 0)>
module attributes {stable_mosaic.version = 14 : i64} {
  func.func @_sc_edge_body(%arg0: i32, %arg1: i32, %arg2: memref<10000x128xf32, #tpu.memory_space<hbm>>, %arg3: memref<32x250x40x128xf32, #tpu.memory_space<hbm>>, %arg4: memref<32x250x40xi32, #tpu.memory_space<hbm>>, %arg5: memref<32x250x40xi32, #tpu.memory_space<hbm>>, %arg6: memref<32x625x128xf32, #tpu.memory_space<hbm>>, %arg7: memref<40xi32, #tpu.memory_space<vmem>>, %arg8: memref<40xi32, #tpu.memory_space<vmem>>, %arg9: memref<40xi32, #tpu.memory_space<vmem>>, %arg10: memref<40xi32, #tpu.memory_space<vmem>>, %arg11: memref<40x128xf32, #tpu.memory_space<vmem>>, %arg12: memref<40x128xf32, #tpu.memory_space<vmem>>, %arg13: memref<40x128xf32, #tpu.memory_space<vmem>>, %arg14: memref<40x128xf32, #tpu.memory_space<vmem>>, %arg15: memref<10000x128xf32, #tpu.memory_space<vmem_shared>>, %arg16: memref<!tpu.dma_semaphore, #tpu.memory_space<semaphore_mem>>, %arg17: memref<!tpu.dma_semaphore, #tpu.memory_space<semaphore_mem>>, %arg18: memref<!tpu.dma_semaphore, #tpu.memory_space<semaphore_mem>>, %arg19: memref<!tpu.dma_semaphore, #tpu.memory_space<semaphore_mem>>, %arg20: memref<!tpu.dma_semaphore, #tpu.memory_space<semaphore_mem>>, %arg21: memref<!tpu.dma_semaphore, #tpu.memory_space<semaphore_mem>>, %arg22: memref<!tpu.dma_semaphore, #tpu.memory_space<semaphore_mem>>, %arg23: memref<!tpu.dma_semaphore, #tpu.memory_space<semaphore_mem>>, %arg24: memref<!tpu.dma_semaphore, #tpu.memory_space<semaphore_mem>>, %arg25: memref<!tpu.dma_semaphore, #tpu.memory_space<semaphore_mem>>) attributes {dimension_semantics = [#tpu.dimension_semantics<core_parallel>, #tpu.dimension_semantics<subcore_parallel>], iteration_bounds = array<i64: 2, 16>, scalar_prefetch = 0 : i64, scratch_operands = 19 : i64, tpu.core_type = #tpu.core_type<sc_vector_subcore>, window_params = [{transform_indices = #map}, {transform_indices = #map1}, {transform_indices = #map2}, {transform_indices = #map2}, {transform_indices = #map2}]} {
    %mul3A = arith.constant 16 : i32
    %mul3A_0 = arith.muli %arg0, %mul3A : i32
    %add3A = arith.addi %mul3A_0, %arg1 : i32
    %broadcast_in_dim3A = arith.constant 0.000000e+00 : f32
    %broadcast_in_dim3A_1 = vector.broadcast %broadcast_in_dim3A : f32 to vector<16xf32>
    %scan3A = arith.constant 0 : i32
    %scan3A_2 = arith.constant 0 : i32
    %scan3A_3 = arith.constant 40 : i32
    %scan3A_4 = arith.addi %scan3A_2, %scan3A_3 : i32
    %scan3A_5 = arith.constant 1 : i32
    %scan3A_6 = scf.for %scan3A_109 = %scan3A_2 to %scan3A_4 step %scan3A_5 iter_args(%scan3A_110 = %scan3A) -> (i32)  : i32 {
      %swap3A = arith.index_cast %scan3A_109 : i32 to index
      %swap3A_111 = arith.constant 0 : index
      %swap3A_112 = tpu.vector_load %arg11[%swap3A, %swap3A_111] {strides = array<i32>} : memref<40x128xf32, #tpu.memory_space<vmem>>, vector<1x16xf32>,
      %swap3A_113 = vector.shape_cast %swap3A_112 : vector<1x16xf32> to vector<16xf32>
      %swap3A_114 = vector.shape_cast %broadcast_in_dim3A_1 : vector<16xf32> to vector<1x16xf32>
      tpu.vector_store %arg11[%swap3A, %swap3A_111], %swap3A_114 {strides = array<i32>} : memref<40x128xf32, #tpu.memory_space<vmem>>, vector<1x16xf32>,
      %swap3A_115 = arith.index_cast %scan3A_109 : i32 to index
      %swap3A_116 = arith.constant 16 : index
      %swap3A_117 = tpu.vector_load %arg11[%swap3A_115, %swap3A_116] {strides = array<i32>} : memref<40x128xf32, #tpu.memory_space<vmem>>, vector<1x16xf32>,
      %swap3A_118 = vector.shape_cast %swap3A_117 : vector<1x16xf32> to vector<16xf32>
      %swap3A_119 = vector.shape_cast %broadcast_in_dim3A_1 : vector<16xf32> to vector<1x16xf32>
      tpu.vector_store %arg11[%swap3A_115, %swap3A_116], %swap3A_119 {strides = array<i32>} : memref<40x128xf32, #tpu.memory_space<vmem>>, vector<1x16xf32>,
      %swap3A_120 = arith.index_cast %scan3A_109 : i32 to index
      %swap3A_121 = arith.constant 32 : index
      %swap3A_122 = tpu.vector_load %arg11[%swap3A_120, %swap3A_121] {strides = array<i32>} : memref<40x128xf32, #tpu.memory_space<vmem>>, vector<1x16xf32>,
      %swap3A_123 = vector.shape_cast %swap3A_122 : vector<1x16xf32> to vector<16xf32>
      %swap3A_124 = vector.shape_cast %broadcast_in_dim3A_1 : vector<16xf32> to vector<1x16xf32>
      tpu.vector_store %arg11[%swap3A_120, %swap3A_121], %swap3A_124 {strides = array<i32>} : memref<40x128xf32, #tpu.memory_space<vmem>>, vector<1x16xf32>,
      %swap3A_125 = arith.index_cast %scan3A_109 : i32 to index
      %swap3A_126 = arith.constant 48 : index
      %swap3A_127 = tpu.vector_load %arg11[%swap3A_125, %swap3A_126] {strides = array<i32>} : memref<40x128xf32, #tpu.memory_space<vmem>>, vector<1x16xf32>,
      %swap3A_128 = vector.shape_cast %swap3A_127 : vector<1x16xf32> to vector<16xf32>
      %swap3A_129 = vector.shape_cast %broadcast_in_dim3A_1 : vector<16xf32> to vector<1x16xf32>
      tpu.vector_store %arg11[%swap3A_125, %swap3A_126], %swap3A_129 {strides = array<i32>} : memref<40x128xf32, #tpu.memory_space<vmem>>, vector<1x16xf32>,
      %swap3A_130 = arith.index_cast %scan3A_109 : i32 to index
      %swap3A_131 = arith.constant 64 : index
      %swap3A_132 = tpu.vector_load %arg11[%swap3A_130, %swap3A_131] {strides = array<i32>} : memref<40x128xf32, #tpu.memory_space<vmem>>, vector<1x16xf32>,
      %swap3A_133 = vector.shape_cast %swap3A_132 : vector<1x16xf32> to vector<16xf32>
      %swap3A_134 = vector.shape_cast %broadcast_in_dim3A_1 : vector<16xf32> to vector<1x16xf32>
      tpu.vector_store %arg11[%swap3A_130, %swap3A_131], %swap3A_134 {strides = array<i32>} : memref<40x128xf32, #tpu.memory_space<vmem>>, vector<1x16xf32>,
      %swap3A_135 = arith.index_cast %scan3A_109 : i32 to index
      %swap3A_136 = arith.constant 80 : index
      %swap3A_137 = tpu.vector_load %arg11[%swap3A_135, %swap3A_136] {strides = array<i32>} : memref<40x128xf32, #tpu.memory_space<vmem>>, vector<1x16xf32>,
      %swap3A_138 = vector.shape_cast %swap3A_137 : vector<1x16xf32> to vector<16xf32>
      %swap3A_139 = vector.shape_cast %broadcast_in_dim3A_1 : vector<16xf32> to vector<1x16xf32>
      tpu.vector_store %arg11[%swap3A_135, %swap3A_136], %swap3A_139 {strides = array<i32>} : memref<40x128xf32, #tpu.memory_space<vmem>>, vector<1x16xf32>,
      %swap3A_140 = arith.index_cast %scan3A_109 : i32 to index
      %swap3A_141 = arith.constant 96 : index
      %swap3A_142 = tpu.vector_load %arg11[%swap3A_140, %swap3A_141] {strides = array<i32>} : memref<40x128xf32, #tpu.memory_space<vmem>>, vector<1x16xf32>,
      %swap3A_143 = vector.shape_cast %swap3A_142 : vector<1x16xf32> to vector<16xf32>
      %swap3A_144 = vector.shape_cast %broadcast_in_dim3A_1 : vector<16xf32> to vector<1x16xf32>
      tpu.vector_store %arg11[%swap3A_140, %swap3A_141], %swap3A_144 {strides = array<i32>} : memref<40x128xf32, #tpu.memory_space<vmem>>, vector<1x16xf32>,
      %swap3A_145 = arith.index_cast %scan3A_109 : i32 to index
      %swap3A_146 = arith.constant 112 : index
      %swap3A_147 = tpu.vector_load %arg11[%swap3A_145, %swap3A_146] {strides = array<i32>} : memref<40x128xf32, #tpu.memory_space<vmem>>, vector<1x16xf32>,
      %swap3A_148 = vector.shape_cast %swap3A_147 : vector<1x16xf32> to vector<16xf32>
      %swap3A_149 = vector.shape_cast %broadcast_in_dim3A_1 : vector<16xf32> to vector<1x16xf32>
      tpu.vector_store %arg11[%swap3A_145, %swap3A_146], %swap3A_149 {strides = array<i32>} : memref<40x128xf32, #tpu.memory_space<vmem>>, vector<1x16xf32>,
      %scan3A_150 = arith.constant 0 : i32
      scf.yield %scan3A_150 : i32
    }
    %scan3A_7 = arith.constant 40 : i32
    %mul3A_8 = arith.constant 625 : i32
    %mul3A_9 = arith.muli %arg1, %mul3A_8 : i32
    %add3A_10 = arith.constant 0 : i32
    %add3A_11 = arith.addi %mul3A_9, %add3A_10 : i32
    "tpu.region"() ({
      %run_scoped3A_109 = tpu.sem_alloc : memref<!tpu.dma_semaphore, #tpu.memory_space<semaphore_mem>>
      %dma_start3A_110 = arith.constant 0 : i32
      %dma_start3A_111 = tpu.memref_slice %arg15[%add3A_11, %dma_start3A_110] : memref<10000x128xf32, #tpu.memory_space<vmem_shared>> -> memref<40x128xf32, #tpu.memory_space<vmem_shared>>
      %dma_start3A_112 = arith.constant 0 : i32
      %dma_start3A_113 = tpu.memref_slice %arg15[%add3A_11, %dma_start3A_112] : memref<10000x128xf32, #tpu.memory_space<vmem_shared>> -> memref<40x128xf32, #tpu.memory_space<vmem_shared>>
      tpu.enqueue_dma source(%arg11 : memref<40x128xf32, #tpu.memory_space<vmem>>) target(%dma_start3A_113 : memref<40x128xf32, #tpu.memory_space<vmem_shared>>) target_semaphore(%run_scoped3A_109 : memref<!tpu.dma_semaphore, #tpu.memory_space<semaphore_mem>>)
      %dma_wait3A_114 = arith.constant 0 : i32
      %dma_wait3A_115 = tpu.memref_slice %arg15[%add3A_11, %dma_wait3A_114] : memref<10000x128xf32, #tpu.memory_space<vmem_shared>> -> memref<40x128xf32, #tpu.memory_space<vmem_shared>>
      %dma_wait3A_116 = arith.constant 0 : i32
      %dma_wait3A_117 = tpu.memref_slice %arg15[%add3A_11, %dma_wait3A_116] : memref<10000x128xf32, #tpu.memory_space<vmem_shared>> -> memref<40x128xf32, #tpu.memory_space<vmem_shared>>
      tpu.wait_dma2 semaphore(%run_scoped3A_109 : memref<!tpu.dma_semaphore, #tpu.memory_space<semaphore_mem>>) src(%arg11 : memref<40x128xf32, #tpu.memory_space<vmem>>) dst(%dma_wait3A_117 : memref<40x128xf32, #tpu.memory_space<vmem_shared>>)
      tpu.yield
    }) : () -> ()
    %mul3A_12 = arith.constant 625 : i32
    %mul3A_13 = arith.muli %arg1, %mul3A_12 : i32
    %add3A_14 = arith.constant 40 : i32
    %add3A_15 = arith.addi %mul3A_13, %add3A_14 : i32
    "tpu.region"() ({
      %run_scoped3A_109 = tpu.sem_alloc : memref<!tpu.dma_semaphore, #tpu.memory_space<semaphore_mem>>
      %dma_start3A_110 = arith.constant 0 : i32
      %dma_start3A_111 = tpu.memref_slice %arg15[%add3A_15, %dma_start3A_110] : memref<10000x128xf32, #tpu.memory_space<vmem_shared>> -> memref<40x128xf32, #tpu.memory_space<vmem_shared>>
      %dma_start3A_112 = arith.constant 0 : i32
      %dma_start3A_113 = tpu.memref_slice %arg15[%add3A_15, %dma_start3A_112] : memref<10000x128xf32, #tpu.memory_space<vmem_shared>> -> memref<40x128xf32, #tpu.memory_space<vmem_shared>>
      tpu.enqueue_dma source(%arg11 : memref<40x128xf32, #tpu.memory_space<vmem>>) target(%dma_start3A_113 : memref<40x128xf32, #tpu.memory_space<vmem_shared>>) target_semaphore(%run_scoped3A_109 : memref<!tpu.dma_semaphore, #tpu.memory_space<semaphore_mem>>)
      %dma_wait3A_114 = arith.constant 0 : i32
      %dma_wait3A_115 = tpu.memref_slice %arg15[%add3A_15, %dma_wait3A_114] : memref<10000x128xf32, #tpu.memory_space<vmem_shared>> -> memref<40x128xf32, #tpu.memory_space<vmem_shared>>
      %dma_wait3A_116 = arith.constant 0 : i32
      %dma_wait3A_117 = tpu.memref_slice %arg15[%add3A_15, %dma_wait3A_116] : memref<10000x128xf32, #tpu.memory_space<vmem_shared>> -> memref<40x128xf32, #tpu.memory_space<vmem_shared>>
      tpu.wait_dma2 semaphore(%run_scoped3A_109 : memref<!tpu.dma_semaphore, #tpu.memory_space<semaphore_mem>>) src(%arg11 : memref<40x128xf32, #tpu.memory_space<vmem>>) dst(%dma_wait3A_117 : memref<40x128xf32, #tpu.memory_space<vmem_shared>>)
      tpu.yield
    }) : () -> ()
    %mul3A_16 = arith.constant 625 : i32
    %mul3A_17 = arith.muli %arg1, %mul3A_16 : i32
    %add3A_18 = arith.constant 80 : i32
    %add3A_19 = arith.addi %mul3A_17, %add3A_18 : i32
    "tpu.region"() ({
      %run_scoped3A_109 = tpu.sem_alloc : memref<!tpu.dma_semaphore, #tpu.memory_space<semaphore_mem>>
      %dma_start3A_110 = arith.constant 0 : i32
      %dma_start3A_111 = tpu.memref_slice %arg15[%add3A_19, %dma_start3A_110] : memref<10000x128xf32, #tpu.memory_space<vmem_shared>> -> memref<40x128xf32, #tpu.memory_space<vmem_shared>>
      %dma_start3A_112 = arith.constant 0 : i32
      %dma_start3A_113 = tpu.memref_slice %arg15[%add3A_19, %dma_start3A_112] : memref<10000x128xf32, #tpu.memory_space<vmem_shared>> -> memref<40x128xf32, #tpu.memory_space<vmem_shared>>
      tpu.enqueue_dma source(%arg11 : memref<40x128xf32, #tpu.memory_space<vmem>>) target(%dma_start3A_113 : memref<40x128xf32, #tpu.memory_space<vmem_shared>>) target_semaphore(%run_scoped3A_109 : memref<!tpu.dma_semaphore, #tpu.memory_space<semaphore_mem>>)
      %dma_wait3A_114 = arith.constant 0 : i32
      %dma_wait3A_115 = tpu.memref_slice %arg15[%add3A_19, %dma_wait3A_114] : memref<10000x128xf32, #tpu.memory_space<vmem_shared>> -> memref<40x128xf32, #tpu.memory_space<vmem_shared>>
      %dma_wait3A_116 = arith.constant 0 : i32
      %dma_wait3A_117 = tpu.memref_slice %arg15[%add3A_19, %dma_wait3A_116] : memref<10000x128xf32, #tpu.memory_space<vmem_shared>> -> memref<40x128xf32, #tpu.memory_space<vmem_shared>>
      tpu.wait_dma2 semaphore(%run_scoped3A_109 : memref<!tpu.dma_semaphore, #tpu.memory_space<semaphore_mem>>) src(%arg11 : memref<40x128xf32, #tpu.memory_space<vmem>>) dst(%dma_wait3A_117 : memref<40x128xf32, #tpu.memory_space<vmem_shared>>)
      tpu.yield
    }) : () -> ()
    %mul3A_20 = arith.constant 625 : i32
    %mul3A_21 = arith.muli %arg1, %mul3A_20 : i32
    %add3A_22 = arith.constant 120 : i32
    %add3A_23 = arith.addi %mul3A_21, %add3A_22 : i32
    "tpu.region"() ({
      %run_scoped3A_109 = tpu.sem_alloc : memref<!tpu.dma_semaphore, #tpu.memory_space<semaphore_mem>>
      %dma_start3A_110 = arith.constant 0 : i32
      %dma_start3A_111 = tpu.memref_slice %arg15[%add3A_23, %dma_start3A_110] : memref<10000x128xf32, #tpu.memory_space<vmem_shared>> -> memref<40x128xf32, #tpu.memory_space<vmem_shared>>
      %dma_start3A_112 = arith.constant 0 : i32
      %dma_start3A_113 = tpu.memref_slice %arg15[%add3A_23, %dma_start3A_112] : memref<10000x128xf32, #tpu.memory_space<vmem_shared>> -> memref<40x128xf32, #tpu.memory_space<vmem_shared>>
      tpu.enqueue_dma source(%arg11 : memref<40x128xf32, #tpu.memory_space<vmem>>) target(%dma_start3A_113 : memref<40x128xf32, #tpu.memory_space<vmem_shared>>) target_semaphore(%run_scoped3A_109 : memref<!tpu.dma_semaphore, #tpu.memory_space<semaphore_mem>>)
      %dma_wait3A_114 = arith.constant 0 : i32
      %dma_wait3A_115 = tpu.memref_slice %arg15[%add3A_23, %dma_wait3A_114] : memref<10000x128xf32, #tpu.memory_space<vmem_shared>> -> memref<40x128xf32, #tpu.memory_space<vmem_shared>>
      %dma_wait3A_116 = arith.constant 0 : i32
      %dma_wait3A_117 = tpu.memref_slice %arg15[%add3A_23, %dma_wait3A_116] : memref<10000x128xf32, #tpu.memory_space<vmem_shared>> -> memref<40x128xf32, #tpu.memory_space<vmem_shared>>
      tpu.wait_dma2 semaphore(%run_scoped3A_109 : memref<!tpu.dma_semaphore, #tpu.memory_space<semaphore_mem>>) src(%arg11 : memref<40x128xf32, #tpu.memory_space<vmem>>) dst(%dma_wait3A_117 : memref<40x128xf32, #tpu.memory_space<vmem_shared>>)
      tpu.yield
    }) : () -> ()
    %mul3A_24 = arith.constant 625 : i32
    %mul3A_25 = arith.muli %arg1, %mul3A_24 : i32
    %add3A_26 = arith.constant 160 : i32
    %add3A_27 = arith.addi %mul3A_25, %add3A_26 : i32
    "tpu.region"() ({
      %run_scoped3A_109 = tpu.sem_alloc : memref<!tpu.dma_semaphore, #tpu.memory_space<semaphore_mem>>
      %dma_start3A_110 = arith.constant 0 : i32
      %dma_start3A_111 = tpu.memref_slice %arg15[%add3A_27, %dma_start3A_110] : memref<10000x128xf32, #tpu.memory_space<vmem_shared>> -> memref<40x128xf32, #tpu.memory_space<vmem_shared>>
      %dma_start3A_112 = arith.constant 0 : i32
      %dma_start3A_113 = tpu.memref_slice %arg15[%add3A_27, %dma_start3A_112] : memref<10000x128xf32, #tpu.memory_space<vmem_shared>> -> memref<40x128xf32, #tpu.memory_space<vmem_shared>>
      tpu.enqueue_dma source(%arg11 : memref<40x128xf32, #tpu.memory_space<vmem>>) target(%dma_start3A_113 : memref<40x128xf32, #tpu.memory_space<vmem_shared>>) target_semaphore(%run_scoped3A_109 : memref<!tpu.dma_semaphore, #tpu.memory_space<semaphore_mem>>)
      %dma_wait3A_114 = arith.constant 0 : i32
      %dma_wait3A_115 = tpu.memref_slice %arg15[%add3A_27, %dma_wait3A_114] : memref<10000x128xf32, #tpu.memory_space<vmem_shared>> -> memref<40x128xf32, #tpu.memory_space<vmem_shared>>
      %dma_wait3A_116 = arith.constant 0 : i32
      %dma_wait3A_117 = tpu.memref_slice %arg15[%add3A_27, %dma_wait3A_116] : memref<10000x128xf32, #tpu.memory_space<vmem_shared>> -> memref<40x128xf32, #tpu.memory_space<vmem_shared>>
      tpu.wait_dma2 semaphore(%run_scoped3A_109 : memref<!tpu.dma_semaphore, #tpu.memory_space<semaphore_mem>>) src(%arg11 : memref<40x128xf32, #tpu.memory_space<vmem>>) dst(%dma_wait3A_117 : memref<40x128xf32, #tpu.memory_space<vmem_shared>>)
      tpu.yield
    }) : () -> ()
    %mul3A_28 = arith.constant 625 : i32
    %mul3A_29 = arith.muli %arg1, %mul3A_28 : i32
    %add3A_30 = arith.constant 200 : i32
    %add3A_31 = arith.addi %mul3A_29, %add3A_30 : i32
    "tpu.region"() ({
      %run_scoped3A_109 = tpu.sem_alloc : memref<!tpu.dma_semaphore, #tpu.memory_space<semaphore_mem>>
      %dma_start3A_110 = arith.constant 0 : i32
      %dma_start3A_111 = tpu.memref_slice %arg15[%add3A_31, %dma_start3A_110] : memref<10000x128xf32, #tpu.memory_space<vmem_shared>> -> memref<40x128xf32, #tpu.memory_space<vmem_shared>>
      %dma_start3A_112 = arith.constant 0 : i32
      %dma_start3A_113 = tpu.memref_slice %arg15[%add3A_31, %dma_start3A_112] : memref<10000x128xf32, #tpu.memory_space<vmem_shared>> -> memref<40x128xf32, #tpu.memory_space<vmem_shared>>
      tpu.enqueue_dma source(%arg11 : memref<40x128xf32, #tpu.memory_space<vmem>>) target(%dma_start3A_113 : memref<40x128xf32, #tpu.memory_space<vmem_shared>>) target_semaphore(%run_scoped3A_109 : memref<!tpu.dma_semaphore, #tpu.memory_space<semaphore_mem>>)
      %dma_wait3A_114 = arith.constant 0 : i32
      %dma_wait3A_115 = tpu.memref_slice %arg15[%add3A_31, %dma_wait3A_114] : memref<10000x128xf32, #tpu.memory_space<vmem_shared>> -> memref<40x128xf32, #tpu.memory_space<vmem_shared>>
      %dma_wait3A_116 = arith.constant 0 : i32
      %dma_wait3A_117 = tpu.memref_slice %arg15[%add3A_31, %dma_wait3A_116] : memref<10000x128xf32, #tpu.memory_space<vmem_shared>> -> memref<40x128xf32, #tpu.memory_space<vmem_shared>>
      tpu.wait_dma2 semaphore(%run_scoped3A_109 : memref<!tpu.dma_semaphore, #tpu.memory_space<semaphore_mem>>) src(%arg11 : memref<40x128xf32, #tpu.memory_space<vmem>>) dst(%dma_wait3A_117 : memref<40x128xf32, #tpu.memory_space<vmem_shared>>)
      tpu.yield
    }) : () -> ()
    %mul3A_32 = arith.constant 625 : i32
    %mul3A_33 = arith.muli %arg1, %mul3A_32 : i32
    %add3A_34 = arith.constant 240 : i32
    %add3A_35 = arith.addi %mul3A_33, %add3A_34 : i32
    "tpu.region"() ({
      %run_scoped3A_109 = tpu.sem_alloc : memref<!tpu.dma_semaphore, #tpu.memory_space<semaphore_mem>>
      %dma_start3A_110 = arith.constant 0 : i32
      %dma_start3A_111 = tpu.memref_slice %arg15[%add3A_35, %dma_start3A_110] : memref<10000x128xf32, #tpu.memory_space<vmem_shared>> -> memref<40x128xf32, #tpu.memory_space<vmem_shared>>
      %dma_start3A_112 = arith.constant 0 : i32
      %dma_start3A_113 = tpu.memref_slice %arg15[%add3A_35, %dma_start3A_112] : memref<10000x128xf32, #tpu.memory_space<vmem_shared>> -> memref<40x128xf32, #tpu.memory_space<vmem_shared>>
      tpu.enqueue_dma source(%arg11 : memref<40x128xf32, #tpu.memory_space<vmem>>) target(%dma_start3A_113 : memref<40x128xf32, #tpu.memory_space<vmem_shared>>) target_semaphore(%run_scoped3A_109 : memref<!tpu.dma_semaphore, #tpu.memory_space<semaphore_mem>>)
      %dma_wait3A_114 = arith.constant 0 : i32
      %dma_wait3A_115 = tpu.memref_slice %arg15[%add3A_35, %dma_wait3A_114] : memref<10000x128xf32, #tpu.memory_space<vmem_shared>> -> memref<40x128xf32, #tpu.memory_space<vmem_shared>>
      %dma_wait3A_116 = arith.constant 0 : i32
      %dma_wait3A_117 = tpu.memref_slice %arg15[%add3A_35, %dma_wait3A_116] : memref<10000x128xf32, #tpu.memory_space<vmem_shared>> -> memref<40x128xf32, #tpu.memory_space<vmem_shared>>
      tpu.wait_dma2 semaphore(%run_scoped3A_109 : memref<!tpu.dma_semaphore, #tpu.memory_space<semaphore_mem>>) src(%arg11 : memref<40x128xf32, #tpu.memory_space<vmem>>) dst(%dma_wait3A_117 : memref<40x128xf32, #tpu.memory_space<vmem_shared>>)
      tpu.yield
    }) : () -> ()
    %mul3A_36 = arith.constant 625 : i32
    %mul3A_37 = arith.muli %arg1, %mul3A_36 : i32
    %add3A_38 = arith.constant 280 : i32
    %add3A_39 = arith.addi %mul3A_37, %add3A_38 : i32
    "tpu.region"() ({
      %run_scoped3A_109 = tpu.sem_alloc : memref<!tpu.dma_semaphore, #tpu.memory_space<semaphore_mem>>
      %dma_start3A_110 = arith.constant 0 : i32
      %dma_start3A_111 = tpu.memref_slice %arg15[%add3A_39, %dma_start3A_110] : memref<10000x128xf32, #tpu.memory_space<vmem_shared>> -> memref<40x128xf32, #tpu.memory_space<vmem_shared>>
      %dma_start3A_112 = arith.constant 0 : i32
      %dma_start3A_113 = tpu.memref_slice %arg15[%add3A_39, %dma_start3A_112] : memref<10000x128xf32, #tpu.memory_space<vmem_shared>> -> memref<40x128xf32, #tpu.memory_space<vmem_shared>>
      tpu.enqueue_dma source(%arg11 : memref<40x128xf32, #tpu.memory_space<vmem>>) target(%dma_start3A_113 : memref<40x128xf32, #tpu.memory_space<vmem_shared>>) target_semaphore(%run_scoped3A_109 : memref<!tpu.dma_semaphore, #tpu.memory_space<semaphore_mem>>)
      %dma_wait3A_114 = arith.constant 0 : i32
      %dma_wait3A_115 = tpu.memref_slice %arg15[%add3A_39, %dma_wait3A_114] : memref<10000x128xf32, #tpu.memory_space<vmem_shared>> -> memref<40x128xf32, #tpu.memory_space<vmem_shared>>
      %dma_wait3A_116 = arith.constant 0 : i32
      %dma_wait3A_117 = tpu.memref_slice %arg15[%add3A_39, %dma_wait3A_116] : memref<10000x128xf32, #tpu.memory_space<vmem_shared>> -> memref<40x128xf32, #tpu.memory_space<vmem_shared>>
      tpu.wait_dma2 semaphore(%run_scoped3A_109 : memref<!tpu.dma_semaphore, #tpu.memory_space<semaphore_mem>>) src(%arg11 : memref<40x128xf32, #tpu.memory_space<vmem>>) dst(%dma_wait3A_117 : memref<40x128xf32, #tpu.memory_space<vmem_shared>>)
      tpu.yield
    }) : () -> ()
    %mul3A_40 = arith.constant 625 : i32
    %mul3A_41 = arith.muli %arg1, %mul3A_40 : i32
    %add3A_42 = arith.constant 320 : i32
    %add3A_43 = arith.addi %mul3A_41, %add3A_42 : i32
    "tpu.region"() ({
      %run_scoped3A_109 = tpu.sem_alloc : memref<!tpu.dma_semaphore, #tpu.memory_space<semaphore_mem>>
      %dma_start3A_110 = arith.constant 0 : i32
      %dma_start3A_111 = tpu.memref_slice %arg15[%add3A_43, %dma_start3A_110] : memref<10000x128xf32, #tpu.memory_space<vmem_shared>> -> memref<40x128xf32, #tpu.memory_space<vmem_shared>>
      %dma_start3A_112 = arith.constant 0 : i32
      %dma_start3A_113 = tpu.memref_slice %arg15[%add3A_43, %dma_start3A_112] : memref<10000x128xf32, #tpu.memory_space<vmem_shared>> -> memref<40x128xf32, #tpu.memory_space<vmem_shared>>
      tpu.enqueue_dma source(%arg11 : memref<40x128xf32, #tpu.memory_space<vmem>>) target(%dma_start3A_113 : memref<40x128xf32, #tpu.memory_space<vmem_shared>>) target_semaphore(%run_scoped3A_109 : memref<!tpu.dma_semaphore, #tpu.memory_space<semaphore_mem>>)
      %dma_wait3A_114 = arith.constant 0 : i32
      %dma_wait3A_115 = tpu.memref_slice %arg15[%add3A_43, %dma_wait3A_114] : memref<10000x128xf32, #tpu.memory_space<vmem_shared>> -> memref<40x128xf32, #tpu.memory_space<vmem_shared>>
      %dma_wait3A_116 = arith.constant 0 : i32
      %dma_wait3A_117 = tpu.memref_slice %arg15[%add3A_43, %dma_wait3A_116] : memref<10000x128xf32, #tpu.memory_space<vmem_shared>> -> memref<40x128xf32, #tpu.memory_space<vmem_shared>>
      tpu.wait_dma2 semaphore(%run_scoped3A_109 : memref<!tpu.dma_semaphore, #tpu.memory_space<semaphore_mem>>) src(%arg11 : memref<40x128xf32, #tpu.memory_space<vmem>>) dst(%dma_wait3A_117 : memref<40x128xf32, #tpu.memory_space<vmem_shared>>)
      tpu.yield
    }) : () -> ()
    %mul3A_44 = arith.constant 625 : i32
    %mul3A_45 = arith.muli %arg1, %mul3A_44 : i32
    %add3A_46 = arith.constant 360 : i32
    %add3A_47 = arith.addi %mul3A_45, %add3A_46 : i32
    "tpu.region"() ({
      %run_scoped3A_109 = tpu.sem_alloc : memref<!tpu.dma_semaphore, #tpu.memory_space<semaphore_mem>>
      %dma_start3A_110 = arith.constant 0 : i32
      %dma_start3A_111 = tpu.memref_slice %arg15[%add3A_47, %dma_start3A_110] : memref<10000x128xf32, #tpu.memory_space<vmem_shared>> -> memref<40x128xf32, #tpu.memory_space<vmem_shared>>
      %dma_start3A_112 = arith.constant 0 : i32
      %dma_start3A_113 = tpu.memref_slice %arg15[%add3A_47, %dma_start3A_112] : memref<10000x128xf32, #tpu.memory_space<vmem_shared>> -> memref<40x128xf32, #tpu.memory_space<vmem_shared>>
      tpu.enqueue_dma source(%arg11 : memref<40x128xf32, #tpu.memory_space<vmem>>) target(%dma_start3A_113 : memref<40x128xf32, #tpu.memory_space<vmem_shared>>) target_semaphore(%run_scoped3A_109 : memref<!tpu.dma_semaphore, #tpu.memory_space<semaphore_mem>>)
      %dma_wait3A_114 = arith.constant 0 : i32
      %dma_wait3A_115 = tpu.memref_slice %arg15[%add3A_47, %dma_wait3A_114] : memref<10000x128xf32, #tpu.memory_space<vmem_shared>> -> memref<40x128xf32, #tpu.memory_space<vmem_shared>>
      %dma_wait3A_116 = arith.constant 0 : i32
      %dma_wait3A_117 = tpu.memref_slice %arg15[%add3A_47, %dma_wait3A_116] : memref<10000x128xf32, #tpu.memory_space<vmem_shared>> -> memref<40x128xf32, #tpu.memory_space<vmem_shared>>
      tpu.wait_dma2 semaphore(%run_scoped3A_109 : memref<!tpu.dma_semaphore, #tpu.memory_space<semaphore_mem>>) src(%arg11 : memref<40x128xf32, #tpu.memory_space<vmem>>) dst(%dma_wait3A_117 : memref<40x128xf32, #tpu.memory_space<vmem_shared>>)
      tpu.yield
    }) : () -> ()
    %mul3A_48 = arith.constant 625 : i32
    %mul3A_49 = arith.muli %arg1, %mul3A_48 : i32
    %add3A_50 = arith.constant 400 : i32
    %add3A_51 = arith.addi %mul3A_49, %add3A_50 : i32
    "tpu.region"() ({
      %run_scoped3A_109 = tpu.sem_alloc : memref<!tpu.dma_semaphore, #tpu.memory_space<semaphore_mem>>
      %dma_start3A_110 = arith.constant 0 : i32
      %dma_start3A_111 = tpu.memref_slice %arg15[%add3A_51, %dma_start3A_110] : memref<10000x128xf32, #tpu.memory_space<vmem_shared>> -> memref<40x128xf32, #tpu.memory_space<vmem_shared>>
      %dma_start3A_112 = arith.constant 0 : i32
      %dma_start3A_113 = tpu.memref_slice %arg15[%add3A_51, %dma_start3A_112] : memref<10000x128xf32, #tpu.memory_space<vmem_shared>> -> memref<40x128xf32, #tpu.memory_space<vmem_shared>>
      tpu.enqueue_dma source(%arg11 : memref<40x128xf32, #tpu.memory_space<vmem>>) target(%dma_start3A_113 : memref<40x128xf32, #tpu.memory_space<vmem_shared>>) target_semaphore(%run_scoped3A_109 : memref<!tpu.dma_semaphore, #tpu.memory_space<semaphore_mem>>)
      %dma_wait3A_114 = arith.constant 0 : i32
      %dma_wait3A_115 = tpu.memref_slice %arg15[%add3A_51, %dma_wait3A_114] : memref<10000x128xf32, #tpu.memory_space<vmem_shared>> -> memref<40x128xf32, #tpu.memory_space<vmem_shared>>
      %dma_wait3A_116 = arith.constant 0 : i32
      %dma_wait3A_117 = tpu.memref_slice %arg15[%add3A_51, %dma_wait3A_116] : memref<10000x128xf32, #tpu.memory_space<vmem_shared>> -> memref<40x128xf32, #tpu.memory_space<vmem_shared>>
      tpu.wait_dma2 semaphore(%run_scoped3A_109 : memref<!tpu.dma_semaphore, #tpu.memory_space<semaphore_mem>>) src(%arg11 : memref<40x128xf32, #tpu.memory_space<vmem>>) dst(%dma_wait3A_117 : memref<40x128xf32, #tpu.memory_space<vmem_shared>>)
      tpu.yield
    }) : () -> ()
    %mul3A_52 = arith.constant 625 : i32
    %mul3A_53 = arith.muli %arg1, %mul3A_52 : i32
    %add3A_54 = arith.constant 440 : i32
    %add3A_55 = arith.addi %mul3A_53, %add3A_54 : i32
    "tpu.region"() ({
      %run_scoped3A_109 = tpu.sem_alloc : memref<!tpu.dma_semaphore, #tpu.memory_space<semaphore_mem>>
      %dma_start3A_110 = arith.constant 0 : i32
      %dma_start3A_111 = tpu.memref_slice %arg15[%add3A_55, %dma_start3A_110] : memref<10000x128xf32, #tpu.memory_space<vmem_shared>> -> memref<40x128xf32, #tpu.memory_space<vmem_shared>>
      %dma_start3A_112 = arith.constant 0 : i32
      %dma_start3A_113 = tpu.memref_slice %arg15[%add3A_55, %dma_start3A_112] : memref<10000x128xf32, #tpu.memory_space<vmem_shared>> -> memref<40x128xf32, #tpu.memory_space<vmem_shared>>
      tpu.enqueue_dma source(%arg11 : memref<40x128xf32, #tpu.memory_space<vmem>>) target(%dma_start3A_113 : memref<40x128xf32, #tpu.memory_space<vmem_shared>>) target_semaphore(%run_scoped3A_109 : memref<!tpu.dma_semaphore, #tpu.memory_space<semaphore_mem>>)
      %dma_wait3A_114 = arith.constant 0 : i32
      %dma_wait3A_115 = tpu.memref_slice %arg15[%add3A_55, %dma_wait3A_114] : memref<10000x128xf32, #tpu.memory_space<vmem_shared>> -> memref<40x128xf32, #tpu.memory_space<vmem_shared>>
      %dma_wait3A_116 = arith.constant 0 : i32
      %dma_wait3A_117 = tpu.memref_slice %arg15[%add3A_55, %dma_wait3A_116] : memref<10000x128xf32, #tpu.memory_space<vmem_shared>> -> memref<40x128xf32, #tpu.memory_space<vmem_shared>>
      tpu.wait_dma2 semaphore(%run_scoped3A_109 : memref<!tpu.dma_semaphore, #tpu.memory_space<semaphore_mem>>) src(%arg11 : memref<40x128xf32, #tpu.memory_space<vmem>>) dst(%dma_wait3A_117 : memref<40x128xf32, #tpu.memory_space<vmem_shared>>)
      tpu.yield
    }) : () -> ()
    %mul3A_56 = arith.constant 625 : i32
    %mul3A_57 = arith.muli %arg1, %mul3A_56 : i32
    %add3A_58 = arith.constant 480 : i32
    %add3A_59 = arith.addi %mul3A_57, %add3A_58 : i32
    "tpu.region"() ({
      %run_scoped3A_109 = tpu.sem_alloc : memref<!tpu.dma_semaphore, #tpu.memory_space<semaphore_mem>>
      %dma_start3A_110 = arith.constant 0 : i32
      %dma_start3A_111 = tpu.memref_slice %arg15[%add3A_59, %dma_start3A_110] : memref<10000x128xf32, #tpu.memory_space<vmem_shared>> -> memref<40x128xf32, #tpu.memory_space<vmem_shared>>
      %dma_start3A_112 = arith.constant 0 : i32
      %dma_start3A_113 = tpu.memref_slice %arg15[%add3A_59, %dma_start3A_112] : memref<10000x128xf32, #tpu.memory_space<vmem_shared>> -> memref<40x128xf32, #tpu.memory_space<vmem_shared>>
      tpu.enqueue_dma source(%arg11 : memref<40x128xf32, #tpu.memory_space<vmem>>) target(%dma_start3A_113 : memref<40x128xf32, #tpu.memory_space<vmem_shared>>) target_semaphore(%run_scoped3A_109 : memref<!tpu.dma_semaphore, #tpu.memory_space<semaphore_mem>>)
      %dma_wait3A_114 = arith.constant 0 : i32
      %dma_wait3A_115 = tpu.memref_slice %arg15[%add3A_59, %dma_wait3A_114] : memref<10000x128xf32, #tpu.memory_space<vmem_shared>> -> memref<40x128xf32, #tpu.memory_space<vmem_shared>>
      %dma_wait3A_116 = arith.constant 0 : i32
      %dma_wait3A_117 = tpu.memref_slice %arg15[%add3A_59, %dma_wait3A_116] : memref<10000x128xf32, #tpu.memory_space<vmem_shared>> -> memref<40x128xf32, #tpu.memory_space<vmem_shared>>
      tpu.wait_dma2 semaphore(%run_scoped3A_109 : memref<!tpu.dma_semaphore, #tpu.memory_space<semaphore_mem>>) src(%arg11 : memref<40x128xf32, #tpu.memory_space<vmem>>) dst(%dma_wait3A_117 : memref<40x128xf32, #tpu.memory_space<vmem_shared>>)
      tpu.yield
    }) : () -> ()
    %mul3A_60 = arith.constant 625 : i32
    %mul3A_61 = arith.muli %arg1, %mul3A_60 : i32
    %add3A_62 = arith.constant 520 : i32
    %add3A_63 = arith.addi %mul3A_61, %add3A_62 : i32
    "tpu.region"() ({
      %run_scoped3A_109 = tpu.sem_alloc : memref<!tpu.dma_semaphore, #tpu.memory_space<semaphore_mem>>
      %dma_start3A_110 = arith.constant 0 : i32
      %dma_start3A_111 = tpu.memref_slice %arg15[%add3A_63, %dma_start3A_110] : memref<10000x128xf32, #tpu.memory_space<vmem_shared>> -> memref<40x128xf32, #tpu.memory_space<vmem_shared>>
      %dma_start3A_112 = arith.constant 0 : i32
      %dma_start3A_113 = tpu.memref_slice %arg15[%add3A_63, %dma_start3A_112] : memref<10000x128xf32, #tpu.memory_space<vmem_shared>> -> memref<40x128xf32, #tpu.memory_space<vmem_shared>>
      tpu.enqueue_dma source(%arg11 : memref<40x128xf32, #tpu.memory_space<vmem>>) target(%dma_start3A_113 : memref<40x128xf32, #tpu.memory_space<vmem_shared>>) target_semaphore(%run_scoped3A_109 : memref<!tpu.dma_semaphore, #tpu.memory_space<semaphore_mem>>)
      %dma_wait3A_114 = arith.constant 0 : i32
      %dma_wait3A_115 = tpu.memref_slice %arg15[%add3A_63, %dma_wait3A_114] : memref<10000x128xf32, #tpu.memory_space<vmem_shared>> -> memref<40x128xf32, #tpu.memory_space<vmem_shared>>
      %dma_wait3A_116 = arith.constant 0 : i32
      %dma_wait3A_117 = tpu.memref_slice %arg15[%add3A_63, %dma_wait3A_116] : memref<10000x128xf32, #tpu.memory_space<vmem_shared>> -> memref<40x128xf32, #tpu.memory_space<vmem_shared>>
      tpu.wait_dma2 semaphore(%run_scoped3A_109 : memref<!tpu.dma_semaphore, #tpu.memory_space<semaphore_mem>>) src(%arg11 : memref<40x128xf32, #tpu.memory_space<vmem>>) dst(%dma_wait3A_117 : memref<40x128xf32, #tpu.memory_space<vmem_shared>>)
      tpu.yield
    }) : () -> ()
    %mul3A_64 = arith.constant 625 : i32
    %mul3A_65 = arith.muli %arg1, %mul3A_64 : i32
    %add3A_66 = arith.constant 560 : i32
    %add3A_67 = arith.addi %mul3A_65, %add3A_66 : i32
    "tpu.region"() ({
      %run_scoped3A_109 = tpu.sem_alloc : memref<!tpu.dma_semaphore, #tpu.memory_space<semaphore_mem>>
      %dma_start3A_110 = arith.constant 0 : i32
      %dma_start3A_111 = tpu.memref_slice %arg15[%add3A_67, %dma_start3A_110] : memref<10000x128xf32, #tpu.memory_space<vmem_shared>> -> memref<40x128xf32, #tpu.memory_space<vmem_shared>>
      %dma_start3A_112 = arith.constant 0 : i32
      %dma_start3A_113 = tpu.memref_slice %arg15[%add3A_67, %dma_start3A_112] : memref<10000x128xf32, #tpu.memory_space<vmem_shared>> -> memref<40x128xf32, #tpu.memory_space<vmem_shared>>
      tpu.enqueue_dma source(%arg11 : memref<40x128xf32, #tpu.memory_space<vmem>>) target(%dma_start3A_113 : memref<40x128xf32, #tpu.memory_space<vmem_shared>>) target_semaphore(%run_scoped3A_109 : memref<!tpu.dma_semaphore, #tpu.memory_space<semaphore_mem>>)
      %dma_wait3A_114 = arith.constant 0 : i32
      %dma_wait3A_115 = tpu.memref_slice %arg15[%add3A_67, %dma_wait3A_114] : memref<10000x128xf32, #tpu.memory_space<vmem_shared>> -> memref<40x128xf32, #tpu.memory_space<vmem_shared>>
      %dma_wait3A_116 = arith.constant 0 : i32
      %dma_wait3A_117 = tpu.memref_slice %arg15[%add3A_67, %dma_wait3A_116] : memref<10000x128xf32, #tpu.memory_space<vmem_shared>> -> memref<40x128xf32, #tpu.memory_space<vmem_shared>>
      tpu.wait_dma2 semaphore(%run_scoped3A_109 : memref<!tpu.dma_semaphore, #tpu.memory_space<semaphore_mem>>) src(%arg11 : memref<40x128xf32, #tpu.memory_space<vmem>>) dst(%dma_wait3A_117 : memref<40x128xf32, #tpu.memory_space<vmem_shared>>)
      tpu.yield
    }) : () -> ()
    %mul3A_68 = arith.constant 625 : i32
    %mul3A_69 = arith.muli %arg1, %mul3A_68 : i32
    %add3A_70 = arith.constant 600 : i32
    %add3A_71 = arith.addi %mul3A_69, %add3A_70 : i32
    "tpu.region"() ({
      %run_scoped3A_109 = tpu.sem_alloc : memref<!tpu.dma_semaphore, #tpu.memory_space<semaphore_mem>>
      %dma_start3A_110 = arith.constant 0 : i32
      %dma_start3A_111 = arith.constant 0 : i32
      %dma_start3A_112 = tpu.memref_slice %arg11[%dma_start3A_110, %dma_start3A_111] : memref<40x128xf32, #tpu.memory_space<vmem>> -> memref<25x128xf32, #tpu.memory_space<vmem>>
      %dma_start3A_113 = arith.constant 0 : i32
      %dma_start3A_114 = tpu.memref_slice %arg15[%add3A_71, %dma_start3A_113] : memref<10000x128xf32, #tpu.memory_space<vmem_shared>> -> memref<25x128xf32, #tpu.memory_space<vmem_shared>>
      %dma_start3A_115 = arith.constant 0 : i32
      %dma_start3A_116 = tpu.memref_slice %arg15[%add3A_71, %dma_start3A_115] : memref<10000x128xf32, #tpu.memory_space<vmem_shared>> -> memref<25x128xf32, #tpu.memory_space<vmem_shared>>
      %dma_start3A_117 = arith.constant 0 : i32
      %dma_start3A_118 = arith.constant 0 : i32
      %dma_start3A_119 = tpu.memref_slice %arg11[%dma_start3A_117, %dma_start3A_118] : memref<40x128xf32, #tpu.memory_space<vmem>> -> memref<25x128xf32, #tpu.memory_space<vmem>>
      tpu.enqueue_dma source(%dma_start3A_119 : memref<25x128xf32, #tpu.memory_space<vmem>>) target(%dma_start3A_116 : memref<25x128xf32, #tpu.memory_space<vmem_shared>>) target_semaphore(%run_scoped3A_109 : memref<!tpu.dma_semaphore, #tpu.memory_space<semaphore_mem>>)
      %dma_wait3A_120 = arith.constant 0 : i32
      %dma_wait3A_121 = arith.constant 0 : i32
      %dma_wait3A_122 = tpu.memref_slice %arg11[%dma_wait3A_120, %dma_wait3A_121] : memref<40x128xf32, #tpu.memory_space<vmem>> -> memref<25x128xf32, #tpu.memory_space<vmem>>
      %dma_wait3A_123 = arith.constant 0 : i32
      %dma_wait3A_124 = tpu.memref_slice %arg15[%add3A_71, %dma_wait3A_123] : memref<10000x128xf32, #tpu.memory_space<vmem_shared>> -> memref<25x128xf32, #tpu.memory_space<vmem_shared>>
      %dma_wait3A_125 = arith.constant 0 : i32
      %dma_wait3A_126 = tpu.memref_slice %arg15[%add3A_71, %dma_wait3A_125] : memref<10000x128xf32, #tpu.memory_space<vmem_shared>> -> memref<25x128xf32, #tpu.memory_space<vmem_shared>>
      %dma_wait3A_127 = arith.constant 0 : i32
      %dma_wait3A_128 = arith.constant 0 : i32
      %dma_wait3A_129 = tpu.memref_slice %arg11[%dma_wait3A_127, %dma_wait3A_128] : memref<40x128xf32, #tpu.memory_space<vmem>> -> memref<25x128xf32, #tpu.memory_space<vmem>>
      tpu.wait_dma2 semaphore(%run_scoped3A_109 : memref<!tpu.dma_semaphore, #tpu.memory_space<semaphore_mem>>) src(%dma_wait3A_129 : memref<25x128xf32, #tpu.memory_space<vmem>>) dst(%dma_wait3A_126 : memref<25x128xf32, #tpu.memory_space<vmem_shared>>)
      tpu.yield
    }) : () -> ()
    %barrier3A = arith.constant 0 : index
    tpu.barrier barrier_id(%barrier3A)
    %run_scoped3A = arith.constant 0 : i32
    "tpu.region"() ({
      %run_scoped3A_109 = tpu.sem_alloc : memref<!tpu.dma_semaphore, #tpu.memory_space<semaphore_mem>>
      %dma_start3A_110 = arith.constant 0 : i32
      %dma_start3A_111 = tpu.memref_slice %arg4[%add3A, %run_scoped3A, %dma_start3A_110] : memref<32x250x40xi32, #tpu.memory_space<hbm>> -> memref<1x1x40xi32, #tpu.memory_space<hbm>>
      %dma_start3A_112 = tpu.memref_squeeze %dma_start3A_111 : memref<1x1x40xi32, #tpu.memory_space<hbm>> -> memref<40xi32, #tpu.memory_space<hbm>>
      %dma_start3A_113 = arith.constant 0 : i32
      %dma_start3A_114 = tpu.memref_slice %arg4[%add3A, %run_scoped3A, %dma_start3A_113] : memref<32x250x40xi32, #tpu.memory_space<hbm>> -> memref<1x1x40xi32, #tpu.memory_space<hbm>>
      %dma_start3A_115 = tpu.memref_squeeze %dma_start3A_114 : memref<1x1x40xi32, #tpu.memory_space<hbm>> -> memref<40xi32, #tpu.memory_space<hbm>>
      tpu.enqueue_dma source(%dma_start3A_115 : memref<40xi32, #tpu.memory_space<hbm>>) target(%arg7 : memref<40xi32, #tpu.memory_space<vmem>>) target_semaphore(%run_scoped3A_109 : memref<!tpu.dma_semaphore, #tpu.memory_space<semaphore_mem>>)
      %dma_wait3A_116 = arith.constant 0 : i32
      %dma_wait3A_117 = tpu.memref_slice %arg4[%add3A, %run_scoped3A, %dma_wait3A_116] : memref<32x250x40xi32, #tpu.memory_space<hbm>> -> memref<1x1x40xi32, #tpu.memory_space<hbm>>
      %dma_wait3A_118 = tpu.memref_squeeze %dma_wait3A_117 : memref<1x1x40xi32, #tpu.memory_space<hbm>> -> memref<40xi32, #tpu.memory_space<hbm>>
      %dma_wait3A_119 = arith.constant 0 : i32
      %dma_wait3A_120 = tpu.memref_slice %arg4[%add3A, %run_scoped3A, %dma_wait3A_119] : memref<32x250x40xi32, #tpu.memory_space<hbm>> -> memref<1x1x40xi32, #tpu.memory_space<hbm>>
      %dma_wait3A_121 = tpu.memref_squeeze %dma_wait3A_120 : memref<1x1x40xi32, #tpu.memory_space<hbm>> -> memref<40xi32, #tpu.memory_space<hbm>>
      tpu.wait_dma2 semaphore(%run_scoped3A_109 : memref<!tpu.dma_semaphore, #tpu.memory_space<semaphore_mem>>) src(%dma_wait3A_121 : memref<40xi32, #tpu.memory_space<hbm>>) dst(%arg7 : memref<40xi32, #tpu.memory_space<vmem>>)
      tpu.yield
    }) : () -> ()
    %dma_start3A = arith.constant 0 : i32
    %dma_start3A_72 = arith.constant 0 : i32
    %dma_start3A_73 = tpu.memref_slice %arg2[%dma_start3A, %dma_start3A_72] : memref<10000x128xf32, #tpu.memory_space<hbm>> -> memref<10000x128xf32, #tpu.memory_space<hbm>>
    tpu.enqueue_indirect_dma source(%dma_start3A_73 : memref<10000x128xf32, #tpu.memory_space<hbm>>) target(%arg11 : memref<40x128xf32, #tpu.memory_space<vmem>>) offsets(%arg7 : memref<40xi32, #tpu.memory_space<vmem>>) semaphore(%arg16 : memref<!tpu.dma_semaphore, #tpu.memory_space<semaphore_mem>>)
    %dma_start3A_74 = arith.constant 0 : i32
    %dma_start3A_75 = arith.constant 0 : i32
    %dma_start3A_76 = arith.constant 0 : i32
    %dma_start3A_77 = tpu.memref_slice %arg3[%add3A, %dma_start3A_74, %dma_start3A_75, %dma_start3A_76] : memref<32x250x40x128xf32, #tpu.memory_space<hbm>> -> memref<1x1x40x128xf32, #tpu.memory_space<hbm>>
    %dma_start3A_78 = tpu.memref_squeeze %dma_start3A_77 : memref<1x1x40x128xf32, #tpu.memory_space<hbm>> -> memref<40x128xf32, #tpu.memory_space<hbm>>
    %dma_start3A_79 = arith.constant 0 : i32
    %dma_start3A_80 = arith.constant 0 : i32
    %dma_start3A_81 = tpu.memref_slice %arg3[%add3A, %dma_start3A_74, %dma_start3A_79, %dma_start3A_80] : memref<32x250x40x128xf32, #tpu.memory_space<hbm>> -> memref<1x1x40x128xf32, #tpu.memory_space<hbm>>
    %dma_start3A_82 = tpu.memref_squeeze %dma_start3A_81 : memref<1x1x40x128xf32, #tpu.memory_space<hbm>> -> memref<40x128xf32, #tpu.memory_space<hbm>>
    tpu.enqueue_dma source(%dma_start3A_82 : memref<40x128xf32, #tpu.memory_space<hbm>>) target(%arg13 : memref<40x128xf32, #tpu.memory_space<vmem>>) target_semaphore(%arg18 : memref<!tpu.dma_semaphore, #tpu.memory_space<semaphore_mem>>)
    %dma_start3A_83 = arith.constant 0 : i32
    %dma_start3A_84 = arith.constant 0 : i32
    %dma_start3A_85 = tpu.memref_slice %arg5[%add3A, %dma_start3A_83, %dma_start3A_84] : memref<32x250x40xi32, #tpu.memory_space<hbm>> -> memref<1x1x40xi32, #tpu.memory_space<hbm>>
    %dma_start3A_86 = tpu.memref_squeeze %dma_start3A_85 : memref<1x1x40xi32, #tpu.memory_space<hbm>> -> memref<40xi32, #tpu.memory_space<hbm>>
    %dma_start3A_87 = arith.constant 0 : i32
    %dma_start3A_88 = tpu.memref_slice %arg5[%add3A, %dma_start3A_83, %dma_start3A_87] : memref<32x250x40xi32, #tpu.memory_space<hbm>> -> memref<1x1x40xi32, #tpu.memory_space<hbm>>
    %dma_start3A_89 = tpu.memref_squeeze %dma_start3A_88 : memref<1x1x40xi32, #tpu.memory_space<hbm>> -> memref<40xi32, #tpu.memory_space<hbm>>
    tpu.enqueue_dma source(%dma_start3A_89 : memref<40xi32, #tpu.memory_space<hbm>>) target(%arg9 : memref<40xi32, #tpu.memory_space<vmem>>) target_semaphore(%arg22 : memref<!tpu.dma_semaphore, #tpu.memory_space<semaphore_mem>>)
    %dma_start3A_90 = arith.constant 1 : i32
    %dma_start3A_91 = arith.constant 0 : i32
    %dma_start3A_92 = tpu.memref_slice %arg4[%add3A, %dma_start3A_90, %dma_start3A_91] : memref<32x250x40xi32, #tpu.memory_space<hbm>> -> memref<1x1x40xi32, #tpu.memory_space<hbm>>
    %dma_start3A_93 = tpu.memref_squeeze %dma_start3A_92 : memref<1x1x40xi32, #tpu.memory_space<hbm>> -> memref<40xi32, #tpu.memory_space<hbm>>
    %dma_start3A_94 = arith.constant 0 : i32
    %dma_start3A_95 = tpu.memref_slice %arg4[%add3A, %dma_start3A_90, %dma_start3A_94] : memref<32x250x40xi32, #tpu.memory_space<hbm>> -> memref<1x1x40xi32, #tpu.memory_space<hbm>>
    %dma_start3A_96 = tpu.memref_squeeze %dma_start3A_95 : memref<1x1x40xi32, #tpu.memory_space<hbm>> -> memref<40xi32, #tpu.memory_space<hbm>>
    tpu.enqueue_dma source(%dma_start3A_96 : memref<40xi32, #tpu.memory_space<hbm>>) target(%arg8 : memref<40xi32, #tpu.memory_space<vmem>>) target_semaphore(%arg21 : memref<!tpu.dma_semaphore, #tpu.memory_space<semaphore_mem>>)
    %scan3A_97 = arith.constant 0 : i32
    %scan3A_98 = arith.constant 0 : i32
    %scan3A_99 = arith.constant 125 : i32
    %scan3A_100 = arith.addi %scan3A_98, %scan3A_99 : i32
    %scan3A_101 = arith.constant 1 : i32
    %scan3A_102 = scf.for %scan3A_109 = %scan3A_98 to %scan3A_100 step %scan3A_101 iter_args(%scan3A_110 = %scan3A_97) -> (i32)  : i32 {
      %mul3A_111 = arith.constant 2 : i32
      %mul3A_112 = arith.muli %mul3A_111, %scan3A_109 : i32
      %add3A_113 = arith.constant 0 : i32
      %add3A_114 = arith.addi %mul3A_112, %add3A_113 : i32
      %dma_wait3A_115 = arith.constant 0 : i32
      %dma_wait3A_116 = arith.constant 0 : i32
      %dma_wait3A_117 = tpu.memref_slice %arg2[%dma_wait3A_115, %dma_wait3A_116] : memref<10000x128xf32, #tpu.memory_space<hbm>> -> memref<10000x128xf32, #tpu.memory_space<hbm>>
      tpu.wait_indirect_dma semaphore(%arg16 : memref<!tpu.dma_semaphore, #tpu.memory_space<semaphore_mem>>) src(%dma_wait3A_117 : memref<10000x128xf32, #tpu.memory_space<hbm>>) dst(%arg11 : memref<40x128xf32, #tpu.memory_space<vmem>>)
      %dma_wait3A_118 = arith.constant 0 : i32
      %dma_wait3A_119 = arith.constant 0 : i32
      %dma_wait3A_120 = tpu.memref_slice %arg3[%add3A, %add3A_114, %dma_wait3A_118, %dma_wait3A_119] : memref<32x250x40x128xf32, #tpu.memory_space<hbm>> -> memref<1x1x40x128xf32, #tpu.memory_space<hbm>>
      %dma_wait3A_121 = tpu.memref_squeeze %dma_wait3A_120 : memref<1x1x40x128xf32, #tpu.memory_space<hbm>> -> memref<40x128xf32, #tpu.memory_space<hbm>>
      %dma_wait3A_122 = arith.constant 0 : i32
      %dma_wait3A_123 = arith.constant 0 : i32
      %dma_wait3A_124 = tpu.memref_slice %arg3[%add3A, %add3A_114, %dma_wait3A_122, %dma_wait3A_123] : memref<32x250x40x128xf32, #tpu.memory_space<hbm>> -> memref<1x1x40x128xf32, #tpu.memory_space<hbm>>
      %dma_wait3A_125 = tpu.memref_squeeze %dma_wait3A_124 : memref<1x1x40x128xf32, #tpu.memory_space<hbm>> -> memref<40x128xf32, #tpu.memory_space<hbm>>
      tpu.wait_dma2 semaphore(%arg18 : memref<!tpu.dma_semaphore, #tpu.memory_space<semaphore_mem>>) src(%dma_wait3A_125 : memref<40x128xf32, #tpu.memory_space<hbm>>) dst(%arg13 : memref<40x128xf32, #tpu.memory_space<vmem>>)
      %add3A_126 = arith.constant 2 : i32
      %add3A_127 = arith.addi %add3A_114, %add3A_126 : i32
      %lt3A = arith.constant 250 : i32
      %lt3A_128 = arith.cmpi slt, %add3A_127, %lt3A : i32
      %convert_element_type3A = arith.extui %lt3A_128 : i1 to i32
      %cond3A = arith.constant 0 : i32
      %cond3A_129 = arith.cmpi ne, %convert_element_type3A, %cond3A : i32
      scf.if %cond3A_129 {
        %add3A_208 = arith.constant 2 : i32
        %add3A_209 = arith.addi %add3A_114, %add3A_208 : i32
        %dma_start3A_210 = arith.constant 0 : i32
        %dma_start3A_211 = tpu.memref_slice %arg4[%add3A, %add3A_209, %dma_start3A_210] : memref<32x250x40xi32, #tpu.memory_space<hbm>> -> memref<1x1x40xi32, #tpu.memory_space<hbm>>
        %dma_start3A_212 = tpu.memref_squeeze %dma_start3A_211 : memref<1x1x40xi32, #tpu.memory_space<hbm>> -> memref<40xi32, #tpu.memory_space<hbm>>
        %dma_start3A_213 = arith.constant 0 : i32
        %dma_start3A_214 = tpu.memref_slice %arg4[%add3A, %add3A_209, %dma_start3A_213] : memref<32x250x40xi32, #tpu.memory_space<hbm>> -> memref<1x1x40xi32, #tpu.memory_space<hbm>>
        %dma_start3A_215 = tpu.memref_squeeze %dma_start3A_214 : memref<1x1x40xi32, #tpu.memory_space<hbm>> -> memref<40xi32, #tpu.memory_space<hbm>>
        tpu.enqueue_dma source(%dma_start3A_215 : memref<40xi32, #tpu.memory_space<hbm>>) target(%arg7 : memref<40xi32, #tpu.memory_space<vmem>>) target_semaphore(%arg20 : memref<!tpu.dma_semaphore, #tpu.memory_space<semaphore_mem>>)
      } else {
      }
      %gt3A = arith.constant 0 : i32
      %gt3A_130 = arith.cmpi sgt, %add3A_114, %gt3A : i32
      %convert_element_type3A_131 = arith.extui %gt3A_130 : i1 to i32
      %cond3A_132 = arith.constant 0 : i32
      %cond3A_133 = arith.cmpi ne, %convert_element_type3A_131, %cond3A_132 : i32
      scf.if %cond3A_133 {
        %dma_wait3A_208 = arith.constant 0 : i32
        %dma_wait3A_209 = arith.constant 0 : i32
        %dma_wait3A_210 = tpu.memref_slice %arg15[%dma_wait3A_208, %dma_wait3A_209] : memref<10000x128xf32, #tpu.memory_space<vmem_shared>> -> memref<10000x128xf32, #tpu.memory_space<vmem_shared>>
        tpu.wait_indirect_dma semaphore(%arg25 : memref<!tpu.dma_semaphore, #tpu.memory_space<semaphore_mem>>) src(%arg12 : memref<40x128xf32, #tpu.memory_space<vmem>>) dst(%dma_wait3A_210 : memref<10000x128xf32, #tpu.memory_space<vmem_shared>>)
      } else {
      }
      %add3A_134 = arith.constant 1 : i32
      %add3A_135 = arith.addi %add3A_114, %add3A_134 : i32
      %lt3A_136 = arith.constant 250 : i32
      %lt3A_137 = arith.cmpi slt, %add3A_135, %lt3A_136 : i32
      %convert_element_type3A_138 = arith.extui %lt3A_137 : i1 to i32
      %cond3A_139 = arith.constant 0 : i32
      %cond3A_140 = arith.cmpi ne, %convert_element_type3A_138, %cond3A_139 : i32
      scf.if %cond3A_140 {
        %add3A_208 = arith.constant 1 : i32
        %add3A_209 = arith.addi %add3A_114, %add3A_208 : i32
        %dma_wait3A_210 = arith.constant 0 : i32
        %dma_wait3A_211 = tpu.memref_slice %arg4[%add3A, %add3A_209, %dma_wait3A_210] : memref<32x250x40xi32, #tpu.memory_space<hbm>> -> memref<1x1x40xi32, #tpu.memory_space<hbm>>
        %dma_wait3A_212 = tpu.memref_squeeze %dma_wait3A_211 : memref<1x1x40xi32, #tpu.memory_space<hbm>> -> memref<40xi32, #tpu.memory_space<hbm>>
        %dma_wait3A_213 = arith.constant 0 : i32
        %dma_wait3A_214 = tpu.memref_slice %arg4[%add3A, %add3A_209, %dma_wait3A_213] : memref<32x250x40xi32, #tpu.memory_space<hbm>> -> memref<1x1x40xi32, #tpu.memory_space<hbm>>
        %dma_wait3A_215 = tpu.memref_squeeze %dma_wait3A_214 : memref<1x1x40xi32, #tpu.memory_space<hbm>> -> memref<40xi32, #tpu.memory_space<hbm>>
        tpu.wait_dma2 semaphore(%arg21 : memref<!tpu.dma_semaphore, #tpu.memory_space<semaphore_mem>>) src(%dma_wait3A_215 : memref<40xi32, #tpu.memory_space<hbm>>) dst(%arg8 : memref<40xi32, #tpu.memory_space<vmem>>)
        %dma_start3A_216 = arith.constant 0 : i32
        %dma_start3A_217 = arith.constant 0 : i32
        %dma_start3A_218 = tpu.memref_slice %arg2[%dma_start3A_216, %dma_start3A_217] : memref<10000x128xf32, #tpu.memory_space<hbm>> -> memref<10000x128xf32, #tpu.memory_space<hbm>>
        tpu.enqueue_indirect_dma source(%dma_start3A_218 : memref<10000x128xf32, #tpu.memory_space<hbm>>) target(%arg12 : memref<40x128xf32, #tpu.memory_space<vmem>>) offsets(%arg8 : memref<40xi32, #tpu.memory_space<vmem>>) semaphore(%arg17 : memref<!tpu.dma_semaphore, #tpu.memory_space<semaphore_mem>>)
        %add3A_219 = arith.constant 1 : i32
        %add3A_220 = arith.addi %add3A_114, %add3A_219 : i32
        %dma_start3A_221 = arith.constant 0 : i32
        %dma_start3A_222 = arith.constant 0 : i32
        %dma_start3A_223 = tpu.memref_slice %arg3[%add3A, %add3A_220, %dma_start3A_221, %dma_start3A_222] : memref<32x250x40x128xf32, #tpu.memory_space<hbm>> -> memref<1x1x40x128xf32, #tpu.memory_space<hbm>>
        %dma_start3A_224 = tpu.memref_squeeze %dma_start3A_223 : memref<1x1x40x128xf32, #tpu.memory_space<hbm>> -> memref<40x128xf32, #tpu.memory_space<hbm>>
        %dma_start3A_225 = arith.constant 0 : i32
        %dma_start3A_226 = arith.constant 0 : i32
        %dma_start3A_227 = tpu.memref_slice %arg3[%add3A, %add3A_220, %dma_start3A_225, %dma_start3A_226] : memref<32x250x40x128xf32, #tpu.memory_space<hbm>> -> memref<1x1x40x128xf32, #tpu.memory_space<hbm>>
        %dma_start3A_228 = tpu.memref_squeeze %dma_start3A_227 : memref<1x1x40x128xf32, #tpu.memory_space<hbm>> -> memref<40x128xf32, #tpu.memory_space<hbm>>
        tpu.enqueue_dma source(%dma_start3A_228 : memref<40x128xf32, #tpu.memory_space<hbm>>) target(%arg14 : memref<40x128xf32, #tpu.memory_space<vmem>>) target_semaphore(%arg19 : memref<!tpu.dma_semaphore, #tpu.memory_space<semaphore_mem>>)
        %add3A_229 = arith.constant 1 : i32
        %add3A_230 = arith.addi %add3A_114, %add3A_229 : i32
        %dma_start3A_231 = arith.constant 0 : i32
        %dma_start3A_232 = tpu.memref_slice %arg5[%add3A, %add3A_230, %dma_start3A_231] : memref<32x250x40xi32, #tpu.memory_space<hbm>> -> memref<1x1x40xi32, #tpu.memory_space<hbm>>
        %dma_start3A_233 = tpu.memref_squeeze %dma_start3A_232 : memref<1x1x40xi32, #tpu.memory_space<hbm>> -> memref<40xi32, #tpu.memory_space<hbm>>
        %dma_start3A_234 = arith.constant 0 : i32
        %dma_start3A_235 = tpu.memref_slice %arg5[%add3A, %add3A_230, %dma_start3A_234] : memref<32x250x40xi32, #tpu.memory_space<hbm>> -> memref<1x1x40xi32, #tpu.memory_space<hbm>>
        %dma_start3A_236 = tpu.memref_squeeze %dma_start3A_235 : memref<1x1x40xi32, #tpu.memory_space<hbm>> -> memref<40xi32, #tpu.memory_space<hbm>>
        tpu.enqueue_dma source(%dma_start3A_236 : memref<40xi32, #tpu.memory_space<hbm>>) target(%arg10 : memref<40xi32, #tpu.memory_space<vmem>>) target_semaphore(%arg23 : memref<!tpu.dma_semaphore, #tpu.memory_space<semaphore_mem>>)
      } else {
      }
      %scan3A_141 = arith.constant 0 : i32
      %scan3A_142 = arith.constant 0 : i32
      %scan3A_143 = arith.constant 40 : i32
      %scan3A_144 = arith.addi %scan3A_142, %scan3A_143 : i32
      %scan3A_145 = arith.constant 1 : i32
      %scan3A_146 = scf.for %scan3A_208 = %scan3A_142 to %scan3A_144 step %scan3A_145 iter_args(%scan3A_209 = %scan3A_141) -> (i32)  : i32 {
        %get3A = arith.index_cast %scan3A_208 : i32 to index
        %get3A_210 = arith.constant 0 : index
        %get3A_211 = tpu.vector_load %arg11[%get3A, %get3A_210] {strides = array<i32>} : memref<40x128xf32, #tpu.memory_space<vmem>>, vector<1x16xf32>,
        %get3A_212 = vector.shape_cast %get3A_211 : vector<1x16xf32> to vector<16xf32>
        %get3A_213 = arith.index_cast %scan3A_208 : i32 to index
        %get3A_214 = arith.constant 0 : index
        %get3A_215 = tpu.vector_load %arg13[%get3A_213, %get3A_214] {strides = array<i32>} : memref<40x128xf32, #tpu.memory_space<vmem>>, vector<1x16xf32>,
        %get3A_216 = vector.shape_cast %get3A_215 : vector<1x16xf32> to vector<16xf32>
        %add3A_217 = arith.addf %get3A_212, %get3A_216 : vector<16xf32>
        %max3A = arith.constant 0.000000e+00 : f32
        %max3A_218 = vector.broadcast %max3A : f32 to vector<16xf32>
        %max3A_219 = arith.maximumf %add3A_217, %max3A_218 : vector<16xf32>
        %swap3A = arith.index_cast %scan3A_208 : i32 to index
        %swap3A_220 = arith.constant 0 : index
        %swap3A_221 = tpu.vector_load %arg11[%swap3A, %swap3A_220] {strides = array<i32>} : memref<40x128xf32, #tpu.memory_space<vmem>>, vector<1x16xf32>,
        %swap3A_222 = vector.shape_cast %swap3A_221 : vector<1x16xf32> to vector<16xf32>
        %swap3A_223 = vector.shape_cast %max3A_219 : vector<16xf32> to vector<1x16xf32>
        tpu.vector_store %arg11[%swap3A, %swap3A_220], %swap3A_223 {strides = array<i32>} : memref<40x128xf32, #tpu.memory_space<vmem>>, vector<1x16xf32>,
        %get3A_224 = arith.index_cast %scan3A_208 : i32 to index
        %get3A_225 = arith.constant 16 : index
        %get3A_226 = tpu.vector_load %arg11[%get3A_224, %get3A_225] {strides = array<i32>} : memref<40x128xf32, #tpu.memory_space<vmem>>, vector<1x16xf32>,
        %get3A_227 = vector.shape_cast %get3A_226 : vector<1x16xf32> to vector<16xf32>
        %get3A_228 = arith.index_cast %scan3A_208 : i32 to index
        %get3A_229 = arith.constant 16 : index
        %get3A_230 = tpu.vector_load %arg13[%get3A_228, %get3A_229] {strides = array<i32>} : memref<40x128xf32, #tpu.memory_space<vmem>>, vector<1x16xf32>,
        %get3A_231 = vector.shape_cast %get3A_230 : vector<1x16xf32> to vector<16xf32>
        %add3A_232 = arith.addf %get3A_227, %get3A_231 : vector<16xf32>
        %max3A_233 = arith.constant 0.000000e+00 : f32
        %max3A_234 = vector.broadcast %max3A_233 : f32 to vector<16xf32>
        %max3A_235 = arith.maximumf %add3A_232, %max3A_234 : vector<16xf32>
        %swap3A_236 = arith.index_cast %scan3A_208 : i32 to index
        %swap3A_237 = arith.constant 16 : index
        %swap3A_238 = tpu.vector_load %arg11[%swap3A_236, %swap3A_237] {strides = array<i32>} : memref<40x128xf32, #tpu.memory_space<vmem>>, vector<1x16xf32>,
        %swap3A_239 = vector.shape_cast %swap3A_238 : vector<1x16xf32> to vector<16xf32>
        %swap3A_240 = vector.shape_cast %max3A_235 : vector<16xf32> to vector<1x16xf32>
        tpu.vector_store %arg11[%swap3A_236, %swap3A_237], %swap3A_240 {strides = array<i32>} : memref<40x128xf32, #tpu.memory_space<vmem>>, vector<1x16xf32>,
        %get3A_241 = arith.index_cast %scan3A_208 : i32 to index
        %get3A_242 = arith.constant 32 : index
        %get3A_243 = tpu.vector_load %arg11[%get3A_241, %get3A_242] {strides = array<i32>} : memref<40x128xf32, #tpu.memory_space<vmem>>, vector<1x16xf32>,
        %get3A_244 = vector.shape_cast %get3A_243 : vector<1x16xf32> to vector<16xf32>
        %get3A_245 = arith.index_cast %scan3A_208 : i32 to index
        %get3A_246 = arith.constant 32 : index
        %get3A_247 = tpu.vector_load %arg13[%get3A_245, %get3A_246] {strides = array<i32>} : memref<40x128xf32, #tpu.memory_space<vmem>>, vector<1x16xf32>,
        %get3A_248 = vector.shape_cast %get3A_247 : vector<1x16xf32> to vector<16xf32>
        %add3A_249 = arith.addf %get3A_244, %get3A_248 : vector<16xf32>
        %max3A_250 = arith.constant 0.000000e+00 : f32
        %max3A_251 = vector.broadcast %max3A_250 : f32 to vector<16xf32>
        %max3A_252 = arith.maximumf %add3A_249, %max3A_251 : vector<16xf32>
        %swap3A_253 = arith.index_cast %scan3A_208 : i32 to index
        %swap3A_254 = arith.constant 32 : index
        %swap3A_255 = tpu.vector_load %arg11[%swap3A_253, %swap3A_254] {strides = array<i32>} : memref<40x128xf32, #tpu.memory_space<vmem>>, vector<1x16xf32>,
        %swap3A_256 = vector.shape_cast %swap3A_255 : vector<1x16xf32> to vector<16xf32>
        %swap3A_257 = vector.shape_cast %max3A_252 : vector<16xf32> to vector<1x16xf32>
        tpu.vector_store %arg11[%swap3A_253, %swap3A_254], %swap3A_257 {strides = array<i32>} : memref<40x128xf32, #tpu.memory_space<vmem>>, vector<1x16xf32>,
        %get3A_258 = arith.index_cast %scan3A_208 : i32 to index
        %get3A_259 = arith.constant 48 : index
        %get3A_260 = tpu.vector_load %arg11[%get3A_258, %get3A_259] {strides = array<i32>} : memref<40x128xf32, #tpu.memory_space<vmem>>, vector<1x16xf32>,
        %get3A_261 = vector.shape_cast %get3A_260 : vector<1x16xf32> to vector<16xf32>
        %get3A_262 = arith.index_cast %scan3A_208 : i32 to index
        %get3A_263 = arith.constant 48 : index
        %get3A_264 = tpu.vector_load %arg13[%get3A_262, %get3A_263] {strides = array<i32>} : memref<40x128xf32, #tpu.memory_space<vmem>>, vector<1x16xf32>,
        %get3A_265 = vector.shape_cast %get3A_264 : vector<1x16xf32> to vector<16xf32>
        %add3A_266 = arith.addf %get3A_261, %get3A_265 : vector<16xf32>
        %max3A_267 = arith.constant 0.000000e+00 : f32
        %max3A_268 = vector.broadcast %max3A_267 : f32 to vector<16xf32>
        %max3A_269 = arith.maximumf %add3A_266, %max3A_268 : vector<16xf32>
        %swap3A_270 = arith.index_cast %scan3A_208 : i32 to index
        %swap3A_271 = arith.constant 48 : index
        %swap3A_272 = tpu.vector_load %arg11[%swap3A_270, %swap3A_271] {strides = array<i32>} : memref<40x128xf32, #tpu.memory_space<vmem>>, vector<1x16xf32>,
        %swap3A_273 = vector.shape_cast %swap3A_272 : vector<1x16xf32> to vector<16xf32>
        %swap3A_274 = vector.shape_cast %max3A_269 : vector<16xf32> to vector<1x16xf32>
        tpu.vector_store %arg11[%swap3A_270, %swap3A_271], %swap3A_274 {strides = array<i32>} : memref<40x128xf32, #tpu.memory_space<vmem>>, vector<1x16xf32>,
        %get3A_275 = arith.index_cast %scan3A_208 : i32 to index
        %get3A_276 = arith.constant 64 : index
        %get3A_277 = tpu.vector_load %arg11[%get3A_275, %get3A_276] {strides = array<i32>} : memref<40x128xf32, #tpu.memory_space<vmem>>, vector<1x16xf32>,
        %get3A_278 = vector.shape_cast %get3A_277 : vector<1x16xf32> to vector<16xf32>
        %get3A_279 = arith.index_cast %scan3A_208 : i32 to index
        %get3A_280 = arith.constant 64 : index
        %get3A_281 = tpu.vector_load %arg13[%get3A_279, %get3A_280] {strides = array<i32>} : memref<40x128xf32, #tpu.memory_space<vmem>>, vector<1x16xf32>,
        %get3A_282 = vector.shape_cast %get3A_281 : vector<1x16xf32> to vector<16xf32>
        %add3A_283 = arith.addf %get3A_278, %get3A_282 : vector<16xf32>
        %max3A_284 = arith.constant 0.000000e+00 : f32
        %max3A_285 = vector.broadcast %max3A_284 : f32 to vector<16xf32>
        %max3A_286 = arith.maximumf %add3A_283, %max3A_285 : vector<16xf32>
        %swap3A_287 = arith.index_cast %scan3A_208 : i32 to index
        %swap3A_288 = arith.constant 64 : index
        %swap3A_289 = tpu.vector_load %arg11[%swap3A_287, %swap3A_288] {strides = array<i32>} : memref<40x128xf32, #tpu.memory_space<vmem>>, vector<1x16xf32>,
        %swap3A_290 = vector.shape_cast %swap3A_289 : vector<1x16xf32> to vector<16xf32>
        %swap3A_291 = vector.shape_cast %max3A_286 : vector<16xf32> to vector<1x16xf32>
        tpu.vector_store %arg11[%swap3A_287, %swap3A_288], %swap3A_291 {strides = array<i32>} : memref<40x128xf32, #tpu.memory_space<vmem>>, vector<1x16xf32>,
        %get3A_292 = arith.index_cast %scan3A_208 : i32 to index
        %get3A_293 = arith.constant 80 : index
        %get3A_294 = tpu.vector_load %arg11[%get3A_292, %get3A_293] {strides = array<i32>} : memref<40x128xf32, #tpu.memory_space<vmem>>, vector<1x16xf32>,
        %get3A_295 = vector.shape_cast %get3A_294 : vector<1x16xf32> to vector<16xf32>
        %get3A_296 = arith.index_cast %scan3A_208 : i32 to index
        %get3A_297 = arith.constant 80 : index
        %get3A_298 = tpu.vector_load %arg13[%get3A_296, %get3A_297] {strides = array<i32>} : memref<40x128xf32, #tpu.memory_space<vmem>>, vector<1x16xf32>,
        %get3A_299 = vector.shape_cast %get3A_298 : vector<1x16xf32> to vector<16xf32>
        %add3A_300 = arith.addf %get3A_295, %get3A_299 : vector<16xf32>
        %max3A_301 = arith.constant 0.000000e+00 : f32
        %max3A_302 = vector.broadcast %max3A_301 : f32 to vector<16xf32>
        %max3A_303 = arith.maximumf %add3A_300, %max3A_302 : vector<16xf32>
        %swap3A_304 = arith.index_cast %scan3A_208 : i32 to index
        %swap3A_305 = arith.constant 80 : index
        %swap3A_306 = tpu.vector_load %arg11[%swap3A_304, %swap3A_305] {strides = array<i32>} : memref<40x128xf32, #tpu.memory_space<vmem>>, vector<1x16xf32>,
        %swap3A_307 = vector.shape_cast %swap3A_306 : vector<1x16xf32> to vector<16xf32>
        %swap3A_308 = vector.shape_cast %max3A_303 : vector<16xf32> to vector<1x16xf32>
        tpu.vector_store %arg11[%swap3A_304, %swap3A_305], %swap3A_308 {strides = array<i32>} : memref<40x128xf32, #tpu.memory_space<vmem>>, vector<1x16xf32>,
        %get3A_309 = arith.index_cast %scan3A_208 : i32 to index
        %get3A_310 = arith.constant 96 : index
        %get3A_311 = tpu.vector_load %arg11[%get3A_309, %get3A_310] {strides = array<i32>} : memref<40x128xf32, #tpu.memory_space<vmem>>, vector<1x16xf32>,
        %get3A_312 = vector.shape_cast %get3A_311 : vector<1x16xf32> to vector<16xf32>
        %get3A_313 = arith.index_cast %scan3A_208 : i32 to index
        %get3A_314 = arith.constant 96 : index
        %get3A_315 = tpu.vector_load %arg13[%get3A_313, %get3A_314] {strides = array<i32>} : memref<40x128xf32, #tpu.memory_space<vmem>>, vector<1x16xf32>,
        %get3A_316 = vector.shape_cast %get3A_315 : vector<1x16xf32> to vector<16xf32>
        %add3A_317 = arith.addf %get3A_312, %get3A_316 : vector<16xf32>
        %max3A_318 = arith.constant 0.000000e+00 : f32
        %max3A_319 = vector.broadcast %max3A_318 : f32 to vector<16xf32>
        %max3A_320 = arith.maximumf %add3A_317, %max3A_319 : vector<16xf32>
        %swap3A_321 = arith.index_cast %scan3A_208 : i32 to index
        %swap3A_322 = arith.constant 96 : index
        %swap3A_323 = tpu.vector_load %arg11[%swap3A_321, %swap3A_322] {strides = array<i32>} : memref<40x128xf32, #tpu.memory_space<vmem>>, vector<1x16xf32>,
        %swap3A_324 = vector.shape_cast %swap3A_323 : vector<1x16xf32> to vector<16xf32>
        %swap3A_325 = vector.shape_cast %max3A_320 : vector<16xf32> to vector<1x16xf32>
        tpu.vector_store %arg11[%swap3A_321, %swap3A_322], %swap3A_325 {strides = array<i32>} : memref<40x128xf32, #tpu.memory_space<vmem>>, vector<1x16xf32>,
        %get3A_326 = arith.index_cast %scan3A_208 : i32 to index
        %get3A_327 = arith.constant 112 : index
        %get3A_328 = tpu.vector_load %arg11[%get3A_326, %get3A_327] {strides = array<i32>} : memref<40x128xf32, #tpu.memory_space<vmem>>, vector<1x16xf32>,
        %get3A_329 = vector.shape_cast %get3A_328 : vector<1x16xf32> to vector<16xf32>
        %get3A_330 = arith.index_cast %scan3A_208 : i32 to index
        %get3A_331 = arith.constant 112 : index
        %get3A_332 = tpu.vector_load %arg13[%get3A_330, %get3A_331] {strides = array<i32>} : memref<40x128xf32, #tpu.memory_space<vmem>>, vector<1x16xf32>,
        %get3A_333 = vector.shape_cast %get3A_332 : vector<1x16xf32> to vector<16xf32>
        %add3A_334 = arith.addf %get3A_329, %get3A_333 : vector<16xf32>
        %max3A_335 = arith.constant 0.000000e+00 : f32
        %max3A_336 = vector.broadcast %max3A_335 : f32 to vector<16xf32>
        %max3A_337 = arith.maximumf %add3A_334, %max3A_336 : vector<16xf32>
        %swap3A_338 = arith.index_cast %scan3A_208 : i32 to index
        %swap3A_339 = arith.constant 112 : index
        %swap3A_340 = tpu.vector_load %arg11[%swap3A_338, %swap3A_339] {strides = array<i32>} : memref<40x128xf32, #tpu.memory_space<vmem>>, vector<1x16xf32>,
        %swap3A_341 = vector.shape_cast %swap3A_340 : vector<1x16xf32> to vector<16xf32>
        %swap3A_342 = vector.shape_cast %max3A_337 : vector<16xf32> to vector<1x16xf32>
        tpu.vector_store %arg11[%swap3A_338, %swap3A_339], %swap3A_342 {strides = array<i32>} : memref<40x128xf32, #tpu.memory_space<vmem>>, vector<1x16xf32>,
        %scan3A_343 = arith.constant 0 : i32
        scf.yield %scan3A_343 : i32
      }
      %scan3A_147 = arith.constant 40 : i32
      %dma_wait3A_148 = arith.constant 0 : i32
      %dma_wait3A_149 = tpu.memref_slice %arg5[%add3A, %add3A_114, %dma_wait3A_148] : memref<32x250x40xi32, #tpu.memory_space<hbm>> -> memref<1x1x40xi32, #tpu.memory_space<hbm>>
      %dma_wait3A_150 = tpu.memref_squeeze %dma_wait3A_149 : memref<1x1x40xi32, #tpu.memory_space<hbm>> -> memref<40xi32, #tpu.memory_space<hbm>>
      %dma_wait3A_151 = arith.constant 0 : i32
      %dma_wait3A_152 = tpu.memref_slice %arg5[%add3A, %add3A_114, %dma_wait3A_151] : memref<32x250x40xi32, #tpu.memory_space<hbm>> -> memref<1x1x40xi32, #tpu.memory_space<hbm>>
      %dma_wait3A_153 = tpu.memref_squeeze %dma_wait3A_152 : memref<1x1x40xi32, #tpu.memory_space<hbm>> -> memref<40xi32, #tpu.memory_space<hbm>>
      tpu.wait_dma2 semaphore(%arg22 : memref<!tpu.dma_semaphore, #tpu.memory_space<semaphore_mem>>) src(%dma_wait3A_153 : memref<40xi32, #tpu.memory_space<hbm>>) dst(%arg9 : memref<40xi32, #tpu.memory_space<vmem>>)
      %dma_start3A_154 = arith.constant 0 : i32
      %dma_start3A_155 = arith.constant 0 : i32
      %dma_start3A_156 = tpu.memref_slice %arg15[%dma_start3A_154, %dma_start3A_155] : memref<10000x128xf32, #tpu.memory_space<vmem_shared>> -> memref<10000x128xf32, #tpu.memory_space<vmem_shared>>
      tpu.enqueue_indirect_dma source(%arg11 : memref<40x128xf32, #tpu.memory_space<vmem>>) target(%dma_start3A_156 : memref<10000x128xf32, #tpu.memory_space<vmem_shared>>) offsets(%arg9 : memref<40xi32, #tpu.memory_space<vmem>>) semaphore(%arg24 : memref<!tpu.dma_semaphore, #tpu.memory_space<semaphore_mem>>) {add = true}
      %mul3A_157 = arith.constant 2 : i32
      %mul3A_158 = arith.muli %mul3A_157, %scan3A_109 : i32
      %add3A_159 = arith.constant 1 : i32
      %add3A_160 = arith.addi %mul3A_158, %add3A_159 : i32
      %dma_wait3A_161 = arith.constant 0 : i32
      %dma_wait3A_162 = arith.constant 0 : i32
      %dma_wait3A_163 = tpu.memref_slice %arg2[%dma_wait3A_161, %dma_wait3A_162] : memref<10000x128xf32, #tpu.memory_space<hbm>> -> memref<10000x128xf32, #tpu.memory_space<hbm>>
      tpu.wait_indirect_dma semaphore(%arg17 : memref<!tpu.dma_semaphore, #tpu.memory_space<semaphore_mem>>) src(%dma_wait3A_163 : memref<10000x128xf32, #tpu.memory_space<hbm>>) dst(%arg12 : memref<40x128xf32, #tpu.memory_space<vmem>>)
      %dma_wait3A_164 = arith.constant 0 : i32
      %dma_wait3A_165 = arith.constant 0 : i32
      %dma_wait3A_166 = tpu.memref_slice %arg3[%add3A, %add3A_160, %dma_wait3A_164, %dma_wait3A_165] : memref<32x250x40x128xf32, #tpu.memory_space<hbm>> -> memref<1x1x40x128xf32, #tpu.memory_space<hbm>>
      %dma_wait3A_167 = tpu.memref_squeeze %dma_wait3A_166 : memref<1x1x40x128xf32, #tpu.memory_space<hbm>> -> memref<40x128xf32, #tpu.memory_space<hbm>>
      %dma_wait3A_168 = arith.constant 0 : i32
      %dma_wait3A_169 = arith.constant 0 : i32
      %dma_wait3A_170 = tpu.memref_slice %arg3[%add3A, %add3A_160, %dma_wait3A_168, %dma_wait3A_169] : memref<32x250x40x128xf32, #tpu.memory_space<hbm>> -> memref<1x1x40x128xf32, #tpu.memory_space<hbm>>
      %dma_wait3A_171 = tpu.memref_squeeze %dma_wait3A_170 : memref<1x1x40x128xf32, #tpu.memory_space<hbm>> -> memref<40x128xf32, #tpu.memory_space<hbm>>
      tpu.wait_dma2 semaphore(%arg19 : memref<!tpu.dma_semaphore, #tpu.memory_space<semaphore_mem>>) src(%dma_wait3A_171 : memref<40x128xf32, #tpu.memory_space<hbm>>) dst(%arg14 : memref<40x128xf32, #tpu.memory_space<vmem>>)
      %add3A_172 = arith.constant 2 : i32
      %add3A_173 = arith.addi %add3A_160, %add3A_172 : i32
      %lt3A_174 = arith.constant 250 : i32
      %lt3A_175 = arith.cmpi slt, %add3A_173, %lt3A_174 : i32
      %convert_element_type3A_176 = arith.extui %lt3A_175 : i1 to i32
      %cond3A_177 = arith.constant 0 : i32
      %cond3A_178 = arith.cmpi ne, %convert_element_type3A_176, %cond3A_177 : i32
      scf.if %cond3A_178 {
        %add3A_208 = arith.constant 2 : i32
        %add3A_209 = arith.addi %add3A_160, %add3A_208 : i32
        %dma_start3A_210 = arith.constant 0 : i32
        %dma_start3A_211 = tpu.memref_slice %arg4[%add3A, %add3A_209, %dma_start3A_210] : memref<32x250x40xi32, #tpu.memory_space<hbm>> -> memref<1x1x40xi32, #tpu.memory_space<hbm>>
        %dma_start3A_212 = tpu.memref_squeeze %dma_start3A_211 : memref<1x1x40xi32, #tpu.memory_space<hbm>> -> memref<40xi32, #tpu.memory_space<hbm>>
        %dma_start3A_213 = arith.constant 0 : i32
        %dma_start3A_214 = tpu.memref_slice %arg4[%add3A, %add3A_209, %dma_start3A_213] : memref<32x250x40xi32, #tpu.memory_space<hbm>> -> memref<1x1x40xi32, #tpu.memory_space<hbm>>
        %dma_start3A_215 = tpu.memref_squeeze %dma_start3A_214 : memref<1x1x40xi32, #tpu.memory_space<hbm>> -> memref<40xi32, #tpu.memory_space<hbm>>
        tpu.enqueue_dma source(%dma_start3A_215 : memref<40xi32, #tpu.memory_space<hbm>>) target(%arg8 : memref<40xi32, #tpu.memory_space<vmem>>) target_semaphore(%arg21 : memref<!tpu.dma_semaphore, #tpu.memory_space<semaphore_mem>>)
      } else {
      }
      %gt3A_179 = arith.constant 0 : i32
      %gt3A_180 = arith.cmpi sgt, %add3A_160, %gt3A_179 : i32
      %convert_element_type3A_181 = arith.extui %gt3A_180 : i1 to i32
      %cond3A_182 = arith.constant 0 : i32
      %cond3A_183 = arith.cmpi ne, %convert_element_type3A_181, %cond3A_182 : i32
      scf.if %cond3A_183 {
        %dma_wait3A_208 = arith.constant 0 : i32
        %dma_wait3A_209 = arith.constant 0 : i32
        %dma_wait3A_210 = tpu.memref_slice %arg15[%dma_wait3A_208, %dma_wait3A_209] : memref<10000x128xf32, #tpu.memory_space<vmem_shared>> -> memref<10000x128xf32, #tpu.memory_space<vmem_shared>>
        tpu.wait_indirect_dma semaphore(%arg24 : memref<!tpu.dma_semaphore, #tpu.memory_space<semaphore_mem>>) src(%arg11 : memref<40x128xf32, #tpu.memory_space<vmem>>) dst(%dma_wait3A_210 : memref<10000x128xf32, #tpu.memory_space<vmem_shared>>)
      } else {
      }
      %add3A_184 = arith.constant 1 : i32
      %add3A_185 = arith.addi %add3A_160, %add3A_184 : i32
      %lt3A_186 = arith.constant 250 : i32
      %lt3A_187 = arith.cmpi slt, %add3A_185, %lt3A_186 : i32
      %convert_element_type3A_188 = arith.extui %lt3A_187 : i1 to i32
      %cond3A_189 = arith.constant 0 : i32
      %cond3A_190 = arith.cmpi ne, %convert_element_type3A_188, %cond3A_189 : i32
      scf.if %cond3A_190 {
        %add3A_208 = arith.constant 1 : i32
        %add3A_209 = arith.addi %add3A_160, %add3A_208 : i32
        %dma_wait3A_210 = arith.constant 0 : i32
        %dma_wait3A_211 = tpu.memref_slice %arg4[%add3A, %add3A_209, %dma_wait3A_210] : memref<32x250x40xi32, #tpu.memory_space<hbm>> -> memref<1x1x40xi32, #tpu.memory_space<hbm>>
        %dma_wait3A_212 = tpu.memref_squeeze %dma_wait3A_211 : memref<1x1x40xi32, #tpu.memory_space<hbm>> -> memref<40xi32, #tpu.memory_space<hbm>>
        %dma_wait3A_213 = arith.constant 0 : i32
        %dma_wait3A_214 = tpu.memref_slice %arg4[%add3A, %add3A_209, %dma_wait3A_213] : memref<32x250x40xi32, #tpu.memory_space<hbm>> -> memref<1x1x40xi32, #tpu.memory_space<hbm>>
        %dma_wait3A_215 = tpu.memref_squeeze %dma_wait3A_214 : memref<1x1x40xi32, #tpu.memory_space<hbm>> -> memref<40xi32, #tpu.memory_space<hbm>>
        tpu.wait_dma2 semaphore(%arg20 : memref<!tpu.dma_semaphore, #tpu.memory_space<semaphore_mem>>) src(%dma_wait3A_215 : memref<40xi32, #tpu.memory_space<hbm>>) dst(%arg7 : memref<40xi32, #tpu.memory_space<vmem>>)
        %dma_start3A_216 = arith.constant 0 : i32
        %dma_start3A_217 = arith.constant 0 : i32
        %dma_start3A_218 = tpu.memref_slice %arg2[%dma_start3A_216, %dma_start3A_217] : memref<10000x128xf32, #tpu.memory_space<hbm>> -> memref<10000x128xf32, #tpu.memory_space<hbm>>
        tpu.enqueue_indirect_dma source(%dma_start3A_218 : memref<10000x128xf32, #tpu.memory_space<hbm>>) target(%arg11 : memref<40x128xf32, #tpu.memory_space<vmem>>) offsets(%arg7 : memref<40xi32, #tpu.memory_space<vmem>>) semaphore(%arg16 : memref<!tpu.dma_semaphore, #tpu.memory_space<semaphore_mem>>)
        %add3A_219 = arith.constant 1 : i32
        %add3A_220 = arith.addi %add3A_160, %add3A_219 : i32
        %dma_start3A_221 = arith.constant 0 : i32
        %dma_start3A_222 = arith.constant 0 : i32
        %dma_start3A_223 = tpu.memref_slice %arg3[%add3A, %add3A_220, %dma_start3A_221, %dma_start3A_222] : memref<32x250x40x128xf32, #tpu.memory_space<hbm>> -> memref<1x1x40x128xf32, #tpu.memory_space<hbm>>
        %dma_start3A_224 = tpu.memref_squeeze %dma_start3A_223 : memref<1x1x40x128xf32, #tpu.memory_space<hbm>> -> memref<40x128xf32, #tpu.memory_space<hbm>>
        %dma_start3A_225 = arith.constant 0 : i32
        %dma_start3A_226 = arith.constant 0 : i32
        %dma_start3A_227 = tpu.memref_slice %arg3[%add3A, %add3A_220, %dma_start3A_225, %dma_start3A_226] : memref<32x250x40x128xf32, #tpu.memory_space<hbm>> -> memref<1x1x40x128xf32, #tpu.memory_space<hbm>>
        %dma_start3A_228 = tpu.memref_squeeze %dma_start3A_227 : memref<1x1x40x128xf32, #tpu.memory_space<hbm>> -> memref<40x128xf32, #tpu.memory_space<hbm>>
        tpu.enqueue_dma source(%dma_start3A_228 : memref<40x128xf32, #tpu.memory_space<hbm>>) target(%arg13 : memref<40x128xf32, #tpu.memory_space<vmem>>) target_semaphore(%arg18 : memref<!tpu.dma_semaphore, #tpu.memory_space<semaphore_mem>>)
        %add3A_229 = arith.constant 1 : i32
        %add3A_230 = arith.addi %add3A_160, %add3A_229 : i32
        %dma_start3A_231 = arith.constant 0 : i32
        %dma_start3A_232 = tpu.memref_slice %arg5[%add3A, %add3A_230, %dma_start3A_231] : memref<32x250x40xi32, #tpu.memory_space<hbm>> -> memref<1x1x40xi32, #tpu.memory_space<hbm>>
        %dma_start3A_233 = tpu.memref_squeeze %dma_start3A_232 : memref<1x1x40xi32, #tpu.memory_space<hbm>> -> memref<40xi32, #tpu.memory_space<hbm>>
        %dma_start3A_234 = arith.constant 0 : i32
        %dma_start3A_235 = tpu.memref_slice %arg5[%add3A, %add3A_230, %dma_start3A_234] : memref<32x250x40xi32, #tpu.memory_space<hbm>> -> memref<1x1x40xi32, #tpu.memory_space<hbm>>
        %dma_start3A_236 = tpu.memref_squeeze %dma_start3A_235 : memref<1x1x40xi32, #tpu.memory_space<hbm>> -> memref<40xi32, #tpu.memory_space<hbm>>
        tpu.enqueue_dma source(%dma_start3A_236 : memref<40xi32, #tpu.memory_space<hbm>>) target(%arg9 : memref<40xi32, #tpu.memory_space<vmem>>) target_semaphore(%arg22 : memref<!tpu.dma_semaphore, #tpu.memory_space<semaphore_mem>>)
      } else {
      }
      %scan3A_191 = arith.constant 0 : i32
      %scan3A_192 = arith.constant 0 : i32
      %scan3A_193 = arith.constant 40 : i32
      %scan3A_194 = arith.addi %scan3A_192, %scan3A_193 : i32
      %scan3A_195 = arith.constant 1 : i32
      %scan3A_196 = scf.for %scan3A_208 = %scan3A_192 to %scan3A_194 step %scan3A_195 iter_args(%scan3A_209 = %scan3A_191) -> (i32)  : i32 {
        %get3A = arith.index_cast %scan3A_208 : i32 to index
        %get3A_210 = arith.constant 0 : index
        %get3A_211 = tpu.vector_load %arg12[%get3A, %get3A_210] {strides = array<i32>} : memref<40x128xf32, #tpu.memory_space<vmem>>, vector<1x16xf32>,
        %get3A_212 = vector.shape_cast %get3A_211 : vector<1x16xf32> to vector<16xf32>
        %get3A_213 = arith.index_cast %scan3A_208 : i32 to index
        %get3A_214 = arith.constant 0 : index
        %get3A_215 = tpu.vector_load %arg14[%get3A_213, %get3A_214] {strides = array<i32>} : memref<40x128xf32, #tpu.memory_space<vmem>>, vector<1x16xf32>,
        %get3A_216 = vector.shape_cast %get3A_215 : vector<1x16xf32> to vector<16xf32>
        %add3A_217 = arith.addf %get3A_212, %get3A_216 : vector<16xf32>
        %max3A = arith.constant 0.000000e+00 : f32
        %max3A_218 = vector.broadcast %max3A : f32 to vector<16xf32>
        %max3A_219 = arith.maximumf %add3A_217, %max3A_218 : vector<16xf32>
        %swap3A = arith.index_cast %scan3A_208 : i32 to index
        %swap3A_220 = arith.constant 0 : index
        %swap3A_221 = tpu.vector_load %arg12[%swap3A, %swap3A_220] {strides = array<i32>} : memref<40x128xf32, #tpu.memory_space<vmem>>, vector<1x16xf32>,
        %swap3A_222 = vector.shape_cast %swap3A_221 : vector<1x16xf32> to vector<16xf32>
        %swap3A_223 = vector.shape_cast %max3A_219 : vector<16xf32> to vector<1x16xf32>
        tpu.vector_store %arg12[%swap3A, %swap3A_220], %swap3A_223 {strides = array<i32>} : memref<40x128xf32, #tpu.memory_space<vmem>>, vector<1x16xf32>,
        %get3A_224 = arith.index_cast %scan3A_208 : i32 to index
        %get3A_225 = arith.constant 16 : index
        %get3A_226 = tpu.vector_load %arg12[%get3A_224, %get3A_225] {strides = array<i32>} : memref<40x128xf32, #tpu.memory_space<vmem>>, vector<1x16xf32>,
        %get3A_227 = vector.shape_cast %get3A_226 : vector<1x16xf32> to vector<16xf32>
        %get3A_228 = arith.index_cast %scan3A_208 : i32 to index
        %get3A_229 = arith.constant 16 : index
        %get3A_230 = tpu.vector_load %arg14[%get3A_228, %get3A_229] {strides = array<i32>} : memref<40x128xf32, #tpu.memory_space<vmem>>, vector<1x16xf32>,
        %get3A_231 = vector.shape_cast %get3A_230 : vector<1x16xf32> to vector<16xf32>
        %add3A_232 = arith.addf %get3A_227, %get3A_231 : vector<16xf32>
        %max3A_233 = arith.constant 0.000000e+00 : f32
        %max3A_234 = vector.broadcast %max3A_233 : f32 to vector<16xf32>
        %max3A_235 = arith.maximumf %add3A_232, %max3A_234 : vector<16xf32>
        %swap3A_236 = arith.index_cast %scan3A_208 : i32 to index
        %swap3A_237 = arith.constant 16 : index
        %swap3A_238 = tpu.vector_load %arg12[%swap3A_236, %swap3A_237] {strides = array<i32>} : memref<40x128xf32, #tpu.memory_space<vmem>>, vector<1x16xf32>,
        %swap3A_239 = vector.shape_cast %swap3A_238 : vector<1x16xf32> to vector<16xf32>
        %swap3A_240 = vector.shape_cast %max3A_235 : vector<16xf32> to vector<1x16xf32>
        tpu.vector_store %arg12[%swap3A_236, %swap3A_237], %swap3A_240 {strides = array<i32>} : memref<40x128xf32, #tpu.memory_space<vmem>>, vector<1x16xf32>,
        %get3A_241 = arith.index_cast %scan3A_208 : i32 to index
        %get3A_242 = arith.constant 32 : index
        %get3A_243 = tpu.vector_load %arg12[%get3A_241, %get3A_242] {strides = array<i32>} : memref<40x128xf32, #tpu.memory_space<vmem>>, vector<1x16xf32>,
        %get3A_244 = vector.shape_cast %get3A_243 : vector<1x16xf32> to vector<16xf32>
        %get3A_245 = arith.index_cast %scan3A_208 : i32 to index
        %get3A_246 = arith.constant 32 : index
        %get3A_247 = tpu.vector_load %arg14[%get3A_245, %get3A_246] {strides = array<i32>} : memref<40x128xf32, #tpu.memory_space<vmem>>, vector<1x16xf32>,
        %get3A_248 = vector.shape_cast %get3A_247 : vector<1x16xf32> to vector<16xf32>
        %add3A_249 = arith.addf %get3A_244, %get3A_248 : vector<16xf32>
        %max3A_250 = arith.constant 0.000000e+00 : f32
        %max3A_251 = vector.broadcast %max3A_250 : f32 to vector<16xf32>
        %max3A_252 = arith.maximumf %add3A_249, %max3A_251 : vector<16xf32>
        %swap3A_253 = arith.index_cast %scan3A_208 : i32 to index
        %swap3A_254 = arith.constant 32 : index
        %swap3A_255 = tpu.vector_load %arg12[%swap3A_253, %swap3A_254] {strides = array<i32>} : memref<40x128xf32, #tpu.memory_space<vmem>>, vector<1x16xf32>,
        %swap3A_256 = vector.shape_cast %swap3A_255 : vector<1x16xf32> to vector<16xf32>
        %swap3A_257 = vector.shape_cast %max3A_252 : vector<16xf32> to vector<1x16xf32>
        tpu.vector_store %arg12[%swap3A_253, %swap3A_254], %swap3A_257 {strides = array<i32>} : memref<40x128xf32, #tpu.memory_space<vmem>>, vector<1x16xf32>,
        %get3A_258 = arith.index_cast %scan3A_208 : i32 to index
        %get3A_259 = arith.constant 48 : index
        %get3A_260 = tpu.vector_load %arg12[%get3A_258, %get3A_259] {strides = array<i32>} : memref<40x128xf32, #tpu.memory_space<vmem>>, vector<1x16xf32>,
        %get3A_261 = vector.shape_cast %get3A_260 : vector<1x16xf32> to vector<16xf32>
        %get3A_262 = arith.index_cast %scan3A_208 : i32 to index
        %get3A_263 = arith.constant 48 : index
        %get3A_264 = tpu.vector_load %arg14[%get3A_262, %get3A_263] {strides = array<i32>} : memref<40x128xf32, #tpu.memory_space<vmem>>, vector<1x16xf32>,
        %get3A_265 = vector.shape_cast %get3A_264 : vector<1x16xf32> to vector<16xf32>
        %add3A_266 = arith.addf %get3A_261, %get3A_265 : vector<16xf32>
        %max3A_267 = arith.constant 0.000000e+00 : f32
        %max3A_268 = vector.broadcast %max3A_267 : f32 to vector<16xf32>
        %max3A_269 = arith.maximumf %add3A_266, %max3A_268 : vector<16xf32>
        %swap3A_270 = arith.index_cast %scan3A_208 : i32 to index
        %swap3A_271 = arith.constant 48 : index
        %swap3A_272 = tpu.vector_load %arg12[%swap3A_270, %swap3A_271] {strides = array<i32>} : memref<40x128xf32, #tpu.memory_space<vmem>>, vector<1x16xf32>,
        %swap3A_273 = vector.shape_cast %swap3A_272 : vector<1x16xf32> to vector<16xf32>
        %swap3A_274 = vector.shape_cast %max3A_269 : vector<16xf32> to vector<1x16xf32>
        tpu.vector_store %arg12[%swap3A_270, %swap3A_271], %swap3A_274 {strides = array<i32>} : memref<40x128xf32, #tpu.memory_space<vmem>>, vector<1x16xf32>,
        %get3A_275 = arith.index_cast %scan3A_208 : i32 to index
        %get3A_276 = arith.constant 64 : index
        %get3A_277 = tpu.vector_load %arg12[%get3A_275, %get3A_276] {strides = array<i32>} : memref<40x128xf32, #tpu.memory_space<vmem>>, vector<1x16xf32>,
        %get3A_278 = vector.shape_cast %get3A_277 : vector<1x16xf32> to vector<16xf32>
        %get3A_279 = arith.index_cast %scan3A_208 : i32 to index
        %get3A_280 = arith.constant 64 : index
        %get3A_281 = tpu.vector_load %arg14[%get3A_279, %get3A_280] {strides = array<i32>} : memref<40x128xf32, #tpu.memory_space<vmem>>, vector<1x16xf32>,
        %get3A_282 = vector.shape_cast %get3A_281 : vector<1x16xf32> to vector<16xf32>
        %add3A_283 = arith.addf %get3A_278, %get3A_282 : vector<16xf32>
        %max3A_284 = arith.constant 0.000000e+00 : f32
        %max3A_285 = vector.broadcast %max3A_284 : f32 to vector<16xf32>
        %max3A_286 = arith.maximumf %add3A_283, %max3A_285 : vector<16xf32>
        %swap3A_287 = arith.index_cast %scan3A_208 : i32 to index
        %swap3A_288 = arith.constant 64 : index
        %swap3A_289 = tpu.vector_load %arg12[%swap3A_287, %swap3A_288] {strides = array<i32>} : memref<40x128xf32, #tpu.memory_space<vmem>>, vector<1x16xf32>,
        %swap3A_290 = vector.shape_cast %swap3A_289 : vector<1x16xf32> to vector<16xf32>
        %swap3A_291 = vector.shape_cast %max3A_286 : vector<16xf32> to vector<1x16xf32>
        tpu.vector_store %arg12[%swap3A_287, %swap3A_288], %swap3A_291 {strides = array<i32>} : memref<40x128xf32, #tpu.memory_space<vmem>>, vector<1x16xf32>,
        %get3A_292 = arith.index_cast %scan3A_208 : i32 to index
        %get3A_293 = arith.constant 80 : index
        %get3A_294 = tpu.vector_load %arg12[%get3A_292, %get3A_293] {strides = array<i32>} : memref<40x128xf32, #tpu.memory_space<vmem>>, vector<1x16xf32>,
        %get3A_295 = vector.shape_cast %get3A_294 : vector<1x16xf32> to vector<16xf32>
        %get3A_296 = arith.index_cast %scan3A_208 : i32 to index
        %get3A_297 = arith.constant 80 : index
        %get3A_298 = tpu.vector_load %arg14[%get3A_296, %get3A_297] {strides = array<i32>} : memref<40x128xf32, #tpu.memory_space<vmem>>, vector<1x16xf32>,
        %get3A_299 = vector.shape_cast %get3A_298 : vector<1x16xf32> to vector<16xf32>
        %add3A_300 = arith.addf %get3A_295, %get3A_299 : vector<16xf32>
        %max3A_301 = arith.constant 0.000000e+00 : f32
        %max3A_302 = vector.broadcast %max3A_301 : f32 to vector<16xf32>
        %max3A_303 = arith.maximumf %add3A_300, %max3A_302 : vector<16xf32>
        %swap3A_304 = arith.index_cast %scan3A_208 : i32 to index
        %swap3A_305 = arith.constant 80 : index
        %swap3A_306 = tpu.vector_load %arg12[%swap3A_304, %swap3A_305] {strides = array<i32>} : memref<40x128xf32, #tpu.memory_space<vmem>>, vector<1x16xf32>,
        %swap3A_307 = vector.shape_cast %swap3A_306 : vector<1x16xf32> to vector<16xf32>
        %swap3A_308 = vector.shape_cast %max3A_303 : vector<16xf32> to vector<1x16xf32>
        tpu.vector_store %arg12[%swap3A_304, %swap3A_305], %swap3A_308 {strides = array<i32>} : memref<40x128xf32, #tpu.memory_space<vmem>>, vector<1x16xf32>,
        %get3A_309 = arith.index_cast %scan3A_208 : i32 to index
        %get3A_310 = arith.constant 96 : index
        %get3A_311 = tpu.vector_load %arg12[%get3A_309, %get3A_310] {strides = array<i32>} : memref<40x128xf32, #tpu.memory_space<vmem>>, vector<1x16xf32>,
        %get3A_312 = vector.shape_cast %get3A_311 : vector<1x16xf32> to vector<16xf32>
        %get3A_313 = arith.index_cast %scan3A_208 : i32 to index
        %get3A_314 = arith.constant 96 : index
        %get3A_315 = tpu.vector_load %arg14[%get3A_313, %get3A_314] {strides = array<i32>} : memref<40x128xf32, #tpu.memory_space<vmem>>, vector<1x16xf32>,
        %get3A_316 = vector.shape_cast %get3A_315 : vector<1x16xf32> to vector<16xf32>
        %add3A_317 = arith.addf %get3A_312, %get3A_316 : vector<16xf32>
        %max3A_318 = arith.constant 0.000000e+00 : f32
        %max3A_319 = vector.broadcast %max3A_318 : f32 to vector<16xf32>
        %max3A_320 = arith.maximumf %add3A_317, %max3A_319 : vector<16xf32>
        %swap3A_321 = arith.index_cast %scan3A_208 : i32 to index
        %swap3A_322 = arith.constant 96 : index
        %swap3A_323 = tpu.vector_load %arg12[%swap3A_321, %swap3A_322] {strides = array<i32>} : memref<40x128xf32, #tpu.memory_space<vmem>>, vector<1x16xf32>,
        %swap3A_324 = vector.shape_cast %swap3A_323 : vector<1x16xf32> to vector<16xf32>
        %swap3A_325 = vector.shape_cast %max3A_320 : vector<16xf32> to vector<1x16xf32>
        tpu.vector_store %arg12[%swap3A_321, %swap3A_322], %swap3A_325 {strides = array<i32>} : memref<40x128xf32, #tpu.memory_space<vmem>>, vector<1x16xf32>,
        %get3A_326 = arith.index_cast %scan3A_208 : i32 to index
        %get3A_327 = arith.constant 112 : index
        %get3A_328 = tpu.vector_load %arg12[%get3A_326, %get3A_327] {strides = array<i32>} : memref<40x128xf32, #tpu.memory_space<vmem>>, vector<1x16xf32>,
        %get3A_329 = vector.shape_cast %get3A_328 : vector<1x16xf32> to vector<16xf32>
        %get3A_330 = arith.index_cast %scan3A_208 : i32 to index
        %get3A_331 = arith.constant 112 : index
        %get3A_332 = tpu.vector_load %arg14[%get3A_330, %get3A_331] {strides = array<i32>} : memref<40x128xf32, #tpu.memory_space<vmem>>, vector<1x16xf32>,
        %get3A_333 = vector.shape_cast %get3A_332 : vector<1x16xf32> to vector<16xf32>
        %add3A_334 = arith.addf %get3A_329, %get3A_333 : vector<16xf32>
        %max3A_335 = arith.constant 0.000000e+00 : f32
        %max3A_336 = vector.broadcast %max3A_335 : f32 to vector<16xf32>
        %max3A_337 = arith.maximumf %add3A_334, %max3A_336 : vector<16xf32>
        %swap3A_338 = arith.index_cast %scan3A_208 : i32 to index
        %swap3A_339 = arith.constant 112 : index
        %swap3A_340 = tpu.vector_load %arg12[%swap3A_338, %swap3A_339] {strides = array<i32>} : memref<40x128xf32, #tpu.memory_space<vmem>>, vector<1x16xf32>,
        %swap3A_341 = vector.shape_cast %swap3A_340 : vector<1x16xf32> to vector<16xf32>
        %swap3A_342 = vector.shape_cast %max3A_337 : vector<16xf32> to vector<1x16xf32>
        tpu.vector_store %arg12[%swap3A_338, %swap3A_339], %swap3A_342 {strides = array<i32>} : memref<40x128xf32, #tpu.memory_space<vmem>>, vector<1x16xf32>,
        %scan3A_343 = arith.constant 0 : i32
        scf.yield %scan3A_343 : i32
      }
      %scan3A_197 = arith.constant 40 : i32
      %dma_wait3A_198 = arith.constant 0 : i32
      %dma_wait3A_199 = tpu.memref_slice %arg5[%add3A, %add3A_160, %dma_wait3A_198] : memref<32x250x40xi32, #tpu.memory_space<hbm>> -> memref<1x1x40xi32, #tpu.memory_space<hbm>>
      %dma_wait3A_200 = tpu.memref_squeeze %dma_wait3A_199 : memref<1x1x40xi32, #tpu.memory_space<hbm>> -> memref<40xi32, #tpu.memory_space<hbm>>
      %dma_wait3A_201 = arith.constant 0 : i32
      %dma_wait3A_202 = tpu.memref_slice %arg5[%add3A, %add3A_160, %dma_wait3A_201] : memref<32x250x40xi32, #tpu.memory_space<hbm>> -> memref<1x1x40xi32, #tpu.memory_space<hbm>>
      %dma_wait3A_203 = tpu.memref_squeeze %dma_wait3A_202 : memref<1x1x40xi32, #tpu.memory_space<hbm>> -> memref<40xi32, #tpu.memory_space<hbm>>
      tpu.wait_dma2 semaphore(%arg23 : memref<!tpu.dma_semaphore, #tpu.memory_space<semaphore_mem>>) src(%dma_wait3A_203 : memref<40xi32, #tpu.memory_space<hbm>>) dst(%arg10 : memref<40xi32, #tpu.memory_space<vmem>>)
      %dma_start3A_204 = arith.constant 0 : i32
      %dma_start3A_205 = arith.constant 0 : i32
      %dma_start3A_206 = tpu.memref_slice %arg15[%dma_start3A_204, %dma_start3A_205] : memref<10000x128xf32, #tpu.memory_space<vmem_shared>> -> memref<10000x128xf32, #tpu.memory_space<vmem_shared>>
      tpu.enqueue_indirect_dma source(%arg12 : memref<40x128xf32, #tpu.memory_space<vmem>>) target(%dma_start3A_206 : memref<10000x128xf32, #tpu.memory_space<vmem_shared>>) offsets(%arg10 : memref<40xi32, #tpu.memory_space<vmem>>) semaphore(%arg25 : memref<!tpu.dma_semaphore, #tpu.memory_space<semaphore_mem>>) {add = true}
      %scan3A_207 = arith.constant 0 : i32
      scf.yield %scan3A_207 : i32
    }
    %scan3A_103 = arith.constant 125 : i32
    %dma_wait3A = arith.constant 0 : i32
    %dma_wait3A_104 = arith.constant 0 : i32
    %dma_wait3A_105 = tpu.memref_slice %arg15[%dma_wait3A, %dma_wait3A_104] : memref<10000x128xf32, #tpu.memory_space<vmem_shared>> -> memref<10000x128xf32, #tpu.memory_space<vmem_shared>>
    tpu.wait_indirect_dma semaphore(%arg25 : memref<!tpu.dma_semaphore, #tpu.memory_space<semaphore_mem>>) src(%arg12 : memref<40x128xf32, #tpu.memory_space<vmem>>) dst(%dma_wait3A_105 : memref<10000x128xf32, #tpu.memory_space<vmem_shared>>)
    %barrier3A_106 = arith.constant 0 : index
    tpu.barrier barrier_id(%barrier3A_106)
    %mul3A_107 = arith.constant 625 : i32
    %mul3A_108 = arith.muli %arg1, %mul3A_107 : i32
    "tpu.region"() ({
      %run_scoped3A_109 = tpu.sem_alloc : memref<!tpu.dma_semaphore, #tpu.memory_space<semaphore_mem>>
      %dma_start3A_110 = arith.constant 0 : i32
      %dma_start3A_111 = arith.constant 0 : i32
      %dma_start3A_112 = tpu.memref_slice %arg6[%add3A, %dma_start3A_110, %dma_start3A_111] : memref<32x625x128xf32, #tpu.memory_space<hbm>> -> memref<1x625x128xf32, #tpu.memory_space<hbm>>
      %dma_start3A_113 = tpu.memref_squeeze %dma_start3A_112 : memref<1x625x128xf32, #tpu.memory_space<hbm>> -> memref<625x128xf32, #tpu.memory_space<hbm>>
      %dma_start3A_114 = arith.constant 0 : i32
      %dma_start3A_115 = tpu.memref_slice %arg15[%mul3A_108, %dma_start3A_114] : memref<10000x128xf32, #tpu.memory_space<vmem_shared>> -> memref<625x128xf32, #tpu.memory_space<vmem_shared>>
      tpu.enqueue_dma source(%dma_start3A_115 : memref<625x128xf32, #tpu.memory_space<vmem_shared>>) target(%dma_start3A_113 : memref<625x128xf32, #tpu.memory_space<hbm>>) target_semaphore(%run_scoped3A_109 : memref<!tpu.dma_semaphore, #tpu.memory_space<semaphore_mem>>)
      %dma_wait3A_116 = arith.constant 0 : i32
      %dma_wait3A_117 = arith.constant 0 : i32
      %dma_wait3A_118 = tpu.memref_slice %arg6[%add3A, %dma_wait3A_116, %dma_wait3A_117] : memref<32x625x128xf32, #tpu.memory_space<hbm>> -> memref<1x625x128xf32, #tpu.memory_space<hbm>>
      %dma_wait3A_119 = tpu.memref_squeeze %dma_wait3A_118 : memref<1x625x128xf32, #tpu.memory_space<hbm>> -> memref<625x128xf32, #tpu.memory_space<hbm>>
      %dma_wait3A_120 = arith.constant 0 : i32
      %dma_wait3A_121 = tpu.memref_slice %arg15[%mul3A_108, %dma_wait3A_120] : memref<10000x128xf32, #tpu.memory_space<vmem_shared>> -> memref<625x128xf32, #tpu.memory_space<vmem_shared>>
      tpu.wait_dma2 semaphore(%run_scoped3A_109 : memref<!tpu.dma_semaphore, #tpu.memory_space<semaphore_mem>>) src(%dma_wait3A_121 : memref<625x128xf32, #tpu.memory_space<vmem_shared>>) dst(%dma_wait3A_119 : memref<625x128xf32, #tpu.memory_space<hbm>>)
      tpu.yield
    }) : () -> ()
    return
  }
}

module attributes {stable_mosaic.version = 14 : i64} {
  func.func @_ea_body(%arg0: i32, %arg1: memref<4000x16xf32, #tpu.memory_space<vmem>>, %arg2: memref<16x128xf32, #tpu.memory_space<vmem>>, %arg3: memref<1x128xf32, #tpu.memory_space<vmem>>, %arg4: memref<4000x128xf32, #tpu.memory_space<vmem>>) attributes {dimension_semantics = [#tpu.dimension_semantics<arbitrary>], iteration_bounds = array<i64: 80>, scalar_prefetch = 0 : i64, scratch_operands = 0 : i64, tpu.core_type = #tpu.core_type<tc>, window_params = [{transform_indices = @transform_0, window_bounds = array<i64: 4000, 16>}, {pipeline_mode = #tpu.pipeline_mode<synchronous>, transform_indices = @transform_1, window_bounds = array<i64: 16, 128>}, {pipeline_mode = #tpu.pipeline_mode<synchronous>, transform_indices = @transform_2, window_bounds = array<i64: 1, 128>}, {transform_indices = @transform_3, window_bounds = array<i64: 4000, 128>}]} {
    %get3A = arith.constant 0 : index
    %get3A_0 = arith.constant 0 : index
    %get3A_1 = vector.load %arg1[%get3A, %get3A_0] : memref<4000x16xf32, #tpu.memory_space<vmem>>, vector<4000x16xf32>
    %get3A_2 = arith.constant 0 : index
    %get3A_3 = arith.constant 0 : index
    %get3A_4 = vector.load %arg2[%get3A_2, %get3A_3] : memref<16x128xf32, #tpu.memory_space<vmem>>, vector<16x128xf32>
    %dot_general3A = arith.constant dense<0.000000e+00> : vector<4000x128xf32>
    %dot_general3A_5 = tpu.matmul %get3A_1, %get3A_4, %dot_general3A {dimension_numbers = #tpu.dot_dimension_numbers<[1], [0], [0], [1], [0, 0, 1, 1], [], []>, transpose_lhs_hint = false} : vector<4000x16xf32>, vector<16x128xf32>, vector<4000x128xf32> -> vector<4000x128xf32>
    %get3A_6 = arith.constant 0 : index
    %get3A_7 = arith.constant 0 : index
    %get3A_8 = vector.load %arg3[%get3A_6, %get3A_7] : memref<1x128xf32, #tpu.memory_space<vmem>>, vector<1x128xf32>
    %add3A = vector.broadcast %get3A_8 : vector<1x128xf32> to vector<4000x128xf32>
    %add3A_9 = arith.addf %dot_general3A_5, %add3A : vector<4000x128xf32>
    %swap3A = arith.constant 0 : index
    %swap3A_10 = arith.constant 0 : index
    %swap3A_11 = vector.load %arg4[%swap3A, %swap3A_10] : memref<4000x128xf32, #tpu.memory_space<vmem>>, vector<4000x128xf32>
    tpu.vector_store %arg4[%swap3A, %swap3A_10], %add3A_9 {strides = array<i32>} : memref<4000x128xf32, #tpu.memory_space<vmem>>, vector<4000x128xf32>,
    return
  }
  func.func @transform_0(%arg0: i32) -> (i32, i32) {
    %c0_i32 = arith.constant 0 : i32
    %c0_i32_0 = arith.constant 0 : i32
    return %arg0, %c0_i32 : i32, i32
  }
  func.func @transform_1(%arg0: i32) -> (i32, i32) {
    %c0_i32 = arith.constant 0 : i32
    %c0_i32_0 = arith.constant 0 : i32
    %c0_i32_1 = arith.constant 0 : i32
    return %c0_i32, %c0_i32_0 : i32, i32
  }
  func.func @transform_2(%arg0: i32) -> (i32, i32) {
    %c0_i32 = arith.constant 0 : i32
    %c0_i32_0 = arith.constant 0 : i32
    %c0_i32_1 = arith.constant 0 : i32
    return %c0_i32, %c0_i32_0 : i32, i32
  }
  func.func @transform_3(%arg0: i32) -> (i32, i32) {
    %c0_i32 = arith.constant 0 : i32
    %c0_i32_0 = arith.constant 0 : i32
    return %arg0, %c0_i32 : i32, i32
  }
}

module attributes {stable_mosaic.version = 14 : i64} {
  func.func @_mlp_body(%arg0: i32, %arg1: memref<1000x128xf32, #tpu.memory_space<vmem>>, %arg2: memref<1000x128xf32, #tpu.memory_space<vmem>>, %arg3: memref<1000x128xf32, #tpu.memory_space<vmem>>, %arg4: memref<1x1x1000xi32, #tpu.memory_space<vmem>>, %arg5: memref<128x128xf32, #tpu.memory_space<vmem>>, %arg6: memref<1x128xf32, #tpu.memory_space<vmem>>, %arg7: memref<128x128xf32, #tpu.memory_space<vmem>>, %arg8: memref<1x128xf32, #tpu.memory_space<vmem>>, %arg9: memref<1000x128xf32, #tpu.memory_space<vmem>>, %arg10: memref<128x128xf32, #tpu.memory_space<vmem>>) attributes {dimension_semantics = [#tpu.dimension_semantics<arbitrary>], iteration_bounds = array<i64: 10>, scalar_prefetch = 0 : i64, scratch_operands = 0 : i64, tpu.core_type = #tpu.core_type<tc>, window_params = [{transform_indices = @transform_0, window_bounds = array<i64: 1000, 128>}, {transform_indices = @transform_1, window_bounds = array<i64: 1000, 128>}, {transform_indices = @transform_2, window_bounds = array<i64: 1000, 128>}, {transform_indices = @transform_3, window_bounds = array<i64: 1, 1, 1000>}, {pipeline_mode = #tpu.pipeline_mode<synchronous>, transform_indices = @transform_4, window_bounds = array<i64: 128, 128>}, {pipeline_mode = #tpu.pipeline_mode<synchronous>, transform_indices = @transform_5, window_bounds = array<i64: 1, 128>}, {pipeline_mode = #tpu.pipeline_mode<synchronous>, transform_indices = @transform_6, window_bounds = array<i64: 128, 128>}, {pipeline_mode = #tpu.pipeline_mode<synchronous>, transform_indices = @transform_7, window_bounds = array<i64: 1, 128>}, {transform_indices = @transform_8, window_bounds = array<i64: 1000, 128>}, {pipeline_mode = #tpu.pipeline_mode<synchronous>, transform_indices = @transform_9, window_bounds = array<i64: 128, 128>}]} {
    %get3A = arith.constant 0 : index
    %get3A_0 = arith.constant 0 : index
    %get3A_1 = vector.load %arg1[%get3A, %get3A_0] : memref<1000x128xf32, #tpu.memory_space<vmem>>, vector<1000x128xf32>
    %get3A_2 = arith.constant 0 : index
    %get3A_3 = arith.constant 0 : index
    %get3A_4 = vector.load %arg2[%get3A_2, %get3A_3] : memref<1000x128xf32, #tpu.memory_space<vmem>>, vector<1000x128xf32>
    %add3A = arith.addf %get3A_1, %get3A_4 : vector<1000x128xf32>
    %get3A_5 = arith.constant 0 : index
    %get3A_6 = arith.constant 0 : index
    %get3A_7 = vector.load %arg3[%get3A_5, %get3A_6] : memref<1000x128xf32, #tpu.memory_space<vmem>>, vector<1000x128xf32>
    %add3A_8 = arith.addf %add3A, %get3A_7 : vector<1000x128xf32>
    %get3A_9 = arith.constant 0 : index
    %get3A_10 = arith.constant 0 : index
    %get3A_11 = vector.load %arg5[%get3A_9, %get3A_10] : memref<128x128xf32, #tpu.memory_space<vmem>>, vector<128x128xf32>
    %dot_general3A = arith.constant dense<0.000000e+00> : vector<1000x128xf32>
    %dot_general3A_12 = tpu.matmul %add3A_8, %get3A_11, %dot_general3A {dimension_numbers = #tpu.dot_dimension_numbers<[1], [0], [0], [1], [0, 0, 1, 1], [], []>, transpose_lhs_hint = false} : vector<1000x128xf32>, vector<128x128xf32>, vector<1000x128xf32> -> vector<1000x128xf32>
    %get3A_13 = arith.constant 0 : index
    %get3A_14 = arith.constant 0 : index
    %get3A_15 = vector.load %arg6[%get3A_13, %get3A_14] : memref<1x128xf32, #tpu.memory_space<vmem>>, vector<1x128xf32>
    %add3A_16 = vector.broadcast %get3A_15 : vector<1x128xf32> to vector<1000x128xf32>
    %add3A_17 = arith.addf %dot_general3A_12, %add3A_16 : vector<1000x128xf32>
    %max3A = arith.constant 0.000000e+00 : f32
    %max3A_18 = vector.broadcast %max3A : f32 to vector<1000x128xf32>
    %max3A_19 = arith.maximumf %add3A_17, %max3A_18 : vector<1000x128xf32>
    %get3A_20 = arith.constant 0 : index
    %get3A_21 = arith.constant 0 : index
    %get3A_22 = vector.load %arg7[%get3A_20, %get3A_21] : memref<128x128xf32, #tpu.memory_space<vmem>>, vector<128x128xf32>
    %dot_general3A_23 = arith.constant dense<0.000000e+00> : vector<1000x128xf32>
    %dot_general3A_24 = tpu.matmul %max3A_19, %get3A_22, %dot_general3A_23 {dimension_numbers = #tpu.dot_dimension_numbers<[1], [0], [0], [1], [0, 0, 1, 1], [], []>, transpose_lhs_hint = false} : vector<1000x128xf32>, vector<128x128xf32>, vector<1000x128xf32> -> vector<1000x128xf32>
    %get3A_25 = arith.constant 0 : index
    %get3A_26 = arith.constant 0 : index
    %get3A_27 = vector.load %arg8[%get3A_25, %get3A_26] : memref<1x128xf32, #tpu.memory_space<vmem>>, vector<1x128xf32>
    %add3A_28 = vector.broadcast %get3A_27 : vector<1x128xf32> to vector<1000x128xf32>
    %add3A_29 = arith.addf %dot_general3A_24, %add3A_28 : vector<1000x128xf32>
    %max3A_30 = arith.constant 0.000000e+00 : f32
    %max3A_31 = vector.broadcast %max3A_30 : f32 to vector<1000x128xf32>
    %max3A_32 = arith.maximumf %add3A_29, %max3A_31 : vector<1000x128xf32>
    %swap3A = arith.constant 0 : index
    %swap3A_33 = arith.constant 0 : index
    %swap3A_34 = vector.load %arg9[%swap3A, %swap3A_33] : memref<1000x128xf32, #tpu.memory_space<vmem>>, vector<1000x128xf32>
    tpu.vector_store %arg9[%swap3A, %swap3A_33], %max3A_32 {strides = array<i32>} : memref<1000x128xf32, #tpu.memory_space<vmem>>, vector<1000x128xf32>,
    %get3A_35 = arith.constant 0 : index
    %get3A_36 = arith.constant 0 : index
    %get3A_37 = arith.constant 0 : index
    %get3A_38 = vector.load %arg4[%get3A_35, %get3A_36, %get3A_37] : memref<1x1x1000xi32, #tpu.memory_space<vmem>>, vector<1x1x1000xi32>
    %get3A_39 = vector.shape_cast %get3A_38 : vector<1x1x1000xi32> to vector<1x1000xi32>
    %iota3A = tpu.iota {dimensions = array<i32: 0>} : vector<128x1000xi32>
    %eq3A = vector.broadcast %get3A_39 : vector<1x1000xi32> to vector<128x1000xi32>
    %eq3A_40 = arith.cmpi eq, %iota3A, %eq3A : vector<128x1000xi32>
    %convert_element_type3A = arith.extui %eq3A_40 : vector<128x1000xi1> to vector<128x1000xi32>
    %convert_element_type3A_41 = arith.sitofp %convert_element_type3A : vector<128x1000xi32> to vector<128x1000xf32>
    %dot_general3A_42 = arith.constant dense<0.000000e+00> : vector<128x128xf32>
    %dot_general3A_43 = tpu.matmul %convert_element_type3A_41, %max3A_32, %dot_general3A_42 {dimension_numbers = #tpu.dot_dimension_numbers<[1], [0], [0], [1], [0, 0, 1, 1], [], []>, transpose_lhs_hint = false} : vector<128x1000xf32>, vector<1000x128xf32>, vector<128x128xf32> -> vector<128x128xf32>
    %eq3A_44 = arith.constant 0 : i32
    %eq3A_45 = arith.cmpi eq, %arg0, %eq3A_44 : i32
    %convert_element_type3A_46 = arith.extui %eq3A_45 : i1 to i32
    %cond3A = arith.constant 0 : i32
    %cond3A_47 = arith.cmpi ne, %convert_element_type3A_46, %cond3A : i32
    scf.if %cond3A_47 {
      %broadcast_in_dim3A = arith.constant 0.000000e+00 : f32
      %broadcast_in_dim3A_55 = vector.broadcast %broadcast_in_dim3A : f32 to vector<128x128xf32>
      %swap3A_56 = arith.constant 0 : index
      %swap3A_57 = arith.constant 0 : index
      %swap3A_58 = vector.load %arg10[%swap3A_56, %swap3A_57] : memref<128x128xf32, #tpu.memory_space<vmem>>, vector<128x128xf32>
      tpu.vector_store %arg10[%swap3A_56, %swap3A_57], %broadcast_in_dim3A_55 {strides = array<i32>} : memref<128x128xf32, #tpu.memory_space<vmem>>, vector<128x128xf32>,
    } else {
    }
    %get3A_48 = arith.constant 0 : index
    %get3A_49 = arith.constant 0 : index
    %get3A_50 = vector.load %arg10[%get3A_48, %get3A_49] : memref<128x128xf32, #tpu.memory_space<vmem>>, vector<128x128xf32>
    %add3A_51 = arith.addf %get3A_50, %dot_general3A_43 : vector<128x128xf32>
    %swap3A_52 = arith.constant 0 : index
    %swap3A_53 = arith.constant 0 : index
    %swap3A_54 = vector.load %arg10[%swap3A_52, %swap3A_53] : memref<128x128xf32, #tpu.memory_space<vmem>>, vector<128x128xf32>
    tpu.vector_store %arg10[%swap3A_52, %swap3A_53], %add3A_51 {strides = array<i32>} : memref<128x128xf32, #tpu.memory_space<vmem>>, vector<128x128xf32>,
    return
  }
  func.func @transform_0(%arg0: i32) -> (i32, i32) {
    %c0_i32 = arith.constant 0 : i32
    %c0_i32_0 = arith.constant 0 : i32
    return %arg0, %c0_i32 : i32, i32
  }
  func.func @transform_1(%arg0: i32) -> (i32, i32) {
    %c0_i32 = arith.constant 0 : i32
    %c0_i32_0 = arith.constant 0 : i32
    return %arg0, %c0_i32 : i32, i32
  }
  func.func @transform_2(%arg0: i32) -> (i32, i32) {
    %c0_i32 = arith.constant 0 : i32
    %c0_i32_0 = arith.constant 0 : i32
    return %arg0, %c0_i32 : i32, i32
  }
  func.func @transform_3(%arg0: i32) -> (i32, i32, i32) {
    %c0_i32 = arith.constant 0 : i32
    %c0_i32_0 = arith.constant 0 : i32
    %c0_i32_1 = arith.constant 0 : i32
    return %arg0, %c0_i32, %c0_i32_0 : i32, i32, i32
  }
  func.func @transform_4(%arg0: i32) -> (i32, i32) {
    %c0_i32 = arith.constant 0 : i32
    %c0_i32_0 = arith.constant 0 : i32
    %c0_i32_1 = arith.constant 0 : i32
    return %c0_i32, %c0_i32_0 : i32, i32
  }
  func.func @transform_5(%arg0: i32) -> (i32, i32) {
    %c0_i32 = arith.constant 0 : i32
    %c0_i32_0 = arith.constant 0 : i32
    %c0_i32_1 = arith.constant 0 : i32
    return %c0_i32, %c0_i32_0 : i32, i32
  }
  func.func @transform_6(%arg0: i32) -> (i32, i32) {
    %c0_i32 = arith.constant 0 : i32
    %c0_i32_0 = arith.constant 0 : i32
    %c0_i32_1 = arith.constant 0 : i32
    return %c0_i32, %c0_i32_0 : i32, i32
  }
  func.func @transform_7(%arg0: i32) -> (i32, i32) {
    %c0_i32 = arith.constant 0 : i32
    %c0_i32_0 = arith.constant 0 : i32
    %c0_i32_1 = arith.constant 0 : i32
    return %c0_i32, %c0_i32_0 : i32, i32
  }
  func.func @transform_8(%arg0: i32) -> (i32, i32) {
    %c0_i32 = arith.constant 0 : i32
    %c0_i32_0 = arith.constant 0 : i32
    return %arg0, %c0_i32 : i32, i32
  }
  func.func @transform_9(%arg0: i32) -> (i32, i32) {
    %c0_i32 = arith.constant 0 : i32
    %c0_i32_0 = arith.constant 0 : i32
    %c0_i32_1 = arith.constant 0 : i32
    return %c0_i32, %c0_i32_0 : i32, i32
  }
}

module attributes {stable_mosaic.version = 14 : i64} {
  func.func @_mlp_body(%arg0: i32, %arg1: memref<1000x128xf32, #tpu.memory_space<vmem>>, %arg2: memref<1000x128xf32, #tpu.memory_space<vmem>>, %arg3: memref<1000x128xf32, #tpu.memory_space<vmem>>, %arg4: memref<1x1x1000xi32, #tpu.memory_space<vmem>>, %arg5: memref<128x128xf32, #tpu.memory_space<vmem>>, %arg6: memref<1x128xf32, #tpu.memory_space<vmem>>, %arg7: memref<128x128xf32, #tpu.memory_space<vmem>>, %arg8: memref<1x128xf32, #tpu.memory_space<vmem>>, %arg9: memref<1000x128xf32, #tpu.memory_space<vmem>>, %arg10: memref<128x128xf32, #tpu.memory_space<vmem>>) attributes {dimension_semantics = [#tpu.dimension_semantics<arbitrary>], iteration_bounds = array<i64: 10>, scalar_prefetch = 0 : i64, scratch_operands = 0 : i64, tpu.core_type = #tpu.core_type<tc>, window_params = [{transform_indices = @transform_0, window_bounds = array<i64: 1000, 128>}, {transform_indices = @transform_1, window_bounds = array<i64: 1000, 128>}, {transform_indices = @transform_2, window_bounds = array<i64: 1000, 128>}, {transform_indices = @transform_3, window_bounds = array<i64: 1, 1, 1000>}, {pipeline_mode = #tpu.pipeline_mode<synchronous>, transform_indices = @transform_4, window_bounds = array<i64: 128, 128>}, {pipeline_mode = #tpu.pipeline_mode<synchronous>, transform_indices = @transform_5, window_bounds = array<i64: 1, 128>}, {pipeline_mode = #tpu.pipeline_mode<synchronous>, transform_indices = @transform_6, window_bounds = array<i64: 128, 128>}, {pipeline_mode = #tpu.pipeline_mode<synchronous>, transform_indices = @transform_7, window_bounds = array<i64: 1, 128>}, {transform_indices = @transform_8, window_bounds = array<i64: 1000, 128>}, {pipeline_mode = #tpu.pipeline_mode<synchronous>, transform_indices = @transform_9, window_bounds = array<i64: 128, 128>}]} {
    %get3A = arith.constant 0 : index
    %get3A_0 = arith.constant 0 : index
    %get3A_1 = vector.load %arg1[%get3A, %get3A_0] : memref<1000x128xf32, #tpu.memory_space<vmem>>, vector<1000x128xf32>
    %get3A_2 = arith.constant 0 : index
    %get3A_3 = arith.constant 0 : index
    %get3A_4 = vector.load %arg2[%get3A_2, %get3A_3] : memref<1000x128xf32, #tpu.memory_space<vmem>>, vector<1000x128xf32>
    %add3A = arith.addf %get3A_1, %get3A_4 : vector<1000x128xf32>
    %get3A_5 = arith.constant 0 : index
    %get3A_6 = arith.constant 0 : index
    %get3A_7 = vector.load %arg3[%get3A_5, %get3A_6] : memref<1000x128xf32, #tpu.memory_space<vmem>>, vector<1000x128xf32>
    %add3A_8 = arith.addf %add3A, %get3A_7 : vector<1000x128xf32>
    %get3A_9 = arith.constant 0 : index
    %get3A_10 = arith.constant 0 : index
    %get3A_11 = vector.load %arg5[%get3A_9, %get3A_10] : memref<128x128xf32, #tpu.memory_space<vmem>>, vector<128x128xf32>
    %dot_general3A = arith.constant dense<0.000000e+00> : vector<1000x128xf32>
    %dot_general3A_12 = tpu.matmul %add3A_8, %get3A_11, %dot_general3A {dimension_numbers = #tpu.dot_dimension_numbers<[1], [0], [0], [1], [0, 0, 1, 1], [], []>, transpose_lhs_hint = false} : vector<1000x128xf32>, vector<128x128xf32>, vector<1000x128xf32> -> vector<1000x128xf32>
    %get3A_13 = arith.constant 0 : index
    %get3A_14 = arith.constant 0 : index
    %get3A_15 = vector.load %arg6[%get3A_13, %get3A_14] : memref<1x128xf32, #tpu.memory_space<vmem>>, vector<1x128xf32>
    %add3A_16 = vector.broadcast %get3A_15 : vector<1x128xf32> to vector<1000x128xf32>
    %add3A_17 = arith.addf %dot_general3A_12, %add3A_16 : vector<1000x128xf32>
    %max3A = arith.constant 0.000000e+00 : f32
    %max3A_18 = vector.broadcast %max3A : f32 to vector<1000x128xf32>
    %max3A_19 = arith.maximumf %add3A_17, %max3A_18 : vector<1000x128xf32>
    %get3A_20 = arith.constant 0 : index
    %get3A_21 = arith.constant 0 : index
    %get3A_22 = vector.load %arg7[%get3A_20, %get3A_21] : memref<128x128xf32, #tpu.memory_space<vmem>>, vector<128x128xf32>
    %dot_general3A_23 = arith.constant dense<0.000000e+00> : vector<1000x128xf32>
    %dot_general3A_24 = tpu.matmul %max3A_19, %get3A_22, %dot_general3A_23 {dimension_numbers = #tpu.dot_dimension_numbers<[1], [0], [0], [1], [0, 0, 1, 1], [], []>, transpose_lhs_hint = false} : vector<1000x128xf32>, vector<128x128xf32>, vector<1000x128xf32> -> vector<1000x128xf32>
    %get3A_25 = arith.constant 0 : index
    %get3A_26 = arith.constant 0 : index
    %get3A_27 = vector.load %arg8[%get3A_25, %get3A_26] : memref<1x128xf32, #tpu.memory_space<vmem>>, vector<1x128xf32>
    %add3A_28 = vector.broadcast %get3A_27 : vector<1x128xf32> to vector<1000x128xf32>
    %add3A_29 = arith.addf %dot_general3A_24, %add3A_28 : vector<1000x128xf32>
    %max3A_30 = arith.constant 0.000000e+00 : f32
    %max3A_31 = vector.broadcast %max3A_30 : f32 to vector<1000x128xf32>
    %max3A_32 = arith.maximumf %add3A_29, %max3A_31 : vector<1000x128xf32>
    %swap3A = arith.constant 0 : index
    %swap3A_33 = arith.constant 0 : index
    %swap3A_34 = vector.load %arg9[%swap3A, %swap3A_33] : memref<1000x128xf32, #tpu.memory_space<vmem>>, vector<1000x128xf32>
    tpu.vector_store %arg9[%swap3A, %swap3A_33], %max3A_32 {strides = array<i32>} : memref<1000x128xf32, #tpu.memory_space<vmem>>, vector<1000x128xf32>,
    %get3A_35 = arith.constant 0 : index
    %get3A_36 = arith.constant 0 : index
    %get3A_37 = arith.constant 0 : index
    %get3A_38 = vector.load %arg4[%get3A_35, %get3A_36, %get3A_37] : memref<1x1x1000xi32, #tpu.memory_space<vmem>>, vector<1x1x1000xi32>
    %get3A_39 = vector.shape_cast %get3A_38 : vector<1x1x1000xi32> to vector<1x1000xi32>
    %iota3A = tpu.iota {dimensions = array<i32: 0>} : vector<128x1000xi32>
    %eq3A = vector.broadcast %get3A_39 : vector<1x1000xi32> to vector<128x1000xi32>
    %eq3A_40 = arith.cmpi eq, %iota3A, %eq3A : vector<128x1000xi32>
    %convert_element_type3A = arith.extui %eq3A_40 : vector<128x1000xi1> to vector<128x1000xi32>
    %convert_element_type3A_41 = arith.sitofp %convert_element_type3A : vector<128x1000xi32> to vector<128x1000xf32>
    %dot_general3A_42 = arith.constant dense<0.000000e+00> : vector<128x128xf32>
    %dot_general3A_43 = tpu.matmul %convert_element_type3A_41, %max3A_32, %dot_general3A_42 {dimension_numbers = #tpu.dot_dimension_numbers<[1], [0], [0], [1], [0, 0, 1, 1], [], []>, transpose_lhs_hint = false} : vector<128x1000xf32>, vector<1000x128xf32>, vector<128x128xf32> -> vector<128x128xf32>
    %eq3A_44 = arith.constant 0 : i32
    %eq3A_45 = arith.cmpi eq, %arg0, %eq3A_44 : i32
    %convert_element_type3A_46 = arith.extui %eq3A_45 : i1 to i32
    %cond3A = arith.constant 0 : i32
    %cond3A_47 = arith.cmpi ne, %convert_element_type3A_46, %cond3A : i32
    scf.if %cond3A_47 {
      %broadcast_in_dim3A = arith.constant 0.000000e+00 : f32
      %broadcast_in_dim3A_55 = vector.broadcast %broadcast_in_dim3A : f32 to vector<128x128xf32>
      %swap3A_56 = arith.constant 0 : index
      %swap3A_57 = arith.constant 0 : index
      %swap3A_58 = vector.load %arg10[%swap3A_56, %swap3A_57] : memref<128x128xf32, #tpu.memory_space<vmem>>, vector<128x128xf32>
      tpu.vector_store %arg10[%swap3A_56, %swap3A_57], %broadcast_in_dim3A_55 {strides = array<i32>} : memref<128x128xf32, #tpu.memory_space<vmem>>, vector<128x128xf32>,
    } else {
    }
    %get3A_48 = arith.constant 0 : index
    %get3A_49 = arith.constant 0 : index
    %get3A_50 = vector.load %arg10[%get3A_48, %get3A_49] : memref<128x128xf32, #tpu.memory_space<vmem>>, vector<128x128xf32>
    %add3A_51 = arith.addf %get3A_50, %dot_general3A_43 : vector<128x128xf32>
    %swap3A_52 = arith.constant 0 : index
    %swap3A_53 = arith.constant 0 : index
    %swap3A_54 = vector.load %arg10[%swap3A_52, %swap3A_53] : memref<128x128xf32, #tpu.memory_space<vmem>>, vector<128x128xf32>
    tpu.vector_store %arg10[%swap3A_52, %swap3A_53], %add3A_51 {strides = array<i32>} : memref<128x128xf32, #tpu.memory_space<vmem>>, vector<128x128xf32>,
    return
  }
  func.func @transform_0(%arg0: i32) -> (i32, i32) {
    %c0_i32 = arith.constant 0 : i32
    %c0_i32_0 = arith.constant 0 : i32
    return %arg0, %c0_i32 : i32, i32
  }
  func.func @transform_1(%arg0: i32) -> (i32, i32) {
    %c0_i32 = arith.constant 0 : i32
    %c0_i32_0 = arith.constant 0 : i32
    return %arg0, %c0_i32 : i32, i32
  }
  func.func @transform_2(%arg0: i32) -> (i32, i32) {
    %c0_i32 = arith.constant 0 : i32
    %c0_i32_0 = arith.constant 0 : i32
    return %arg0, %c0_i32 : i32, i32
  }
  func.func @transform_3(%arg0: i32) -> (i32, i32, i32) {
    %c0_i32 = arith.constant 0 : i32
    %c0_i32_0 = arith.constant 0 : i32
    %c0_i32_1 = arith.constant 0 : i32
    return %arg0, %c0_i32, %c0_i32_0 : i32, i32, i32
  }
  func.func @transform_4(%arg0: i32) -> (i32, i32) {
    %c0_i32 = arith.constant 0 : i32
    %c0_i32_0 = arith.constant 0 : i32
    %c0_i32_1 = arith.constant 0 : i32
    return %c0_i32, %c0_i32_0 : i32, i32
  }
  func.func @transform_5(%arg0: i32) -> (i32, i32) {
    %c0_i32 = arith.constant 0 : i32
    %c0_i32_0 = arith.constant 0 : i32
    %c0_i32_1 = arith.constant 0 : i32
    return %c0_i32, %c0_i32_0 : i32, i32
  }
  func.func @transform_6(%arg0: i32) -> (i32, i32) {
    %c0_i32 = arith.constant 0 : i32
    %c0_i32_0 = arith.constant 0 : i32
    %c0_i32_1 = arith.constant 0 : i32
    return %c0_i32, %c0_i32_0 : i32, i32
  }
  func.func @transform_7(%arg0: i32) -> (i32, i32) {
    %c0_i32 = arith.constant 0 : i32
    %c0_i32_0 = arith.constant 0 : i32
    %c0_i32_1 = arith.constant 0 : i32
    return %c0_i32, %c0_i32_0 : i32, i32
  }
  func.func @transform_8(%arg0: i32) -> (i32, i32) {
    %c0_i32 = arith.constant 0 : i32
    %c0_i32_0 = arith.constant 0 : i32
    return %arg0, %c0_i32 : i32, i32
  }
  func.func @transform_9(%arg0: i32) -> (i32, i32) {
    %c0_i32 = arith.constant 0 : i32
    %c0_i32_0 = arith.constant 0 : i32
    %c0_i32_1 = arith.constant 0 : i32
    return %c0_i32, %c0_i32_0 : i32, i32
  }
}

module attributes {stable_mosaic.version = 14 : i64} {
  func.func @_head_body(%arg0: memref<128x128xf32, #tpu.memory_space<vmem>>, %arg1: memref<128x128xf32, #tpu.memory_space<vmem>>, %arg2: memref<128x128xf32, #tpu.memory_space<vmem>>, %arg3: memref<384x384xf32, #tpu.memory_space<vmem>>, %arg4: memref<1x384xf32, #tpu.memory_space<vmem>>, %arg5: memref<384x1xf32, #tpu.memory_space<vmem>>, %arg6: memref<1x1xf32, #tpu.memory_space<vmem>>, %arg7: memref<128x1xf32, #tpu.memory_space<vmem>>) attributes {dimension_semantics = [], scalar_prefetch = 0 : i64, scratch_operands = 0 : i64, tpu.core_type = #tpu.core_type<tc>} {
    %get3A = arith.constant 0 : index
    %get3A_0 = arith.constant 0 : index
    %get3A_1 = vector.load %arg3[%get3A, %get3A_0] : memref<384x384xf32, #tpu.memory_space<vmem>>, vector<384x384xf32>
    %get3A_2 = arith.constant 0 : index
    %get3A_3 = arith.constant 0 : index
    %get3A_4 = vector.load %arg0[%get3A_2, %get3A_3] : memref<128x128xf32, #tpu.memory_space<vmem>>, vector<128x128xf32>
    %slice3A = vector.extract_strided_slice %get3A_1 {offsets = [0, 0], sizes = [128, 384], strides = [1, 1]} : vector<384x384xf32> to vector<128x384xf32>
    %dot_general3A = arith.constant dense<0.000000e+00> : vector<128x384xf32>
    %dot_general3A_5 = tpu.matmul %get3A_4, %slice3A, %dot_general3A {dimension_numbers = #tpu.dot_dimension_numbers<[1], [0], [0], [1], [0, 0, 1, 1], [], []>, transpose_lhs_hint = false} : vector<128x128xf32>, vector<128x384xf32>, vector<128x384xf32> -> vector<128x384xf32>
    %get3A_6 = arith.constant 0 : index
    %get3A_7 = arith.constant 0 : index
    %get3A_8 = vector.load %arg1[%get3A_6, %get3A_7] : memref<128x128xf32, #tpu.memory_space<vmem>>, vector<128x128xf32>
    %slice3A_9 = vector.extract_strided_slice %get3A_1 {offsets = [128, 0], sizes = [128, 384], strides = [1, 1]} : vector<384x384xf32> to vector<128x384xf32>
    %dot_general3A_10 = arith.constant dense<0.000000e+00> : vector<128x384xf32>
    %dot_general3A_11 = tpu.matmul %get3A_8, %slice3A_9, %dot_general3A_10 {dimension_numbers = #tpu.dot_dimension_numbers<[1], [0], [0], [1], [0, 0, 1, 1], [], []>, transpose_lhs_hint = false} : vector<128x128xf32>, vector<128x384xf32>, vector<128x384xf32> -> vector<128x384xf32>
    %add3A = arith.addf %dot_general3A_5, %dot_general3A_11 : vector<128x384xf32>
    %get3A_12 = arith.constant 0 : index
    %get3A_13 = arith.constant 0 : index
    %get3A_14 = vector.load %arg2[%get3A_12, %get3A_13] : memref<128x128xf32, #tpu.memory_space<vmem>>, vector<128x128xf32>
    %slice3A_15 = vector.extract_strided_slice %get3A_1 {offsets = [256, 0], sizes = [128, 384], strides = [1, 1]} : vector<384x384xf32> to vector<128x384xf32>
    %dot_general3A_16 = arith.constant dense<0.000000e+00> : vector<128x384xf32>
    %dot_general3A_17 = tpu.matmul %get3A_14, %slice3A_15, %dot_general3A_16 {dimension_numbers = #tpu.dot_dimension_numbers<[1], [0], [0], [1], [0, 0, 1, 1], [], []>, transpose_lhs_hint = false} : vector<128x128xf32>, vector<128x384xf32>, vector<128x384xf32> -> vector<128x384xf32>
    %add3A_18 = arith.addf %add3A, %dot_general3A_17 : vector<128x384xf32>
    %get3A_19 = arith.constant 0 : index
    %get3A_20 = arith.constant 0 : index
    %get3A_21 = vector.load %arg4[%get3A_19, %get3A_20] : memref<1x384xf32, #tpu.memory_space<vmem>>, vector<1x384xf32>
    %add3A_22 = vector.broadcast %get3A_21 : vector<1x384xf32> to vector<128x384xf32>
    %add3A_23 = arith.addf %add3A_18, %add3A_22 : vector<128x384xf32>
    %max3A = arith.constant 0.000000e+00 : f32
    %max3A_24 = vector.broadcast %max3A : f32 to vector<128x384xf32>
    %max3A_25 = arith.maximumf %add3A_23, %max3A_24 : vector<128x384xf32>
    %get3A_26 = arith.constant 0 : index
    %get3A_27 = arith.constant 0 : index
    %get3A_28 = vector.load %arg5[%get3A_26, %get3A_27] : memref<384x1xf32, #tpu.memory_space<vmem>>, vector<384x1xf32>
    %dot_general3A_29 = arith.constant dense<0.000000e+00> : vector<128x1xf32>
    %dot_general3A_30 = tpu.matmul %max3A_25, %get3A_28, %dot_general3A_29 {dimension_numbers = #tpu.dot_dimension_numbers<[1], [0], [0], [1], [0, 0, 1, 1], [], []>, transpose_lhs_hint = false} : vector<128x384xf32>, vector<384x1xf32>, vector<128x1xf32> -> vector<128x1xf32>
    %get3A_31 = arith.constant 0 : index
    %get3A_32 = arith.constant 0 : index
    %get3A_33 = vector.load %arg6[%get3A_31, %get3A_32] : memref<1x1xf32, #tpu.memory_space<vmem>>, vector<1x1xf32>
    %add3A_34 = vector.broadcast %get3A_33 : vector<1x1xf32> to vector<128x1xf32>
    %add3A_35 = arith.addf %dot_general3A_30, %add3A_34 : vector<128x1xf32>
    %swap3A = arith.constant 0 : index
    %swap3A_36 = arith.constant 0 : index
    %swap3A_37 = vector.load %arg7[%swap3A, %swap3A_36] : memref<128x1xf32, #tpu.memory_space<vmem>>, vector<128x1xf32>
    tpu.vector_store %arg7[%swap3A, %swap3A_36], %add3A_35 {strides = array<i32>} : memref<128x1xf32, #tpu.memory_space<vmem>>, vector<128x1xf32>,
    return
  }
}

</mosaic_0001>

<sc_bundles>
// kernel: kernel.12.cloned.1.call-start
scs
__scs_entry_jumppad:
0x0: {  	(pc) =	sbr.rel $0x88, $3  }
0x1: {  	(tag) =	ssettag $0x0;
	lr =	simm.s32 $0x1  }
0x2: {  	[smem:$0x3F8F] =	sst lr;
	_ =	strace $0xD0000000  }
0x3: {  	_ = 	snop  }
0x4: {  	_ = 	snop  }
0x5: {  	_ = 	snop  }
0x6: {  	_ = 	snop  }
0x7: {  	_ = 	snop  }
__scs_overlays_trampoline_lowered:
0x8: {  	[smem:$0x3F9E] =	sst s0  }
0x9: {  	[smem:$0x3F9F] =	sst s1  }
0xa: {  	[smem:$0x3FA0] =	sst s2  }
0xb: {  	[smem:$0x3FA1] =	sst s3  }
0xc: {  	[smem:$0x3FA2] =	sst s4  }
0xd: {  	[smem:$0x3FA3] =	sst s5  }
0xe: {  	[smem:$0x3FA4] =	sst s6  }
0xf: {  	[smem:$0x3FA5] =	sst s7  }
0x10: {  	[smem:$0x3FA6] =	sst s8  }
0x11: {  	[smem:$0x3FA7] =	sst s9;
	s0 =	simm.s32 @!p0 $0x0  }
0x12: {  	s1 =	sld [smem:$0x3F8D];
	s0 =	simm.s32 @p0 $0x1  }
0x13: {  	[smem:$0x3FA8] =	sst s0;
	s0 =	simm.s32 @!p1 $0x0  }
0x14: {  	s2 =	sld [smem:$0x3F8C];
	s0 =	simm.s32 @p1 $0x1  }
0x15: {  	[smem:$0x3FA9] =	sst s0;
	s0 =	simm.s32 @!p2 $0x0  }
0x16: {  	s3 =	sld [smem:$0x3FDB];
	s0 =	simm.s32 @p2 $0x1  }
0x17: {  	s4 =	simm.s32 $0x1BF5;
	[smem:$0x3FAB] =	sst s0  }
0x18: {  	s0 =	sld [smem:$0x3F8E];
	_ =	swait.ge [sflag:s4], $0x0  }
0x19: {  	s7 =	sld [smem:$0x3F8F]  }
0x1a: {  	s8 =	sadd.s32 $0xFFFFE003, lr  }
0x1b: {  	s9 =	sadd.s32 $0xFFFFFEF7, lr;
	s5 =	simm.s32 $0xFFFFFFFF;
	p2 =	slt.u32 s8, $0xFFFFF086  }
0x1c: {  	p1 =	slt.u32 s9, $0xF7A;
	s5 =	simm.s32 @!p2 $0x0  }
0x1d: {  	s5 =	simm.s32 @p1 $0x1;
	p0 =	seq.s32 s7, s2  }
0x1e: {  	s7 =	smul.u32 @!p0 $0xF7A, s2;
	p2 =	seq.s32 @!p0 s5, $0x0  }
0x1f: {  	s9 =	smul.u32 $0xF7A, s1;
	s8 =	simm.s32 @!p0 $0x1BF5;
	p2 =	por !p2, p0  }
0x20: {  	[sflag:s8] =	ssyncset.s32 @!p0 $0xFFFFF086;
	s6 =	sadd.s32 @!p0 s3, s7;
	s7 =	simm.s32 @!p0 $0x108  }
0x21: {  	s3 =	sadd.s32 s3, s9;
	s6 =	sadd.s32 @!p0 $0x88, s6;
	s7 =	simm.s32 @p2 $0x1082  }
0x22: {  	[simem:s7], [sflag:s8] =	dma.local @!p0 [hbm:s6], $0xF7A  }
0x23: {  	s9 =	sor.u32 $0xD0000000, s2;
	s6 =	simm.s32 $0x108;
	_ =	swait.ge @!p0 [sflag:s8], $0x0  }
0x24: {  	s3 =	sadd.s32 $0x88, s3;
	s6 =	simm.s32 @!p1 $0x1082;
	[sflag:s4] =	ssyncset.s32 $0xFFFFF086  }
0x25: {  	[simem:s6], [sflag:s4] =	dma.local [hbm:s3], $0xF7A  }
0x26: {  	[smem:$0x3F8F] =	sst s1;
	(tag) =	ssettag s2;
	_ =	strace s9  }
0x27: {  	s1 =	sld [smem:$0x3F9F]  }
0x28: {  	s2 =	sld [smem:$0x3FA0]  }
0x29: {  	s4 =	sld [smem:$0x3FA2]  }
0x2a: {  	p0 =	seq.s32 s5, $0x0;
	s5 =	sld [smem:$0x3FA3]  }
0x2b: {  	s6 =	sld [smem:$0x3FA4]  }
0x2c: {  	s7 =	sld [smem:$0x3FA5]  }
0x2d: {  	s3 =	simm.s32 $0x108;
	s8 =	sld [smem:$0x3FA6]  }
0x2e: {  	s3 =	simm.s32 @!p0 $0x1082;
	s9 =	sld [smem:$0x3FA7]  }
0x2f: {  	lr =	sadd.s32 s0, s3;
	s0 =	sld [smem:$0x3F9E]  }
0x30: {  	s3 =	sld [smem:$0x3FA1]  }
0x31: {  	[smem:$0x3FAA] =	sst s10  }
0x32: {  	s10 =	sld [smem:$0x3FA8];
	_ =	sdelay $0x3  }
0x33: {  	p0 =	seq.s32 s10, $0x1;
	s10 =	sld [smem:$0x3FAA];
	_ =	sdelay $0x3  }
0x34: {  	[smem:$0x3FAA] =	sst s10  }
0x35: {  	s10 =	sld [smem:$0x3FA9];
	_ =	sdelay $0x3  }
0x36: {  	p1 =	seq.s32 s10, $0x1;
	s10 =	sld [smem:$0x3FAA];
	_ =	sdelay $0x3  }
0x37: {  	[smem:$0x3FAA] =	sst s10  }
0x38: {  	s10 =	sld [smem:$0x3FAB]  }
0x39: {  	_ = 	snop;
	(pc) =	sbr.ind lr, $3  }
0x3a: {  	_ = 	snop  }
0x3b: {  	_ = 	snop  }
0x3c: {  	p2 =	seq.s32 s10, $0x1;
	s10 =	sld [smem:$0x3FAA]  }
0x3d: {  	_ =	shalt  }
0x3e: {  	_ =	shalt  }
0x3f: {  	_ =	shalt  }
0x40: {  	_ =	shalt  }
0x41: {  	_ =	shalt  }
0x42: {  	_ =	shalt  }
0x43: {  	_ =	shalt  }
0x44: {  	_ =	shalt  }
0x45: {  	_ =	shalt  }
0x46: {  	_ =	shalt  }
0x47: {  	_ =	shalt  }
0x48: {  	_ =	shalt  }
0x49: {  	_ =	shalt  }
0x4a: {  	_ =	shalt  }
0x4b: {  	_ =	shalt  }
0x4c: {  	_ =	shalt  }
0x4d: {  	_ =	shalt  }
0x4e: {  	_ =	shalt  }
0x4f: {  	_ =	shalt  }
0x50: {  	_ =	shalt  }
0x51: {  	_ =	shalt  }
0x52: {  	_ =	shalt  }
0x53: {  	_ =	shalt  }
0x54: {  	_ =	shalt  }
0x55: {  	_ =	shalt  }
0x56: {  	_ =	shalt  }
0x57: {  	_ =	shalt  }
0x58: {  	_ =	shalt  }
0x59: {  	_ =	shalt  }
0x5a: {  	_ =	shalt  }
0x5b: {  	_ =	shalt  }
0x5c: {  	_ =	shalt  }
0x5d: {  	_ =	shalt  }
0x5e: {  	_ =	shalt  }
0x5f: {  	_ =	shalt  }
0x60: {  	_ =	shalt  }
0x61: {  	_ =	shalt  }
0x62: {  	_ =	shalt  }
0x63: {  	_ =	shalt  }
0x64: {  	_ =	shalt  }
0x65: {  	_ =	shalt  }
0x66: {  	_ =	shalt  }
0x67: {  	_ =	shalt  }
0x68: {  	_ =	shalt  }
0x69: {  	_ =	shalt  }
0x6a: {  	_ =	shalt  }
0x6b: {  	_ =	shalt  }
0x6c: {  	_ =	shalt  }
0x6d: {  	_ =	shalt  }
0x6e: {  	_ =	shalt  }
0x6f: {  	_ =	shalt  }
0x70: {  	_ =	shalt  }
0x71: {  	_ =	shalt  }
0x72: {  	_ =	shalt  }
0x73: {  	_ =	shalt  }
0x74: {  	_ =	shalt  }
0x75: {  	_ =	shalt  }
0x76: {  	_ =	shalt  }
0x77: {  	_ =	shalt  }
0x78: {  	_ =	shalt  }
0x79: {  	_ =	shalt  }
0x7a: {  	_ =	shalt  }
0x7b: {  	_ =	shalt  }
0x7c: {  	_ =	shalt  }
0x7d: {  	_ =	shalt  }
0x7e: {  	_ =	shalt  }
0x7f: {  	_ =	shalt  }
0x80: {  	_ =	shalt  }
0x81: {  	_ =	shalt  }
0x82: {  	_ =	shalt  }
0x83: {  	_ =	shalt  }
0x84: {  	_ =	shalt  }
0x85: {  	_ =	shalt  }
0x86: {  	_ =	shalt  }
0x87: {  	_ =	shalt  }
.Lfunc_end0:
.L_simem_size_0:
called_computation_lowered:
.L_overlay_start_0:
0x88: {  	s2 =	sld [smem:$0x3FD9]  }
0x89: {  	s3 =	sld [smem:$0x3FFE];
	_ =	sdelay $0x1  }
0x8a: {  	s1 =	srdreg.scid  }
0x8b: {  	s0 =	sand.u32 $0x1, s1  }
0x8c: {  	s17 =	sshll.u32 s0, $0xA;
	s2 =	sadd.s32 s3, s2  }
0x8d: {  	s2 =	sadd.s32 s2, s17  }
0x8e: {  	[smem:$0x3FB6] =	sst s2  }
0x8f: {  	_ = 	snop  }
0x90: {  	s2 =	sld [smem:$0x3FC9];
	(tm) =	ssettm $0x1  }
0x91: {  	s18 =	sld [smem:$0x3FFB];
	_ =	sdelay $0x3  }
0x92: {  	_ =	strace s18  }
0x93: {  	s3 =	sld [smem:$0x3FFC];
	_ =	sdelay $0x3  }
0x94: {  	_ =	strace s3  }
0x95: {  	s3 =	sld [smem:$0x3FFD];
	_ =	sdelay $0x3  }
0x96: {  	_ =	strace s3  }
0x97: {  	_ =	strace $0x8FFFFFFF  }
0x98: {  	s19 =	sld [smem:$0x3FDB];
	_ =	sdelay $0x1  }
0x99: {  	s4 =	simm.s32 $_scs_section_size  }
0x9a: {  	s5 =	simm.s32 $_size__tile_overlayer_lowered;
	s6 =	simm.s32 $_tile_overlayer_lowered  }
0x9b: {  	s22 =	simm.s32 $0x1BFF;
	s21 =	sshll.u32 s6, $0x1;
	s3 =	sadd.s32 s4, s19  }
0x9c: {  	s7 =	simm.s32 $0x0;
	s20 =	sshll.u32 s5, $0x1;
	s5 =	sadd.s32 s21, s3  }
0x9d: {  	[timem:s7], [sflag:s22] =	dma.local [hbm:s5], s20  }
0x9e: {  	_ =	swait.ge [sflag:s22], s20  }
0x9f: {  	s4 =	ssub.s32 $0x0, s20;
	[sflag:s22] =	ssyncset.done $0x0  }
0xa0: {  	[sflag:s22] =	ssyncadd.s32 s4;
	_ =	sdelay $0x1  }
0xa1: {  	s23 =	simm.s32 $0x1B8B  }
0xa2: {  	_ =	swait.ge [sflag:s23], $0x1  }
0xa3: {  	[sflag:s23] =	ssyncset.done $0x0  }
0xa4: {  	s25 =	simm.s32 $0x1B8E;
	s24 =	sld [smem:$0x3FFE];
	[sflag:s23] =	ssyncadd.s32 $0xFFFFFFFF  }
0xa5: {  	s26 =	simm.s32 $execute0_lowered;
	[smem:$0x3FD2] =	sst s25  }
0xa6: {  	s5 =	sshll.u32 s26, $0x1;
	_ =	strace $0x80000046;
	[dreg:$0x1] =	wrdreg $0xFFFFFFFF  }
0xa7: {  	s28 =	simm.s32 $_size_execute0_lowered;
	s3 =	sadd.s32 s3, s5;
	[dreg:$0x0] =	wrdreg $0x0  }
0xa8: {  	s5 =	sshll.u32 s28, $0x1;
	[dreg:$0x2] =	wrdreg s3  }
0xa9: {  	[dreg:$0x3] =	wrdreg s5  }
0xaa: {  	[dreg:$0x4] =	wrdreg $0xC0  }
0xab: {  	_ =	task [dreg:s7], $0x5FFFF  }
0xac: {  	[dreg:$0x1] =	wrdreg $0xFFFFFFFF  }
0xad: {  	[dreg:$0x0] =	wrdreg $0x60  }
0xae: {  	[dreg:$0x2] =	wrdreg s2  }
0xaf: {  	[dreg:$0x3] =	wrdreg s24  }
0xb0: {  	[dreg:$0x4] =	wrdreg $0x52000  }
0xb1: {  	[dreg:$0x5] =	wrdreg $0x9  }
0xb2: {  	_ =	task.clear_ibuf [dreg:s7], $0x6FFFF;
	_ =	strace $0x90000046  }
0xb3: {  	s29 =	simm.s32 $0x9;
	_ =	strace $0x80000048  }
0xb4: {  	_ =	swait.ge [sflag:s29], $0x1  }
0xb5: {  	[sflag:s29] =	ssyncadd.s32 $0xFFFFFFFF  }
0xb6: {  	_ =	strace $0x90000048  }
0xb7: {  	_ =	sfence  }
0xb8: {  	s30 =	sld [smem:$0x0];
	_ =	sdelay $0x2  }
0xb9: {  	s31 =	sshll.u32 s1, $0xD;
	s1 =	sshrl.u32 s1, $0x2  }
0xba: {  	s3 =	sand.u32 $0x4000, s31;
	s1 =	sadd.s32 s1, s30  }
0xbb: {  	s0 =	sor.u32 s3, s0;
	s1 =	sshll.u32 s1, $0x11  }
0xbc: {  	s0 =	sor.u32 s1, s0  }
0xbd: {  	s0 =	sadd.s32 $0x8F2B, s0  }
0xbe: {  	[sflag:s0] =	ssyncadd.remote.s32 $0x1  }
0xbf: {  	_ =	sfence.sel $0xFFFF  }
0xc0: {  	[dreg:$0x0] =	wrdreg $0xFFFFFFFF;
	(pc) =	sbr.abs _section_cstart, $3  }
0xc1: {  	[dreg:$0x1] =	wrdreg $0xFFFFFFFF  }
0xc2: {  	_ =	task.clear_ibuf [dreg:s7], $0x2FFFF;
	_ =	strace $0x9FFFFFFF  }
0xc3: {  	(tm) =	ssettm $0x7FFFFFFF  }
tec
execute0_lowered:
.L_overlay_start_1:
0x0: {  	(tag) =	ssettag $0x1  }
0x1: {  	s1 =	rddreg [dreg:$0x0];
	s7 =	stileid.u32  }
0x2: {  	s0 =	rddreg [dreg:$0x1];
	s8 =	smul.u32 $0x4E200, s7  }
0x3: {  	s2 =	rddreg [dreg:$0x2];
	s3 =	simm.s32 $0x0  }
0x4: {  	s4 =	srdreg.scid;
	[smem:$0x7FF] =	sst s3;
	s8 =	sshrl.u32 s8, $0x2  }
0x5: {  	s4 =	sand.u32 $0x1, s4;
	s5 =	sadd.s32 $0x52AC00, s0;
	s8 =	sadd.s32 s8, s2  }
0x6: {  	_ =	strace $0x80000047;
	s6 =	sshll.u32 s4, $0x4;
	s29 =	sadd.s32 $0x1400, s8  }
0x7: {  	s4 =	ssub.s32 $0x2, s4;
	s30 =	sadd.s32 $0x2800, s8;
	[dreg:$0x4] =	wrdreg s29  }
0x8: {  	s11 =	sshrl.u32 s4, $0x1;
	s31 =	sadd.s32 $0x3C00, s8;
	[dreg:$0x5] =	wrdreg s30  }
0x9: {  	s4 =	ssub.s32 s4, s11;
	s11 =	sadd.s32 $0x5000, s8;
	[dreg:$0x6] =	wrdreg s31  }
0xa: {  	s9 =	sor.u32 s7, s6;
	s12 =	sadd.s32 $0x6400, s8;
	[dreg:$0x7] =	wrdreg s11  }
0xb: {  	s6 =	sadd.s32 $0x4EAC00, s0;
	s13 =	sadd.s32 $0x7800, s8;
	[dreg:$0x8] =	wrdreg s12  }
0xc: {  	s7 =	sadd.s32 $0x50AC00, s0;
	s14 =	sadd.s32 $0x8C00, s8;
	[dreg:$0x9] =	wrdreg s13  }
0xd: {  	s10 =	smul.u32 $0x2780, s9;
	s15 =	sadd.s32 $0xA000, s8;
	[dreg:$0xa] =	wrdreg s14  }
0xe: {  	s17 =	smul.u32 $0x138800, s9;
	s16 =	sadd.s32 $0xB400, s8;
	[dreg:$0xb] =	wrdreg s15  }
0xf: {  	s19 =	sshll.u32 s9, $0xC;
	s18 =	sadd.s32 $0xC800, s8;
	[dreg:$0xc] =	wrdreg s16  }
0x10: {  	s20 =	sshll.u32 s9, $0xF;
	s23 =	sadd.s32 s7, s19;
	[dreg:$0xd] =	wrdreg s18  }
0x11: {  	s21 =	sadd.s32 s6, s19;
	s24 =	smax.u32 s4, $0x1;
	[dreg:$0x10] =	wrdreg s23  }
0x12: {  	s25 =	sadd.s32 $0xDC00, s8;
	s26 =	sadd.s32 $0xF000, s8;
	[dreg:$0x12] =	wrdreg s24  }
0x13: {  	s28 =	sadd.s32 $0x10400, s8;
	s4 =	simm.s32 $0x200;
	[dreg:$0x13] =	wrdreg s25  }
0x14: {  	s19 =	simm.s32 $0x180;
	s0 =	sadd.s32 s10, s0;
	[dreg:$0x14] =	wrdreg s26  }
0x15: {  	s22 =	sshrl.u32 s17, $0x3;
	[dreg:$0x15] =	wrdreg s28;
	s29 =	sadd.s32 $0x11800, s8  }
0x16: {  	s30 =	sadd.s32 $0x12C00, s8;
	[dreg:$0xe] =	wrdreg s21;
	s31 =	sadd.s32 $0x10, s21  }
0x17: {  	s10 =	simm.s32 $0x28;
	s11 =	simm.s32 $0x100;
	s12 =	simm.s32 $0x80  }
0x18: {  	s13 =	simm.s32 $0x1;
	s14 =	simm.s32 $0x3;
	s15 =	simm.s32 $0x6  }
0x19: {  	s16 =	simm.s32 $0x1600;
	s18 =	simm.s32 $0x3E00;
	[dreg:$0x16] =	wrdreg s29  }
0x1a: {  	s23 =	simm.s32 $0x2;
	s24 =	simm.s32 $0x4;
	[dreg:$0x17] =	wrdreg s30  }
0x1b: {  	s25 =	simm.s32 $0x8;
	s9 =	sadd.s32 s5, s22;
	[dreg:$0x18] =	wrdreg s31  }
0x1c: {  	s26 =	simm.s32 $0xA;
	s0 =	sadd.s32 $0xA0CC00, s0;
	[dreg:$0xf] =	wrdreg s9  }
0x1d: {  	v0 =	vimm.f32 $0.0e+00;
	s22 =	simm.s32 $0x7;
	[dreg:$0x11] =	wrdreg s0;
	s9 =	simm.s32 $0xB  }
.LBB2_1:
0x1e: {  	s0 =	simm.s32 $0x0;
	s28 =	simm.s32 $0x200  }
.LBB2_2:
0x1f: {  	p0 =	sne.s32 s28, $0x4E00;
	[tilespmem:s0+$0x270] =	vst v0  }
0x20: {  	[tilespmem:s0+$0x200] =	vst v0  }
0x21: {  	[tilespmem:s0+$0x210] =	vst v0  }
.Ltmp0:
0x22: {  	[tilespmem:s0+$0x220] =	vst v0;
	(pc) =	sbr.rel @p0 .LBB2_2-.Ltmp0, $4  }
0x23: {  	[tilespmem:s0+$0x230] =	vst v0  }
0x24: {  	[tilespmem:s0+$0x240] =	vst v0  }
0x25: {  	[tilespmem:s0+$0x250] =	vst v0  }
0x26: {  	[tilespmem:s0+$0x260] =	vst v0;
	s0 =	sshra.s32 s28, $0x2;
	s28 =	sadd.s32 $0x200, s28  }
0x27: {  	[tilespmem:s0+$0x270] =	vst v0  }
0x28: {  	[tilespmem:s0+$0x200] =	vst v0  }
0x29: {  	[tilespmem:s0+$0x210] =	vst v0  }
0x2a: {  	[tilespmem:s0+$0x220] =	vst v0  }
0x2b: {  	[tilespmem:s0+$0x230] =	vst v0  }
0x2c: {  	[tilespmem:s0+$0x240] =	vst v0  }
0x2d: {  	[tilespmem:s0+$0x250] =	vst v0  }
0x2e: {  	[tilespmem:s0+$0x260] =	vst v0  }
0x2f: {  	[spmem:s8] =	stream.linear.scatter [tilespmem:s4], [sflag:$0xB], $0x1400, $0x38;
	[tilespmem:$0x18A80] =	vst v63  }
0x30: {  	_ =	swait.ge [sflag:s9], $0x1400  }
0x31: {  	[sflag:s9] =	ssyncset.done $0x0  }
0x32: {  	s29 =	rddreg [dreg:$0x4];
	[sflag:s9] =	ssyncadd.s32 $0xFFFFEC00  }
0x33: {  	[spmem:s29] =	stream.linear.scatter [tilespmem:s4], [sflag:$0xB], $0x1400, $0x38;
	[tilespmem:$0x18A80] =	vst v63  }
0x34: {  	_ =	swait.ge [sflag:s9], $0x1400  }
0x35: {  	[sflag:s9] =	ssyncset.done $0x0  }
0x36: {  	s30 =	rddreg [dreg:$0x5];
	[sflag:s9] =	ssyncadd.s32 $0xFFFFEC00  }
0x37: {  	[spmem:s30] =	stream.linear.scatter [tilespmem:s4], [sflag:$0xB], $0x1400, $0x38;
	[tilespmem:$0x18A80] =	vst v63  }
0x38: {  	_ =	swait.ge [sflag:s9], $0x1400  }
0x39: {  	[sflag:s9] =	ssyncset.done $0x0  }
0x3a: {  	s31 =	rddreg [dreg:$0x6];
	[sflag:s9] =	ssyncadd.s32 $0xFFFFEC00  }
0x3b: {  	[spmem:s31] =	stream.linear.scatter [tilespmem:s4], [sflag:$0xB], $0x1400, $0x38;
	[tilespmem:$0x18A80] =	vst v63  }
0x3c: {  	_ =	swait.ge [sflag:s9], $0x1400  }
0x3d: {  	[sflag:s9] =	ssyncset.done $0x0  }
0x3e: {  	s21 =	rddreg [dreg:$0x7];
	[sflag:s9] =	ssyncadd.s32 $0xFFFFEC00  }
0x3f: {  	[spmem:s21] =	stream.linear.scatter [tilespmem:s4], [sflag:$0xB], $0x1400, $0x38;
	[tilespmem:$0x18A80] =	vst v63  }
0x40: {  	_ =	swait.ge [sflag:s9], $0x1400  }
0x41: {  	[sflag:s9] =	ssyncset.done $0x0  }
0x42: {  	s29 =	rddreg [dreg:$0x8];
	[sflag:s9] =	ssyncadd.s32 $0xFFFFEC00  }
0x43: {  	[spmem:s29] =	stream.linear.scatter [tilespmem:s4], [sflag:$0xB], $0x1400, $0x38;
	[tilespmem:$0x18A80] =	vst v63  }
0x44: {  	_ =	swait.ge [sflag:s9], $0x1400  }
0x45: {  	[sflag:s9] =	ssyncset.done $0x0  }
0x46: {  	s30 =	rddreg [dreg:$0x9];
	[sflag:s9] =	ssyncadd.s32 $0xFFFFEC00  }
0x47: {  	[spmem:s30] =	stream.linear.scatter [tilespmem:s4], [sflag:$0xB], $0x1400, $0x38;
	[tilespmem:$0x18A80] =	vst v63  }
0x48: {  	_ =	swait.ge [sflag:s9], $0x1400  }
0x49: {  	[sflag:s9] =	ssyncset.done $0x0  }
0x4a: {  	s31 =	rddreg [dreg:$0xa];
	[sflag:s9] =	ssyncadd.s32 $0xFFFFEC00  }
0x4b: {  	[spmem:s31] =	stream.linear.scatter [tilespmem:s4], [sflag:$0xB], $0x1400, $0x38;
	[tilespmem:$0x18A80] =	vst v63  }
0x4c: {  	_ =	swait.ge [sflag:s9], $0x1400  }
0x4d: {  	[sflag:s9] =	ssyncset.done $0x0  }
0x4e: {  	s21 =	rddreg [dreg:$0xb];
	[sflag:s9] =	ssyncadd.s32 $0xFFFFEC00  }
0x4f: {  	[spmem:s21] =	stream.linear.scatter [tilespmem:s4], [sflag:$0xB], $0x1400, $0x38;
	[tilespmem:$0x18A80] =	vst v63  }
0x50: {  	_ =	swait.ge [sflag:s9], $0x1400  }
0x51: {  	[sflag:s9] =	ssyncset.done $0x0  }
0x52: {  	s29 =	rddreg [dreg:$0xc];
	[sflag:s9] =	ssyncadd.s32 $0xFFFFEC00  }
0x53: {  	[spmem:s29] =	stream.linear.scatter [tilespmem:s4], [sflag:$0xB], $0x1400, $0x38;
	[tilespmem:$0x18A80] =	vst v63  }
0x54: {  	_ =	swait.ge [sflag:s9], $0x1400  }
0x55: {  	[sflag:s9] =	ssyncset.done $0x0  }
0x56: {  	s30 =	rddreg [dreg:$0xd];
	[sflag:s9] =	ssyncadd.s32 $0xFFFFEC00  }
0x57: {  	[spmem:s30] =	stream.linear.scatter [tilespmem:s4], [sflag:$0xB], $0x1400, $0x38;
	[tilespmem:$0x18A80] =	vst v63  }
0x58: {  	_ =	swait.ge [sflag:s9], $0x1400  }
0x59: {  	[sflag:s9] =	ssyncset.done $0x0  }
0x5a: {  	s31 =	rddreg [dreg:$0x13];
	[sflag:s9] =	ssyncadd.s32 $0xFFFFEC00  }
0x5b: {  	[spmem:s31] =	stream.linear.scatter [tilespmem:s4], [sflag:$0xB], $0x1400, $0x38;
	[tilespmem:$0x18A80] =	vst v63  }
0x5c: {  	_ =	swait.ge [sflag:s9], $0x1400  }
0x5d: {  	[sflag:s9] =	ssyncset.done $0x0  }
0x5e: {  	s21 =	rddreg [dreg:$0x14];
	[sflag:s9] =	ssyncadd.s32 $0xFFFFEC00  }
0x5f: {  	[spmem:s21] =	stream.linear.scatter [tilespmem:s4], [sflag:$0xB], $0x1400, $0x38;
	[tilespmem:$0x18A80] =	vst v63  }
0x60: {  	_ =	swait.ge [sflag:s9], $0x1400  }
0x61: {  	[sflag:s9] =	ssyncset.done $0x0  }
0x62: {  	s29 =	rddreg [dreg:$0x15];
	[sflag:s9] =	ssyncadd.s32 $0xFFFFEC00  }
0x63: {  	[spmem:s29] =	stream.linear.scatter [tilespmem:s4], [sflag:$0xB], $0x1400, $0x38;
	[tilespmem:$0x18A80] =	vst v63  }
0x64: {  	_ =	swait.ge [sflag:s9], $0x1400  }
0x65: {  	[sflag:s9] =	ssyncset.done $0x0  }
0x66: {  	s30 =	rddreg [dreg:$0x16];
	[sflag:s9] =	ssyncadd.s32 $0xFFFFEC00  }
0x67: {  	[spmem:s30] =	stream.linear.scatter [tilespmem:s4], [sflag:$0xB], $0x1400, $0x38;
	[tilespmem:$0x18A80] =	vst v63  }
0x68: {  	_ =	swait.ge [sflag:s9], $0x1400  }
0x69: {  	[sflag:s9] =	ssyncset.done $0x0  }
0x6a: {  	s31 =	rddreg [dreg:$0x17];
	[sflag:s9] =	ssyncadd.s32 $0xFFFFEC00  }
0x6b: {  	[spmem:s31] =	stream.linear.scatter [tilespmem:s4], [sflag:$0xB], $0xC80, $0x38;
	[tilespmem:$0x18A80] =	vst v63  }
0x6c: {  	_ =	swait.ge [sflag:s9], $0xC80  }
0x6d: {  	[sflag:s9] =	ssyncset.done $0x0  }
0x6e: {  	[sflag:s9] =	ssyncadd.s32 $0xFFFFF380  }
0x6f: {  	[bflag:$0x0] =	sbarrier.arrive $0xFFFF  }
0x70: {  	s28 =	simm.s32 $0x0;
	s21 =	rddreg [dreg:$0xe]  }
0x71: {  	[tilespmem:s28], [sflag:$0xB] =	stream.linear.gather [hbm4b:s21+s28], $0x80, $0x38;
	[tilespmem:$0x18A80] =	vst v63  }
0x72: {  	_ =	swait.ge [sflag:s9], $0x80  }
0x73: {  	[sflag:s9] =	ssyncset.done $0x0  }
0x74: {  	[sflag:s9] =	ssyncadd.s32 $0xFFFFFF80  }
0x75: {  	[tilespmem:s4], [sflag:$0x1] =	stream.indirect.gather [hbm4b:s1+s10], $0x80, s28, s10, $0xb8;
	[tilespmem:$0x18A80] =	vst v63  }
0x76: {  	s21 =	simm.s32 $0x2A00;
	s29 =	rddreg [dreg:$0xf]  }
0x77: {  	[tilespmem:s21], [sflag:$0x3] =	stream.linear.gather [hbm4b:s29+s28], $0x1400, $0x38;
	[tilespmem:$0x18A80] =	vst v63  }
0x78: {  	s30 =	rddreg [dreg:$0x10]  }
0x79: {  	[tilespmem:s11], [sflag:$0x7] =	stream.linear.gather [hbm4b:s30+s28], $0x80, $0x38;
	[tilespmem:$0x18A80] =	vst v63  }
0x7a: {  	s31 =	rddreg [dreg:$0x18]  }
0x7b: {  	[tilespmem:s12], [sflag:$0x6] =	stream.linear.gather [hbm4b:s31+s28], $0x80, $0x38;
	[tilespmem:$0x18A80] =	vst v63  }
.LBB2_4:
0x7c: {  	s0 =	sshll.u32 s28, $0x1  }
0x7d: {  	p0 =	seq.s32 s28, $0x7C;
	s29 =	sadd.s32 $0x2, s0  }
0x7e: {  	_ =	swait.ge [sflag:s13], $0x1400;
	s30 =	sshll.u32 @!p0 s29, $0x7  }
0x7f: {  	[sflag:s13] =	ssyncset.done $0x0;
	s31 =	sand.u32 @!p0 $0xFC00, s30  }
0x80: {  	[sflag:s13] =	ssyncadd.s32 $0xFFFFEC00;
	s30 =	sand.u32 @!p0 $0x300, s30;
	s31 =	sadd.s32 @!p0 s20, s31  }
0x81: {  	_ =	swait.ge [sflag:s14], $0x1400;
	s30 =	sor.u32 @!p0 s30, s31  }
0x82: {  	p1 =	seq.s32 @!p0 s28, $0x0;
	[sflag:s14] =	ssyncset.done $0x0;
	s30 =	sshrl.u32 @!p0 s30, $0x3  }
0x83: {  	[sflag:s14] =	ssyncadd.s32 $0xFFFFEC00;
	s31 =	simm.s32 @!p0 $0x0;
	s30 =	sadd.s32 @!p0 s6, s30  }
0x84: {  	[tilespmem:s31], [sflag:$0x5] =	stream.linear.gather @!p0 [hbm4b:s30+s31], $0x80, $0x38;
	[tilespmem:$0x18A80] =	vst v63  }
0x85: {  	p0 =	por p0, !p1  }
0x86: {  	_ =	swait.ge @p0 [sflag:s26], $0x1400  }
0x87: {  	s0 =	sor.u32 $0x1, s0;
	s30 =	sshll.u32 s28, $0x8;
	[sflag:s26] =	ssyncset.done @p0 $0x0  }
0x88: {  	s31 =	sshll.u32 s0, $0x7;
	s0 =	smul.u32 $0x1400, s0;
	[sflag:s26] =	ssyncadd.s32 @p0 $0xFFFFEC00  }
0x89: {  	s21 =	sand.u32 $0x7C00, s30;
	s31 =	sand.u32 $0x380, s31;
	_ =	swait.ge [sflag:s15], $0x80  }
0x8a: {  	s0 =	sadd.s32 s17, s0;
	s21 =	sor.u32 s31, s21;
	[sflag:s15] =	ssyncset.done $0x0  }
0x8b: {  	s0 =	sshrl.u32 s0, $0x3;
	s21 =	sor.u32 s20, s21;
	[sflag:s15] =	ssyncadd.s32 $0xFFFFFF80  }
0x8c: {  	[tilespmem:s16], [sflag:$0x2] =	stream.indirect.gather [hbm4b:s1+s10], $0x80, s12, s10, $0xb8;
	[tilespmem:$0x18A80] =	vst v63  }
0x8d: {  	s31 =	simm.s32 $0x0;
	s0 =	sadd.s32 s5, s0;
	s21 =	sshrl.u32 s21, $0x3  }
0x8e: {  	[tilespmem:s18], [sflag:$0x4] =	stream.linear.gather [hbm4b:s0+s31], $0x1400, $0x38;
	[tilespmem:$0x18A80] =	vst v63  }
0x8f: {  	s0 =	sadd.s32 s7, s21  }
0x90: {  	[tilespmem:s19], [sflag:$0x8] =	stream.linear.gather [hbm4b:s0+s31], $0x80, $0x38;
	[tilespmem:$0x18A80] =	vst v63  }
0x91: {  	s31 =	simm.s32 $0x0  }
0x92: {  	v7 =	vld [tilespmem:s31+$0x2A00]  }
0x93: {  	v12 =	vld [tilespmem:s31+$0x2A10]  }
0x94: {  	v6 =	vld [tilespmem:s31+$0x2A20]  }
0x95: {  	v5 =	vld [tilespmem:s31+$0x2A30]  }
0x96: {  	v4 =	vld [tilespmem:s31+$0x2A40]  }
0x97: {  	v3 =	vld [tilespmem:s31+$0x2A50]  }
0x98: {  	v2 =	vld [tilespmem:s31+$0x2A60]  }
0x99: {  	v1 =	vld [tilespmem:s31+$0x2A70]  }
0x9a: {  	v13 =	vld [tilespmem:s31+$0x200]  }
0x9b: {  	v14 =	vld [tilespmem:s31+$0x210]  }
0x9c: {  	v11 =	vld [tilespmem:s31+$0x220]  }
0x9d: {  	v10 =	vld [tilespmem:s31+$0x230]  }
0x9e: {  	v9 =	vld [tilespmem:s31+$0x240]  }
0x9f: {  	v8 =	vld [tilespmem:s31+$0x250];
	v13 =	vadd.f32 v7, v13  }
0xa0: {  	s0 =	simm.s32 $0x200;
	v12 =	vadd.f32 v12, v14;
	v7 =	vld [tilespmem:s31+$0x260]  }
.LBB2_5:
0xa1: {  	s21 =	sshra.s32 s0, $0x2;
	p0 =	sne.s32 s0, $0x4E00;
	v13 =	vmax.f32 v13, $0.0e+00;
	v6 =	vadd.f32 v6, v11;
	v11 =	vld [tilespmem:s31+$0x270]  }
0xa2: {  	v14 =	vld [tilespmem:s21+$0x2A00];
	[tilespmem:s31+$0x200] =	vst v13;
	v12 =	vmax.f32 v12, $0.0e+00;
	v5 =	vadd.f32 v5, v10  }
0xa3: {  	v15 =	vld [tilespmem:s21+$0x2A10];
	[tilespmem:s31+$0x210] =	vst v12;
	v10 =	vmax.f32 v6, $0.0e+00;
	v4 =	vadd.f32 v4, v9  }
0xa4: {  	v6 =	vld [tilespmem:s21+$0x2A20];
	[tilespmem:s31+$0x220] =	vst v10;
	v9 =	vmax.f32 v5, $0.0e+00;
	v3 =	vadd.f32 v3, v8  }
0xa5: {  	v5 =	vld [tilespmem:s21+$0x2A30];
	[tilespmem:s31+$0x230] =	vst v9;
	v8 =	vmax.f32 v4, $0.0e+00;
	v2 =	vadd.f32 v2, v7  }
0xa6: {  	v4 =	vld [tilespmem:s21+$0x2A40];
	[tilespmem:s31+$0x240] =	vst v8;
	v7 =	vmax.f32 v3, $0.0e+00;
	v1 =	vadd.f32 v1, v11  }
0xa7: {  	v3 =	vld [tilespmem:s21+$0x2A50];
	[tilespmem:s31+$0x250] =	vst v7;
	v7 =	vmax.f32 v2, $0.0e+00  }
0xa8: {  	v2 =	vld [tilespmem:s21+$0x2A60];
	[tilespmem:s31+$0x260] =	vst v7;
	v7 =	vmax.f32 v1, $0.0e+00  }
0xa9: {  	v1 =	vld [tilespmem:s21+$0x2A70];
	[tilespmem:s31+$0x270] =	vst v7;
	s31 =	smov.u32 s21  }
0xaa: {  	v7 =	vld [tilespmem:s31+$0x200]  }
0xab: {  	v12 =	vld [tilespmem:s31+$0x210]  }
.Ltmp1:
0xac: {  	v11 =	vld [tilespmem:s31+$0x220];
	(pc) =	sbr.rel @p0 .LBB2_5-.Ltmp1, $4  }
0xad: {  	v10 =	vld [tilespmem:s31+$0x230]  }
0xae: {  	v9 =	vld [tilespmem:s31+$0x240]  }
0xaf: {  	v13 =	vadd.f32 v14, v7;
	v8 =	vld [tilespmem:s31+$0x250]  }
0xb0: {  	s0 =	sadd.s32 $0x200, s0;
	v12 =	vadd.f32 v15, v12;
	v7 =	vld [tilespmem:s31+$0x260]  }
0xb1: {  	v13 =	vmax.f32 v13, $0.0e+00;
	v6 =	vadd.f32 v6, v11;
	v11 =	vld [tilespmem:s31+$0x270]  }
0xb2: {  	[tilespmem:s31+$0x200] =	vst v13;
	v12 =	vmax.f32 v12, $0.0e+00;
	v5 =	vadd.f32 v5, v10  }
0xb3: {  	[tilespmem:s31+$0x210] =	vst v12;
	v6 =	vmax.f32 v6, $0.0e+00;
	v4 =	vadd.f32 v4, v9  }
0xb4: {  	[tilespmem:s31+$0x220] =	vst v6;
	v5 =	vmax.f32 v5, $0.0e+00;
	v3 =	vadd.f32 v3, v8  }
0xb5: {  	[tilespmem:s31+$0x230] =	vst v5;
	v4 =	vmax.f32 v4, $0.0e+00;
	v2 =	vadd.f32 v2, v7  }
0xb6: {  	[tilespmem:s31+$0x240] =	vst v4;
	v3 =	vmax.f32 v3, $0.0e+00;
	v1 =	vadd.f32 v1, v11  }
0xb7: {  	[tilespmem:s31+$0x250] =	vst v3;
	v2 =	vmax.f32 v2, $0.0e+00  }
0xb8: {  	[tilespmem:s31+$0x260] =	vst v2;
	v1 =	vmax.f32 v1, $0.0e+00  }
0xb9: {  	[tilespmem:s31+$0x270] =	vst v1  }
0xba: {  	_ =	swait.ge [sflag:s22], $0x80  }
0xbb: {  	[sflag:s22] =	ssyncset.done $0x0  }
0xbc: {  	p0 =	sne.s32 s28, $0x7C;
	[sflag:s22] =	ssyncadd.s32 $0xFFFFFF80  }
0xbd: {  	[spmem:s2] =	stream.indirect.scatter.add.f32 [tilespmem:s4], [sflag:$0x9], $0x80, s11, s10, $0xb8;
	[tilespmem:$0x18A80] =	vst v63  }
0xbe: {  	s0 =	sadd.s32 @p0 $0x180, s30;
	_ =	swait.ge [sflag:s23], $0x1400  }
0xbf: {  	s21 =	sand.u32 @p0 $0xFC00, s0;
	[sflag:s23] =	ssyncset.done $0x0  }
0xc0: {  	s0 =	sand.u32 @p0 $0x380, s0;
	s21 =	sadd.s32 @p0 s20, s21;
	[sflag:s23] =	ssyncadd.s32 $0xFFFFEC00  }
0xc1: {  	s0 =	sor.u32 @p0 s0, s21;
	_ =	swait.ge [sflag:s24], $0x1400  }
0xc2: {  	s30 =	simm.s32 @p0 $0x80;
	s0 =	sshrl.u32 @p0 s0, $0x3;
	[sflag:s24] =	ssyncset.done $0x0  }
0xc3: {  	s21 =	simm.s32 @p0 $0x0;
	s0 =	sadd.s32 @p0 s6, s0;
	[sflag:s24] =	ssyncadd.s32 $0xFFFFEC00  }
0xc4: {  	[tilespmem:s30], [sflag:$0x6] =	stream.linear.gather @p0 [hbm4b:s0+s21], $0x80, $0x38;
	[tilespmem:$0x18A80] =	vst v63  }
0xc5: {  	s0 =	simm.s32 @p0 $0x9  }
0xc6: {  	_ =	swait.ge @p0 [sflag:s0], $0x1400  }
0xc7: {  	[sflag:s0] =	ssyncset.done @p0 $0x0  }
0xc8: {  	[sflag:s0] =	ssyncadd.s32 @p0 $0xFFFFEC00;
	s0 =	simm.s32 @p0 $0x5  }
0xc9: {  	_ =	swait.ge @p0 [sflag:s0], $0x80  }
0xca: {  	s31 =	simm.s32 @p0 $0x200;
	s30 =	sshll.u32 @p0 s29, $0x7;
	[sflag:s0] =	ssyncset.done @p0 $0x0  }
0xcb: {  	s29 =	smul.u32 @p0 $0x1400, s29;
	[sflag:s0] =	ssyncadd.s32 @p0 $0xFFFFFF80;
	s0 =	simm.s32 @p0 $0x28  }
0xcc: {  	[tilespmem:s31], [sflag:$0x1] =	stream.indirect.gather @p0 [hbm4b:s1+s0], $0x80, s21, s0, $0xb8;
	[tilespmem:$0x18A80] =	vst v63  }
0xcd: {  	s29 =	sadd.s32 @p0 s17, s29;
	s0 =	sand.u32 @p0 $0xFC00, s30  }
0xce: {  	s29 =	sshrl.u32 @p0 s29, $0x3;
	s30 =	sand.u32 @p0 $0x300, s30;
	s0 =	sadd.s32 @p0 s20, s0  }
0xcf: {  	s29 =	sadd.s32 @p0 s5, s29;
	s0 =	sor.u32 @p0 s30, s0;
	s30 =	simm.s32 @p0 $0x2A00  }
0xd0: {  	[tilespmem:s30], [sflag:$0x3] =	stream.linear.gather @p0 [hbm4b:s29+s21], $0x1400, $0x38;
	[tilespmem:$0x18A80] =	vst v63  }
0xd1: {  	s0 =	sshrl.u32 @p0 s0, $0x3  }
0xd2: {  	s29 =	simm.s32 @p0 $0x100;
	s0 =	sadd.s32 @p0 s7, s0  }
0xd3: {  	[tilespmem:s29], [sflag:$0x7] =	stream.linear.gather @p0 [hbm4b:s0+s21], $0x80, $0x38;
	[tilespmem:$0x18A80] =	vst v63  }
0xd4: {  	s0 =	simm.s32 @!p0 $0x9  }
0xd5: {  	_ =	swait.ge @!p0 [sflag:s0], $0x1400  }
0xd6: {  	[sflag:s0] =	ssyncset.done @!p0 $0x0  }
0xd7: {  	s29 =	simm.s32 $0x0;
	[sflag:s0] =	ssyncadd.s32 @!p0 $0xFFFFEC00  }
0xd8: {  	v7 =	vld [tilespmem:s29+$0x3E00]  }
0xd9: {  	v12 =	vld [tilespmem:s29+$0x3E10]  }
0xda: {  	v6 =	vld [tilespmem:s29+$0x3E20]  }
0xdb: {  	v5 =	vld [tilespmem:s29+$0x3E30]  }
0xdc: {  	v4 =	vld [tilespmem:s29+$0x3E40]  }
0xdd: {  	v3 =	vld [tilespmem:s29+$0x3E50]  }
0xde: {  	v2 =	vld [tilespmem:s29+$0x3E60]  }
0xdf: {  	v1 =	vld [tilespmem:s29+$0x3E70]  }
0xe0: {  	v13 =	vld [tilespmem:s29+$0x1600]  }
0xe1: {  	v14 =	vld [tilespmem:s29+$0x1610]  }
0xe2: {  	v11 =	vld [tilespmem:s29+$0x1620]  }
0xe3: {  	v10 =	vld [tilespmem:s29+$0x1630]  }
0xe4: {  	v9 =	vld [tilespmem:s29+$0x1640]  }
0xe5: {  	v8 =	vld [tilespmem:s29+$0x1650];
	v13 =	vadd.f32 v7, v13  }
0xe6: {  	s0 =	simm.s32 $0x200;
	v12 =	vadd.f32 v12, v14;
	v7 =	vld [tilespmem:s29+$0x1660]  }
.LBB2_7:
0xe7: {  	s21 =	sshra.s32 s0, $0x2;
	p0 =	sne.s32 s0, $0x4E00;
	v13 =	vmax.f32 v13, $0.0e+00;
	v6 =	vadd.f32 v6, v11;
	v11 =	vld [tilespmem:s29+$0x1670]  }
0xe8: {  	v14 =	vld [tilespmem:s21+$0x3E00];
	[tilespmem:s29+$0x1600] =	vst v13;
	v12 =	vmax.f32 v12, $0.0e+00;
	v5 =	vadd.f32 v5, v10  }
0xe9: {  	v15 =	vld [tilespmem:s21+$0x3E10];
	[tilespmem:s29+$0x1610] =	vst v12;
	v10 =	vmax.f32 v6, $0.0e+00;
	v4 =	vadd.f32 v4, v9  }
0xea: {  	v6 =	vld [tilespmem:s21+$0x3E20];
	[tilespmem:s29+$0x1620] =	vst v10;
	v9 =	vmax.f32 v5, $0.0e+00;
	v3 =	vadd.f32 v3, v8  }
0xeb: {  	v5 =	vld [tilespmem:s21+$0x3E30];
	[tilespmem:s29+$0x1630] =	vst v9;
	v8 =	vmax.f32 v4, $0.0e+00;
	v2 =	vadd.f32 v2, v7  }
0xec: {  	v4 =	vld [tilespmem:s21+$0x3E40];
	[tilespmem:s29+$0x1640] =	vst v8;
	v7 =	vmax.f32 v3, $0.0e+00;
	v1 =	vadd.f32 v1, v11  }
0xed: {  	v3 =	vld [tilespmem:s21+$0x3E50];
	[tilespmem:s29+$0x1650] =	vst v7;
	v7 =	vmax.f32 v2, $0.0e+00  }
0xee: {  	v2 =	vld [tilespmem:s21+$0x3E60];
	[tilespmem:s29+$0x1660] =	vst v7;
	v7 =	vmax.f32 v1, $0.0e+00  }
0xef: {  	v1 =	vld [tilespmem:s21+$0x3E70];
	[tilespmem:s29+$0x1670] =	vst v7;
	s29 =	smov.u32 s21  }
0xf0: {  	v7 =	vld [tilespmem:s29+$0x1600]  }
0xf1: {  	v12 =	vld [tilespmem:s29+$0x1610]  }
.Ltmp2:
0xf2: {  	v11 =	vld [tilespmem:s29+$0x1620];
	(pc) =	sbr.rel @p0 .LBB2_7-.Ltmp2, $4  }
0xf3: {  	v10 =	vld [tilespmem:s29+$0x1630]  }
0xf4: {  	v9 =	vld [tilespmem:s29+$0x1640]  }
0xf5: {  	v13 =	vadd.f32 v14, v7;
	v8 =	vld [tilespmem:s29+$0x1650]  }
0xf6: {  	s0 =	sadd.s32 $0x200, s0;
	v12 =	vadd.f32 v15, v12;
	v7 =	vld [tilespmem:s29+$0x1660]  }
0xf7: {  	v13 =	vmax.f32 v13, $0.0e+00;
	v6 =	vadd.f32 v6, v11;
	v63 =	vld [tilespmem:s29+$0x1670]  }
0xf8: {  	[tilespmem:s29+$0x1600] =	vst v13;
	v12 =	vmax.f32 v12, $0.0e+00;
	v5 =	vadd.f32 v5, v10  }
0xf9: {  	[tilespmem:s29+$0x1610] =	vst v12;
	v6 =	vmax.f32 v6, $0.0e+00;
	v4 =	vadd.f32 v4, v9  }
0xfa: {  	[tilespmem:s29+$0x1620] =	vst v6;
	v5 =	vmax.f32 v5, $0.0e+00;
	v3 =	vadd.f32 v3, v8  }
0xfb: {  	[tilespmem:s29+$0x1630] =	vst v5;
	v4 =	vmax.f32 v4, $0.0e+00;
	v2 =	vadd.f32 v2, v7  }
0xfc: {  	[tilespmem:s29+$0x1640] =	vst v4;
	v3 =	vmax.f32 v3, $0.0e+00;
	v1 =	vadd.f32 v1, v63  }
0xfd: {  	s28 =	sadd.s32 $0x1, s28;
	[tilespmem:s29+$0x1650] =	vst v3;
	v2 =	vmax.f32 v2, $0.0e+00  }
0xfe: {  	p0 =	sne.s32 s28, $0x7D;
	[tilespmem:s29+$0x1660] =	vst v2;
	v1 =	vmax.f32 v1, $0.0e+00  }
.Ltmp3:
0xff: {  	[tilespmem:s29+$0x1670] =	vst v1;
	(pc) =	sbr.rel @p0 .LBB2_4-.Ltmp3, $4  }
0x100: {  	_ =	swait.ge [sflag:s25], $0x80  }
0x101: {  	[sflag:s25] =	ssyncset.done $0x0  }
0x102: {  	[sflag:s25] =	ssyncadd.s32 $0xFFFFFF80  }
0x103: {  	[spmem:s2] =	stream.indirect.scatter.add.f32 [tilespmem:s16], [sflag:$0xA], $0x80, s19, s10, $0xb8;
	[tilespmem:$0x18A80] =	vst v63  }
0x104: {  	_ =	swait.ge [sflag:s26], $0x1400  }
0x105: {  	[sflag:s26] =	ssyncset.done $0x0  }
0x106: {  	s0 =	stileid.u32;
	[sflag:s26] =	ssyncadd.s32 $0xFFFFEC00  }
0x107: {  	s0 =	sshll.u32 s0, $0x6;
	[bflag:$0x0] =	sbarrier.arrive $0xFFFF  }
0x108: {  	s21 =	sshrl.u32 s8, $0x3;
	s0 =	sor.u32 $0x1C0B, s0;
	s28 =	rddreg [dreg:$0x11]  }
0x109: {  	[hbm:s28], [sflag:s0] =	dma.local [spmem:s21], $0x2710  }
0x10a: {  	_ =	swait.ge [sflag:s9], $0x2710  }
0x10b: {  	s3 =	sadd.s32 $0x1, s3;
	s31 =	rddreg [dreg:$0x12]  }
0x10c: {  	p0 =	sne.s32 s3, s31  }
.Ltmp4:
0x10d: {  	_ = 	snop;
	(pc) =	sbr.rel @p0 .LBB2_1-.Ltmp4, $3  }
0x10e: {  	_ =	sdelay $0x1  }
0x10f: {  	[sflag:s9] =	ssyncset.done $0x0  }
0x110: {  	[sflag:s9] =	ssyncadd.s32 $0xFFFFD8F0  }
0x111: {  	_ =	sfence.sel $0x180000  }
0x112: {  	[bflag:$0x0] =	sbarrier.arrive $0xFFFF  }
0x113: {  	_ =	strace $0x90000047  }
0x114: {  	s0 =	stileid.u32;
	[bflag:$0x2] =	sbarrier.arrive $0xFFFF  }
0x115: {  	p0 =	sne.s32 s0, $0x0;
	s0 =	rddreg [dreg:$0x3]  }
0x116: {  	s0 =	sadd.s32 @!p0 $0x100000, s0  }
0x117: {  	[sflag:s0] =	ssyncadd.tile.s32 @!p0 $0x1;
	_ =	shalt  }
.Lfunc_end2:
_tile_overlayer_lowered:
.L_overlay_start_2:
0x118: {  	(tag) =	ssettag $0x2  }
0x119: {  	s0 =	rddreg [dreg:$0x0];
	s2 =	stileid.u32  }
0x11a: {  	s1 =	rddreg [dreg:$0x1];
	p0 =	sne.s32 s2, $0x0  }
0x11b: {  	s3 =	rddreg [dreg:$0x2];
	[bflag:$0x3] =	sbarrier.arrive $0xFFFF;
	s2 =	simm.s32 @!p0 $0x1C0B  }
0x11c: {  	[timem:s3], [sflag:s2] =	dma.local @!p0 [hbm:s0], s1  }
0x11d: {  	s0 =	simm.s32 @!p0 $0xB  }
0x11e: {  	_ =	swait.ge @!p0 [sflag:s0], s1  }
0x11f: {  	s1 =	ssub.s32 @!p0 $0x0, s1;
	[sflag:s0] =	ssyncset.done @!p0 $0x0  }
0x120: {  	[sflag:s0] =	ssyncadd.s32 @!p0 s1  }
0x121: {  	[bflag:$0x3] =	sbarrier.arrive $0xFFFF  }
0x122: {  	_ =	shalt  }

// kernel: kernel.15.cloned.1.call-start
scs
__scs_entry_jumppad:
0x0: {  	(pc) =	sbr.rel $0x88, $3  }
0x1: {  	(tag) =	ssettag $0x0;
	lr =	simm.s32 $0x1  }
0x2: {  	[smem:$0x3F8F] =	sst lr;
	_ =	strace $0xD0000000  }
0x3: {  	_ = 	snop  }
0x4: {  	_ = 	snop  }
0x5: {  	_ = 	snop  }
0x6: {  	_ = 	snop  }
0x7: {  	_ = 	snop  }
__scs_overlays_trampoline_lowered:
0x8: {  	[smem:$0x3F9E] =	sst s0  }
0x9: {  	[smem:$0x3F9F] =	sst s1  }
0xa: {  	[smem:$0x3FA0] =	sst s2  }
0xb: {  	[smem:$0x3FA1] =	sst s3  }
0xc: {  	[smem:$0x3FA2] =	sst s4  }
0xd: {  	[smem:$0x3FA3] =	sst s5  }
0xe: {  	[smem:$0x3FA4] =	sst s6  }
0xf: {  	[smem:$0x3FA5] =	sst s7  }
0x10: {  	[smem:$0x3FA6] =	sst s8  }
0x11: {  	[smem:$0x3FA7] =	sst s9;
	s0 =	simm.s32 @!p0 $0x0  }
0x12: {  	s1 =	sld [smem:$0x3F8D];
	s0 =	simm.s32 @p0 $0x1  }
0x13: {  	[smem:$0x3FA8] =	sst s0;
	s0 =	simm.s32 @!p1 $0x0  }
0x14: {  	s2 =	sld [smem:$0x3F8C];
	s0 =	simm.s32 @p1 $0x1  }
0x15: {  	[smem:$0x3FA9] =	sst s0;
	s0 =	simm.s32 @!p2 $0x0  }
0x16: {  	s3 =	sld [smem:$0x3FDB];
	s0 =	simm.s32 @p2 $0x1  }
0x17: {  	s4 =	simm.s32 $0x1BF5;
	[smem:$0x3FAB] =	sst s0  }
0x18: {  	s0 =	sld [smem:$0x3F8E];
	_ =	swait.ge [sflag:s4], $0x0  }
0x19: {  	s7 =	sld [smem:$0x3F8F]  }
0x1a: {  	s8 =	sadd.s32 $0xFFFFE003, lr  }
0x1b: {  	s9 =	sadd.s32 $0xFFFFFEF7, lr;
	s5 =	simm.s32 $0xFFFFFFFF;
	p2 =	slt.u32 s8, $0xFFFFF086  }
0x1c: {  	p1 =	slt.u32 s9, $0xF7A;
	s5 =	simm.s32 @!p2 $0x0  }
0x1d: {  	s5 =	simm.s32 @p1 $0x1;
	p0 =	seq.s32 s7, s2  }
0x1e: {  	s7 =	smul.u32 @!p0 $0xF7A, s2;
	p2 =	seq.s32 @!p0 s5, $0x0  }
0x1f: {  	s9 =	smul.u32 $0xF7A, s1;
	s8 =	simm.s32 @!p0 $0x1BF5;
	p2 =	por !p2, p0  }
0x20: {  	[sflag:s8] =	ssyncset.s32 @!p0 $0xFFFFF086;
	s6 =	sadd.s32 @!p0 s3, s7;
	s7 =	simm.s32 @!p0 $0x108  }
0x21: {  	s3 =	sadd.s32 s3, s9;
	s6 =	sadd.s32 @!p0 $0x88, s6;
	s7 =	simm.s32 @p2 $0x1082  }
0x22: {  	[simem:s7], [sflag:s8] =	dma.local @!p0 [hbm:s6], $0xF7A  }
0x23: {  	s9 =	sor.u32 $0xD0000000, s2;
	s6 =	simm.s32 $0x108;
	_ =	swait.ge @!p0 [sflag:s8], $0x0  }
0x24: {  	s3 =	sadd.s32 $0x88, s3;
	s6 =	simm.s32 @!p1 $0x1082;
	[sflag:s4] =	ssyncset.s32 $0xFFFFF086  }
0x25: {  	[simem:s6], [sflag:s4] =	dma.local [hbm:s3], $0xF7A  }
0x26: {  	[smem:$0x3F8F] =	sst s1;
	(tag) =	ssettag s2;
	_ =	strace s9  }
0x27: {  	s1 =	sld [smem:$0x3F9F]  }
0x28: {  	s2 =	sld [smem:$0x3FA0]  }
0x29: {  	s4 =	sld [smem:$0x3FA2]  }
0x2a: {  	p0 =	seq.s32 s5, $0x0;
	s5 =	sld [smem:$0x3FA3]  }
0x2b: {  	s6 =	sld [smem:$0x3FA4]  }
0x2c: {  	s7 =	sld [smem:$0x3FA5]  }
0x2d: {  	s3 =	simm.s32 $0x108;
	s8 =	sld [smem:$0x3FA6]  }
0x2e: {  	s3 =	simm.s32 @!p0 $0x1082;
	s9 =	sld [smem:$0x3FA7]  }
0x2f: {  	lr =	sadd.s32 s0, s3;
	s0 =	sld [smem:$0x3F9E]  }
0x30: {  	s3 =	sld [smem:$0x3FA1]  }
0x31: {  	[smem:$0x3FAA] =	sst s10  }
0x32: {  	s10 =	sld [smem:$0x3FA8];
	_ =	sdelay $0x3  }
0x33: {  	p0 =	seq.s32 s10, $0x1;
	s10 =	sld [smem:$0x3FAA];
	_ =	sdelay $0x3  }
0x34: {  	[smem:$0x3FAA] =	sst s10  }
0x35: {  	s10 =	sld [smem:$0x3FA9];
	_ =	sdelay $0x3  }
0x36: {  	p1 =	seq.s32 s10, $0x1;
	s10 =	sld [smem:$0x3FAA];
	_ =	sdelay $0x3  }
0x37: {  	[smem:$0x3FAA] =	sst s10  }
0x38: {  	s10 =	sld [smem:$0x3FAB]  }
0x39: {  	_ = 	snop;
	(pc) =	sbr.ind lr, $3  }
0x3a: {  	_ = 	snop  }
0x3b: {  	_ = 	snop  }
0x3c: {  	p2 =	seq.s32 s10, $0x1;
	s10 =	sld [smem:$0x3FAA]  }
0x3d: {  	_ =	shalt  }
0x3e: {  	_ =	shalt  }
0x3f: {  	_ =	shalt  }
0x40: {  	_ =	shalt  }
0x41: {  	_ =	shalt  }
0x42: {  	_ =	shalt  }
0x43: {  	_ =	shalt  }
0x44: {  	_ =	shalt  }
0x45: {  	_ =	shalt  }
0x46: {  	_ =	shalt  }
0x47: {  	_ =	shalt  }
0x48: {  	_ =	shalt  }
0x49: {  	_ =	shalt  }
0x4a: {  	_ =	shalt  }
0x4b: {  	_ =	shalt  }
0x4c: {  	_ =	shalt  }
0x4d: {  	_ =	shalt  }
0x4e: {  	_ =	shalt  }
0x4f: {  	_ =	shalt  }
0x50: {  	_ =	shalt  }
0x51: {  	_ =	shalt  }
0x52: {  	_ =	shalt  }
0x53: {  	_ =	shalt  }
0x54: {  	_ =	shalt  }
0x55: {  	_ =	shalt  }
0x56: {  	_ =	shalt  }
0x57: {  	_ =	shalt  }
0x58: {  	_ =	shalt  }
0x59: {  	_ =	shalt  }
0x5a: {  	_ =	shalt  }
0x5b: {  	_ =	shalt  }
0x5c: {  	_ =	shalt  }
0x5d: {  	_ =	shalt  }
0x5e: {  	_ =	shalt  }
0x5f: {  	_ =	shalt  }
0x60: {  	_ =	shalt  }
0x61: {  	_ =	shalt  }
0x62: {  	_ =	shalt  }
0x63: {  	_ =	shalt  }
0x64: {  	_ =	shalt  }
0x65: {  	_ =	shalt  }
0x66: {  	_ =	shalt  }
0x67: {  	_ =	shalt  }
0x68: {  	_ =	shalt  }
0x69: {  	_ =	shalt  }
0x6a: {  	_ =	shalt  }
0x6b: {  	_ =	shalt  }
0x6c: {  	_ =	shalt  }
0x6d: {  	_ =	shalt  }
0x6e: {  	_ =	shalt  }
0x6f: {  	_ =	shalt  }
0x70: {  	_ =	shalt  }
0x71: {  	_ =	shalt  }
0x72: {  	_ =	shalt  }
0x73: {  	_ =	shalt  }
0x74: {  	_ =	shalt  }
0x75: {  	_ =	shalt  }
0x76: {  	_ =	shalt  }
0x77: {  	_ =	shalt  }
0x78: {  	_ =	shalt  }
0x79: {  	_ =	shalt  }
0x7a: {  	_ =	shalt  }
0x7b: {  	_ =	shalt  }
0x7c: {  	_ =	shalt  }
0x7d: {  	_ =	shalt  }
0x7e: {  	_ =	shalt  }
0x7f: {  	_ =	shalt  }
0x80: {  	_ =	shalt  }
0x81: {  	_ =	shalt  }
0x82: {  	_ =	shalt  }
0x83: {  	_ =	shalt  }
0x84: {  	_ =	shalt  }
0x85: {  	_ =	shalt  }
0x86: {  	_ =	shalt  }
0x87: {  	_ =	shalt  }
.Lfunc_end0:
.L_simem_size_0:
called_computation.1_lowered:
.L_overlay_start_0:
0x88: {  	s2 =	sld [smem:$0x3FD9]  }
0x89: {  	s3 =	sld [smem:$0x3FFE];
	_ =	sdelay $0x1  }
0x8a: {  	s1 =	srdreg.scid  }
0x8b: {  	s0 =	sand.u32 $0x1, s1  }
0x8c: {  	s16 =	sshll.u32 s0, $0xA;
	s2 =	sadd.s32 s3, s2  }
0x8d: {  	s2 =	sadd.s32 s2, s16  }
0x8e: {  	[smem:$0x3FB6] =	sst s2  }
0x8f: {  	_ = 	snop  }
0x90: {  	(tm) =	ssettm $0x1  }
0x91: {  	s17 =	sld [smem:$0x3FFB];
	_ =	sdelay $0x3  }
0x92: {  	_ =	strace s17  }
0x93: {  	s2 =	sld [smem:$0x3FFC];
	_ =	sdelay $0x3  }
0x94: {  	_ =	strace s2  }
0x95: {  	s2 =	sld [smem:$0x3FFD];
	_ =	sdelay $0x3  }
0x96: {  	_ =	strace s2  }
0x97: {  	_ =	strace $0x8FFFFFFF  }
0x98: {  	s18 =	sld [smem:$0x3FDB];
	_ =	sdelay $0x1  }
0x99: {  	s19 =	simm.s32 $_scs_section_size  }
0x9a: {  	s4 =	simm.s32 $_size__tile_overlayer_lowered;
	s5 =	simm.s32 $_tile_overlayer_lowered  }
0x9b: {  	s22 =	simm.s32 $0x1BFF;
	s21 =	sshll.u32 s5, $0x1;
	s2 =	sadd.s32 s19, s18  }
0x9c: {  	s6 =	simm.s32 $0x0;
	s20 =	sshll.u32 s4, $0x1;
	s4 =	sadd.s32 s21, s2  }
0x9d: {  	[timem:s6], [sflag:s22] =	dma.local [hbm:s4], s20  }
0x9e: {  	_ =	swait.ge [sflag:s22], s20  }
0x9f: {  	s3 =	ssub.s32 $0x0, s20;
	[sflag:s22] =	ssyncset.done $0x0  }
0xa0: {  	[sflag:s22] =	ssyncadd.s32 s3;
	_ =	sdelay $0x1  }
0xa1: {  	s23 =	simm.s32 $0x1B8B  }
0xa2: {  	_ =	swait.ge [sflag:s23], $0x1  }
0xa3: {  	[sflag:s23] =	ssyncset.done $0x0  }
0xa4: {  	s25 =	simm.s32 $0x1B8E;
	s24 =	sld [smem:$0x3FFE];
	[sflag:s23] =	ssyncadd.s32 $0xFFFFFFFF  }
0xa5: {  	s26 =	simm.s32 $execute0_lowered;
	[smem:$0x3FD2] =	sst s25  }
0xa6: {  	s4 =	sshll.u32 s26, $0x1;
	_ =	strace $0x80000049;
	[dreg:$0x1] =	wrdreg $0xFFFFFFFF  }
0xa7: {  	s28 =	simm.s32 $_size_execute0_lowered;
	s2 =	sadd.s32 s2, s4;
	[dreg:$0x0] =	wrdreg $0x0  }
0xa8: {  	s4 =	sshll.u32 s28, $0x1;
	[dreg:$0x2] =	wrdreg s2  }
0xa9: {  	[dreg:$0x3] =	wrdreg s4  }
0xaa: {  	[dreg:$0x4] =	wrdreg $0xC0  }
0xab: {  	_ =	task [dreg:s6], $0x5FFFF  }
0xac: {  	[dreg:$0x1] =	wrdreg $0xFFFFFFFF  }
0xad: {  	[dreg:$0x0] =	wrdreg $0x60  }
0xae: {  	[dreg:$0x2] =	wrdreg s24  }
0xaf: {  	[dreg:$0x3] =	wrdreg $0x52000  }
0xb0: {  	[dreg:$0x4] =	wrdreg $0x9  }
0xb1: {  	_ =	task.clear_ibuf [dreg:s6], $0x5FFFF;
	_ =	strace $0x90000049  }
0xb2: {  	s29 =	simm.s32 $0x9;
	_ =	strace $0x8000004B  }
0xb3: {  	_ =	swait.ge [sflag:s29], $0x1  }
0xb4: {  	[sflag:s29] =	ssyncadd.s32 $0xFFFFFFFF  }
0xb5: {  	_ =	strace $0x9000004B  }
0xb6: {  	_ =	sfence  }
0xb7: {  	s30 =	sld [smem:$0x0];
	_ =	sdelay $0x2  }
0xb8: {  	s31 =	sshll.u32 s1, $0xD;
	s1 =	sshrl.u32 s1, $0x2  }
0xb9: {  	s3 =	sand.u32 $0x4000, s31;
	s1 =	sadd.s32 s1, s30  }
0xba: {  	s0 =	sor.u32 s3, s0;
	s1 =	sshll.u32 s1, $0x11  }
0xbb: {  	s0 =	sor.u32 s1, s0  }
0xbc: {  	s0 =	sadd.s32 $0x8F2B, s0  }
0xbd: {  	[sflag:s0] =	ssyncadd.remote.s32 $0x1  }
0xbe: {  	_ =	sfence.sel $0xFFFF  }
0xbf: {  	[dreg:$0x0] =	wrdreg $0xFFFFFFFF;
	(pc) =	sbr.abs _section_cstart, $3  }
0xc0: {  	[dreg:$0x1] =	wrdreg $0xFFFFFFFF  }
0xc1: {  	_ =	task.clear_ibuf [dreg:s6], $0x2FFFF;
	_ =	strace $0x9FFFFFFF  }
0xc2: {  	(tm) =	ssettm $0x7FFFFFFF  }
0xc3: {  	_ =	shalt  }
tec
execute0_lowered:
.L_overlay_start_1:
0x0: {  	(tag) =	ssettag $0x1  }
0x1: {  	s7 =	stileid.u32  }
0x2: {  	s0 =	rddreg [dreg:$0x0];
	s8 =	smul.u32 $0x4E200, s7  }
0x3: {  	s1 =	rddreg [dreg:$0x1];
	s2 =	simm.s32 $0x0;
	s3 =	srdreg.scid  }
0x4: {  	[smem:$0x7FF] =	sst s2;
	s3 =	sand.u32 $0x1, s3;
	s8 =	sshrl.u32 s8, $0x2  }
0x5: {  	s4 =	sadd.s32 $0x52AC00, s0;
	s5 =	sadd.s32 $0xA5C200, s0;
	s8 =	sadd.s32 s8, s1  }
0x6: {  	_ =	strace $0x8000004A;
	s6 =	sshll.u32 s3, $0x4;
	s29 =	sadd.s32 $0x1400, s8  }
0x7: {  	s3 =	ssub.s32 $0x2, s3;
	s30 =	sadd.s32 $0x2800, s8;
	[dreg:$0x3] =	wrdreg s29  }
0x8: {  	s11 =	sshrl.u32 s3, $0x1;
	s31 =	sadd.s32 $0x3C00, s8;
	[dreg:$0x4] =	wrdreg s30  }
0x9: {  	s3 =	ssub.s32 s3, s11;
	s11 =	sadd.s32 $0x5000, s8;
	[dreg:$0x5] =	wrdreg s31  }
0xa: {  	s9 =	sor.u32 s7, s6;
	s12 =	sadd.s32 $0x6400, s8;
	[dreg:$0x6] =	wrdreg s11  }
0xb: {  	s6 =	sadd.s32 $0x4EAC00, s0;
	s13 =	sadd.s32 $0x7800, s8;
	[dreg:$0x7] =	wrdreg s12  }
0xc: {  	s7 =	sadd.s32 $0x50AC00, s0;
	s14 =	sadd.s32 $0x8C00, s8;
	[dreg:$0x8] =	wrdreg s13  }
0xd: {  	s10 =	smul.u32 $0x2780, s9;
	s15 =	sadd.s32 $0xA000, s8;
	[dreg:$0x9] =	wrdreg s14  }
0xe: {  	s17 =	smul.u32 $0x138800, s9;
	s16 =	sadd.s32 $0xB400, s8;
	[dreg:$0xa] =	wrdreg s15  }
0xf: {  	s19 =	sshll.u32 s9, $0xC;
	s18 =	sadd.s32 $0xC800, s8;
	[dreg:$0xb] =	wrdreg s16  }
0x10: {  	s20 =	sshll.u32 s9, $0xF;
	s23 =	sadd.s32 s7, s19;
	[dreg:$0xc] =	wrdreg s18  }
0x11: {  	s21 =	sadd.s32 s6, s19;
	s24 =	smax.u32 s3, $0x1;
	[dreg:$0xf] =	wrdreg s23  }
0x12: {  	s25 =	sadd.s32 $0xDC00, s8;
	s26 =	sadd.s32 $0xF000, s8;
	[dreg:$0x11] =	wrdreg s24  }
0x13: {  	s28 =	sadd.s32 $0x10400, s8;
	s3 =	simm.s32 $0x200;
	[dreg:$0x12] =	wrdreg s25  }
0x14: {  	s19 =	simm.s32 $0x180;
	s0 =	sadd.s32 s10, s0;
	[dreg:$0x13] =	wrdreg s26  }
0x15: {  	s22 =	sshrl.u32 s17, $0x3;
	[dreg:$0x14] =	wrdreg s28;
	s29 =	sadd.s32 $0x11800, s8  }
0x16: {  	s30 =	sadd.s32 $0x12C00, s8;
	[dreg:$0xd] =	wrdreg s21;
	s31 =	sadd.s32 $0x10, s21  }
0x17: {  	s10 =	simm.s32 $0x28;
	s11 =	simm.s32 $0x100;
	s12 =	simm.s32 $0x80  }
0x18: {  	s13 =	simm.s32 $0x1;
	s14 =	simm.s32 $0x3;
	s15 =	simm.s32 $0x6  }
0x19: {  	s16 =	simm.s32 $0x1600;
	s18 =	simm.s32 $0x3E00;
	[dreg:$0x15] =	wrdreg s29  }
0x1a: {  	s23 =	simm.s32 $0x2;
	s24 =	simm.s32 $0x4;
	[dreg:$0x16] =	wrdreg s30  }
0x1b: {  	s25 =	simm.s32 $0x8;
	s9 =	sadd.s32 s5, s22;
	[dreg:$0x17] =	wrdreg s31  }
0x1c: {  	s26 =	simm.s32 $0xA;
	s0 =	sadd.s32 $0x552600, s0;
	[dreg:$0xe] =	wrdreg s9  }
0x1d: {  	v0 =	vimm.f32 $0.0e+00;
	s22 =	simm.s32 $0x7;
	[dreg:$0x10] =	wrdreg s0;
	s9 =	simm.s32 $0xB  }
.LBB2_1:
0x1e: {  	s0 =	simm.s32 $0x0;
	s28 =	simm.s32 $0x200  }
.LBB2_2:
0x1f: {  	p0 =	sne.s32 s28, $0x4E00;
	[tilespmem:s0+$0x270] =	vst v0  }
0x20: {  	[tilespmem:s0+$0x200] =	vst v0  }
0x21: {  	[tilespmem:s0+$0x210] =	vst v0  }
.Ltmp0:
0x22: {  	[tilespmem:s0+$0x220] =	vst v0;
	(pc) =	sbr.rel @p0 .LBB2_2-.Ltmp0, $4  }
0x23: {  	[tilespmem:s0+$0x230] =	vst v0  }
0x24: {  	[tilespmem:s0+$0x240] =	vst v0  }
0x25: {  	[tilespmem:s0+$0x250] =	vst v0  }
0x26: {  	[tilespmem:s0+$0x260] =	vst v0;
	s0 =	sshra.s32 s28, $0x2;
	s28 =	sadd.s32 $0x200, s28  }
0x27: {  	[tilespmem:s0+$0x270] =	vst v0  }
0x28: {  	[tilespmem:s0+$0x200] =	vst v0  }
0x29: {  	[tilespmem:s0+$0x210] =	vst v0  }
0x2a: {  	[tilespmem:s0+$0x220] =	vst v0  }
0x2b: {  	[tilespmem:s0+$0x230] =	vst v0  }
0x2c: {  	[tilespmem:s0+$0x240] =	vst v0  }
0x2d: {  	[tilespmem:s0+$0x250] =	vst v0  }
0x2e: {  	[tilespmem:s0+$0x260] =	vst v0  }
0x2f: {  	[spmem:s8] =	stream.linear.scatter [tilespmem:s3], [sflag:$0xB], $0x1400, $0x38;
	[tilespmem:$0x18A80] =	vst v63  }
0x30: {  	_ =	swait.ge [sflag:s9], $0x1400  }
0x31: {  	[sflag:s9] =	ssyncset.done $0x0  }
0x32: {  	s29 =	rddreg [dreg:$0x3];
	[sflag:s9] =	ssyncadd.s32 $0xFFFFEC00  }
0x33: {  	[spmem:s29] =	stream.linear.scatter [tilespmem:s3], [sflag:$0xB], $0x1400, $0x38;
	[tilespmem:$0x18A80] =	vst v63  }
0x34: {  	_ =	swait.ge [sflag:s9], $0x1400  }
0x35: {  	[sflag:s9] =	ssyncset.done $0x0  }
0x36: {  	s30 =	rddreg [dreg:$0x4];
	[sflag:s9] =	ssyncadd.s32 $0xFFFFEC00  }
0x37: {  	[spmem:s30] =	stream.linear.scatter [tilespmem:s3], [sflag:$0xB], $0x1400, $0x38;
	[tilespmem:$0x18A80] =	vst v63  }
0x38: {  	_ =	swait.ge [sflag:s9], $0x1400  }
0x39: {  	[sflag:s9] =	ssyncset.done $0x0  }
0x3a: {  	s31 =	rddreg [dreg:$0x5];
	[sflag:s9] =	ssyncadd.s32 $0xFFFFEC00  }
0x3b: {  	[spmem:s31] =	stream.linear.scatter [tilespmem:s3], [sflag:$0xB], $0x1400, $0x38;
	[tilespmem:$0x18A80] =	vst v63  }
0x3c: {  	_ =	swait.ge [sflag:s9], $0x1400  }
0x3d: {  	[sflag:s9] =	ssyncset.done $0x0  }
0x3e: {  	s21 =	rddreg [dreg:$0x6];
	[sflag:s9] =	ssyncadd.s32 $0xFFFFEC00  }
0x3f: {  	[spmem:s21] =	stream.linear.scatter [tilespmem:s3], [sflag:$0xB], $0x1400, $0x38;
	[tilespmem:$0x18A80] =	vst v63  }
0x40: {  	_ =	swait.ge [sflag:s9], $0x1400  }
0x41: {  	[sflag:s9] =	ssyncset.done $0x0  }
0x42: {  	s29 =	rddreg [dreg:$0x7];
	[sflag:s9] =	ssyncadd.s32 $0xFFFFEC00  }
0x43: {  	[spmem:s29] =	stream.linear.scatter [tilespmem:s3], [sflag:$0xB], $0x1400, $0x38;
	[tilespmem:$0x18A80] =	vst v63  }
0x44: {  	_ =	swait.ge [sflag:s9], $0x1400  }
0x45: {  	[sflag:s9] =	ssyncset.done $0x0  }
0x46: {  	s30 =	rddreg [dreg:$0x8];
	[sflag:s9] =	ssyncadd.s32 $0xFFFFEC00  }
0x47: {  	[spmem:s30] =	stream.linear.scatter [tilespmem:s3], [sflag:$0xB], $0x1400, $0x38;
	[tilespmem:$0x18A80] =	vst v63  }
0x48: {  	_ =	swait.ge [sflag:s9], $0x1400  }
0x49: {  	[sflag:s9] =	ssyncset.done $0x0  }
0x4a: {  	s31 =	rddreg [dreg:$0x9];
	[sflag:s9] =	ssyncadd.s32 $0xFFFFEC00  }
0x4b: {  	[spmem:s31] =	stream.linear.scatter [tilespmem:s3], [sflag:$0xB], $0x1400, $0x38;
	[tilespmem:$0x18A80] =	vst v63  }
0x4c: {  	_ =	swait.ge [sflag:s9], $0x1400  }
0x4d: {  	[sflag:s9] =	ssyncset.done $0x0  }
0x4e: {  	s21 =	rddreg [dreg:$0xa];
	[sflag:s9] =	ssyncadd.s32 $0xFFFFEC00  }
0x4f: {  	[spmem:s21] =	stream.linear.scatter [tilespmem:s3], [sflag:$0xB], $0x1400, $0x38;
	[tilespmem:$0x18A80] =	vst v63  }
0x50: {  	_ =	swait.ge [sflag:s9], $0x1400  }
0x51: {  	[sflag:s9] =	ssyncset.done $0x0  }
0x52: {  	s29 =	rddreg [dreg:$0xb];
	[sflag:s9] =	ssyncadd.s32 $0xFFFFEC00  }
0x53: {  	[spmem:s29] =	stream.linear.scatter [tilespmem:s3], [sflag:$0xB], $0x1400, $0x38;
	[tilespmem:$0x18A80] =	vst v63  }
0x54: {  	_ =	swait.ge [sflag:s9], $0x1400  }
0x55: {  	[sflag:s9] =	ssyncset.done $0x0  }
0x56: {  	s30 =	rddreg [dreg:$0xc];
	[sflag:s9] =	ssyncadd.s32 $0xFFFFEC00  }
0x57: {  	[spmem:s30] =	stream.linear.scatter [tilespmem:s3], [sflag:$0xB], $0x1400, $0x38;
	[tilespmem:$0x18A80] =	vst v63  }
0x58: {  	_ =	swait.ge [sflag:s9], $0x1400  }
0x59: {  	[sflag:s9] =	ssyncset.done $0x0  }
0x5a: {  	s31 =	rddreg [dreg:$0x12];
	[sflag:s9] =	ssyncadd.s32 $0xFFFFEC00  }
0x5b: {  	[spmem:s31] =	stream.linear.scatter [tilespmem:s3], [sflag:$0xB], $0x1400, $0x38;
	[tilespmem:$0x18A80] =	vst v63  }
0x5c: {  	_ =	swait.ge [sflag:s9], $0x1400  }
0x5d: {  	[sflag:s9] =	ssyncset.done $0x0  }
0x5e: {  	s21 =	rddreg [dreg:$0x13];
	[sflag:s9] =	ssyncadd.s32 $0xFFFFEC00  }
0x5f: {  	[spmem:s21] =	stream.linear.scatter [tilespmem:s3], [sflag:$0xB], $0x1400, $0x38;
	[tilespmem:$0x18A80] =	vst v63  }
0x60: {  	_ =	swait.ge [sflag:s9], $0x1400  }
0x61: {  	[sflag:s9] =	ssyncset.done $0x0  }
0x62: {  	s29 =	rddreg [dreg:$0x14];
	[sflag:s9] =	ssyncadd.s32 $0xFFFFEC00  }
0x63: {  	[spmem:s29] =	stream.linear.scatter [tilespmem:s3], [sflag:$0xB], $0x1400, $0x38;
	[tilespmem:$0x18A80] =	vst v63  }
0x64: {  	_ =	swait.ge [sflag:s9], $0x1400  }
0x65: {  	[sflag:s9] =	ssyncset.done $0x0  }
0x66: {  	s30 =	rddreg [dreg:$0x15];
	[sflag:s9] =	ssyncadd.s32 $0xFFFFEC00  }
0x67: {  	[spmem:s30] =	stream.linear.scatter [tilespmem:s3], [sflag:$0xB], $0x1400, $0x38;
	[tilespmem:$0x18A80] =	vst v63  }
0x68: {  	_ =	swait.ge [sflag:s9], $0x1400  }
0x69: {  	[sflag:s9] =	ssyncset.done $0x0  }
0x6a: {  	s31 =	rddreg [dreg:$0x16];
	[sflag:s9] =	ssyncadd.s32 $0xFFFFEC00  }
0x6b: {  	[spmem:s31] =	stream.linear.scatter [tilespmem:s3], [sflag:$0xB], $0xC80, $0x38;
	[tilespmem:$0x18A80] =	vst v63  }
0x6c: {  	_ =	swait.ge [sflag:s9], $0xC80  }
0x6d: {  	[sflag:s9] =	ssyncset.done $0x0  }
0x6e: {  	[sflag:s9] =	ssyncadd.s32 $0xFFFFF380  }
0x6f: {  	[bflag:$0x0] =	sbarrier.arrive $0xFFFF  }
0x70: {  	s28 =	simm.s32 $0x0;
	s21 =	rddreg [dreg:$0xd]  }
0x71: {  	[tilespmem:s28], [sflag:$0xB] =	stream.linear.gather [hbm4b:s21+s28], $0x80, $0x38;
	[tilespmem:$0x18A80] =	vst v63  }
0x72: {  	_ =	swait.ge [sflag:s9], $0x80  }
0x73: {  	[sflag:s9] =	ssyncset.done $0x0  }
0x74: {  	[sflag:s9] =	ssyncadd.s32 $0xFFFFFF80  }
0x75: {  	[tilespmem:s3], [sflag:$0x1] =	stream.indirect.gather [hbm4b:s4+s10], $0x80, s28, s10, $0xb8;
	[tilespmem:$0x18A80] =	vst v63  }
0x76: {  	s21 =	simm.s32 $0x2A00;
	s29 =	rddreg [dreg:$0xe]  }
0x77: {  	[tilespmem:s21], [sflag:$0x3] =	stream.linear.gather [hbm4b:s29+s28], $0x1400, $0x38;
	[tilespmem:$0x18A80] =	vst v63  }
0x78: {  	s30 =	rddreg [dreg:$0xf]  }
0x79: {  	[tilespmem:s11], [sflag:$0x7] =	stream.linear.gather [hbm4b:s30+s28], $0x80, $0x38;
	[tilespmem:$0x18A80] =	vst v63  }
0x7a: {  	s31 =	rddreg [dreg:$0x17]  }
0x7b: {  	[tilespmem:s12], [sflag:$0x6] =	stream.linear.gather [hbm4b:s31+s28], $0x80, $0x38;
	[tilespmem:$0x18A80] =	vst v63  }
.LBB2_4:
0x7c: {  	s0 =	sshll.u32 s28, $0x1  }
0x7d: {  	p0 =	seq.s32 s28, $0x7C;
	s29 =	sadd.s32 $0x2, s0  }
0x7e: {  	_ =	swait.ge [sflag:s13], $0x1400;
	s30 =	sshll.u32 @!p0 s29, $0x7  }
0x7f: {  	[sflag:s13] =	ssyncset.done $0x0;
	s31 =	sand.u32 @!p0 $0xFC00, s30  }
0x80: {  	[sflag:s13] =	ssyncadd.s32 $0xFFFFEC00;
	s30 =	sand.u32 @!p0 $0x300, s30;
	s31 =	sadd.s32 @!p0 s20, s31  }
0x81: {  	_ =	swait.ge [sflag:s14], $0x1400;
	s30 =	sor.u32 @!p0 s30, s31  }
0x82: {  	p1 =	seq.s32 @!p0 s28, $0x0;
	[sflag:s14] =	ssyncset.done $0x0;
	s30 =	sshrl.u32 @!p0 s30, $0x3  }
0x83: {  	[sflag:s14] =	ssyncadd.s32 $0xFFFFEC00;
	s31 =	simm.s32 @!p0 $0x0;
	s30 =	sadd.s32 @!p0 s6, s30  }
0x84: {  	[tilespmem:s31], [sflag:$0x5] =	stream.linear.gather @!p0 [hbm4b:s30+s31], $0x80, $0x38;
	[tilespmem:$0x18A80] =	vst v63  }
0x85: {  	p0 =	por p0, !p1  }
0x86: {  	_ =	swait.ge @p0 [sflag:s26], $0x1400  }
0x87: {  	s0 =	sor.u32 $0x1, s0;
	s30 =	sshll.u32 s28, $0x8;
	[sflag:s26] =	ssyncset.done @p0 $0x0  }
0x88: {  	s31 =	sshll.u32 s0, $0x7;
	s0 =	smul.u32 $0x1400, s0;
	[sflag:s26] =	ssyncadd.s32 @p0 $0xFFFFEC00  }
0x89: {  	s21 =	sand.u32 $0x7C00, s30;
	s31 =	sand.u32 $0x380, s31;
	_ =	swait.ge [sflag:s15], $0x80  }
0x8a: {  	s0 =	sadd.s32 s17, s0;
	s21 =	sor.u32 s31, s21;
	[sflag:s15] =	ssyncset.done $0x0  }
0x8b: {  	s0 =	sshrl.u32 s0, $0x3;
	s21 =	sor.u32 s20, s21;
	[sflag:s15] =	ssyncadd.s32 $0xFFFFFF80  }
0x8c: {  	[tilespmem:s16], [sflag:$0x2] =	stream.indirect.gather [hbm4b:s4+s10], $0x80, s12, s10, $0xb8;
	[tilespmem:$0x18A80] =	vst v63  }
0x8d: {  	s31 =	simm.s32 $0x0;
	s0 =	sadd.s32 s5, s0;
	s21 =	sshrl.u32 s21, $0x3  }
0x8e: {  	[tilespmem:s18], [sflag:$0x4] =	stream.linear.gather [hbm4b:s0+s31], $0x1400, $0x38;
	[tilespmem:$0x18A80] =	vst v63  }
0x8f: {  	s0 =	sadd.s32 s7, s21  }
0x90: {  	[tilespmem:s19], [sflag:$0x8] =	stream.linear.gather [hbm4b:s0+s31], $0x80, $0x38;
	[tilespmem:$0x18A80] =	vst v63  }
0x91: {  	s31 =	simm.s32 $0x0  }
0x92: {  	v7 =	vld [tilespmem:s31+$0x2A00]  }
0x93: {  	v12 =	vld [tilespmem:s31+$0x2A10]  }
0x94: {  	v6 =	vld [tilespmem:s31+$0x2A20]  }
0x95: {  	v5 =	vld [tilespmem:s31+$0x2A30]  }
0x96: {  	v4 =	vld [tilespmem:s31+$0x2A40]  }
0x97: {  	v3 =	vld [tilespmem:s31+$0x2A50]  }
0x98: {  	v2 =	vld [tilespmem:s31+$0x2A60]  }
0x99: {  	v1 =	vld [tilespmem:s31+$0x2A70]  }
0x9a: {  	v13 =	vld [tilespmem:s31+$0x200]  }
0x9b: {  	v14 =	vld [tilespmem:s31+$0x210]  }
0x9c: {  	v11 =	vld [tilespmem:s31+$0x220]  }
0x9d: {  	v10 =	vld [tilespmem:s31+$0x230]  }
0x9e: {  	v9 =	vld [tilespmem:s31+$0x240]  }
0x9f: {  	v8 =	vld [tilespmem:s31+$0x250];
	v13 =	vadd.f32 v7, v13  }
0xa0: {  	s0 =	simm.s32 $0x200;
	v12 =	vadd.f32 v12, v14;
	v7 =	vld [tilespmem:s31+$0x260]  }
.LBB2_5:
0xa1: {  	s21 =	sshra.s32 s0, $0x2;
	p0 =	sne.s32 s0, $0x4E00;
	v13 =	vmax.f32 v13, $0.0e+00;
	v6 =	vadd.f32 v6, v11;
	v11 =	vld [tilespmem:s31+$0x270]  }
0xa2: {  	v14 =	vld [tilespmem:s21+$0x2A00];
	[tilespmem:s31+$0x200] =	vst v13;
	v12 =	vmax.f32 v12, $0.0e+00;
	v5 =	vadd.f32 v5, v10  }
0xa3: {  	v15 =	vld [tilespmem:s21+$0x2A10];
	[tilespmem:s31+$0x210] =	vst v12;
	v10 =	vmax.f32 v6, $0.0e+00;
	v4 =	vadd.f32 v4, v9  }
0xa4: {  	v6 =	vld [tilespmem:s21+$0x2A20];
	[tilespmem:s31+$0x220] =	vst v10;
	v9 =	vmax.f32 v5, $0.0e+00;
	v3 =	vadd.f32 v3, v8  }
0xa5: {  	v5 =	vld [tilespmem:s21+$0x2A30];
	[tilespmem:s31+$0x230] =	vst v9;
	v8 =	vmax.f32 v4, $0.0e+00;
	v2 =	vadd.f32 v2, v7  }
0xa6: {  	v4 =	vld [tilespmem:s21+$0x2A40];
	[tilespmem:s31+$0x240] =	vst v8;
	v7 =	vmax.f32 v3, $0.0e+00;
	v1 =	vadd.f32 v1, v11  }
0xa7: {  	v3 =	vld [tilespmem:s21+$0x2A50];
	[tilespmem:s31+$0x250] =	vst v7;
	v7 =	vmax.f32 v2, $0.0e+00  }
0xa8: {  	v2 =	vld [tilespmem:s21+$0x2A60];
	[tilespmem:s31+$0x260] =	vst v7;
	v7 =	vmax.f32 v1, $0.0e+00  }
0xa9: {  	v1 =	vld [tilespmem:s21+$0x2A70];
	[tilespmem:s31+$0x270] =	vst v7;
	s31 =	smov.u32 s21  }
0xaa: {  	v7 =	vld [tilespmem:s31+$0x200]  }
0xab: {  	v12 =	vld [tilespmem:s31+$0x210]  }
.Ltmp1:
0xac: {  	v11 =	vld [tilespmem:s31+$0x220];
	(pc) =	sbr.rel @p0 .LBB2_5-.Ltmp1, $4  }
0xad: {  	v10 =	vld [tilespmem:s31+$0x230]  }
0xae: {  	v9 =	vld [tilespmem:s31+$0x240]  }
0xaf: {  	v13 =	vadd.f32 v14, v7;
	v8 =	vld [tilespmem:s31+$0x250]  }
0xb0: {  	s0 =	sadd.s32 $0x200, s0;
	v12 =	vadd.f32 v15, v12;
	v7 =	vld [tilespmem:s31+$0x260]  }
0xb1: {  	v13 =	vmax.f32 v13, $0.0e+00;
	v6 =	vadd.f32 v6, v11;
	v11 =	vld [tilespmem:s31+$0x270]  }
0xb2: {  	[tilespmem:s31+$0x200] =	vst v13;
	v12 =	vmax.f32 v12, $0.0e+00;
	v5 =	vadd.f32 v5, v10  }
0xb3: {  	[tilespmem:s31+$0x210] =	vst v12;
	v6 =	vmax.f32 v6, $0.0e+00;
	v4 =	vadd.f32 v4, v9  }
0xb4: {  	[tilespmem:s31+$0x220] =	vst v6;
	v5 =	vmax.f32 v5, $0.0e+00;
	v3 =	vadd.f32 v3, v8  }
0xb5: {  	[tilespmem:s31+$0x230] =	vst v5;
	v4 =	vmax.f32 v4, $0.0e+00;
	v2 =	vadd.f32 v2, v7  }
0xb6: {  	[tilespmem:s31+$0x240] =	vst v4;
	v3 =	vmax.f32 v3, $0.0e+00;
	v1 =	vadd.f32 v1, v11  }
0xb7: {  	[tilespmem:s31+$0x250] =	vst v3;
	v2 =	vmax.f32 v2, $0.0e+00  }
0xb8: {  	[tilespmem:s31+$0x260] =	vst v2;
	v1 =	vmax.f32 v1, $0.0e+00  }
0xb9: {  	[tilespmem:s31+$0x270] =	vst v1  }
0xba: {  	_ =	swait.ge [sflag:s22], $0x80  }
0xbb: {  	[sflag:s22] =	ssyncset.done $0x0  }
0xbc: {  	p0 =	sne.s32 s28, $0x7C;
	[sflag:s22] =	ssyncadd.s32 $0xFFFFFF80  }
0xbd: {  	[spmem:s1] =	stream.indirect.scatter.add.f32 [tilespmem:s3], [sflag:$0x9], $0x80, s11, s10, $0xb8;
	[tilespmem:$0x18A80] =	vst v63  }
0xbe: {  	s0 =	sadd.s32 @p0 $0x180, s30;
	_ =	swait.ge [sflag:s23], $0x1400  }
0xbf: {  	s21 =	sand.u32 @p0 $0xFC00, s0;
	[sflag:s23] =	ssyncset.done $0x0  }
0xc0: {  	s0 =	sand.u32 @p0 $0x380, s0;
	s21 =	sadd.s32 @p0 s20, s21;
	[sflag:s23] =	ssyncadd.s32 $0xFFFFEC00  }
0xc1: {  	s0 =	sor.u32 @p0 s0, s21;
	_ =	swait.ge [sflag:s24], $0x1400  }
0xc2: {  	s30 =	simm.s32 @p0 $0x80;
	s0 =	sshrl.u32 @p0 s0, $0x3;
	[sflag:s24] =	ssyncset.done $0x0  }
0xc3: {  	s21 =	simm.s32 @p0 $0x0;
	s0 =	sadd.s32 @p0 s6, s0;
	[sflag:s24] =	ssyncadd.s32 $0xFFFFEC00  }
0xc4: {  	[tilespmem:s30], [sflag:$0x6] =	stream.linear.gather @p0 [hbm4b:s0+s21], $0x80, $0x38;
	[tilespmem:$0x18A80] =	vst v63  }
0xc5: {  	s0 =	simm.s32 @p0 $0x9  }
0xc6: {  	_ =	swait.ge @p0 [sflag:s0], $0x1400  }
0xc7: {  	[sflag:s0] =	ssyncset.done @p0 $0x0  }
0xc8: {  	[sflag:s0] =	ssyncadd.s32 @p0 $0xFFFFEC00;
	s0 =	simm.s32 @p0 $0x5  }
0xc9: {  	_ =	swait.ge @p0 [sflag:s0], $0x80  }
0xca: {  	s31 =	simm.s32 @p0 $0x200;
	s30 =	sshll.u32 @p0 s29, $0x7;
	[sflag:s0] =	ssyncset.done @p0 $0x0  }
0xcb: {  	s29 =	smul.u32 @p0 $0x1400, s29;
	[sflag:s0] =	ssyncadd.s32 @p0 $0xFFFFFF80;
	s0 =	simm.s32 @p0 $0x28  }
0xcc: {  	[tilespmem:s31], [sflag:$0x1] =	stream.indirect.gather @p0 [hbm4b:s4+s0], $0x80, s21, s0, $0xb8;
	[tilespmem:$0x18A80] =	vst v63  }
0xcd: {  	s29 =	sadd.s32 @p0 s17, s29;
	s0 =	sand.u32 @p0 $0xFC00, s30  }
0xce: {  	s29 =	sshrl.u32 @p0 s29, $0x3;
	s30 =	sand.u32 @p0 $0x300, s30;
	s0 =	sadd.s32 @p0 s20, s0  }
0xcf: {  	s29 =	sadd.s32 @p0 s5, s29;
	s0 =	sor.u32 @p0 s30, s0;
	s30 =	simm.s32 @p0 $0x2A00  }
0xd0: {  	[tilespmem:s30], [sflag:$0x3] =	stream.linear.gather @p0 [hbm4b:s29+s21], $0x1400, $0x38;
	[tilespmem:$0x18A80] =	vst v63  }
0xd1: {  	s0 =	sshrl.u32 @p0 s0, $0x3  }
0xd2: {  	s29 =	simm.s32 @p0 $0x100;
	s0 =	sadd.s32 @p0 s7, s0  }
0xd3: {  	[tilespmem:s29], [sflag:$0x7] =	stream.linear.gather @p0 [hbm4b:s0+s21], $0x80, $0x38;
	[tilespmem:$0x18A80] =	vst v63  }
0xd4: {  	s0 =	simm.s32 @!p0 $0x9  }
0xd5: {  	_ =	swait.ge @!p0 [sflag:s0], $0x1400  }
0xd6: {  	[sflag:s0] =	ssyncset.done @!p0 $0x0  }
0xd7: {  	s29 =	simm.s32 $0x0;
	[sflag:s0] =	ssyncadd.s32 @!p0 $0xFFFFEC00  }
0xd8: {  	v7 =	vld [tilespmem:s29+$0x3E00]  }
0xd9: {  	v12 =	vld [tilespmem:s29+$0x3E10]  }
0xda: {  	v6 =	vld [tilespmem:s29+$0x3E20]  }
0xdb: {  	v5 =	vld [tilespmem:s29+$0x3E30]  }
0xdc: {  	v4 =	vld [tilespmem:s29+$0x3E40]  }
0xdd: {  	v3 =	vld [tilespmem:s29+$0x3E50]  }
0xde: {  	v2 =	vld [tilespmem:s29+$0x3E60]  }
0xdf: {  	v1 =	vld [tilespmem:s29+$0x3E70]  }
0xe0: {  	v13 =	vld [tilespmem:s29+$0x1600]  }
0xe1: {  	v14 =	vld [tilespmem:s29+$0x1610]  }
0xe2: {  	v11 =	vld [tilespmem:s29+$0x1620]  }
0xe3: {  	v10 =	vld [tilespmem:s29+$0x1630]  }
0xe4: {  	v9 =	vld [tilespmem:s29+$0x1640]  }
0xe5: {  	v8 =	vld [tilespmem:s29+$0x1650];
	v13 =	vadd.f32 v7, v13  }
0xe6: {  	s0 =	simm.s32 $0x200;
	v12 =	vadd.f32 v12, v14;
	v7 =	vld [tilespmem:s29+$0x1660]  }
.LBB2_7:
0xe7: {  	s21 =	sshra.s32 s0, $0x2;
	p0 =	sne.s32 s0, $0x4E00;
	v13 =	vmax.f32 v13, $0.0e+00;
	v6 =	vadd.f32 v6, v11;
	v11 =	vld [tilespmem:s29+$0x1670]  }
0xe8: {  	v14 =	vld [tilespmem:s21+$0x3E00];
	[tilespmem:s29+$0x1600] =	vst v13;
	v12 =	vmax.f32 v12, $0.0e+00;
	v5 =	vadd.f32 v5, v10  }
0xe9: {  	v15 =	vld [tilespmem:s21+$0x3E10];
	[tilespmem:s29+$0x1610] =	vst v12;
	v10 =	vmax.f32 v6, $0.0e+00;
	v4 =	vadd.f32 v4, v9  }
0xea: {  	v6 =	vld [tilespmem:s21+$0x3E20];
	[tilespmem:s29+$0x1620] =	vst v10;
	v9 =	vmax.f32 v5, $0.0e+00;
	v3 =	vadd.f32 v3, v8  }
0xeb: {  	v5 =	vld [tilespmem:s21+$0x3E30];
	[tilespmem:s29+$0x1630] =	vst v9;
	v8 =	vmax.f32 v4, $0.0e+00;
	v2 =	vadd.f32 v2, v7  }
0xec: {  	v4 =	vld [tilespmem:s21+$0x3E40];
	[tilespmem:s29+$0x1640] =	vst v8;
	v7 =	vmax.f32 v3, $0.0e+00;
	v1 =	vadd.f32 v1, v11  }
0xed: {  	v3 =	vld [tilespmem:s21+$0x3E50];
	[tilespmem:s29+$0x1650] =	vst v7;
	v7 =	vmax.f32 v2, $0.0e+00  }
0xee: {  	v2 =	vld [tilespmem:s21+$0x3E60];
	[tilespmem:s29+$0x1660] =	vst v7;
	v7 =	vmax.f32 v1, $0.0e+00  }
0xef: {  	v1 =	vld [tilespmem:s21+$0x3E70];
	[tilespmem:s29+$0x1670] =	vst v7;
	s29 =	smov.u32 s21  }
0xf0: {  	v7 =	vld [tilespmem:s29+$0x1600]  }
0xf1: {  	v12 =	vld [tilespmem:s29+$0x1610]  }
.Ltmp2:
0xf2: {  	v11 =	vld [tilespmem:s29+$0x1620];
	(pc) =	sbr.rel @p0 .LBB2_7-.Ltmp2, $4  }
0xf3: {  	v10 =	vld [tilespmem:s29+$0x1630]  }
0xf4: {  	v9 =	vld [tilespmem:s29+$0x1640]  }
0xf5: {  	v13 =	vadd.f32 v14, v7;
	v8 =	vld [tilespmem:s29+$0x1650]  }
0xf6: {  	s0 =	sadd.s32 $0x200, s0;
	v12 =	vadd.f32 v15, v12;
	v7 =	vld [tilespmem:s29+$0x1660]  }
0xf7: {  	v13 =	vmax.f32 v13, $0.0e+00;
	v6 =	vadd.f32 v6, v11;
	v63 =	vld [tilespmem:s29+$0x1670]  }
0xf8: {  	[tilespmem:s29+$0x1600] =	vst v13;
	v12 =	vmax.f32 v12, $0.0e+00;
	v5 =	vadd.f32 v5, v10  }
0xf9: {  	[tilespmem:s29+$0x1610] =	vst v12;
	v6 =	vmax.f32 v6, $0.0e+00;
	v4 =	vadd.f32 v4, v9  }
0xfa: {  	[tilespmem:s29+$0x1620] =	vst v6;
	v5 =	vmax.f32 v5, $0.0e+00;
	v3 =	vadd.f32 v3, v8  }
0xfb: {  	[tilespmem:s29+$0x1630] =	vst v5;
	v4 =	vmax.f32 v4, $0.0e+00;
	v2 =	vadd.f32 v2, v7  }
0xfc: {  	[tilespmem:s29+$0x1640] =	vst v4;
	v3 =	vmax.f32 v3, $0.0e+00;
	v1 =	vadd.f32 v1, v63  }
0xfd: {  	s28 =	sadd.s32 $0x1, s28;
	[tilespmem:s29+$0x1650] =	vst v3;
	v2 =	vmax.f32 v2, $0.0e+00  }
0xfe: {  	p0 =	sne.s32 s28, $0x7D;
	[tilespmem:s29+$0x1660] =	vst v2;
	v1 =	vmax.f32 v1, $0.0e+00  }
.Ltmp3:
0xff: {  	[tilespmem:s29+$0x1670] =	vst v1;
	(pc) =	sbr.rel @p0 .LBB2_4-.Ltmp3, $4  }
0x100: {  	_ =	swait.ge [sflag:s25], $0x80  }
0x101: {  	[sflag:s25] =	ssyncset.done $0x0  }
0x102: {  	[sflag:s25] =	ssyncadd.s32 $0xFFFFFF80  }
0x103: {  	[spmem:s1] =	stream.indirect.scatter.add.f32 [tilespmem:s16], [sflag:$0xA], $0x80, s19, s10, $0xb8;
	[tilespmem:$0x18A80] =	vst v63  }
0x104: {  	_ =	swait.ge [sflag:s26], $0x1400  }
0x105: {  	[sflag:s26] =	ssyncset.done $0x0  }
0x106: {  	s0 =	stileid.u32;
	[sflag:s26] =	ssyncadd.s32 $0xFFFFEC00  }
0x107: {  	s0 =	sshll.u32 s0, $0x6;
	[bflag:$0x0] =	sbarrier.arrive $0xFFFF  }
0x108: {  	s21 =	sshrl.u32 s8, $0x3;
	s0 =	sor.u32 $0x1C0B, s0;
	s28 =	rddreg [dreg:$0x10]  }
0x109: {  	[hbm:s28], [sflag:s0] =	dma.local [spmem:s21], $0x2710  }
0x10a: {  	_ =	swait.ge [sflag:s9], $0x2710  }
0x10b: {  	s2 =	sadd.s32 $0x1, s2;
	s31 =	rddreg [dreg:$0x11]  }
0x10c: {  	p0 =	sne.s32 s2, s31  }
.Ltmp4:
0x10d: {  	_ = 	snop;
	(pc) =	sbr.rel @p0 .LBB2_1-.Ltmp4, $3  }
0x10e: {  	_ =	sdelay $0x1  }
0x10f: {  	[sflag:s9] =	ssyncset.done $0x0  }
0x110: {  	[sflag:s9] =	ssyncadd.s32 $0xFFFFD8F0  }
0x111: {  	_ =	sfence.sel $0x180000  }
0x112: {  	[bflag:$0x0] =	sbarrier.arrive $0xFFFF  }
0x113: {  	_ =	strace $0x9000004A  }
0x114: {  	s0 =	stileid.u32;
	[bflag:$0x2] =	sbarrier.arrive $0xFFFF  }
0x115: {  	p0 =	sne.s32 s0, $0x0;
	s0 =	rddreg [dreg:$0x2]  }
0x116: {  	s0 =	sadd.s32 @!p0 $0x100000, s0  }
0x117: {  	[sflag:s0] =	ssyncadd.tile.s32 @!p0 $0x1;
	_ =	shalt  }
.Lfunc_end2:
_tile_overlayer_lowered:
.L_overlay_start_2:
0x118: {  	(tag) =	ssettag $0x2  }
0x119: {  	s0 =	rddreg [dreg:$0x0];
	s2 =	stileid.u32  }
0x11a: {  	s1 =	rddreg [dreg:$0x1];
	p0 =	sne.s32 s2, $0x0  }
0x11b: {  	s3 =	rddreg [dreg:$0x2];
	[bflag:$0x3] =	sbarrier.arrive $0xFFFF;
	s2 =	simm.s32 @!p0 $0x1C0B  }
0x11c: {  	[timem:s3], [sflag:s2] =	dma.local @!p0 [hbm:s0], s1  }
0x11d: {  	s0 =	simm.s32 @!p0 $0xB  }
0x11e: {  	_ =	swait.ge @!p0 [sflag:s0], s1  }
0x11f: {  	s1 =	ssub.s32 @!p0 $0x0, s1;
	[sflag:s0] =	ssyncset.done @!p0 $0x0  }
0x120: {  	[sflag:s0] =	ssyncadd.s32 @!p0 s1  }
0x121: {  	[bflag:$0x3] =	sbarrier.arrive $0xFFFF  }
0x122: {  	_ =	shalt  }

// kernel: kernel.18.cloned.1.call-start
scs
__scs_entry_jumppad:
0x0: {  	(pc) =	sbr.rel $0x88, $3  }
0x1: {  	(tag) =	ssettag $0x0;
	lr =	simm.s32 $0x1  }
0x2: {  	[smem:$0x3F8F] =	sst lr;
	_ =	strace $0xD0000000  }
0x3: {  	_ = 	snop  }
0x4: {  	_ = 	snop  }
0x5: {  	_ = 	snop  }
0x6: {  	_ = 	snop  }
0x7: {  	_ = 	snop  }
__scs_overlays_trampoline_lowered:
0x8: {  	[smem:$0x3F9E] =	sst s0  }
0x9: {  	[smem:$0x3F9F] =	sst s1  }
0xa: {  	[smem:$0x3FA0] =	sst s2  }
0xb: {  	[smem:$0x3FA1] =	sst s3  }
0xc: {  	[smem:$0x3FA2] =	sst s4  }
0xd: {  	[smem:$0x3FA3] =	sst s5  }
0xe: {  	[smem:$0x3FA4] =	sst s6  }
0xf: {  	[smem:$0x3FA5] =	sst s7  }
0x10: {  	[smem:$0x3FA6] =	sst s8  }
0x11: {  	[smem:$0x3FA7] =	sst s9;
	s0 =	simm.s32 @!p0 $0x0  }
0x12: {  	s1 =	sld [smem:$0x3F8D];
	s0 =	simm.s32 @p0 $0x1  }
0x13: {  	[smem:$0x3FA8] =	sst s0;
	s0 =	simm.s32 @!p1 $0x0  }
0x14: {  	s2 =	sld [smem:$0x3F8C];
	s0 =	simm.s32 @p1 $0x1  }
0x15: {  	[smem:$0x3FA9] =	sst s0;
	s0 =	simm.s32 @!p2 $0x0  }
0x16: {  	s3 =	sld [smem:$0x3FDB];
	s0 =	simm.s32 @p2 $0x1  }
0x17: {  	s4 =	simm.s32 $0x1BF5;
	[smem:$0x3FAB] =	sst s0  }
0x18: {  	s0 =	sld [smem:$0x3F8E];
	_ =	swait.ge [sflag:s4], $0x0  }
0x19: {  	s7 =	sld [smem:$0x3F8F]  }
0x1a: {  	s8 =	sadd.s32 $0xFFFFE003, lr  }
0x1b: {  	s9 =	sadd.s32 $0xFFFFFEF7, lr;
	s5 =	simm.s32 $0xFFFFFFFF;
	p2 =	slt.u32 s8, $0xFFFFF086  }
0x1c: {  	p1 =	slt.u32 s9, $0xF7A;
	s5 =	simm.s32 @!p2 $0x0  }
0x1d: {  	s5 =	simm.s32 @p1 $0x1;
	p0 =	seq.s32 s7, s2  }
0x1e: {  	s7 =	smul.u32 @!p0 $0xF7A, s2;
	p2 =	seq.s32 @!p0 s5, $0x0  }
0x1f: {  	s9 =	smul.u32 $0xF7A, s1;
	s8 =	simm.s32 @!p0 $0x1BF5;
	p2 =	por !p2, p0  }
0x20: {  	[sflag:s8] =	ssyncset.s32 @!p0 $0xFFFFF086;
	s6 =	sadd.s32 @!p0 s3, s7;
	s7 =	simm.s32 @!p0 $0x108  }
0x21: {  	s3 =	sadd.s32 s3, s9;
	s6 =	sadd.s32 @!p0 $0x88, s6;
	s7 =	simm.s32 @p2 $0x1082  }
0x22: {  	[simem:s7], [sflag:s8] =	dma.local @!p0 [hbm:s6], $0xF7A  }
0x23: {  	s9 =	sor.u32 $0xD0000000, s2;
	s6 =	simm.s32 $0x108;
	_ =	swait.ge @!p0 [sflag:s8], $0x0  }
0x24: {  	s3 =	sadd.s32 $0x88, s3;
	s6 =	simm.s32 @!p1 $0x1082;
	[sflag:s4] =	ssyncset.s32 $0xFFFFF086  }
0x25: {  	[simem:s6], [sflag:s4] =	dma.local [hbm:s3], $0xF7A  }
0x26: {  	[smem:$0x3F8F] =	sst s1;
	(tag) =	ssettag s2;
	_ =	strace s9  }
0x27: {  	s1 =	sld [smem:$0x3F9F]  }
0x28: {  	s2 =	sld [smem:$0x3FA0]  }
0x29: {  	s4 =	sld [smem:$0x3FA2]  }
0x2a: {  	p0 =	seq.s32 s5, $0x0;
	s5 =	sld [smem:$0x3FA3]  }
0x2b: {  	s6 =	sld [smem:$0x3FA4]  }
0x2c: {  	s7 =	sld [smem:$0x3FA5]  }
0x2d: {  	s3 =	simm.s32 $0x108;
	s8 =	sld [smem:$0x3FA6]  }
0x2e: {  	s3 =	simm.s32 @!p0 $0x1082;
	s9 =	sld [smem:$0x3FA7]  }
0x2f: {  	lr =	sadd.s32 s0, s3;
	s0 =	sld [smem:$0x3F9E]  }
0x30: {  	s3 =	sld [smem:$0x3FA1]  }
0x31: {  	[smem:$0x3FAA] =	sst s10  }
0x32: {  	s10 =	sld [smem:$0x3FA8];
	_ =	sdelay $0x3  }
0x33: {  	p0 =	seq.s32 s10, $0x1;
	s10 =	sld [smem:$0x3FAA];
	_ =	sdelay $0x3  }
0x34: {  	[smem:$0x3FAA] =	sst s10  }
0x35: {  	s10 =	sld [smem:$0x3FA9];
	_ =	sdelay $0x3  }
0x36: {  	p1 =	seq.s32 s10, $0x1;
	s10 =	sld [smem:$0x3FAA];
	_ =	sdelay $0x3  }
0x37: {  	[smem:$0x3FAA] =	sst s10  }
0x38: {  	s10 =	sld [smem:$0x3FAB]  }
0x39: {  	_ = 	snop;
	(pc) =	sbr.ind lr, $3  }
0x3a: {  	_ = 	snop  }
0x3b: {  	_ = 	snop  }
0x3c: {  	p2 =	seq.s32 s10, $0x1;
	s10 =	sld [smem:$0x3FAA]  }
0x3d: {  	_ =	shalt  }
0x3e: {  	_ =	shalt  }
0x3f: {  	_ =	shalt  }
0x40: {  	_ =	shalt  }
0x41: {  	_ =	shalt  }
0x42: {  	_ =	shalt  }
0x43: {  	_ =	shalt  }
0x44: {  	_ =	shalt  }
0x45: {  	_ =	shalt  }
0x46: {  	_ =	shalt  }
0x47: {  	_ =	shalt  }
0x48: {  	_ =	shalt  }
0x49: {  	_ =	shalt  }
0x4a: {  	_ =	shalt  }
0x4b: {  	_ =	shalt  }
0x4c: {  	_ =	shalt  }
0x4d: {  	_ =	shalt  }
0x4e: {  	_ =	shalt  }
0x4f: {  	_ =	shalt  }
0x50: {  	_ =	shalt  }
0x51: {  	_ =	shalt  }
0x52: {  	_ =	shalt  }
0x53: {  	_ =	shalt  }
0x54: {  	_ =	shalt  }
0x55: {  	_ =	shalt  }
0x56: {  	_ =	shalt  }
0x57: {  	_ =	shalt  }
0x58: {  	_ =	shalt  }
0x59: {  	_ =	shalt  }
0x5a: {  	_ =	shalt  }
0x5b: {  	_ =	shalt  }
0x5c: {  	_ =	shalt  }
0x5d: {  	_ =	shalt  }
0x5e: {  	_ =	shalt  }
0x5f: {  	_ =	shalt  }
0x60: {  	_ =	shalt  }
0x61: {  	_ =	shalt  }
0x62: {  	_ =	shalt  }
0x63: {  	_ =	shalt  }
0x64: {  	_ =	shalt  }
0x65: {  	_ =	shalt  }
0x66: {  	_ =	shalt  }
0x67: {  	_ =	shalt  }
0x68: {  	_ =	shalt  }
0x69: {  	_ =	shalt  }
0x6a: {  	_ =	shalt  }
0x6b: {  	_ =	shalt  }
0x6c: {  	_ =	shalt  }
0x6d: {  	_ =	shalt  }
0x6e: {  	_ =	shalt  }
0x6f: {  	_ =	shalt  }
0x70: {  	_ =	shalt  }
0x71: {  	_ =	shalt  }
0x72: {  	_ =	shalt  }
0x73: {  	_ =	shalt  }
0x74: {  	_ =	shalt  }
0x75: {  	_ =	shalt  }
0x76: {  	_ =	shalt  }
0x77: {  	_ =	shalt  }
0x78: {  	_ =	shalt  }
0x79: {  	_ =	shalt  }
0x7a: {  	_ =	shalt  }
0x7b: {  	_ =	shalt  }
0x7c: {  	_ =	shalt  }
0x7d: {  	_ =	shalt  }
0x7e: {  	_ =	shalt  }
0x7f: {  	_ =	shalt  }
0x80: {  	_ =	shalt  }
0x81: {  	_ =	shalt  }
0x82: {  	_ =	shalt  }
0x83: {  	_ =	shalt  }
0x84: {  	_ =	shalt  }
0x85: {  	_ =	shalt  }
0x86: {  	_ =	shalt  }
0x87: {  	_ =	shalt  }
.Lfunc_end0:
.L_simem_size_0:
called_computation.2_lowered:
.L_overlay_start_0:
0x88: {  	s2 =	sld [smem:$0x3FD9]  }
0x89: {  	s3 =	sld [smem:$0x3FFE];
	_ =	sdelay $0x1  }
0x8a: {  	s1 =	srdreg.scid  }
0x8b: {  	s0 =	sand.u32 $0x1, s1  }
0x8c: {  	s16 =	sshll.u32 s0, $0xA;
	s2 =	sadd.s32 s3, s2  }
0x8d: {  	s2 =	sadd.s32 s2, s16  }
0x8e: {  	[smem:$0x3FB6] =	sst s2  }
0x8f: {  	_ = 	snop  }
0x90: {  	(tm) =	ssettm $0x1  }
0x91: {  	s17 =	sld [smem:$0x3FFB];
	_ =	sdelay $0x3  }
0x92: {  	_ =	strace s17  }
0x93: {  	s2 =	sld [smem:$0x3FFC];
	_ =	sdelay $0x3  }
0x94: {  	_ =	strace s2  }
0x95: {  	s2 =	sld [smem:$0x3FFD];
	_ =	sdelay $0x3  }
0x96: {  	_ =	strace s2  }
0x97: {  	_ =	strace $0x8FFFFFFF  }
0x98: {  	s18 =	sld [smem:$0x3FDB];
	_ =	sdelay $0x1  }
0x99: {  	s19 =	simm.s32 $_scs_section_size  }
0x9a: {  	s4 =	simm.s32 $_size__tile_overlayer_lowered;
	s5 =	simm.s32 $_tile_overlayer_lowered  }
0x9b: {  	s22 =	simm.s32 $0x1BFF;
	s21 =	sshll.u32 s5, $0x1;
	s2 =	sadd.s32 s19, s18  }
0x9c: {  	s6 =	simm.s32 $0x0;
	s20 =	sshll.u32 s4, $0x1;
	s4 =	sadd.s32 s21, s2  }
0x9d: {  	[timem:s6], [sflag:s22] =	dma.local [hbm:s4], s20  }
0x9e: {  	_ =	swait.ge [sflag:s22], s20  }
0x9f: {  	s3 =	ssub.s32 $0x0, s20;
	[sflag:s22] =	ssyncset.done $0x0  }
0xa0: {  	[sflag:s22] =	ssyncadd.s32 s3;
	_ =	sdelay $0x1  }
0xa1: {  	s23 =	simm.s32 $0x1B8B  }
0xa2: {  	_ =	swait.ge [sflag:s23], $0x1  }
0xa3: {  	[sflag:s23] =	ssyncset.done $0x0  }
0xa4: {  	s25 =	simm.s32 $0x1B8E;
	s24 =	sld [smem:$0x3FFE];
	[sflag:s23] =	ssyncadd.s32 $0xFFFFFFFF  }
0xa5: {  	s26 =	simm.s32 $execute0_lowered;
	[smem:$0x3FD2] =	sst s25  }
0xa6: {  	s4 =	sshll.u32 s26, $0x1;
	_ =	strace $0x8000004C;
	[dreg:$0x1] =	wrdreg $0xFFFFFFFF  }
0xa7: {  	s28 =	simm.s32 $_size_execute0_lowered;
	s2 =	sadd.s32 s2, s4;
	[dreg:$0x0] =	wrdreg $0x0  }
0xa8: {  	s4 =	sshll.u32 s28, $0x1;
	[dreg:$0x2] =	wrdreg s2  }
0xa9: {  	[dreg:$0x3] =	wrdreg s4  }
0xaa: {  	[dreg:$0x4] =	wrdreg $0xC0  }
0xab: {  	_ =	task [dreg:s6], $0x5FFFF  }
0xac: {  	[dreg:$0x1] =	wrdreg $0xFFFFFFFF  }
0xad: {  	[dreg:$0x0] =	wrdreg $0x60  }
0xae: {  	[dreg:$0x2] =	wrdreg s24  }
0xaf: {  	[dreg:$0x3] =	wrdreg $0x52000  }
0xb0: {  	[dreg:$0x4] =	wrdreg $0x9  }
0xb1: {  	_ =	task.clear_ibuf [dreg:s6], $0x5FFFF;
	_ =	strace $0x9000004C  }
0xb2: {  	s29 =	simm.s32 $0x9;
	_ =	strace $0x8000004E  }
0xb3: {  	_ =	swait.ge [sflag:s29], $0x1  }
0xb4: {  	[sflag:s29] =	ssyncadd.s32 $0xFFFFFFFF  }
0xb5: {  	_ =	strace $0x9000004E  }
0xb6: {  	_ =	sfence  }
0xb7: {  	s30 =	sld [smem:$0x0];
	_ =	sdelay $0x2  }
0xb8: {  	s31 =	sshll.u32 s1, $0xD;
	s1 =	sshrl.u32 s1, $0x2  }
0xb9: {  	s3 =	sand.u32 $0x4000, s31;
	s1 =	sadd.s32 s1, s30  }
0xba: {  	s0 =	sor.u32 s3, s0;
	s1 =	sshll.u32 s1, $0x11  }
0xbb: {  	s0 =	sor.u32 s1, s0  }
0xbc: {  	s0 =	sadd.s32 $0x8F2B, s0  }
0xbd: {  	[sflag:s0] =	ssyncadd.remote.s32 $0x1  }
0xbe: {  	_ =	sfence.sel $0xFFFF  }
0xbf: {  	[dreg:$0x0] =	wrdreg $0xFFFFFFFF;
	(pc) =	sbr.abs _section_cstart, $3  }
0xc0: {  	[dreg:$0x1] =	wrdreg $0xFFFFFFFF  }
0xc1: {  	_ =	task.clear_ibuf [dreg:s6], $0x2FFFF;
	_ =	strace $0x9FFFFFFF  }
0xc2: {  	(tm) =	ssettm $0x7FFFFFFF  }
0xc3: {  	_ =	shalt  }
tec
execute0_lowered:
.L_overlay_start_1:
0x0: {  	(tag) =	ssettag $0x1  }
0x1: {  	s7 =	stileid.u32  }
0x2: {  	s0 =	rddreg [dreg:$0x0];
	s8 =	smul.u32 $0x4E200, s7  }
0x3: {  	s1 =	rddreg [dreg:$0x1];
	s2 =	simm.s32 $0x0;
	s3 =	srdreg.scid  }
0x4: {  	[smem:$0x7FF] =	sst s2;
	s3 =	sand.u32 $0x1, s3;
	s8 =	sshrl.u32 s8, $0x2  }
0x5: {  	s4 =	sadd.s32 $0x52AC00, s0;
	s5 =	sadd.s32 $0xF40600, s0;
	s8 =	sadd.s32 s8, s1  }
0x6: {  	_ =	strace $0x8000004D;
	s6 =	sshll.u32 s3, $0x4;
	s29 =	sadd.s32 $0x1400, s8  }
0x7: {  	s3 =	ssub.s32 $0x2, s3;
	s30 =	sadd.s32 $0x2800, s8;
	[dreg:$0x3] =	wrdreg s29  }
0x8: {  	s11 =	sshrl.u32 s3, $0x1;
	s31 =	sadd.s32 $0x3C00, s8;
	[dreg:$0x4] =	wrdreg s30  }
0x9: {  	s3 =	ssub.s32 s3, s11;
	s11 =	sadd.s32 $0x5000, s8;
	[dreg:$0x5] =	wrdreg s31  }
0xa: {  	s9 =	sor.u32 s7, s6;
	s12 =	sadd.s32 $0x6400, s8;
	[dreg:$0x6] =	wrdreg s11  }
0xb: {  	s6 =	sadd.s32 $0x4EAC00, s0;
	s13 =	sadd.s32 $0x7800, s8;
	[dreg:$0x7] =	wrdreg s12  }
0xc: {  	s7 =	sadd.s32 $0x50AC00, s0;
	s14 =	sadd.s32 $0x8C00, s8;
	[dreg:$0x8] =	wrdreg s13  }
0xd: {  	s10 =	smul.u32 $0x2780, s9;
	s15 =	sadd.s32 $0xA000, s8;
	[dreg:$0x9] =	wrdreg s14  }
0xe: {  	s17 =	smul.u32 $0x138800, s9;
	s16 =	sadd.s32 $0xB400, s8;
	[dreg:$0xa] =	wrdreg s15  }
0xf: {  	s19 =	sshll.u32 s9, $0xC;
	s18 =	sadd.s32 $0xC800, s8;
	[dreg:$0xb] =	wrdreg s16  }
0x10: {  	s20 =	sshll.u32 s9, $0xF;
	s23 =	sadd.s32 s7, s19;
	[dreg:$0xc] =	wrdreg s18  }
0x11: {  	s21 =	sadd.s32 s6, s19;
	s24 =	smax.u32 s3, $0x1;
	[dreg:$0xf] =	wrdreg s23  }
0x12: {  	s25 =	sadd.s32 $0xDC00, s8;
	s26 =	sadd.s32 $0xF000, s8;
	[dreg:$0x11] =	wrdreg s24  }
0x13: {  	s28 =	sadd.s32 $0x10400, s8;
	s3 =	simm.s32 $0x200;
	[dreg:$0x12] =	wrdreg s25  }
0x14: {  	s19 =	simm.s32 $0x180;
	s0 =	sadd.s32 s10, s0;
	[dreg:$0x13] =	wrdreg s26  }
0x15: {  	s22 =	sshrl.u32 s17, $0x3;
	[dreg:$0x14] =	wrdreg s28;
	s29 =	sadd.s32 $0x11800, s8  }
0x16: {  	s30 =	sadd.s32 $0x12C00, s8;
	[dreg:$0xd] =	wrdreg s21;
	s31 =	sadd.s32 $0x10, s21  }
0x17: {  	s10 =	simm.s32 $0x28;
	s11 =	simm.s32 $0x100;
	s12 =	simm.s32 $0x80  }
0x18: {  	s13 =	simm.s32 $0x1;
	s14 =	simm.s32 $0x3;
	s15 =	simm.s32 $0x6  }
0x19: {  	s16 =	simm.s32 $0x1600;
	s18 =	simm.s32 $0x3E00;
	[dreg:$0x15] =	wrdreg s29  }
0x1a: {  	s23 =	simm.s32 $0x2;
	s24 =	simm.s32 $0x4;
	[dreg:$0x16] =	wrdreg s30  }
0x1b: {  	s25 =	simm.s32 $0x8;
	s9 =	sadd.s32 s5, s22;
	[dreg:$0x17] =	wrdreg s31  }
0x1c: {  	s26 =	simm.s32 $0xA;
	s0 =	sadd.s32 $0xA5C200, s0;
	[dreg:$0xe] =	wrdreg s9  }
0x1d: {  	v0 =	vimm.f32 $0.0e+00;
	s22 =	simm.s32 $0x7;
	[dreg:$0x10] =	wrdreg s0;
	s9 =	simm.s32 $0xB  }
.LBB2_1:
0x1e: {  	s0 =	simm.s32 $0x0;
	s28 =	simm.s32 $0x200  }
.LBB2_2:
0x1f: {  	p0 =	sne.s32 s28, $0x4E00;
	[tilespmem:s0+$0x270] =	vst v0  }
0x20: {  	[tilespmem:s0+$0x200] =	vst v0  }
0x21: {  	[tilespmem:s0+$0x210] =	vst v0  }
.Ltmp0:
0x22: {  	[tilespmem:s0+$0x220] =	vst v0;
	(pc) =	sbr.rel @p0 .LBB2_2-.Ltmp0, $4  }
0x23: {  	[tilespmem:s0+$0x230] =	vst v0  }
0x24: {  	[tilespmem:s0+$0x240] =	vst v0  }
0x25: {  	[tilespmem:s0+$0x250] =	vst v0  }
0x26: {  	[tilespmem:s0+$0x260] =	vst v0;
	s0 =	sshra.s32 s28, $0x2;
	s28 =	sadd.s32 $0x200, s28  }
0x27: {  	[tilespmem:s0+$0x270] =	vst v0  }
0x28: {  	[tilespmem:s0+$0x200] =	vst v0  }
0x29: {  	[tilespmem:s0+$0x210] =	vst v0  }
0x2a: {  	[tilespmem:s0+$0x220] =	vst v0  }
0x2b: {  	[tilespmem:s0+$0x230] =	vst v0  }
0x2c: {  	[tilespmem:s0+$0x240] =	vst v0  }
0x2d: {  	[tilespmem:s0+$0x250] =	vst v0  }
0x2e: {  	[tilespmem:s0+$0x260] =	vst v0  }
0x2f: {  	[spmem:s8] =	stream.linear.scatter [tilespmem:s3], [sflag:$0xB], $0x1400, $0x38;
	[tilespmem:$0x18A80] =	vst v63  }
0x30: {  	_ =	swait.ge [sflag:s9], $0x1400  }
0x31: {  	[sflag:s9] =	ssyncset.done $0x0  }
0x32: {  	s29 =	rddreg [dreg:$0x3];
	[sflag:s9] =	ssyncadd.s32 $0xFFFFEC00  }
0x33: {  	[spmem:s29] =	stream.linear.scatter [tilespmem:s3], [sflag:$0xB], $0x1400, $0x38;
	[tilespmem:$0x18A80] =	vst v63  }
0x34: {  	_ =	swait.ge [sflag:s9], $0x1400  }
0x35: {  	[sflag:s9] =	ssyncset.done $0x0  }
0x36: {  	s30 =	rddreg [dreg:$0x4];
	[sflag:s9] =	ssyncadd.s32 $0xFFFFEC00  }
0x37: {  	[spmem:s30] =	stream.linear.scatter [tilespmem:s3], [sflag:$0xB], $0x1400, $0x38;
	[tilespmem:$0x18A80] =	vst v63  }
0x38: {  	_ =	swait.ge [sflag:s9], $0x1400  }
0x39: {  	[sflag:s9] =	ssyncset.done $0x0  }
0x3a: {  	s31 =	rddreg [dreg:$0x5];
	[sflag:s9] =	ssyncadd.s32 $0xFFFFEC00  }
0x3b: {  	[spmem:s31] =	stream.linear.scatter [tilespmem:s3], [sflag:$0xB], $0x1400, $0x38;
	[tilespmem:$0x18A80] =	vst v63  }
0x3c: {  	_ =	swait.ge [sflag:s9], $0x1400  }
0x3d: {  	[sflag:s9] =	ssyncset.done $0x0  }
0x3e: {  	s21 =	rddreg [dreg:$0x6];
	[sflag:s9] =	ssyncadd.s32 $0xFFFFEC00  }
0x3f: {  	[spmem:s21] =	stream.linear.scatter [tilespmem:s3], [sflag:$0xB], $0x1400, $0x38;
	[tilespmem:$0x18A80] =	vst v63  }
0x40: {  	_ =	swait.ge [sflag:s9], $0x1400  }
0x41: {  	[sflag:s9] =	ssyncset.done $0x0  }
0x42: {  	s29 =	rddreg [dreg:$0x7];
	[sflag:s9] =	ssyncadd.s32 $0xFFFFEC00  }
0x43: {  	[spmem:s29] =	stream.linear.scatter [tilespmem:s3], [sflag:$0xB], $0x1400, $0x38;
	[tilespmem:$0x18A80] =	vst v63  }
0x44: {  	_ =	swait.ge [sflag:s9], $0x1400  }
0x45: {  	[sflag:s9] =	ssyncset.done $0x0  }
0x46: {  	s30 =	rddreg [dreg:$0x8];
	[sflag:s9] =	ssyncadd.s32 $0xFFFFEC00  }
0x47: {  	[spmem:s30] =	stream.linear.scatter [tilespmem:s3], [sflag:$0xB], $0x1400, $0x38;
	[tilespmem:$0x18A80] =	vst v63  }
0x48: {  	_ =	swait.ge [sflag:s9], $0x1400  }
0x49: {  	[sflag:s9] =	ssyncset.done $0x0  }
0x4a: {  	s31 =	rddreg [dreg:$0x9];
	[sflag:s9] =	ssyncadd.s32 $0xFFFFEC00  }
0x4b: {  	[spmem:s31] =	stream.linear.scatter [tilespmem:s3], [sflag:$0xB], $0x1400, $0x38;
	[tilespmem:$0x18A80] =	vst v63  }
0x4c: {  	_ =	swait.ge [sflag:s9], $0x1400  }
0x4d: {  	[sflag:s9] =	ssyncset.done $0x0  }
0x4e: {  	s21 =	rddreg [dreg:$0xa];
	[sflag:s9] =	ssyncadd.s32 $0xFFFFEC00  }
0x4f: {  	[spmem:s21] =	stream.linear.scatter [tilespmem:s3], [sflag:$0xB], $0x1400, $0x38;
	[tilespmem:$0x18A80] =	vst v63  }
0x50: {  	_ =	swait.ge [sflag:s9], $0x1400  }
0x51: {  	[sflag:s9] =	ssyncset.done $0x0  }
0x52: {  	s29 =	rddreg [dreg:$0xb];
	[sflag:s9] =	ssyncadd.s32 $0xFFFFEC00  }
0x53: {  	[spmem:s29] =	stream.linear.scatter [tilespmem:s3], [sflag:$0xB], $0x1400, $0x38;
	[tilespmem:$0x18A80] =	vst v63  }
0x54: {  	_ =	swait.ge [sflag:s9], $0x1400  }
0x55: {  	[sflag:s9] =	ssyncset.done $0x0  }
0x56: {  	s30 =	rddreg [dreg:$0xc];
	[sflag:s9] =	ssyncadd.s32 $0xFFFFEC00  }
0x57: {  	[spmem:s30] =	stream.linear.scatter [tilespmem:s3], [sflag:$0xB], $0x1400, $0x38;
	[tilespmem:$0x18A80] =	vst v63  }
0x58: {  	_ =	swait.ge [sflag:s9], $0x1400  }
0x59: {  	[sflag:s9] =	ssyncset.done $0x0  }
0x5a: {  	s31 =	rddreg [dreg:$0x12];
	[sflag:s9] =	ssyncadd.s32 $0xFFFFEC00  }
0x5b: {  	[spmem:s31] =	stream.linear.scatter [tilespmem:s3], [sflag:$0xB], $0x1400, $0x38;
	[tilespmem:$0x18A80] =	vst v63  }
0x5c: {  	_ =	swait.ge [sflag:s9], $0x1400  }
0x5d: {  	[sflag:s9] =	ssyncset.done $0x0  }
0x5e: {  	s21 =	rddreg [dreg:$0x13];
	[sflag:s9] =	ssyncadd.s32 $0xFFFFEC00  }
0x5f: {  	[spmem:s21] =	stream.linear.scatter [tilespmem:s3], [sflag:$0xB], $0x1400, $0x38;
	[tilespmem:$0x18A80] =	vst v63  }
0x60: {  	_ =	swait.ge [sflag:s9], $0x1400  }
0x61: {  	[sflag:s9] =	ssyncset.done $0x0  }
0x62: {  	s29 =	rddreg [dreg:$0x14];
	[sflag:s9] =	ssyncadd.s32 $0xFFFFEC00  }
0x63: {  	[spmem:s29] =	stream.linear.scatter [tilespmem:s3], [sflag:$0xB], $0x1400, $0x38;
	[tilespmem:$0x18A80] =	vst v63  }
0x64: {  	_ =	swait.ge [sflag:s9], $0x1400  }
0x65: {  	[sflag:s9] =	ssyncset.done $0x0  }
0x66: {  	s30 =	rddreg [dreg:$0x15];
	[sflag:s9] =	ssyncadd.s32 $0xFFFFEC00  }
0x67: {  	[spmem:s30] =	stream.linear.scatter [tilespmem:s3], [sflag:$0xB], $0x1400, $0x38;
	[tilespmem:$0x18A80] =	vst v63  }
0x68: {  	_ =	swait.ge [sflag:s9], $0x1400  }
0x69: {  	[sflag:s9] =	ssyncset.done $0x0  }
0x6a: {  	s31 =	rddreg [dreg:$0x16];
	[sflag:s9] =	ssyncadd.s32 $0xFFFFEC00  }
0x6b: {  	[spmem:s31] =	stream.linear.scatter [tilespmem:s3], [sflag:$0xB], $0xC80, $0x38;
	[tilespmem:$0x18A80] =	vst v63  }
0x6c: {  	_ =	swait.ge [sflag:s9], $0xC80  }
0x6d: {  	[sflag:s9] =	ssyncset.done $0x0  }
0x6e: {  	[sflag:s9] =	ssyncadd.s32 $0xFFFFF380  }
0x6f: {  	[bflag:$0x0] =	sbarrier.arrive $0xFFFF  }
0x70: {  	s28 =	simm.s32 $0x0;
	s21 =	rddreg [dreg:$0xd]  }
0x71: {  	[tilespmem:s28], [sflag:$0xB] =	stream.linear.gather [hbm4b:s21+s28], $0x80, $0x38;
	[tilespmem:$0x18A80] =	vst v63  }
0x72: {  	_ =	swait.ge [sflag:s9], $0x80  }
0x73: {  	[sflag:s9] =	ssyncset.done $0x0  }
0x74: {  	[sflag:s9] =	ssyncadd.s32 $0xFFFFFF80  }
0x75: {  	[tilespmem:s3], [sflag:$0x1] =	stream.indirect.gather [hbm4b:s4+s10], $0x80, s28, s10, $0xb8;
	[tilespmem:$0x18A80] =	vst v63  }
0x76: {  	s21 =	simm.s32 $0x2A00;
	s29 =	rddreg [dreg:$0xe]  }
0x77: {  	[tilespmem:s21], [sflag:$0x3] =	stream.linear.gather [hbm4b:s29+s28], $0x1400, $0x38;
	[tilespmem:$0x18A80] =	vst v63  }
0x78: {  	s30 =	rddreg [dreg:$0xf]  }
0x79: {  	[tilespmem:s11], [sflag:$0x7] =	stream.linear.gather [hbm4b:s30+s28], $0x80, $0x38;
	[tilespmem:$0x18A80] =	vst v63  }
0x7a: {  	s31 =	rddreg [dreg:$0x17]  }
0x7b: {  	[tilespmem:s12], [sflag:$0x6] =	stream.linear.gather [hbm4b:s31+s28], $0x80, $0x38;
	[tilespmem:$0x18A80] =	vst v63  }
.LBB2_4:
0x7c: {  	s0 =	sshll.u32 s28, $0x1  }
0x7d: {  	p0 =	seq.s32 s28, $0x7C;
	s29 =	sadd.s32 $0x2, s0  }
0x7e: {  	_ =	swait.ge [sflag:s13], $0x1400;
	s30 =	sshll.u32 @!p0 s29, $0x7  }
0x7f: {  	[sflag:s13] =	ssyncset.done $0x0;
	s31 =	sand.u32 @!p0 $0xFC00, s30  }
0x80: {  	[sflag:s13] =	ssyncadd.s32 $0xFFFFEC00;
	s30 =	sand.u32 @!p0 $0x300, s30;
	s31 =	sadd.s32 @!p0 s20, s31  }
0x81: {  	_ =	swait.ge [sflag:s14], $0x1400;
	s30 =	sor.u32 @!p0 s30, s31  }
0x82: {  	p1 =	seq.s32 @!p0 s28, $0x0;
	[sflag:s14] =	ssyncset.done $0x0;
	s30 =	sshrl.u32 @!p0 s30, $0x3  }
0x83: {  	[sflag:s14] =	ssyncadd.s32 $0xFFFFEC00;
	s31 =	simm.s32 @!p0 $0x0;
	s30 =	sadd.s32 @!p0 s6, s30  }
0x84: {  	[tilespmem:s31], [sflag:$0x5] =	stream.linear.gather @!p0 [hbm4b:s30+s31], $0x80, $0x38;
	[tilespmem:$0x18A80] =	vst v63  }
0x85: {  	p0 =	por p0, !p1  }
0x86: {  	_ =	swait.ge @p0 [sflag:s26], $0x1400  }
0x87: {  	s0 =	sor.u32 $0x1, s0;
	s30 =	sshll.u32 s28, $0x8;
	[sflag:s26] =	ssyncset.done @p0 $0x0  }
0x88: {  	s31 =	sshll.u32 s0, $0x7;
	s0 =	smul.u32 $0x1400, s0;
	[sflag:s26] =	ssyncadd.s32 @p0 $0xFFFFEC00  }
0x89: {  	s21 =	sand.u32 $0x7C00, s30;
	s31 =	sand.u32 $0x380, s31;
	_ =	swait.ge [sflag:s15], $0x80  }
0x8a: {  	s0 =	sadd.s32 s17, s0;
	s21 =	sor.u32 s31, s21;
	[sflag:s15] =	ssyncset.done $0x0  }
0x8b: {  	s0 =	sshrl.u32 s0, $0x3;
	s21 =	sor.u32 s20, s21;
	[sflag:s15] =	ssyncadd.s32 $0xFFFFFF80  }
0x8c: {  	[tilespmem:s16], [sflag:$0x2] =	stream.indirect.gather [hbm4b:s4+s10], $0x80, s12, s10, $0xb8;
	[tilespmem:$0x18A80] =	vst v63  }
0x8d: {  	s31 =	simm.s32 $0x0;
	s0 =	sadd.s32 s5, s0;
	s21 =	sshrl.u32 s21, $0x3  }
0x8e: {  	[tilespmem:s18], [sflag:$0x4] =	stream.linear.gather [hbm4b:s0+s31], $0x1400, $0x38;
	[tilespmem:$0x18A80] =	vst v63  }
0x8f: {  	s0 =	sadd.s32 s7, s21  }
0x90: {  	[tilespmem:s19], [sflag:$0x8] =	stream.linear.gather [hbm4b:s0+s31], $0x80, $0x38;
	[tilespmem:$0x18A80] =	vst v63  }
0x91: {  	s31 =	simm.s32 $0x0  }
0x92: {  	v7 =	vld [tilespmem:s31+$0x2A00]  }
0x93: {  	v12 =	vld [tilespmem:s31+$0x2A10]  }
0x94: {  	v6 =	vld [tilespmem:s31+$0x2A20]  }
0x95: {  	v5 =	vld [tilespmem:s31+$0x2A30]  }
0x96: {  	v4 =	vld [tilespmem:s31+$0x2A40]  }
0x97: {  	v3 =	vld [tilespmem:s31+$0x2A50]  }
0x98: {  	v2 =	vld [tilespmem:s31+$0x2A60]  }
0x99: {  	v1 =	vld [tilespmem:s31+$0x2A70]  }
0x9a: {  	v13 =	vld [tilespmem:s31+$0x200]  }
0x9b: {  	v14 =	vld [tilespmem:s31+$0x210]  }
0x9c: {  	v11 =	vld [tilespmem:s31+$0x220]  }
0x9d: {  	v10 =	vld [tilespmem:s31+$0x230]  }
0x9e: {  	v9 =	vld [tilespmem:s31+$0x240]  }
0x9f: {  	v8 =	vld [tilespmem:s31+$0x250];
	v13 =	vadd.f32 v7, v13  }
0xa0: {  	s0 =	simm.s32 $0x200;
	v12 =	vadd.f32 v12, v14;
	v7 =	vld [tilespmem:s31+$0x260]  }
.LBB2_5:
0xa1: {  	s21 =	sshra.s32 s0, $0x2;
	p0 =	sne.s32 s0, $0x4E00;
	v13 =	vmax.f32 v13, $0.0e+00;
	v6 =	vadd.f32 v6, v11;
	v11 =	vld [tilespmem:s31+$0x270]  }
0xa2: {  	v14 =	vld [tilespmem:s21+$0x2A00];
	[tilespmem:s31+$0x200] =	vst v13;
	v12 =	vmax.f32 v12, $0.0e+00;
	v5 =	vadd.f32 v5, v10  }
0xa3: {  	v15 =	vld [tilespmem:s21+$0x2A10];
	[tilespmem:s31+$0x210] =	vst v12;
	v10 =	vmax.f32 v6, $0.0e+00;
	v4 =	vadd.f32 v4, v9  }
0xa4: {  	v6 =	vld [tilespmem:s21+$0x2A20];
	[tilespmem:s31+$0x220] =	vst v10;
	v9 =	vmax.f32 v5, $0.0e+00;
	v3 =	vadd.f32 v3, v8  }
0xa5: {  	v5 =	vld [tilespmem:s21+$0x2A30];
	[tilespmem:s31+$0x230] =	vst v9;
	v8 =	vmax.f32 v4, $0.0e+00;
	v2 =	vadd.f32 v2, v7  }
0xa6: {  	v4 =	vld [tilespmem:s21+$0x2A40];
	[tilespmem:s31+$0x240] =	vst v8;
	v7 =	vmax.f32 v3, $0.0e+00;
	v1 =	vadd.f32 v1, v11  }
0xa7: {  	v3 =	vld [tilespmem:s21+$0x2A50];
	[tilespmem:s31+$0x250] =	vst v7;
	v7 =	vmax.f32 v2, $0.0e+00  }
0xa8: {  	v2 =	vld [tilespmem:s21+$0x2A60];
	[tilespmem:s31+$0x260] =	vst v7;
	v7 =	vmax.f32 v1, $0.0e+00  }
0xa9: {  	v1 =	vld [tilespmem:s21+$0x2A70];
	[tilespmem:s31+$0x270] =	vst v7;
	s31 =	smov.u32 s21  }
0xaa: {  	v7 =	vld [tilespmem:s31+$0x200]  }
0xab: {  	v12 =	vld [tilespmem:s31+$0x210]  }
.Ltmp1:
0xac: {  	v11 =	vld [tilespmem:s31+$0x220];
	(pc) =	sbr.rel @p0 .LBB2_5-.Ltmp1, $4  }
0xad: {  	v10 =	vld [tilespmem:s31+$0x230]  }
0xae: {  	v9 =	vld [tilespmem:s31+$0x240]  }
0xaf: {  	v13 =	vadd.f32 v14, v7;
	v8 =	vld [tilespmem:s31+$0x250]  }
0xb0: {  	s0 =	sadd.s32 $0x200, s0;
	v12 =	vadd.f32 v15, v12;
	v7 =	vld [tilespmem:s31+$0x260]  }
0xb1: {  	v13 =	vmax.f32 v13, $0.0e+00;
	v6 =	vadd.f32 v6, v11;
	v11 =	vld [tilespmem:s31+$0x270]  }
0xb2: {  	[tilespmem:s31+$0x200] =	vst v13;
	v12 =	vmax.f32 v12, $0.0e+00;
	v5 =	vadd.f32 v5, v10  }
0xb3: {  	[tilespmem:s31+$0x210] =	vst v12;
	v6 =	vmax.f32 v6, $0.0e+00;
	v4 =	vadd.f32 v4, v9  }
0xb4: {  	[tilespmem:s31+$0x220] =	vst v6;
	v5 =	vmax.f32 v5, $0.0e+00;
	v3 =	vadd.f32 v3, v8  }
0xb5: {  	[tilespmem:s31+$0x230] =	vst v5;
	v4 =	vmax.f32 v4, $0.0e+00;
	v2 =	vadd.f32 v2, v7  }
0xb6: {  	[tilespmem:s31+$0x240] =	vst v4;
	v3 =	vmax.f32 v3, $0.0e+00;
	v1 =	vadd.f32 v1, v11  }
0xb7: {  	[tilespmem:s31+$0x250] =	vst v3;
	v2 =	vmax.f32 v2, $0.0e+00  }
0xb8: {  	[tilespmem:s31+$0x260] =	vst v2;
	v1 =	vmax.f32 v1, $0.0e+00  }
0xb9: {  	[tilespmem:s31+$0x270] =	vst v1  }
0xba: {  	_ =	swait.ge [sflag:s22], $0x80  }
0xbb: {  	[sflag:s22] =	ssyncset.done $0x0  }
0xbc: {  	p0 =	sne.s32 s28, $0x7C;
	[sflag:s22] =	ssyncadd.s32 $0xFFFFFF80  }
0xbd: {  	[spmem:s1] =	stream.indirect.scatter.add.f32 [tilespmem:s3], [sflag:$0x9], $0x80, s11, s10, $0xb8;
	[tilespmem:$0x18A80] =	vst v63  }
0xbe: {  	s0 =	sadd.s32 @p0 $0x180, s30;
	_ =	swait.ge [sflag:s23], $0x1400  }
0xbf: {  	s21 =	sand.u32 @p0 $0xFC00, s0;
	[sflag:s23] =	ssyncset.done $0x0  }
0xc0: {  	s0 =	sand.u32 @p0 $0x380, s0;
	s21 =	sadd.s32 @p0 s20, s21;
	[sflag:s23] =	ssyncadd.s32 $0xFFFFEC00  }
0xc1: {  	s0 =	sor.u32 @p0 s0, s21;
	_ =	swait.ge [sflag:s24], $0x1400  }
0xc2: {  	s30 =	simm.s32 @p0 $0x80;
	s0 =	sshrl.u32 @p0 s0, $0x3;
	[sflag:s24] =	ssyncset.done $0x0  }
0xc3: {  	s21 =	simm.s32 @p0 $0x0;
	s0 =	sadd.s32 @p0 s6, s0;
	[sflag:s24] =	ssyncadd.s32 $0xFFFFEC00  }
0xc4: {  	[tilespmem:s30], [sflag:$0x6] =	stream.linear.gather @p0 [hbm4b:s0+s21], $0x80, $0x38;
	[tilespmem:$0x18A80] =	vst v63  }
0xc5: {  	s0 =	simm.s32 @p0 $0x9  }
0xc6: {  	_ =	swait.ge @p0 [sflag:s0], $0x1400  }
0xc7: {  	[sflag:s0] =	ssyncset.done @p0 $0x0  }
0xc8: {  	[sflag:s0] =	ssyncadd.s32 @p0 $0xFFFFEC00;
	s0 =	simm.s32 @p0 $0x5  }
0xc9: {  	_ =	swait.ge @p0 [sflag:s0], $0x80  }
0xca: {  	s31 =	simm.s32 @p0 $0x200;
	s30 =	sshll.u32 @p0 s29, $0x7;
	[sflag:s0] =	ssyncset.done @p0 $0x0  }
0xcb: {  	s29 =	smul.u32 @p0 $0x1400, s29;
	[sflag:s0] =	ssyncadd.s32 @p0 $0xFFFFFF80;
	s0 =	simm.s32 @p0 $0x28  }
0xcc: {  	[tilespmem:s31], [sflag:$0x1] =	stream.indirect.gather @p0 [hbm4b:s4+s0], $0x80, s21, s0, $0xb8;
	[tilespmem:$0x18A80] =	vst v63  }
0xcd: {  	s29 =	sadd.s32 @p0 s17, s29;
	s0 =	sand.u32 @p0 $0xFC00, s30  }
0xce: {  	s29 =	sshrl.u32 @p0 s29, $0x3;
	s30 =	sand.u32 @p0 $0x300, s30;
	s0 =	sadd.s32 @p0 s20, s0  }
0xcf: {  	s29 =	sadd.s32 @p0 s5, s29;
	s0 =	sor.u32 @p0 s30, s0;
	s30 =	simm.s32 @p0 $0x2A00  }
0xd0: {  	[tilespmem:s30], [sflag:$0x3] =	stream.linear.gather @p0 [hbm4b:s29+s21], $0x1400, $0x38;
	[tilespmem:$0x18A80] =	vst v63  }
0xd1: {  	s0 =	sshrl.u32 @p0 s0, $0x3  }
0xd2: {  	s29 =	simm.s32 @p0 $0x100;
	s0 =	sadd.s32 @p0 s7, s0  }
0xd3: {  	[tilespmem:s29], [sflag:$0x7] =	stream.linear.gather @p0 [hbm4b:s0+s21], $0x80, $0x38;
	[tilespmem:$0x18A80] =	vst v63  }
0xd4: {  	s0 =	simm.s32 @!p0 $0x9  }
0xd5: {  	_ =	swait.ge @!p0 [sflag:s0], $0x1400  }
0xd6: {  	[sflag:s0] =	ssyncset.done @!p0 $0x0  }
0xd7: {  	s29 =	simm.s32 $0x0;
	[sflag:s0] =	ssyncadd.s32 @!p0 $0xFFFFEC00  }
0xd8: {  	v7 =	vld [tilespmem:s29+$0x3E00]  }
0xd9: {  	v12 =	vld [tilespmem:s29+$0x3E10]  }
0xda: {  	v6 =	vld [tilespmem:s29+$0x3E20]  }
0xdb: {  	v5 =	vld [tilespmem:s29+$0x3E30]  }
0xdc: {  	v4 =	vld [tilespmem:s29+$0x3E40]  }
0xdd: {  	v3 =	vld [tilespmem:s29+$0x3E50]  }
0xde: {  	v2 =	vld [tilespmem:s29+$0x3E60]  }
0xdf: {  	v1 =	vld [tilespmem:s29+$0x3E70]  }
0xe0: {  	v13 =	vld [tilespmem:s29+$0x1600]  }
0xe1: {  	v14 =	vld [tilespmem:s29+$0x1610]  }
0xe2: {  	v11 =	vld [tilespmem:s29+$0x1620]  }
0xe3: {  	v10 =	vld [tilespmem:s29+$0x1630]  }
0xe4: {  	v9 =	vld [tilespmem:s29+$0x1640]  }
0xe5: {  	v8 =	vld [tilespmem:s29+$0x1650];
	v13 =	vadd.f32 v7, v13  }
0xe6: {  	s0 =	simm.s32 $0x200;
	v12 =	vadd.f32 v12, v14;
	v7 =	vld [tilespmem:s29+$0x1660]  }
.LBB2_7:
0xe7: {  	s21 =	sshra.s32 s0, $0x2;
	p0 =	sne.s32 s0, $0x4E00;
	v13 =	vmax.f32 v13, $0.0e+00;
	v6 =	vadd.f32 v6, v11;
	v11 =	vld [tilespmem:s29+$0x1670]  }
0xe8: {  	v14 =	vld [tilespmem:s21+$0x3E00];
	[tilespmem:s29+$0x1600] =	vst v13;
	v12 =	vmax.f32 v12, $0.0e+00;
	v5 =	vadd.f32 v5, v10  }
0xe9: {  	v15 =	vld [tilespmem:s21+$0x3E10];
	[tilespmem:s29+$0x1610] =	vst v12;
	v10 =	vmax.f32 v6, $0.0e+00;
	v4 =	vadd.f32 v4, v9  }
0xea: {  	v6 =	vld [tilespmem:s21+$0x3E20];
	[tilespmem:s29+$0x1620] =	vst v10;
	v9 =	vmax.f32 v5, $0.0e+00;
	v3 =	vadd.f32 v3, v8  }
0xeb: {  	v5 =	vld [tilespmem:s21+$0x3E30];
	[tilespmem:s29+$0x1630] =	vst v9;
	v8 =	vmax.f32 v4, $0.0e+00;
	v2 =	vadd.f32 v2, v7  }
0xec: {  	v4 =	vld [tilespmem:s21+$0x3E40];
	[tilespmem:s29+$0x1640] =	vst v8;
	v7 =	vmax.f32 v3, $0.0e+00;
	v1 =	vadd.f32 v1, v11  }
0xed: {  	v3 =	vld [tilespmem:s21+$0x3E50];
	[tilespmem:s29+$0x1650] =	vst v7;
	v7 =	vmax.f32 v2, $0.0e+00  }
0xee: {  	v2 =	vld [tilespmem:s21+$0x3E60];
	[tilespmem:s29+$0x1660] =	vst v7;
	v7 =	vmax.f32 v1, $0.0e+00  }
0xef: {  	v1 =	vld [tilespmem:s21+$0x3E70];
	[tilespmem:s29+$0x1670] =	vst v7;
	s29 =	smov.u32 s21  }
0xf0: {  	v7 =	vld [tilespmem:s29+$0x1600]  }
0xf1: {  	v12 =	vld [tilespmem:s29+$0x1610]  }
.Ltmp2:
0xf2: {  	v11 =	vld [tilespmem:s29+$0x1620];
	(pc) =	sbr.rel @p0 .LBB2_7-.Ltmp2, $4  }
0xf3: {  	v10 =	vld [tilespmem:s29+$0x1630]  }
0xf4: {  	v9 =	vld [tilespmem:s29+$0x1640]  }
0xf5: {  	v13 =	vadd.f32 v14, v7;
	v8 =	vld [tilespmem:s29+$0x1650]  }
0xf6: {  	s0 =	sadd.s32 $0x200, s0;
	v12 =	vadd.f32 v15, v12;
	v7 =	vld [tilespmem:s29+$0x1660]  }
0xf7: {  	v13 =	vmax.f32 v13, $0.0e+00;
	v6 =	vadd.f32 v6, v11;
	v63 =	vld [tilespmem:s29+$0x1670]  }
0xf8: {  	[tilespmem:s29+$0x1600] =	vst v13;
	v12 =	vmax.f32 v12, $0.0e+00;
	v5 =	vadd.f32 v5, v10  }
0xf9: {  	[tilespmem:s29+$0x1610] =	vst v12;
	v6 =	vmax.f32 v6, $0.0e+00;
	v4 =	vadd.f32 v4, v9  }
0xfa: {  	[tilespmem:s29+$0x1620] =	vst v6;
	v5 =	vmax.f32 v5, $0.0e+00;
	v3 =	vadd.f32 v3, v8  }
0xfb: {  	[tilespmem:s29+$0x1630] =	vst v5;
	v4 =	vmax.f32 v4, $0.0e+00;
	v2 =	vadd.f32 v2, v7  }
0xfc: {  	[tilespmem:s29+$0x1640] =	vst v4;
	v3 =	vmax.f32 v3, $0.0e+00;
	v1 =	vadd.f32 v1, v63  }
0xfd: {  	s28 =	sadd.s32 $0x1, s28;
	[tilespmem:s29+$0x1650] =	vst v3;
	v2 =	vmax.f32 v2, $0.0e+00  }
0xfe: {  	p0 =	sne.s32 s28, $0x7D;
	[tilespmem:s29+$0x1660] =	vst v2;
	v1 =	vmax.f32 v1, $0.0e+00  }
.Ltmp3:
0xff: {  	[tilespmem:s29+$0x1670] =	vst v1;
	(pc) =	sbr.rel @p0 .LBB2_4-.Ltmp3, $4  }
0x100: {  	_ =	swait.ge [sflag:s25], $0x80  }
0x101: {  	[sflag:s25] =	ssyncset.done $0x0  }
0x102: {  	[sflag:s25] =	ssyncadd.s32 $0xFFFFFF80  }
0x103: {  	[spmem:s1] =	stream.indirect.scatter.add.f32 [tilespmem:s16], [sflag:$0xA], $0x80, s19, s10, $0xb8;
	[tilespmem:$0x18A80] =	vst v63  }
0x104: {  	_ =	swait.ge [sflag:s26], $0x1400  }
0x105: {  	[sflag:s26] =	ssyncset.done $0x0  }
0x106: {  	s0 =	stileid.u32;
	[sflag:s26] =	ssyncadd.s32 $0xFFFFEC00  }
0x107: {  	s0 =	sshll.u32 s0, $0x6;
	[bflag:$0x0] =	sbarrier.arrive $0xFFFF  }
0x108: {  	s21 =	sshrl.u32 s8, $0x3;
	s0 =	sor.u32 $0x1C0B, s0;
	s28 =	rddreg [dreg:$0x10]  }
0x109: {  	[hbm:s28], [sflag:s0] =	dma.local [spmem:s21], $0x2710  }
0x10a: {  	_ =	swait.ge [sflag:s9], $0x2710  }
0x10b: {  	s2 =	sadd.s32 $0x1, s2;
	s31 =	rddreg [dreg:$0x11]  }
0x10c: {  	p0 =	sne.s32 s2, s31  }
.Ltmp4:
0x10d: {  	_ = 	snop;
	(pc) =	sbr.rel @p0 .LBB2_1-.Ltmp4, $3  }
0x10e: {  	_ =	sdelay $0x1  }
0x10f: {  	[sflag:s9] =	ssyncset.done $0x0  }
0x110: {  	[sflag:s9] =	ssyncadd.s32 $0xFFFFD8F0  }
0x111: {  	_ =	sfence.sel $0x180000  }
0x112: {  	[bflag:$0x0] =	sbarrier.arrive $0xFFFF  }
0x113: {  	_ =	strace $0x9000004D  }
0x114: {  	s0 =	stileid.u32;
	[bflag:$0x2] =	sbarrier.arrive $0xFFFF  }
0x115: {  	p0 =	sne.s32 s0, $0x0;
	s0 =	rddreg [dreg:$0x2]  }
0x116: {  	s0 =	sadd.s32 @!p0 $0x100000, s0  }
0x117: {  	[sflag:s0] =	ssyncadd.tile.s32 @!p0 $0x1;
	_ =	shalt  }
.Lfunc_end2:
_tile_overlayer_lowered:
.L_overlay_start_2:
0x118: {  	(tag) =	ssettag $0x2  }
0x119: {  	s0 =	rddreg [dreg:$0x0];
	s2 =	stileid.u32  }
0x11a: {  	s1 =	rddreg [dreg:$0x1];
	p0 =	sne.s32 s2, $0x0  }
0x11b: {  	s3 =	rddreg [dreg:$0x2];
	[bflag:$0x3] =	sbarrier.arrive $0xFFFF;
	s2 =	simm.s32 @!p0 $0x1C0B  }
0x11c: {  	[timem:s3], [sflag:s2] =	dma.local @!p0 [hbm:s0], s1  }
0x11d: {  	s0 =	simm.s32 @!p0 $0xB  }
0x11e: {  	_ =	swait.ge @!p0 [sflag:s0], s1  }
0x11f: {  	s1 =	ssub.s32 @!p0 $0x0, s1;
	[sflag:s0] =	ssyncset.done @!p0 $0x0  }
0x120: {  	[sflag:s0] =	ssyncadd.s32 @!p0 s1  }
0x121: {  	[bflag:$0x3] =	sbarrier.arrive $0xFFFF  }
0x122: {  	_ =	shalt  }

</sc_bundles>
